<compile_context>
chip_gen: v7x
topology: tpu7x:2x2x1
jax: 0.10.2.dev20260603
libtpu: 0.0.44.dev20260713+nightly
codegen_flags: <defaults>
</compile_context>

<pallas_src>
import functools

import jax
import jax.numpy as jnp
from jax import lax
from jax.experimental import pallas as pl
from jax.experimental.pallas import tpu as pltpu
from jax.experimental.pallas import tpu_sc as plsc

_N = 10000
_D = 128
_E_RAW = 320000
_E_TOT = _E_RAW + _N
_NW = 32
_BATCH = 128
_NB = (_E_TOT + _NW * _BATCH - 1) // (_NW * _BATCH)
_E_PAD = _NW * _NB * _BATCH
_N_PAD = 10240
_RPT = _N_PAD // 16
_N_ROW_PAD = 10112
_RPT2 = _N_ROW_PAD // 16

_mesh = plsc.VectorSubcoreMesh(core_axis_name="c", subcore_axis_name="s")


@functools.partial(
    pl.kernel,
    mesh=_mesh,
    compiler_params=pltpu.CompilerParams(needs_layout_passes=False),
    out_type=jax.ShapeDtypeStruct((2, _N_ROW_PAD, _D), jnp.float32),
    scratch_types=[
        pltpu.VMEM((_NB, _BATCH), jnp.int32),
        pltpu.VMEM((_NB, _BATCH), jnp.int32),
        pltpu.VMEM((_NB * _BATCH,), jnp.float32),
        pltpu.VMEM((_BATCH, _D), jnp.float32),
        pltpu.VMEM_SHARED((_N_ROW_PAD, _D), jnp.float32),
        pltpu.SemaphoreType.DMA,
    ],
)
def _sc_segsum_rows(h_hbm, src_hbm, dst_hbm, w_hbm, zero_hbm, part_hbm,
                    src_v, dst_v, w_v, rows_v, acc_sh, sem):
    c = lax.axis_index("c")
    s = lax.axis_index("s")
    wid = c * 16 + s
    pltpu.sync_copy(src_hbm.at[wid], src_v)
    pltpu.sync_copy(dst_hbm.at[wid], dst_v)
    pltpu.sync_copy(w_hbm.at[wid], w_v)
    pltpu.sync_copy(zero_hbm.at[pl.ds(s * _RPT2, _RPT2)],
                    acc_sh.at[pl.ds(s * _RPT2, _RPT2)])
    plsc.subcore_barrier()

    def batch_body(b, carry):
        pltpu.async_copy(h_hbm.at[src_v.at[b]], rows_v, sem).wait()

        def edge_body(j4, carry2):
            j = j4 * 4
            for u in range(4):
                wsp = plsc.load_gather(
                    w_v, [jnp.full((16,), b * _BATCH + j + u, jnp.int32)])
                for t in range(_D // 16):
                    rows_v[j + u, pl.ds(t * 16, 16)] = (
                        rows_v[j + u, pl.ds(t * 16, 16)] * wsp)
            return carry2

        lax.fori_loop(0, _BATCH // 4, edge_body, 0)
        pltpu.sync_copy(rows_v, acc_sh.at[dst_v.at[b]], add=True)
        return carry

    lax.fori_loop(0, _NB, batch_body, 0)
    plsc.subcore_barrier()
    pltpu.sync_copy(acc_sh.at[pl.ds(s * _RPT2, _RPT2)],
                    part_hbm.at[c, pl.ds(s * _RPT2, _RPT2)])


@functools.partial(
    pl.kernel,
    mesh=_mesh,
    compiler_params=pltpu.CompilerParams(needs_layout_passes=False),
    out_type=jax.ShapeDtypeStruct((2, _N_PAD), jnp.float32),
    scratch_types=[
        pltpu.VMEM((_NB, _BATCH), jnp.int32),
        pltpu.VMEM((_NB, _BATCH), jnp.float32),
        pltpu.VMEM_SHARED((_N_PAD,), jnp.float32),
    ],
)
def _sc_degree(dst_hbm, w_hbm, zero_hbm, part_hbm, dst_v, w_v, acc_sh):
    c = lax.axis_index("c")
    s = lax.axis_index("s")
    wid = c * 16 + s
    pltpu.sync_copy(dst_hbm.at[wid], dst_v)
    pltpu.sync_copy(w_hbm.at[wid], w_v)
    pltpu.sync_copy(zero_hbm.at[pl.ds(s * _RPT, _RPT)],
                    acc_sh.at[pl.ds(s * _RPT, _RPT)])
    plsc.subcore_barrier()

    def batch_body(b, carry):
        pltpu.sync_copy(w_v.at[b], acc_sh.at[dst_v.at[b]], add=True)
        return carry

    lax.fori_loop(0, _NB, batch_body, 0)
    plsc.subcore_barrier()
    pltpu.sync_copy(acc_sh.at[pl.ds(s * _RPT, _RPT)],
                    part_hbm.at[c, pl.ds(s * _RPT, _RPT)])


@functools.partial(
    pl.kernel,
    mesh=_mesh,
    compiler_params=pltpu.CompilerParams(needs_layout_passes=False),
    out_type=(
        jax.ShapeDtypeStruct((_NW, _NB, _BATCH), jnp.float32),
        jax.ShapeDtypeStruct((2, _N_PAD), jnp.float32),
    ),
    scratch_types=[
        pltpu.VMEM((_N_PAD,), jnp.float32),
        pltpu.VMEM((_N_PAD,), jnp.float32),
        pltpu.VMEM((16,), jnp.float32),
        pltpu.VMEM((_NB, _BATCH), jnp.int32),
        pltpu.VMEM((_NB, _BATCH), jnp.int32),
        pltpu.VMEM((_NB, _BATCH), jnp.float32),
        pltpu.VMEM((_NB, _BATCH), jnp.float32),
        pltpu.VMEM_SHARED((_N_PAD,), jnp.float32),
    ],
)
def _sc_gat_edges(s1_hbm, s2_hbm, shift_hbm, src_hbm, dst_hbm, mask_hbm,
                  zero_hbm, ex_hbm, dpart_hbm,
                  s1_v, s2_v, shift_v, src_v, dst_v, mask_v, ex_v, acc_sh):
    c = lax.axis_index("c")
    s = lax.axis_index("s")
    wid = c * 16 + s
    pltpu.sync_copy(s1_hbm, s1_v)
    pltpu.sync_copy(s2_hbm, s2_v)
    pltpu.sync_copy(shift_hbm, shift_v)
    pltpu.sync_copy(src_hbm.at[wid], src_v)
    pltpu.sync_copy(dst_hbm.at[wid], dst_v)
    pltpu.sync_copy(mask_hbm.at[wid], mask_v)
    pltpu.sync_copy(zero_hbm.at[pl.ds(s * _RPT, _RPT)],
                    acc_sh.at[pl.ds(s * _RPT, _RPT)])
    plsc.subcore_barrier()
    shift = shift_v[...]

    def batch_body(b, carry):
        def grp_body(k, carry2):
            src16 = src_v[b, pl.ds(k * 16, 16)]
            dst16 = dst_v[b, pl.ds(k * 16, 16)]
            m16 = mask_v[b, pl.ds(k * 16, 16)]
            a = plsc.load_gather(s1_v, [src16]) + plsc.load_gather(s2_v, [dst16])
            a = jnp.where(a > 0.0, a, 0.2 * a) - shift
            ex_v[b, pl.ds(k * 16, 16)] = jnp.exp(a) * m16
            return carry2

        lax.fori_loop(0, _BATCH // 16, grp_body, 0)
        pltpu.sync_copy(ex_v.at[b], acc_sh.at[dst_v.at[b]], add=True)
        return carry

    lax.fori_loop(0, _NB, batch_body, 0)
    pltpu.sync_copy(ex_v, ex_hbm.at[wid])
    plsc.subcore_barrier()
    pltpu.sync_copy(acc_sh.at[pl.ds(s * _RPT, _RPT)],
                    dpart_hbm.at[c, pl.ds(s * _RPT, _RPT)])


def _tc1_body(x_ref, w1_ref, degp_ref, hs1_ref, dinv_ref):
    x = x_ref[...]
    x = jnp.where(jnp.isnan(x) | jnp.isinf(x), jnp.zeros_like(x), x)
    deg = (degp_ref[0, :] + degp_ref[1, :])[:_N]
    dinv = jnp.where(deg > 0.0, lax.rsqrt(deg), 0.0)
    dinv_ref[...] = dinv[:, None]
    hs1_ref[...] = dinv[:, None] * jnp.dot(
        x, w1_ref[...], preferred_element_type=jnp.float32)


def _tc2_body(part_ref, dinv_ref, b1_ref, gamma_ref, beta_ref, wg_ref,
              asrc_ref, adst_ref, hg_ref, s1_ref, s2_ref, shift_ref):
    y = dinv_ref[...] * (part_ref[0] + part_ref[1])[:_N] + b1_ref[...]
    mean = jnp.mean(y, axis=0, keepdims=True)
    var = jnp.mean((y - mean) * (y - mean), axis=0, keepdims=True)
    y = (y - mean) * lax.rsqrt(var + 1e-5) * gamma_ref[...] + beta_ref[...]
    y = jnp.maximum(y, 0.0)
    hg = jnp.dot(y, wg_ref[...], preferred_element_type=jnp.float32)
    hg_ref[...] = hg
    s1 = jnp.dot(hg, asrc_ref[...], preferred_element_type=jnp.float32)
    s2 = jnp.dot(hg, adst_ref[...], preferred_element_type=jnp.float32)
    s1_ref[...] = s1
    s2_ref[...] = s2
    shift_ref[...] = jnp.full((1, 1), 0.0, jnp.float32) + jnp.max(s1) + jnp.max(s2)


def _tc3_body(gpart_ref, dpart_ref, bg_ref, w2_ref, dinv_ref, hs2_ref):
    denom = (dpart_ref[0, :] + dpart_ref[1, :])[:_N, None]
    y = (gpart_ref[0] + gpart_ref[1])[:_N] / denom + bg_ref[...]
    y = jnp.maximum(y, 0.0)
    hs2_ref[...] = dinv_ref[...] * jnp.dot(
        y, w2_ref[...], preferred_element_type=jnp.float32)


def _tc4_body(part_ref, dinv_ref, b2_ref, w3_ref, hs3_ref):
    y = dinv_ref[...] * (part_ref[0] + part_ref[1])[:_N] + b2_ref[...]
    hs3_ref[...] = dinv_ref[...] * jnp.dot(
        y, w3_ref[...], preferred_element_type=jnp.float32)


def _tc5_body(part_ref, dinv_ref, b3_ref, out_ref):
    out_ref[...] = dinv_ref[...] * (part_ref[0] + part_ref[1])[:_N] + b3_ref[...]


def _tc(body, out_shape, *args):
    return pl.pallas_call(body, out_shape=out_shape)(*args)


def kernel(x, edge_index, edge_weight, W1, b1, gamma, beta, Wg, att_src,
           att_dst, bg, W2, b2, W3, b3):
    f32 = jnp.float32
    loop = jnp.arange(_N, dtype=edge_index.dtype)
    src = jnp.concatenate([edge_index[0], loop])
    dst = jnp.concatenate([edge_index[1], loop])
    ew = jnp.concatenate([edge_weight, jnp.ones((_N,), f32)])
    pad = _E_PAD - _E_TOT
    src_c = jnp.pad(src, (0, pad)).reshape(_NW, _NB, _BATCH)
    dst_c = jnp.pad(dst, (0, pad)).reshape(_NW, _NB, _BATCH)
    ew_c = jnp.pad(ew, (0, pad)).reshape(_NW, _NB, _BATCH)
    mask_c = jnp.pad(jnp.ones((_E_TOT,), f32), (0, pad)).reshape(_NW, _NB, _BATCH)
    ew_f = ew_c.reshape(_NW, _NB * _BATCH)
    zrow = jnp.zeros((_N_ROW_PAD, _D), f32)
    zvec = jnp.zeros((_N_PAD,), f32)

    deg_parts = _sc_degree(dst_c, ew_c, zvec)

    hs1, dinv = _tc(
        _tc1_body,
        (jax.ShapeDtypeStruct((_N, _D), f32), jax.ShapeDtypeStruct((_N, 1), f32)),
        x, W1, deg_parts)
    p1 = _sc_segsum_rows(hs1, src_c, dst_c, ew_f, zrow)

    hg, s1, s2, shift = _tc(
        _tc2_body,
        (jax.ShapeDtypeStruct((_N, _D), f32),
         jax.ShapeDtypeStruct((_N,), f32),
         jax.ShapeDtypeStruct((_N,), f32),
         jax.ShapeDtypeStruct((1, 1), f32)),
        p1, dinv, b1, gamma, beta, Wg, att_src, att_dst)
    shift16 = jnp.broadcast_to(shift.reshape(()), (16,))

    s1p = jnp.pad(s1, (0, _N_PAD - _N))
    s2p = jnp.pad(s2, (0, _N_PAD - _N))
    ex_c, den_parts = _sc_gat_edges(s1p, s2p, shift16, src_c, dst_c, mask_c, zvec)
    pg = _sc_segsum_rows(hg, src_c, dst_c, ex_c.reshape(_NW, _NB * _BATCH), zrow)

    hs2 = _tc(_tc3_body, jax.ShapeDtypeStruct((_N, _D), f32),
              pg, den_parts, bg, W2, dinv)
    p2 = _sc_segsum_rows(hs2, src_c, dst_c, ew_f, zrow)

    hs3 = _tc(_tc4_body, jax.ShapeDtypeStruct((_N, _D), f32),
              p2, dinv, b2, W3)
    p3 = _sc_segsum_rows(hs3, src_c, dst_c, ew_f, zrow)

    out = _tc(_tc5_body, jax.ShapeDtypeStruct((_N, _D), f32),
              p3, dinv, b3)
    return out

# --- scband reference (transcript-rebuilt; emitter-appended) ---
"""Pipeline reference for scband-gcnmodel-5927054868866 (READ-ONLY COPY).

The authoritative reference and input builder live on the scoring server;
editing this copy changes nothing except your own understanding.
"""

import jax, jax.numpy as jnp
import numpy as np

N = 10000
E = 320000
D_IN = 128
D_HID = 128
D_OUT = 128


def setup_inputs(seed: int = 0) -> dict:
    key = jax.random.key(seed)
    ks = jax.random.split(key, 16)
    x = jax.random.normal(ks[0], (N, D_IN), dtype=jnp.float32)
    edge_index = jax.random.randint(ks[1], (2, E), 0, N, dtype=jnp.int32)
    edge_weight = jax.random.uniform(ks[2], (E,), dtype=jnp.float32)
    s1 = 1.0 / np.sqrt(D_IN)
    s2 = 1.0 / np.sqrt(D_HID)
    W1 = jax.random.normal(ks[3], (D_IN, D_HID), dtype=jnp.float32) * s1
    b1 = jnp.zeros((D_HID,), dtype=jnp.float32)
    gamma = jnp.ones((D_HID,), dtype=jnp.float32)
    beta = jnp.zeros((D_HID,), dtype=jnp.float32)
    Wg = jax.random.normal(ks[4], (D_HID, D_HID), dtype=jnp.float32) * s2
    att_src = jax.random.normal(ks[5], (D_HID,), dtype=jnp.float32) * s2
    att_dst = jax.random.normal(ks[6], (D_HID,), dtype=jnp.float32) * s2
    bg = jnp.zeros((D_HID,), dtype=jnp.float32)
    W2 = jax.random.normal(ks[7], (D_HID, D_HID), dtype=jnp.float32) * s2
    b2 = jnp.zeros((D_HID,), dtype=jnp.float32)
    W3 = jax.random.normal(ks[8], (D_HID, D_OUT), dtype=jnp.float32) * s2
    b3 = jnp.zeros((D_OUT,), dtype=jnp.float32)
    return {"x": x, "edge_index": edge_index, "edge_weight": edge_weight,
            "W1": W1, "b1": b1, "gamma": gamma, "beta": beta,
            "Wg": Wg, "att_src": att_src, "att_dst": att_dst, "bg": bg,
            "W2": W2, "b2": b2, "W3": W3, "b3": b3}


def _gcn_conv(x, src, dst, ew, W, b):
    # PyG GCNConv: D^{-1/2} (A + I) D^{-1/2} X W + b (self loops already in src/dst/ew)
    h = x @ W
    deg = jax.ops.segment_sum(ew, dst, num_segments=N)
    dinv = jnp.where(deg > 0, jax.lax.rsqrt(deg), 0.0)
    norm = dinv[src] * ew * dinv[dst]
    out = jax.ops.segment_sum(h[src] * norm[:, None], dst, num_segments=N)
    return out + b


def _gat_conv(x, src, dst, W, a_src, a_dst, b):
    # PyG GATConv, heads=1, concat=True, negative_slope=0.2, self loops in src/dst
    h = x @ W
    alpha = (h * a_src).sum(-1)[src] + (h * a_dst).sum(-1)[dst]
    alpha = jax.nn.leaky_relu(alpha, negative_slope=0.2)
    amax = jax.ops.segment_max(alpha, dst, num_segments=N)
    ex = jnp.exp(alpha - amax[dst])
    denom = jax.ops.segment_sum(ex, dst, num_segments=N)
    coef = ex / denom[dst]
    out = jax.ops.segment_sum(h[src] * coef[:, None], dst, num_segments=N)
    return out + b


def reference(x, edge_index, edge_weight, W1, b1, gamma, beta, Wg, att_src, att_dst, bg, W2, b2, W3, b3):
    x = jnp.where(jnp.isnan(x) | jnp.isinf(x), jnp.zeros_like(x), x)
    loop = jnp.arange(N, dtype=edge_index.dtype)
    src = jnp.concatenate([edge_index[0], loop])
    dst = jnp.concatenate([edge_index[1], loop])
    ew = jnp.concatenate([edge_weight, jnp.ones((N,), dtype=edge_weight.dtype)])
    x = _gcn_conv(x, src, dst, ew, W1, b1)
    # BatchNorm1d (training-mode batch statistics, eps=1e-5)
    mean = x.mean(axis=0)
    var = x.var(axis=0)
    x = (x - mean) * jax.lax.rsqrt(var + 1e-5) * gamma + beta
    x = jax.nn.relu(x)
    x = _gat_conv(x, src, dst, Wg, att_src, att_dst, bg)
    x = jax.nn.relu(x)
    x = _gcn_conv(x, src, dst, ew, W2, b2)
    # dropout(0.2) treated as identity (eval mode / deterministic reference)
    x = _gcn_conv(x, src, dst, ew, W3, b3)
    return x

if __name__ == "__main__":
    import jax
    _d = setup_inputs()
    print(jax.jit(kernel)(*tuple(_d.values())))

</pallas_src>

<mosaic_0001>
#map = affine_map<(d0, d1) -> (0, 0, 0)>
#map1 = affine_map<(d0, d1) -> (0)>
#map2 = affine_map<(d0, d1) -> (0, 0)>
module attributes {stable_mosaic.version = 14 : i64} {
  func.func @_sc_degree(%arg0: i32, %arg1: i32, %arg2: memref<32x81x128xi32, #tpu.memory_space<hbm>>, %arg3: memref<32x81x128xf32, #tpu.memory_space<hbm>>, %arg4: memref<10240xf32, #tpu.memory_space<hbm>>, %arg5: memref<2x10240xf32, #tpu.memory_space<hbm>>, %arg6: memref<81x128xi32, #tpu.memory_space<vmem>>, %arg7: memref<81x128xf32, #tpu.memory_space<vmem>>, %arg8: memref<10240xf32, #tpu.memory_space<vmem_shared>>) attributes {dimension_semantics = [#tpu.dimension_semantics<core_parallel>, #tpu.dimension_semantics<subcore_parallel>], iteration_bounds = array<i64: 2, 16>, scalar_prefetch = 0 : i64, scratch_operands = 3 : i64, tpu.core_type = #tpu.core_type<sc_vector_subcore>, window_params = [{transform_indices = #map}, {transform_indices = #map}, {transform_indices = #map1}, {transform_indices = #map2}]} {
    %mul3A = arith.constant 16 : i32
    %mul3A_0 = arith.muli %arg0, %mul3A : i32
    %add3A = arith.addi %mul3A_0, %arg1 : i32
    "tpu.region"() ({
      %run_scoped3A = tpu.sem_alloc : memref<!tpu.dma_semaphore, #tpu.memory_space<semaphore_mem>>
      %dma_start3A = arith.constant 0 : i32
      %dma_start3A_15 = arith.constant 0 : i32
      %dma_start3A_16 = tpu.memref_slice %arg2[%add3A, %dma_start3A, %dma_start3A_15] : memref<32x81x128xi32, #tpu.memory_space<hbm>> -> memref<1x81x128xi32, #tpu.memory_space<hbm>>
      %dma_start3A_17 = tpu.memref_squeeze %dma_start3A_16 : memref<1x81x128xi32, #tpu.memory_space<hbm>> -> memref<81x128xi32, #tpu.memory_space<hbm>>
      %dma_start3A_18 = arith.constant 0 : i32
      %dma_start3A_19 = arith.constant 0 : i32
      %dma_start3A_20 = tpu.memref_slice %arg2[%add3A, %dma_start3A_18, %dma_start3A_19] : memref<32x81x128xi32, #tpu.memory_space<hbm>> -> memref<1x81x128xi32, #tpu.memory_space<hbm>>
      %dma_start3A_21 = tpu.memref_squeeze %dma_start3A_20 : memref<1x81x128xi32, #tpu.memory_space<hbm>> -> memref<81x128xi32, #tpu.memory_space<hbm>>
      tpu.enqueue_dma source(%dma_start3A_21 : memref<81x128xi32, #tpu.memory_space<hbm>>) target(%arg6 : memref<81x128xi32, #tpu.memory_space<vmem>>) target_semaphore(%run_scoped3A : memref<!tpu.dma_semaphore, #tpu.memory_space<semaphore_mem>>)
      %dma_wait3A = arith.constant 0 : i32
      %dma_wait3A_22 = arith.constant 0 : i32
      %dma_wait3A_23 = tpu.memref_slice %arg2[%add3A, %dma_wait3A, %dma_wait3A_22] : memref<32x81x128xi32, #tpu.memory_space<hbm>> -> memref<1x81x128xi32, #tpu.memory_space<hbm>>
      %dma_wait3A_24 = tpu.memref_squeeze %dma_wait3A_23 : memref<1x81x128xi32, #tpu.memory_space<hbm>> -> memref<81x128xi32, #tpu.memory_space<hbm>>
      %dma_wait3A_25 = arith.constant 0 : i32
      %dma_wait3A_26 = arith.constant 0 : i32
      %dma_wait3A_27 = tpu.memref_slice %arg2[%add3A, %dma_wait3A_25, %dma_wait3A_26] : memref<32x81x128xi32, #tpu.memory_space<hbm>> -> memref<1x81x128xi32, #tpu.memory_space<hbm>>
      %dma_wait3A_28 = tpu.memref_squeeze %dma_wait3A_27 : memref<1x81x128xi32, #tpu.memory_space<hbm>> -> memref<81x128xi32, #tpu.memory_space<hbm>>
      tpu.wait_dma2 semaphore(%run_scoped3A : memref<!tpu.dma_semaphore, #tpu.memory_space<semaphore_mem>>) src(%dma_wait3A_28 : memref<81x128xi32, #tpu.memory_space<hbm>>) dst(%arg6 : memref<81x128xi32, #tpu.memory_space<vmem>>)
      tpu.yield
    }) : () -> ()
    "tpu.region"() ({
      %run_scoped3A = tpu.sem_alloc : memref<!tpu.dma_semaphore, #tpu.memory_space<semaphore_mem>>
      %dma_start3A = arith.constant 0 : i32
      %dma_start3A_15 = arith.constant 0 : i32
      %dma_start3A_16 = tpu.memref_slice %arg3[%add3A, %dma_start3A, %dma_start3A_15] : memref<32x81x128xf32, #tpu.memory_space<hbm>> -> memref<1x81x128xf32, #tpu.memory_space<hbm>>
      %dma_start3A_17 = tpu.memref_squeeze %dma_start3A_16 : memref<1x81x128xf32, #tpu.memory_space<hbm>> -> memref<81x128xf32, #tpu.memory_space<hbm>>
      %dma_start3A_18 = arith.constant 0 : i32
      %dma_start3A_19 = arith.constant 0 : i32
      %dma_start3A_20 = tpu.memref_slice %arg3[%add3A, %dma_start3A_18, %dma_start3A_19] : memref<32x81x128xf32, #tpu.memory_space<hbm>> -> memref<1x81x128xf32, #tpu.memory_space<hbm>>
      %dma_start3A_21 = tpu.memref_squeeze %dma_start3A_20 : memref<1x81x128xf32, #tpu.memory_space<hbm>> -> memref<81x128xf32, #tpu.memory_space<hbm>>
      tpu.enqueue_dma source(%dma_start3A_21 : memref<81x128xf32, #tpu.memory_space<hbm>>) target(%arg7 : memref<81x128xf32, #tpu.memory_space<vmem>>) target_semaphore(%run_scoped3A : memref<!tpu.dma_semaphore, #tpu.memory_space<semaphore_mem>>)
      %dma_wait3A = arith.constant 0 : i32
      %dma_wait3A_22 = arith.constant 0 : i32
      %dma_wait3A_23 = tpu.memref_slice %arg3[%add3A, %dma_wait3A, %dma_wait3A_22] : memref<32x81x128xf32, #tpu.memory_space<hbm>> -> memref<1x81x128xf32, #tpu.memory_space<hbm>>
      %dma_wait3A_24 = tpu.memref_squeeze %dma_wait3A_23 : memref<1x81x128xf32, #tpu.memory_space<hbm>> -> memref<81x128xf32, #tpu.memory_space<hbm>>
      %dma_wait3A_25 = arith.constant 0 : i32
      %dma_wait3A_26 = arith.constant 0 : i32
      %dma_wait3A_27 = tpu.memref_slice %arg3[%add3A, %dma_wait3A_25, %dma_wait3A_26] : memref<32x81x128xf32, #tpu.memory_space<hbm>> -> memref<1x81x128xf32, #tpu.memory_space<hbm>>
      %dma_wait3A_28 = tpu.memref_squeeze %dma_wait3A_27 : memref<1x81x128xf32, #tpu.memory_space<hbm>> -> memref<81x128xf32, #tpu.memory_space<hbm>>
      tpu.wait_dma2 semaphore(%run_scoped3A : memref<!tpu.dma_semaphore, #tpu.memory_space<semaphore_mem>>) src(%dma_wait3A_28 : memref<81x128xf32, #tpu.memory_space<hbm>>) dst(%arg7 : memref<81x128xf32, #tpu.memory_space<vmem>>)
      tpu.yield
    }) : () -> ()
    %mul3A_1 = arith.constant 640 : i32
    %mul3A_2 = arith.muli %arg1, %mul3A_1 : i32
    %mul3A_3 = arith.constant 640 : i32
    %mul3A_4 = arith.muli %arg1, %mul3A_3 : i32
    "tpu.region"() ({
      %run_scoped3A = tpu.sem_alloc : memref<!tpu.dma_semaphore, #tpu.memory_space<semaphore_mem>>
      %dma_start3A = tpu.memref_slice %arg8[%mul3A_4] : memref<10240xf32, #tpu.memory_space<vmem_shared>> -> memref<640xf32, #tpu.memory_space<vmem_shared>>
      %dma_start3A_15 = tpu.memref_slice %arg4[%mul3A_2] : memref<10240xf32, #tpu.memory_space<hbm>> -> memref<640xf32, #tpu.memory_space<hbm>>
      tpu.enqueue_dma source(%dma_start3A_15 : memref<640xf32, #tpu.memory_space<hbm>>) target(%dma_start3A : memref<640xf32, #tpu.memory_space<vmem_shared>>) target_semaphore(%run_scoped3A : memref<!tpu.dma_semaphore, #tpu.memory_space<semaphore_mem>>)
      %dma_wait3A = tpu.memref_slice %arg8[%mul3A_4] : memref<10240xf32, #tpu.memory_space<vmem_shared>> -> memref<640xf32, #tpu.memory_space<vmem_shared>>
      %dma_wait3A_16 = tpu.memref_slice %arg4[%mul3A_2] : memref<10240xf32, #tpu.memory_space<hbm>> -> memref<640xf32, #tpu.memory_space<hbm>>
      tpu.wait_dma2 semaphore(%run_scoped3A : memref<!tpu.dma_semaphore, #tpu.memory_space<semaphore_mem>>) src(%dma_wait3A_16 : memref<640xf32, #tpu.memory_space<hbm>>) dst(%dma_wait3A : memref<640xf32, #tpu.memory_space<vmem_shared>>)
      tpu.yield
    }) : () -> ()
    %barrier3A = arith.constant 0 : index
    tpu.barrier barrier_id(%barrier3A)
    %scan3A = arith.constant 0 : i32
    %scan3A_5 = arith.constant 0 : i32
    %scan3A_6 = arith.constant 81 : i32
    %scan3A_7 = arith.addi %scan3A_5, %scan3A_6 : i32
    %scan3A_8 = arith.constant 1 : i32
    scf.for %scan3A_15 = %scan3A_5 to %scan3A_7 step %scan3A_8  : i32 {
      "tpu.region"() ({
        %run_scoped3A = tpu.sem_alloc : memref<!tpu.dma_semaphore, #tpu.memory_space<semaphore_mem>>
        %dma_start3A = arith.constant 0 : i32
        %dma_start3A_16 = tpu.memref_slice %arg7[%scan3A_15, %dma_start3A] : memref<81x128xf32, #tpu.memory_space<vmem>> -> memref<1x128xf32, #tpu.memory_space<vmem>>
        %dma_start3A_17 = tpu.memref_squeeze %dma_start3A_16 : memref<1x128xf32, #tpu.memory_space<vmem>> -> memref<128xf32, #tpu.memory_space<vmem>>
        %dma_start3A_18 = arith.constant 0 : i32
        %dma_start3A_19 = tpu.memref_slice %arg6[%scan3A_15, %dma_start3A_18] : memref<81x128xi32, #tpu.memory_space<vmem>> -> memref<1x128xi32, #tpu.memory_space<vmem>>
        %dma_start3A_20 = tpu.memref_squeeze %dma_start3A_19 : memref<1x128xi32, #tpu.memory_space<vmem>> -> memref<128xi32, #tpu.memory_space<vmem>>
        %dma_start3A_21 = arith.constant 0 : i32
        %dma_start3A_22 = tpu.memref_slice %arg8[%dma_start3A_21] : memref<10240xf32, #tpu.memory_space<vmem_shared>> -> memref<10240xf32, #tpu.memory_space<vmem_shared>>
        tpu.enqueue_indirect_dma source(%dma_start3A_17 : memref<128xf32, #tpu.memory_space<vmem>>) target(%dma_start3A_22 : memref<10240xf32, #tpu.memory_space<vmem_shared>>) offsets(%dma_start3A_20 : memref<128xi32, #tpu.memory_space<vmem>>) semaphore(%run_scoped3A : memref<!tpu.dma_semaphore, #tpu.memory_space<semaphore_mem>>) {add = true}
        %dma_wait3A = arith.constant 0 : i32
        %dma_wait3A_23 = tpu.memref_slice %arg7[%scan3A_15, %dma_wait3A] : memref<81x128xf32, #tpu.memory_space<vmem>> -> memref<1x128xf32, #tpu.memory_space<vmem>>
        %dma_wait3A_24 = tpu.memref_squeeze %dma_wait3A_23 : memref<1x128xf32, #tpu.memory_space<vmem>> -> memref<128xf32, #tpu.memory_space<vmem>>
        %dma_wait3A_25 = arith.constant 0 : i32
        %dma_wait3A_26 = tpu.memref_slice %arg6[%scan3A_15, %dma_wait3A_25] : memref<81x128xi32, #tpu.memory_space<vmem>> -> memref<1x128xi32, #tpu.memory_space<vmem>>
        %dma_wait3A_27 = tpu.memref_squeeze %dma_wait3A_26 : memref<1x128xi32, #tpu.memory_space<vmem>> -> memref<128xi32, #tpu.memory_space<vmem>>
        %dma_wait3A_28 = arith.constant 0 : i32
        %dma_wait3A_29 = tpu.memref_slice %arg8[%dma_wait3A_28] : memref<10240xf32, #tpu.memory_space<vmem_shared>> -> memref<10240xf32, #tpu.memory_space<vmem_shared>>
        tpu.wait_indirect_dma semaphore(%run_scoped3A : memref<!tpu.dma_semaphore, #tpu.memory_space<semaphore_mem>>) src(%dma_wait3A_24 : memref<128xf32, #tpu.memory_space<vmem>>) dst(%dma_wait3A_29 : memref<10240xf32, #tpu.memory_space<vmem_shared>>)
        tpu.yield
      }) : () -> ()
    }
    %scan3A_9 = arith.constant 81 : i32
    %barrier3A_10 = arith.constant 0 : index
    tpu.barrier barrier_id(%barrier3A_10)
    %mul3A_11 = arith.constant 640 : i32
    %mul3A_12 = arith.muli %arg1, %mul3A_11 : i32
    %mul3A_13 = arith.constant 640 : i32
    %mul3A_14 = arith.muli %arg1, %mul3A_13 : i32
    "tpu.region"() ({
      %run_scoped3A = tpu.sem_alloc : memref<!tpu.dma_semaphore, #tpu.memory_space<semaphore_mem>>
      %dma_start3A = tpu.memref_slice %arg5[%arg0, %mul3A_14] : memref<2x10240xf32, #tpu.memory_space<hbm>> -> memref<1x640xf32, #tpu.memory_space<hbm>>
      %dma_start3A_15 = tpu.memref_squeeze %dma_start3A : memref<1x640xf32, #tpu.memory_space<hbm>> -> memref<640xf32, #tpu.memory_space<hbm>>
      %dma_start3A_16 = tpu.memref_slice %arg8[%mul3A_12] : memref<10240xf32, #tpu.memory_space<vmem_shared>> -> memref<640xf32, #tpu.memory_space<vmem_shared>>
      tpu.enqueue_dma source(%dma_start3A_16 : memref<640xf32, #tpu.memory_space<vmem_shared>>) target(%dma_start3A_15 : memref<640xf32, #tpu.memory_space<hbm>>) target_semaphore(%run_scoped3A : memref<!tpu.dma_semaphore, #tpu.memory_space<semaphore_mem>>)
      %dma_wait3A = tpu.memref_slice %arg5[%arg0, %mul3A_14] : memref<2x10240xf32, #tpu.memory_space<hbm>> -> memref<1x640xf32, #tpu.memory_space<hbm>>
      %dma_wait3A_17 = tpu.memref_squeeze %dma_wait3A : memref<1x640xf32, #tpu.memory_space<hbm>> -> memref<640xf32, #tpu.memory_space<hbm>>
      %dma_wait3A_18 = tpu.memref_slice %arg8[%mul3A_12] : memref<10240xf32, #tpu.memory_space<vmem_shared>> -> memref<640xf32, #tpu.memory_space<vmem_shared>>
      tpu.wait_dma2 semaphore(%run_scoped3A : memref<!tpu.dma_semaphore, #tpu.memory_space<semaphore_mem>>) src(%dma_wait3A_18 : memref<640xf32, #tpu.memory_space<vmem_shared>>) dst(%dma_wait3A_17 : memref<640xf32, #tpu.memory_space<hbm>>)
      tpu.yield
    }) : () -> ()
    return
  }
}

#map = affine_map<(d0, d1) -> (0, 0)>
#map1 = affine_map<(d0, d1) -> (0, 0, 0)>
module attributes {stable_mosaic.version = 14 : i64} {
  func.func @_sc_segsum_rows(%arg0: i32, %arg1: i32, %arg2: memref<10000x128xf32, #tpu.memory_space<hbm>>, %arg3: memref<32x81x128xi32, #tpu.memory_space<hbm>>, %arg4: memref<32x81x128xi32, #tpu.memory_space<hbm>>, %arg5: memref<32x10368xf32, #tpu.memory_space<hbm>>, %arg6: memref<10112x128xf32, #tpu.memory_space<hbm>>, %arg7: memref<2x10112x128xf32, #tpu.memory_space<hbm>>, %arg8: memref<81x128xi32, #tpu.memory_space<vmem>>, %arg9: memref<81x128xi32, #tpu.memory_space<vmem>>, %arg10: memref<10368xf32, #tpu.memory_space<vmem>>, %arg11: memref<128x128xf32, #tpu.memory_space<vmem>>, %arg12: memref<10112x128xf32, #tpu.memory_space<vmem_shared>>, %arg13: memref<!tpu.dma_semaphore, #tpu.memory_space<semaphore_mem>>) attributes {dimension_semantics = [#tpu.dimension_semantics<core_parallel>, #tpu.dimension_semantics<subcore_parallel>], iteration_bounds = array<i64: 2, 16>, scalar_prefetch = 0 : i64, scratch_operands = 6 : i64, tpu.core_type = #tpu.core_type<sc_vector_subcore>, window_params = [{transform_indices = #map}, {transform_indices = #map1}, {transform_indices = #map1}, {transform_indices = #map}, {transform_indices = #map}, {transform_indices = #map1}]} {
    %mul3A = arith.constant 16 : i32
    %mul3A_0 = arith.muli %arg0, %mul3A : i32
    %add3A = arith.addi %mul3A_0, %arg1 : i32
    "tpu.region"() ({
      %run_scoped3A = tpu.sem_alloc : memref<!tpu.dma_semaphore, #tpu.memory_space<semaphore_mem>>
      %dma_start3A = arith.constant 0 : i32
      %dma_start3A_15 = arith.constant 0 : i32
      %dma_start3A_16 = tpu.memref_slice %arg3[%add3A, %dma_start3A, %dma_start3A_15] : memref<32x81x128xi32, #tpu.memory_space<hbm>> -> memref<1x81x128xi32, #tpu.memory_space<hbm>>
      %dma_start3A_17 = tpu.memref_squeeze %dma_start3A_16 : memref<1x81x128xi32, #tpu.memory_space<hbm>> -> memref<81x128xi32, #tpu.memory_space<hbm>>
      %dma_start3A_18 = arith.constant 0 : i32
      %dma_start3A_19 = arith.constant 0 : i32
      %dma_start3A_20 = tpu.memref_slice %arg3[%add3A, %dma_start3A_18, %dma_start3A_19] : memref<32x81x128xi32, #tpu.memory_space<hbm>> -> memref<1x81x128xi32, #tpu.memory_space<hbm>>
      %dma_start3A_21 = tpu.memref_squeeze %dma_start3A_20 : memref<1x81x128xi32, #tpu.memory_space<hbm>> -> memref<81x128xi32, #tpu.memory_space<hbm>>
      tpu.enqueue_dma source(%dma_start3A_21 : memref<81x128xi32, #tpu.memory_space<hbm>>) target(%arg8 : memref<81x128xi32, #tpu.memory_space<vmem>>) target_semaphore(%run_scoped3A : memref<!tpu.dma_semaphore, #tpu.memory_space<semaphore_mem>>)
      %dma_wait3A = arith.constant 0 : i32
      %dma_wait3A_22 = arith.constant 0 : i32
      %dma_wait3A_23 = tpu.memref_slice %arg3[%add3A, %dma_wait3A, %dma_wait3A_22] : memref<32x81x128xi32, #tpu.memory_space<hbm>> -> memref<1x81x128xi32, #tpu.memory_space<hbm>>
      %dma_wait3A_24 = tpu.memref_squeeze %dma_wait3A_23 : memref<1x81x128xi32, #tpu.memory_space<hbm>> -> memref<81x128xi32, #tpu.memory_space<hbm>>
      %dma_wait3A_25 = arith.constant 0 : i32
      %dma_wait3A_26 = arith.constant 0 : i32
      %dma_wait3A_27 = tpu.memref_slice %arg3[%add3A, %dma_wait3A_25, %dma_wait3A_26] : memref<32x81x128xi32, #tpu.memory_space<hbm>> -> memref<1x81x128xi32, #tpu.memory_space<hbm>>
      %dma_wait3A_28 = tpu.memref_squeeze %dma_wait3A_27 : memref<1x81x128xi32, #tpu.memory_space<hbm>> -> memref<81x128xi32, #tpu.memory_space<hbm>>
      tpu.wait_dma2 semaphore(%run_scoped3A : memref<!tpu.dma_semaphore, #tpu.memory_space<semaphore_mem>>) src(%dma_wait3A_28 : memref<81x128xi32, #tpu.memory_space<hbm>>) dst(%arg8 : memref<81x128xi32, #tpu.memory_space<vmem>>)
      tpu.yield
    }) : () -> ()
    "tpu.region"() ({
      %run_scoped3A = tpu.sem_alloc : memref<!tpu.dma_semaphore, #tpu.memory_space<semaphore_mem>>
      %dma_start3A = arith.constant 0 : i32
      %dma_start3A_15 = arith.constant 0 : i32
      %dma_start3A_16 = tpu.memref_slice %arg4[%add3A, %dma_start3A, %dma_start3A_15] : memref<32x81x128xi32, #tpu.memory_space<hbm>> -> memref<1x81x128xi32, #tpu.memory_space<hbm>>
      %dma_start3A_17 = tpu.memref_squeeze %dma_start3A_16 : memref<1x81x128xi32, #tpu.memory_space<hbm>> -> memref<81x128xi32, #tpu.memory_space<hbm>>
      %dma_start3A_18 = arith.constant 0 : i32
      %dma_start3A_19 = arith.constant 0 : i32
      %dma_start3A_20 = tpu.memref_slice %arg4[%add3A, %dma_start3A_18, %dma_start3A_19] : memref<32x81x128xi32, #tpu.memory_space<hbm>> -> memref<1x81x128xi32, #tpu.memory_space<hbm>>
      %dma_start3A_21 = tpu.memref_squeeze %dma_start3A_20 : memref<1x81x128xi32, #tpu.memory_space<hbm>> -> memref<81x128xi32, #tpu.memory_space<hbm>>
      tpu.enqueue_dma source(%dma_start3A_21 : memref<81x128xi32, #tpu.memory_space<hbm>>) target(%arg9 : memref<81x128xi32, #tpu.memory_space<vmem>>) target_semaphore(%run_scoped3A : memref<!tpu.dma_semaphore, #tpu.memory_space<semaphore_mem>>)
      %dma_wait3A = arith.constant 0 : i32
      %dma_wait3A_22 = arith.constant 0 : i32
      %dma_wait3A_23 = tpu.memref_slice %arg4[%add3A, %dma_wait3A, %dma_wait3A_22] : memref<32x81x128xi32, #tpu.memory_space<hbm>> -> memref<1x81x128xi32, #tpu.memory_space<hbm>>
      %dma_wait3A_24 = tpu.memref_squeeze %dma_wait3A_23 : memref<1x81x128xi32, #tpu.memory_space<hbm>> -> memref<81x128xi32, #tpu.memory_space<hbm>>
      %dma_wait3A_25 = arith.constant 0 : i32
      %dma_wait3A_26 = arith.constant 0 : i32
      %dma_wait3A_27 = tpu.memref_slice %arg4[%add3A, %dma_wait3A_25, %dma_wait3A_26] : memref<32x81x128xi32, #tpu.memory_space<hbm>> -> memref<1x81x128xi32, #tpu.memory_space<hbm>>
      %dma_wait3A_28 = tpu.memref_squeeze %dma_wait3A_27 : memref<1x81x128xi32, #tpu.memory_space<hbm>> -> memref<81x128xi32, #tpu.memory_space<hbm>>
      tpu.wait_dma2 semaphore(%run_scoped3A : memref<!tpu.dma_semaphore, #tpu.memory_space<semaphore_mem>>) src(%dma_wait3A_28 : memref<81x128xi32, #tpu.memory_space<hbm>>) dst(%arg9 : memref<81x128xi32, #tpu.memory_space<vmem>>)
      tpu.yield
    }) : () -> ()
    "tpu.region"() ({
      %run_scoped3A = tpu.sem_alloc : memref<!tpu.dma_semaphore, #tpu.memory_space<semaphore_mem>>
      %dma_start3A = arith.constant 0 : i32
      %dma_start3A_15 = tpu.memref_slice %arg5[%add3A, %dma_start3A] : memref<32x10368xf32, #tpu.memory_space<hbm>> -> memref<1x10368xf32, #tpu.memory_space<hbm>>
      %dma_start3A_16 = tpu.memref_squeeze %dma_start3A_15 : memref<1x10368xf32, #tpu.memory_space<hbm>> -> memref<10368xf32, #tpu.memory_space<hbm>>
      %dma_start3A_17 = arith.constant 0 : i32
      %dma_start3A_18 = tpu.memref_slice %arg5[%add3A, %dma_start3A_17] : memref<32x10368xf32, #tpu.memory_space<hbm>> -> memref<1x10368xf32, #tpu.memory_space<hbm>>
      %dma_start3A_19 = tpu.memref_squeeze %dma_start3A_18 : memref<1x10368xf32, #tpu.memory_space<hbm>> -> memref<10368xf32, #tpu.memory_space<hbm>>
      tpu.enqueue_dma source(%dma_start3A_19 : memref<10368xf32, #tpu.memory_space<hbm>>) target(%arg10 : memref<10368xf32, #tpu.memory_space<vmem>>) target_semaphore(%run_scoped3A : memref<!tpu.dma_semaphore, #tpu.memory_space<semaphore_mem>>)
      %dma_wait3A = arith.constant 0 : i32
      %dma_wait3A_20 = tpu.memref_slice %arg5[%add3A, %dma_wait3A] : memref<32x10368xf32, #tpu.memory_space<hbm>> -> memref<1x10368xf32, #tpu.memory_space<hbm>>
      %dma_wait3A_21 = tpu.memref_squeeze %dma_wait3A_20 : memref<1x10368xf32, #tpu.memory_space<hbm>> -> memref<10368xf32, #tpu.memory_space<hbm>>
      %dma_wait3A_22 = arith.constant 0 : i32
      %dma_wait3A_23 = tpu.memref_slice %arg5[%add3A, %dma_wait3A_22] : memref<32x10368xf32, #tpu.memory_space<hbm>> -> memref<1x10368xf32, #tpu.memory_space<hbm>>
      %dma_wait3A_24 = tpu.memref_squeeze %dma_wait3A_23 : memref<1x10368xf32, #tpu.memory_space<hbm>> -> memref<10368xf32, #tpu.memory_space<hbm>>
      tpu.wait_dma2 semaphore(%run_scoped3A : memref<!tpu.dma_semaphore, #tpu.memory_space<semaphore_mem>>) src(%dma_wait3A_24 : memref<10368xf32, #tpu.memory_space<hbm>>) dst(%arg10 : memref<10368xf32, #tpu.memory_space<vmem>>)
      tpu.yield
    }) : () -> ()
    %mul3A_1 = arith.constant 632 : i32
    %mul3A_2 = arith.muli %arg1, %mul3A_1 : i32
    %mul3A_3 = arith.constant 632 : i32
    %mul3A_4 = arith.muli %arg1, %mul3A_3 : i32
    "tpu.region"() ({
      %run_scoped3A = tpu.sem_alloc : memref<!tpu.dma_semaphore, #tpu.memory_space<semaphore_mem>>
      %dma_start3A = arith.constant 0 : i32
      %dma_start3A_15 = tpu.memref_slice %arg12[%mul3A_4, %dma_start3A] : memref<10112x128xf32, #tpu.memory_space<vmem_shared>> -> memref<632x128xf32, #tpu.memory_space<vmem_shared>>
      %dma_start3A_16 = arith.constant 0 : i32
      %dma_start3A_17 = tpu.memref_slice %arg6[%mul3A_2, %dma_start3A_16] : memref<10112x128xf32, #tpu.memory_space<hbm>> -> memref<632x128xf32, #tpu.memory_space<hbm>>
      tpu.enqueue_dma source(%dma_start3A_17 : memref<632x128xf32, #tpu.memory_space<hbm>>) target(%dma_start3A_15 : memref<632x128xf32, #tpu.memory_space<vmem_shared>>) target_semaphore(%run_scoped3A : memref<!tpu.dma_semaphore, #tpu.memory_space<semaphore_mem>>)
      %dma_wait3A = arith.constant 0 : i32
      %dma_wait3A_18 = tpu.memref_slice %arg12[%mul3A_4, %dma_wait3A] : memref<10112x128xf32, #tpu.memory_space<vmem_shared>> -> memref<632x128xf32, #tpu.memory_space<vmem_shared>>
      %dma_wait3A_19 = arith.constant 0 : i32
      %dma_wait3A_20 = tpu.memref_slice %arg6[%mul3A_2, %dma_wait3A_19] : memref<10112x128xf32, #tpu.memory_space<hbm>> -> memref<632x128xf32, #tpu.memory_space<hbm>>
      tpu.wait_dma2 semaphore(%run_scoped3A : memref<!tpu.dma_semaphore, #tpu.memory_space<semaphore_mem>>) src(%dma_wait3A_20 : memref<632x128xf32, #tpu.memory_space<hbm>>) dst(%dma_wait3A_18 : memref<632x128xf32, #tpu.memory_space<vmem_shared>>)
      tpu.yield
    }) : () -> ()
    %barrier3A = arith.constant 0 : index
    tpu.barrier barrier_id(%barrier3A)
    %scan3A = arith.constant 0 : i32
    %scan3A_5 = arith.constant 0 : i32
    %scan3A_6 = arith.constant 81 : i32
    %scan3A_7 = arith.addi %scan3A_5, %scan3A_6 : i32
    %scan3A_8 = arith.constant 1 : i32
    scf.for %scan3A_15 = %scan3A_5 to %scan3A_7 step %scan3A_8  : i32 {
      %dma_start3A = arith.constant 0 : i32
      %dma_start3A_16 = tpu.memref_slice %arg8[%scan3A_15, %dma_start3A] : memref<81x128xi32, #tpu.memory_space<vmem>> -> memref<1x128xi32, #tpu.memory_space<vmem>>
      %dma_start3A_17 = tpu.memref_squeeze %dma_start3A_16 : memref<1x128xi32, #tpu.memory_space<vmem>> -> memref<128xi32, #tpu.memory_space<vmem>>
      %dma_start3A_18 = arith.constant 0 : i32
      %dma_start3A_19 = arith.constant 0 : i32
      %dma_start3A_20 = tpu.memref_slice %arg2[%dma_start3A_18, %dma_start3A_19] : memref<10000x128xf32, #tpu.memory_space<hbm>> -> memref<10000x128xf32, #tpu.memory_space<hbm>>
      tpu.enqueue_indirect_dma source(%dma_start3A_20 : memref<10000x128xf32, #tpu.memory_space<hbm>>) target(%arg11 : memref<128x128xf32, #tpu.memory_space<vmem>>) offsets(%dma_start3A_17 : memref<128xi32, #tpu.memory_space<vmem>>) semaphore(%arg13 : memref<!tpu.dma_semaphore, #tpu.memory_space<semaphore_mem>>)
      %dma_wait3A = arith.constant 0 : i32
      %dma_wait3A_21 = tpu.memref_slice %arg8[%scan3A_15, %dma_wait3A] : memref<81x128xi32, #tpu.memory_space<vmem>> -> memref<1x128xi32, #tpu.memory_space<vmem>>
      %dma_wait3A_22 = tpu.memref_squeeze %dma_wait3A_21 : memref<1x128xi32, #tpu.memory_space<vmem>> -> memref<128xi32, #tpu.memory_space<vmem>>
      %dma_wait3A_23 = arith.constant 0 : i32
      %dma_wait3A_24 = arith.constant 0 : i32
      %dma_wait3A_25 = tpu.memref_slice %arg2[%dma_wait3A_23, %dma_wait3A_24] : memref<10000x128xf32, #tpu.memory_space<hbm>> -> memref<10000x128xf32, #tpu.memory_space<hbm>>
      tpu.wait_indirect_dma semaphore(%arg13 : memref<!tpu.dma_semaphore, #tpu.memory_space<semaphore_mem>>) src(%dma_wait3A_25 : memref<10000x128xf32, #tpu.memory_space<hbm>>) dst(%arg11 : memref<128x128xf32, #tpu.memory_space<vmem>>)
      %scan3A_26 = arith.constant 0 : i32
      %scan3A_27 = arith.constant 0 : i32
      %scan3A_28 = arith.constant 32 : i32
      %scan3A_29 = arith.addi %scan3A_27, %scan3A_28 : i32
      %scan3A_30 = arith.constant 1 : i32
      scf.for %scan3A_32 = %scan3A_27 to %scan3A_29 step %scan3A_30  : i32 {
        %mul3A_33 = arith.constant 4 : i32
        %mul3A_34 = arith.muli %scan3A_32, %mul3A_33 : i32
        %mul3A_35 = arith.constant 128 : i32
        %mul3A_36 = arith.muli %scan3A_15, %mul3A_35 : i32
        %add3A_37 = arith.addi %mul3A_36, %mul3A_34 : i32
        %add3A_38 = arith.constant 0 : i32
        %add3A_39 = arith.addi %add3A_37, %add3A_38 : i32
        %broadcast_in_dim3A = vector.broadcast %add3A_39 : i32 to vector<16xi32>
        %gather3A = tpu.vector_load_idx %arg10[%broadcast_in_dim3A] : memref<10368xf32, #tpu.memory_space<vmem>>[vector<16xi32>], vector<16xf32>,
        %add3A_40 = arith.constant 0 : i32
        %add3A_41 = arith.addi %mul3A_34, %add3A_40 : i32
        %get3A = arith.index_cast %add3A_41 : i32 to index
        %get3A_42 = arith.constant 0 : index
        %get3A_43 = tpu.vector_load %arg11[%get3A, %get3A_42] {strides = array<i32>} : memref<128x128xf32, #tpu.memory_space<vmem>>, vector<16xf32>,
        %mul3A_44 = arith.mulf %get3A_43, %gather3A : vector<16xf32>
        %add3A_45 = arith.constant 0 : i32
        %add3A_46 = arith.addi %mul3A_34, %add3A_45 : i32
        %swap3A = arith.index_cast %add3A_46 : i32 to index
        %swap3A_47 = arith.constant 0 : index
        %swap3A_48 = tpu.vector_load %arg11[%swap3A, %swap3A_47] {strides = array<i32>} : memref<128x128xf32, #tpu.memory_space<vmem>>, vector<16xf32>,
        tpu.vector_store %arg11[%swap3A, %swap3A_47], %mul3A_44 {strides = array<i32>} : memref<128x128xf32, #tpu.memory_space<vmem>>, vector<16xf32>,
        %add3A_49 = arith.constant 0 : i32
        %add3A_50 = arith.addi %mul3A_34, %add3A_49 : i32
        %get3A_51 = arith.index_cast %add3A_50 : i32 to index
        %get3A_52 = arith.constant 16 : index
        %get3A_53 = tpu.vector_load %arg11[%get3A_51, %get3A_52] {strides = array<i32>} : memref<128x128xf32, #tpu.memory_space<vmem>>, vector<16xf32>,
        %mul3A_54 = arith.mulf %get3A_53, %gather3A : vector<16xf32>
        %add3A_55 = arith.constant 0 : i32
        %add3A_56 = arith.addi %mul3A_34, %add3A_55 : i32
        %swap3A_57 = arith.index_cast %add3A_56 : i32 to index
        %swap3A_58 = arith.constant 16 : index
        %swap3A_59 = tpu.vector_load %arg11[%swap3A_57, %swap3A_58] {strides = array<i32>} : memref<128x128xf32, #tpu.memory_space<vmem>>, vector<16xf32>,
        tpu.vector_store %arg11[%swap3A_57, %swap3A_58], %mul3A_54 {strides = array<i32>} : memref<128x128xf32, #tpu.memory_space<vmem>>, vector<16xf32>,
        %add3A_60 = arith.constant 0 : i32
        %add3A_61 = arith.addi %mul3A_34, %add3A_60 : i32
        %get3A_62 = arith.index_cast %add3A_61 : i32 to index
        %get3A_63 = arith.constant 32 : index
        %get3A_64 = tpu.vector_load %arg11[%get3A_62, %get3A_63] {strides = array<i32>} : memref<128x128xf32, #tpu.memory_space<vmem>>, vector<16xf32>,
        %mul3A_65 = arith.mulf %get3A_64, %gather3A : vector<16xf32>
        %add3A_66 = arith.constant 0 : i32
        %add3A_67 = arith.addi %mul3A_34, %add3A_66 : i32
        %swap3A_68 = arith.index_cast %add3A_67 : i32 to index
        %swap3A_69 = arith.constant 32 : index
        %swap3A_70 = tpu.vector_load %arg11[%swap3A_68, %swap3A_69] {strides = array<i32>} : memref<128x128xf32, #tpu.memory_space<vmem>>, vector<16xf32>,
        tpu.vector_store %arg11[%swap3A_68, %swap3A_69], %mul3A_65 {strides = array<i32>} : memref<128x128xf32, #tpu.memory_space<vmem>>, vector<16xf32>,
        %add3A_71 = arith.constant 0 : i32
        %add3A_72 = arith.addi %mul3A_34, %add3A_71 : i32
        %get3A_73 = arith.index_cast %add3A_72 : i32 to index
        %get3A_74 = arith.constant 48 : index
        %get3A_75 = tpu.vector_load %arg11[%get3A_73, %get3A_74] {strides = array<i32>} : memref<128x128xf32, #tpu.memory_space<vmem>>, vector<16xf32>,
        %mul3A_76 = arith.mulf %get3A_75, %gather3A : vector<16xf32>
        %add3A_77 = arith.constant 0 : i32
        %add3A_78 = arith.addi %mul3A_34, %add3A_77 : i32
        %swap3A_79 = arith.index_cast %add3A_78 : i32 to index
        %swap3A_80 = arith.constant 48 : index
        %swap3A_81 = tpu.vector_load %arg11[%swap3A_79, %swap3A_80] {strides = array<i32>} : memref<128x128xf32, #tpu.memory_space<vmem>>, vector<16xf32>,
        tpu.vector_store %arg11[%swap3A_79, %swap3A_80], %mul3A_76 {strides = array<i32>} : memref<128x128xf32, #tpu.memory_space<vmem>>, vector<16xf32>,
        %add3A_82 = arith.constant 0 : i32
        %add3A_83 = arith.addi %mul3A_34, %add3A_82 : i32
        %get3A_84 = arith.index_cast %add3A_83 : i32 to index
        %get3A_85 = arith.constant 64 : index
        %get3A_86 = tpu.vector_load %arg11[%get3A_84, %get3A_85] {strides = array<i32>} : memref<128x128xf32, #tpu.memory_space<vmem>>, vector<16xf32>,
        %mul3A_87 = arith.mulf %get3A_86, %gather3A : vector<16xf32>
        %add3A_88 = arith.constant 0 : i32
        %add3A_89 = arith.addi %mul3A_34, %add3A_88 : i32
        %swap3A_90 = arith.index_cast %add3A_89 : i32 to index
        %swap3A_91 = arith.constant 64 : index
        %swap3A_92 = tpu.vector_load %arg11[%swap3A_90, %swap3A_91] {strides = array<i32>} : memref<128x128xf32, #tpu.memory_space<vmem>>, vector<16xf32>,
        tpu.vector_store %arg11[%swap3A_90, %swap3A_91], %mul3A_87 {strides = array<i32>} : memref<128x128xf32, #tpu.memory_space<vmem>>, vector<16xf32>,
        %add3A_93 = arith.constant 0 : i32
        %add3A_94 = arith.addi %mul3A_34, %add3A_93 : i32
        %get3A_95 = arith.index_cast %add3A_94 : i32 to index
        %get3A_96 = arith.constant 80 : index
        %get3A_97 = tpu.vector_load %arg11[%get3A_95, %get3A_96] {strides = array<i32>} : memref<128x128xf32, #tpu.memory_space<vmem>>, vector<16xf32>,
        %mul3A_98 = arith.mulf %get3A_97, %gather3A : vector<16xf32>
        %add3A_99 = arith.constant 0 : i32
        %add3A_100 = arith.addi %mul3A_34, %add3A_99 : i32
        %swap3A_101 = arith.index_cast %add3A_100 : i32 to index
        %swap3A_102 = arith.constant 80 : index
        %swap3A_103 = tpu.vector_load %arg11[%swap3A_101, %swap3A_102] {strides = array<i32>} : memref<128x128xf32, #tpu.memory_space<vmem>>, vector<16xf32>,
        tpu.vector_store %arg11[%swap3A_101, %swap3A_102], %mul3A_98 {strides = array<i32>} : memref<128x128xf32, #tpu.memory_space<vmem>>, vector<16xf32>,
        %add3A_104 = arith.constant 0 : i32
        %add3A_105 = arith.addi %mul3A_34, %add3A_104 : i32
        %get3A_106 = arith.index_cast %add3A_105 : i32 to index
        %get3A_107 = arith.constant 96 : index
        %get3A_108 = tpu.vector_load %arg11[%get3A_106, %get3A_107] {strides = array<i32>} : memref<128x128xf32, #tpu.memory_space<vmem>>, vector<16xf32>,
        %mul3A_109 = arith.mulf %get3A_108, %gather3A : vector<16xf32>
        %add3A_110 = arith.constant 0 : i32
        %add3A_111 = arith.addi %mul3A_34, %add3A_110 : i32
        %swap3A_112 = arith.index_cast %add3A_111 : i32 to index
        %swap3A_113 = arith.constant 96 : index
        %swap3A_114 = tpu.vector_load %arg11[%swap3A_112, %swap3A_113] {strides = array<i32>} : memref<128x128xf32, #tpu.memory_space<vmem>>, vector<16xf32>,
        tpu.vector_store %arg11[%swap3A_112, %swap3A_113], %mul3A_109 {strides = array<i32>} : memref<128x128xf32, #tpu.memory_space<vmem>>, vector<16xf32>,
        %add3A_115 = arith.constant 0 : i32
        %add3A_116 = arith.addi %mul3A_34, %add3A_115 : i32
        %get3A_117 = arith.index_cast %add3A_116 : i32 to index
        %get3A_118 = arith.constant 112 : index
        %get3A_119 = tpu.vector_load %arg11[%get3A_117, %get3A_118] {strides = array<i32>} : memref<128x128xf32, #tpu.memory_space<vmem>>, vector<16xf32>,
        %mul3A_120 = arith.mulf %get3A_119, %gather3A : vector<16xf32>
        %add3A_121 = arith.constant 0 : i32
        %add3A_122 = arith.addi %mul3A_34, %add3A_121 : i32
        %swap3A_123 = arith.index_cast %add3A_122 : i32 to index
        %swap3A_124 = arith.constant 112 : index
        %swap3A_125 = tpu.vector_load %arg11[%swap3A_123, %swap3A_124] {strides = array<i32>} : memref<128x128xf32, #tpu.memory_space<vmem>>, vector<16xf32>,
        tpu.vector_store %arg11[%swap3A_123, %swap3A_124], %mul3A_120 {strides = array<i32>} : memref<128x128xf32, #tpu.memory_space<vmem>>, vector<16xf32>,
        %mul3A_126 = arith.constant 128 : i32
        %mul3A_127 = arith.muli %scan3A_15, %mul3A_126 : i32
        %add3A_128 = arith.addi %mul3A_127, %mul3A_34 : i32
        %add3A_129 = arith.constant 1 : i32
        %add3A_130 = arith.addi %add3A_128, %add3A_129 : i32
        %broadcast_in_dim3A_131 = vector.broadcast %add3A_130 : i32 to vector<16xi32>
        %gather3A_132 = tpu.vector_load_idx %arg10[%broadcast_in_dim3A_131] : memref<10368xf32, #tpu.memory_space<vmem>>[vector<16xi32>], vector<16xf32>,
        %add3A_133 = arith.constant 1 : i32
        %add3A_134 = arith.addi %mul3A_34, %add3A_133 : i32
        %get3A_135 = arith.index_cast %add3A_134 : i32 to index
        %get3A_136 = arith.constant 0 : index
        %get3A_137 = tpu.vector_load %arg11[%get3A_135, %get3A_136] {strides = array<i32>} : memref<128x128xf32, #tpu.memory_space<vmem>>, vector<16xf32>,
        %mul3A_138 = arith.mulf %get3A_137, %gather3A_132 : vector<16xf32>
        %add3A_139 = arith.constant 1 : i32
        %add3A_140 = arith.addi %mul3A_34, %add3A_139 : i32
        %swap3A_141 = arith.index_cast %add3A_140 : i32 to index
        %swap3A_142 = arith.constant 0 : index
        %swap3A_143 = tpu.vector_load %arg11[%swap3A_141, %swap3A_142] {strides = array<i32>} : memref<128x128xf32, #tpu.memory_space<vmem>>, vector<16xf32>,
        tpu.vector_store %arg11[%swap3A_141, %swap3A_142], %mul3A_138 {strides = array<i32>} : memref<128x128xf32, #tpu.memory_space<vmem>>, vector<16xf32>,
        %add3A_144 = arith.constant 1 : i32
        %add3A_145 = arith.addi %mul3A_34, %add3A_144 : i32
        %get3A_146 = arith.index_cast %add3A_145 : i32 to index
        %get3A_147 = arith.constant 16 : index
        %get3A_148 = tpu.vector_load %arg11[%get3A_146, %get3A_147] {strides = array<i32>} : memref<128x128xf32, #tpu.memory_space<vmem>>, vector<16xf32>,
        %mul3A_149 = arith.mulf %get3A_148, %gather3A_132 : vector<16xf32>
        %add3A_150 = arith.constant 1 : i32
        %add3A_151 = arith.addi %mul3A_34, %add3A_150 : i32
        %swap3A_152 = arith.index_cast %add3A_151 : i32 to index
        %swap3A_153 = arith.constant 16 : index
        %swap3A_154 = tpu.vector_load %arg11[%swap3A_152, %swap3A_153] {strides = array<i32>} : memref<128x128xf32, #tpu.memory_space<vmem>>, vector<16xf32>,
        tpu.vector_store %arg11[%swap3A_152, %swap3A_153], %mul3A_149 {strides = array<i32>} : memref<128x128xf32, #tpu.memory_space<vmem>>, vector<16xf32>,
        %add3A_155 = arith.constant 1 : i32
        %add3A_156 = arith.addi %mul3A_34, %add3A_155 : i32
        %get3A_157 = arith.index_cast %add3A_156 : i32 to index
        %get3A_158 = arith.constant 32 : index
        %get3A_159 = tpu.vector_load %arg11[%get3A_157, %get3A_158] {strides = array<i32>} : memref<128x128xf32, #tpu.memory_space<vmem>>, vector<16xf32>,
        %mul3A_160 = arith.mulf %get3A_159, %gather3A_132 : vector<16xf32>
        %add3A_161 = arith.constant 1 : i32
        %add3A_162 = arith.addi %mul3A_34, %add3A_161 : i32
        %swap3A_163 = arith.index_cast %add3A_162 : i32 to index
        %swap3A_164 = arith.constant 32 : index
        %swap3A_165 = tpu.vector_load %arg11[%swap3A_163, %swap3A_164] {strides = array<i32>} : memref<128x128xf32, #tpu.memory_space<vmem>>, vector<16xf32>,
        tpu.vector_store %arg11[%swap3A_163, %swap3A_164], %mul3A_160 {strides = array<i32>} : memref<128x128xf32, #tpu.memory_space<vmem>>, vector<16xf32>,
        %add3A_166 = arith.constant 1 : i32
        %add3A_167 = arith.addi %mul3A_34, %add3A_166 : i32
        %get3A_168 = arith.index_cast %add3A_167 : i32 to index
        %get3A_169 = arith.constant 48 : index
        %get3A_170 = tpu.vector_load %arg11[%get3A_168, %get3A_169] {strides = array<i32>} : memref<128x128xf32, #tpu.memory_space<vmem>>, vector<16xf32>,
        %mul3A_171 = arith.mulf %get3A_170, %gather3A_132 : vector<16xf32>
        %add3A_172 = arith.constant 1 : i32
        %add3A_173 = arith.addi %mul3A_34, %add3A_172 : i32
        %swap3A_174 = arith.index_cast %add3A_173 : i32 to index
        %swap3A_175 = arith.constant 48 : index
        %swap3A_176 = tpu.vector_load %arg11[%swap3A_174, %swap3A_175] {strides = array<i32>} : memref<128x128xf32, #tpu.memory_space<vmem>>, vector<16xf32>,
        tpu.vector_store %arg11[%swap3A_174, %swap3A_175], %mul3A_171 {strides = array<i32>} : memref<128x128xf32, #tpu.memory_space<vmem>>, vector<16xf32>,
        %add3A_177 = arith.constant 1 : i32
        %add3A_178 = arith.addi %mul3A_34, %add3A_177 : i32
        %get3A_179 = arith.index_cast %add3A_178 : i32 to index
        %get3A_180 = arith.constant 64 : index
        %get3A_181 = tpu.vector_load %arg11[%get3A_179, %get3A_180] {strides = array<i32>} : memref<128x128xf32, #tpu.memory_space<vmem>>, vector<16xf32>,
        %mul3A_182 = arith.mulf %get3A_181, %gather3A_132 : vector<16xf32>
        %add3A_183 = arith.constant 1 : i32
        %add3A_184 = arith.addi %mul3A_34, %add3A_183 : i32
        %swap3A_185 = arith.index_cast %add3A_184 : i32 to index
        %swap3A_186 = arith.constant 64 : index
        %swap3A_187 = tpu.vector_load %arg11[%swap3A_185, %swap3A_186] {strides = array<i32>} : memref<128x128xf32, #tpu.memory_space<vmem>>, vector<16xf32>,
        tpu.vector_store %arg11[%swap3A_185, %swap3A_186], %mul3A_182 {strides = array<i32>} : memref<128x128xf32, #tpu.memory_space<vmem>>, vector<16xf32>,
        %add3A_188 = arith.constant 1 : i32
        %add3A_189 = arith.addi %mul3A_34, %add3A_188 : i32
        %get3A_190 = arith.index_cast %add3A_189 : i32 to index
        %get3A_191 = arith.constant 80 : index
        %get3A_192 = tpu.vector_load %arg11[%get3A_190, %get3A_191] {strides = array<i32>} : memref<128x128xf32, #tpu.memory_space<vmem>>, vector<16xf32>,
        %mul3A_193 = arith.mulf %get3A_192, %gather3A_132 : vector<16xf32>
        %add3A_194 = arith.constant 1 : i32
        %add3A_195 = arith.addi %mul3A_34, %add3A_194 : i32
        %swap3A_196 = arith.index_cast %add3A_195 : i32 to index
        %swap3A_197 = arith.constant 80 : index
        %swap3A_198 = tpu.vector_load %arg11[%swap3A_196, %swap3A_197] {strides = array<i32>} : memref<128x128xf32, #tpu.memory_space<vmem>>, vector<16xf32>,
        tpu.vector_store %arg11[%swap3A_196, %swap3A_197], %mul3A_193 {strides = array<i32>} : memref<128x128xf32, #tpu.memory_space<vmem>>, vector<16xf32>,
        %add3A_199 = arith.constant 1 : i32
        %add3A_200 = arith.addi %mul3A_34, %add3A_199 : i32
        %get3A_201 = arith.index_cast %add3A_200 : i32 to index
        %get3A_202 = arith.constant 96 : index
        %get3A_203 = tpu.vector_load %arg11[%get3A_201, %get3A_202] {strides = array<i32>} : memref<128x128xf32, #tpu.memory_space<vmem>>, vector<16xf32>,
        %mul3A_204 = arith.mulf %get3A_203, %gather3A_132 : vector<16xf32>
        %add3A_205 = arith.constant 1 : i32
        %add3A_206 = arith.addi %mul3A_34, %add3A_205 : i32
        %swap3A_207 = arith.index_cast %add3A_206 : i32 to index
        %swap3A_208 = arith.constant 96 : index
        %swap3A_209 = tpu.vector_load %arg11[%swap3A_207, %swap3A_208] {strides = array<i32>} : memref<128x128xf32, #tpu.memory_space<vmem>>, vector<16xf32>,
        tpu.vector_store %arg11[%swap3A_207, %swap3A_208], %mul3A_204 {strides = array<i32>} : memref<128x128xf32, #tpu.memory_space<vmem>>, vector<16xf32>,
        %add3A_210 = arith.constant 1 : i32
        %add3A_211 = arith.addi %mul3A_34, %add3A_210 : i32
        %get3A_212 = arith.index_cast %add3A_211 : i32 to index
        %get3A_213 = arith.constant 112 : index
        %get3A_214 = tpu.vector_load %arg11[%get3A_212, %get3A_213] {strides = array<i32>} : memref<128x128xf32, #tpu.memory_space<vmem>>, vector<16xf32>,
        %mul3A_215 = arith.mulf %get3A_214, %gather3A_132 : vector<16xf32>
        %add3A_216 = arith.constant 1 : i32
        %add3A_217 = arith.addi %mul3A_34, %add3A_216 : i32
        %swap3A_218 = arith.index_cast %add3A_217 : i32 to index
        %swap3A_219 = arith.constant 112 : index
        %swap3A_220 = tpu.vector_load %arg11[%swap3A_218, %swap3A_219] {strides = array<i32>} : memref<128x128xf32, #tpu.memory_space<vmem>>, vector<16xf32>,
        tpu.vector_store %arg11[%swap3A_218, %swap3A_219], %mul3A_215 {strides = array<i32>} : memref<128x128xf32, #tpu.memory_space<vmem>>, vector<16xf32>,
        %mul3A_221 = arith.constant 128 : i32
        %mul3A_222 = arith.muli %scan3A_15, %mul3A_221 : i32
        %add3A_223 = arith.addi %mul3A_222, %mul3A_34 : i32
        %add3A_224 = arith.constant 2 : i32
        %add3A_225 = arith.addi %add3A_223, %add3A_224 : i32
        %broadcast_in_dim3A_226 = vector.broadcast %add3A_225 : i32 to vector<16xi32>
        %gather3A_227 = tpu.vector_load_idx %arg10[%broadcast_in_dim3A_226] : memref<10368xf32, #tpu.memory_space<vmem>>[vector<16xi32>], vector<16xf32>,
        %add3A_228 = arith.constant 2 : i32
        %add3A_229 = arith.addi %mul3A_34, %add3A_228 : i32
        %get3A_230 = arith.index_cast %add3A_229 : i32 to index
        %get3A_231 = arith.constant 0 : index
        %get3A_232 = tpu.vector_load %arg11[%get3A_230, %get3A_231] {strides = array<i32>} : memref<128x128xf32, #tpu.memory_space<vmem>>, vector<16xf32>,
        %mul3A_233 = arith.mulf %get3A_232, %gather3A_227 : vector<16xf32>
        %add3A_234 = arith.constant 2 : i32
        %add3A_235 = arith.addi %mul3A_34, %add3A_234 : i32
        %swap3A_236 = arith.index_cast %add3A_235 : i32 to index
        %swap3A_237 = arith.constant 0 : index
        %swap3A_238 = tpu.vector_load %arg11[%swap3A_236, %swap3A_237] {strides = array<i32>} : memref<128x128xf32, #tpu.memory_space<vmem>>, vector<16xf32>,
        tpu.vector_store %arg11[%swap3A_236, %swap3A_237], %mul3A_233 {strides = array<i32>} : memref<128x128xf32, #tpu.memory_space<vmem>>, vector<16xf32>,
        %add3A_239 = arith.constant 2 : i32
        %add3A_240 = arith.addi %mul3A_34, %add3A_239 : i32
        %get3A_241 = arith.index_cast %add3A_240 : i32 to index
        %get3A_242 = arith.constant 16 : index
        %get3A_243 = tpu.vector_load %arg11[%get3A_241, %get3A_242] {strides = array<i32>} : memref<128x128xf32, #tpu.memory_space<vmem>>, vector<16xf32>,
        %mul3A_244 = arith.mulf %get3A_243, %gather3A_227 : vector<16xf32>
        %add3A_245 = arith.constant 2 : i32
        %add3A_246 = arith.addi %mul3A_34, %add3A_245 : i32
        %swap3A_247 = arith.index_cast %add3A_246 : i32 to index
        %swap3A_248 = arith.constant 16 : index
        %swap3A_249 = tpu.vector_load %arg11[%swap3A_247, %swap3A_248] {strides = array<i32>} : memref<128x128xf32, #tpu.memory_space<vmem>>, vector<16xf32>,
        tpu.vector_store %arg11[%swap3A_247, %swap3A_248], %mul3A_244 {strides = array<i32>} : memref<128x128xf32, #tpu.memory_space<vmem>>, vector<16xf32>,
        %add3A_250 = arith.constant 2 : i32
        %add3A_251 = arith.addi %mul3A_34, %add3A_250 : i32
        %get3A_252 = arith.index_cast %add3A_251 : i32 to index
        %get3A_253 = arith.constant 32 : index
        %get3A_254 = tpu.vector_load %arg11[%get3A_252, %get3A_253] {strides = array<i32>} : memref<128x128xf32, #tpu.memory_space<vmem>>, vector<16xf32>,
        %mul3A_255 = arith.mulf %get3A_254, %gather3A_227 : vector<16xf32>
        %add3A_256 = arith.constant 2 : i32
        %add3A_257 = arith.addi %mul3A_34, %add3A_256 : i32
        %swap3A_258 = arith.index_cast %add3A_257 : i32 to index
        %swap3A_259 = arith.constant 32 : index
        %swap3A_260 = tpu.vector_load %arg11[%swap3A_258, %swap3A_259] {strides = array<i32>} : memref<128x128xf32, #tpu.memory_space<vmem>>, vector<16xf32>,
        tpu.vector_store %arg11[%swap3A_258, %swap3A_259], %mul3A_255 {strides = array<i32>} : memref<128x128xf32, #tpu.memory_space<vmem>>, vector<16xf32>,
        %add3A_261 = arith.constant 2 : i32
        %add3A_262 = arith.addi %mul3A_34, %add3A_261 : i32
        %get3A_263 = arith.index_cast %add3A_262 : i32 to index
        %get3A_264 = arith.constant 48 : index
        %get3A_265 = tpu.vector_load %arg11[%get3A_263, %get3A_264] {strides = array<i32>} : memref<128x128xf32, #tpu.memory_space<vmem>>, vector<16xf32>,
        %mul3A_266 = arith.mulf %get3A_265, %gather3A_227 : vector<16xf32>
        %add3A_267 = arith.constant 2 : i32
        %add3A_268 = arith.addi %mul3A_34, %add3A_267 : i32
        %swap3A_269 = arith.index_cast %add3A_268 : i32 to index
        %swap3A_270 = arith.constant 48 : index
        %swap3A_271 = tpu.vector_load %arg11[%swap3A_269, %swap3A_270] {strides = array<i32>} : memref<128x128xf32, #tpu.memory_space<vmem>>, vector<16xf32>,
        tpu.vector_store %arg11[%swap3A_269, %swap3A_270], %mul3A_266 {strides = array<i32>} : memref<128x128xf32, #tpu.memory_space<vmem>>, vector<16xf32>,
        %add3A_272 = arith.constant 2 : i32
        %add3A_273 = arith.addi %mul3A_34, %add3A_272 : i32
        %get3A_274 = arith.index_cast %add3A_273 : i32 to index
        %get3A_275 = arith.constant 64 : index
        %get3A_276 = tpu.vector_load %arg11[%get3A_274, %get3A_275] {strides = array<i32>} : memref<128x128xf32, #tpu.memory_space<vmem>>, vector<16xf32>,
        %mul3A_277 = arith.mulf %get3A_276, %gather3A_227 : vector<16xf32>
        %add3A_278 = arith.constant 2 : i32
        %add3A_279 = arith.addi %mul3A_34, %add3A_278 : i32
        %swap3A_280 = arith.index_cast %add3A_279 : i32 to index
        %swap3A_281 = arith.constant 64 : index
        %swap3A_282 = tpu.vector_load %arg11[%swap3A_280, %swap3A_281] {strides = array<i32>} : memref<128x128xf32, #tpu.memory_space<vmem>>, vector<16xf32>,
        tpu.vector_store %arg11[%swap3A_280, %swap3A_281], %mul3A_277 {strides = array<i32>} : memref<128x128xf32, #tpu.memory_space<vmem>>, vector<16xf32>,
        %add3A_283 = arith.constant 2 : i32
        %add3A_284 = arith.addi %mul3A_34, %add3A_283 : i32
        %get3A_285 = arith.index_cast %add3A_284 : i32 to index
        %get3A_286 = arith.constant 80 : index
        %get3A_287 = tpu.vector_load %arg11[%get3A_285, %get3A_286] {strides = array<i32>} : memref<128x128xf32, #tpu.memory_space<vmem>>, vector<16xf32>,
        %mul3A_288 = arith.mulf %get3A_287, %gather3A_227 : vector<16xf32>
        %add3A_289 = arith.constant 2 : i32
        %add3A_290 = arith.addi %mul3A_34, %add3A_289 : i32
        %swap3A_291 = arith.index_cast %add3A_290 : i32 to index
        %swap3A_292 = arith.constant 80 : index
        %swap3A_293 = tpu.vector_load %arg11[%swap3A_291, %swap3A_292] {strides = array<i32>} : memref<128x128xf32, #tpu.memory_space<vmem>>, vector<16xf32>,
        tpu.vector_store %arg11[%swap3A_291, %swap3A_292], %mul3A_288 {strides = array<i32>} : memref<128x128xf32, #tpu.memory_space<vmem>>, vector<16xf32>,
        %add3A_294 = arith.constant 2 : i32
        %add3A_295 = arith.addi %mul3A_34, %add3A_294 : i32
        %get3A_296 = arith.index_cast %add3A_295 : i32 to index
        %get3A_297 = arith.constant 96 : index
        %get3A_298 = tpu.vector_load %arg11[%get3A_296, %get3A_297] {strides = array<i32>} : memref<128x128xf32, #tpu.memory_space<vmem>>, vector<16xf32>,
        %mul3A_299 = arith.mulf %get3A_298, %gather3A_227 : vector<16xf32>
        %add3A_300 = arith.constant 2 : i32
        %add3A_301 = arith.addi %mul3A_34, %add3A_300 : i32
        %swap3A_302 = arith.index_cast %add3A_301 : i32 to index
        %swap3A_303 = arith.constant 96 : index
        %swap3A_304 = tpu.vector_load %arg11[%swap3A_302, %swap3A_303] {strides = array<i32>} : memref<128x128xf32, #tpu.memory_space<vmem>>, vector<16xf32>,
        tpu.vector_store %arg11[%swap3A_302, %swap3A_303], %mul3A_299 {strides = array<i32>} : memref<128x128xf32, #tpu.memory_space<vmem>>, vector<16xf32>,
        %add3A_305 = arith.constant 2 : i32
        %add3A_306 = arith.addi %mul3A_34, %add3A_305 : i32
        %get3A_307 = arith.index_cast %add3A_306 : i32 to index
        %get3A_308 = arith.constant 112 : index
        %get3A_309 = tpu.vector_load %arg11[%get3A_307, %get3A_308] {strides = array<i32>} : memref<128x128xf32, #tpu.memory_space<vmem>>, vector<16xf32>,
        %mul3A_310 = arith.mulf %get3A_309, %gather3A_227 : vector<16xf32>
        %add3A_311 = arith.constant 2 : i32
        %add3A_312 = arith.addi %mul3A_34, %add3A_311 : i32
        %swap3A_313 = arith.index_cast %add3A_312 : i32 to index
        %swap3A_314 = arith.constant 112 : index
        %swap3A_315 = tpu.vector_load %arg11[%swap3A_313, %swap3A_314] {strides = array<i32>} : memref<128x128xf32, #tpu.memory_space<vmem>>, vector<16xf32>,
        tpu.vector_store %arg11[%swap3A_313, %swap3A_314], %mul3A_310 {strides = array<i32>} : memref<128x128xf32, #tpu.memory_space<vmem>>, vector<16xf32>,
        %mul3A_316 = arith.constant 128 : i32
        %mul3A_317 = arith.muli %scan3A_15, %mul3A_316 : i32
        %add3A_318 = arith.addi %mul3A_317, %mul3A_34 : i32
        %add3A_319 = arith.constant 3 : i32
        %add3A_320 = arith.addi %add3A_318, %add3A_319 : i32
        %broadcast_in_dim3A_321 = vector.broadcast %add3A_320 : i32 to vector<16xi32>
        %gather3A_322 = tpu.vector_load_idx %arg10[%broadcast_in_dim3A_321] : memref<10368xf32, #tpu.memory_space<vmem>>[vector<16xi32>], vector<16xf32>,
        %add3A_323 = arith.constant 3 : i32
        %add3A_324 = arith.addi %mul3A_34, %add3A_323 : i32
        %get3A_325 = arith.index_cast %add3A_324 : i32 to index
        %get3A_326 = arith.constant 0 : index
        %get3A_327 = tpu.vector_load %arg11[%get3A_325, %get3A_326] {strides = array<i32>} : memref<128x128xf32, #tpu.memory_space<vmem>>, vector<16xf32>,
        %mul3A_328 = arith.mulf %get3A_327, %gather3A_322 : vector<16xf32>
        %add3A_329 = arith.constant 3 : i32
        %add3A_330 = arith.addi %mul3A_34, %add3A_329 : i32
        %swap3A_331 = arith.index_cast %add3A_330 : i32 to index
        %swap3A_332 = arith.constant 0 : index
        %swap3A_333 = tpu.vector_load %arg11[%swap3A_331, %swap3A_332] {strides = array<i32>} : memref<128x128xf32, #tpu.memory_space<vmem>>, vector<16xf32>,
        tpu.vector_store %arg11[%swap3A_331, %swap3A_332], %mul3A_328 {strides = array<i32>} : memref<128x128xf32, #tpu.memory_space<vmem>>, vector<16xf32>,
        %add3A_334 = arith.constant 3 : i32
        %add3A_335 = arith.addi %mul3A_34, %add3A_334 : i32
        %get3A_336 = arith.index_cast %add3A_335 : i32 to index
        %get3A_337 = arith.constant 16 : index
        %get3A_338 = tpu.vector_load %arg11[%get3A_336, %get3A_337] {strides = array<i32>} : memref<128x128xf32, #tpu.memory_space<vmem>>, vector<16xf32>,
        %mul3A_339 = arith.mulf %get3A_338, %gather3A_322 : vector<16xf32>
        %add3A_340 = arith.constant 3 : i32
        %add3A_341 = arith.addi %mul3A_34, %add3A_340 : i32
        %swap3A_342 = arith.index_cast %add3A_341 : i32 to index
        %swap3A_343 = arith.constant 16 : index
        %swap3A_344 = tpu.vector_load %arg11[%swap3A_342, %swap3A_343] {strides = array<i32>} : memref<128x128xf32, #tpu.memory_space<vmem>>, vector<16xf32>,
        tpu.vector_store %arg11[%swap3A_342, %swap3A_343], %mul3A_339 {strides = array<i32>} : memref<128x128xf32, #tpu.memory_space<vmem>>, vector<16xf32>,
        %add3A_345 = arith.constant 3 : i32
        %add3A_346 = arith.addi %mul3A_34, %add3A_345 : i32
        %get3A_347 = arith.index_cast %add3A_346 : i32 to index
        %get3A_348 = arith.constant 32 : index
        %get3A_349 = tpu.vector_load %arg11[%get3A_347, %get3A_348] {strides = array<i32>} : memref<128x128xf32, #tpu.memory_space<vmem>>, vector<16xf32>,
        %mul3A_350 = arith.mulf %get3A_349, %gather3A_322 : vector<16xf32>
        %add3A_351 = arith.constant 3 : i32
        %add3A_352 = arith.addi %mul3A_34, %add3A_351 : i32
        %swap3A_353 = arith.index_cast %add3A_352 : i32 to index
        %swap3A_354 = arith.constant 32 : index
        %swap3A_355 = tpu.vector_load %arg11[%swap3A_353, %swap3A_354] {strides = array<i32>} : memref<128x128xf32, #tpu.memory_space<vmem>>, vector<16xf32>,
        tpu.vector_store %arg11[%swap3A_353, %swap3A_354], %mul3A_350 {strides = array<i32>} : memref<128x128xf32, #tpu.memory_space<vmem>>, vector<16xf32>,
        %add3A_356 = arith.constant 3 : i32
        %add3A_357 = arith.addi %mul3A_34, %add3A_356 : i32
        %get3A_358 = arith.index_cast %add3A_357 : i32 to index
        %get3A_359 = arith.constant 48 : index
        %get3A_360 = tpu.vector_load %arg11[%get3A_358, %get3A_359] {strides = array<i32>} : memref<128x128xf32, #tpu.memory_space<vmem>>, vector<16xf32>,
        %mul3A_361 = arith.mulf %get3A_360, %gather3A_322 : vector<16xf32>
        %add3A_362 = arith.constant 3 : i32
        %add3A_363 = arith.addi %mul3A_34, %add3A_362 : i32
        %swap3A_364 = arith.index_cast %add3A_363 : i32 to index
        %swap3A_365 = arith.constant 48 : index
        %swap3A_366 = tpu.vector_load %arg11[%swap3A_364, %swap3A_365] {strides = array<i32>} : memref<128x128xf32, #tpu.memory_space<vmem>>, vector<16xf32>,
        tpu.vector_store %arg11[%swap3A_364, %swap3A_365], %mul3A_361 {strides = array<i32>} : memref<128x128xf32, #tpu.memory_space<vmem>>, vector<16xf32>,
        %add3A_367 = arith.constant 3 : i32
        %add3A_368 = arith.addi %mul3A_34, %add3A_367 : i32
        %get3A_369 = arith.index_cast %add3A_368 : i32 to index
        %get3A_370 = arith.constant 64 : index
        %get3A_371 = tpu.vector_load %arg11[%get3A_369, %get3A_370] {strides = array<i32>} : memref<128x128xf32, #tpu.memory_space<vmem>>, vector<16xf32>,
        %mul3A_372 = arith.mulf %get3A_371, %gather3A_322 : vector<16xf32>
        %add3A_373 = arith.constant 3 : i32
        %add3A_374 = arith.addi %mul3A_34, %add3A_373 : i32
        %swap3A_375 = arith.index_cast %add3A_374 : i32 to index
        %swap3A_376 = arith.constant 64 : index
        %swap3A_377 = tpu.vector_load %arg11[%swap3A_375, %swap3A_376] {strides = array<i32>} : memref<128x128xf32, #tpu.memory_space<vmem>>, vector<16xf32>,
        tpu.vector_store %arg11[%swap3A_375, %swap3A_376], %mul3A_372 {strides = array<i32>} : memref<128x128xf32, #tpu.memory_space<vmem>>, vector<16xf32>,
        %add3A_378 = arith.constant 3 : i32
        %add3A_379 = arith.addi %mul3A_34, %add3A_378 : i32
        %get3A_380 = arith.index_cast %add3A_379 : i32 to index
        %get3A_381 = arith.constant 80 : index
        %get3A_382 = tpu.vector_load %arg11[%get3A_380, %get3A_381] {strides = array<i32>} : memref<128x128xf32, #tpu.memory_space<vmem>>, vector<16xf32>,
        %mul3A_383 = arith.mulf %get3A_382, %gather3A_322 : vector<16xf32>
        %add3A_384 = arith.constant 3 : i32
        %add3A_385 = arith.addi %mul3A_34, %add3A_384 : i32
        %swap3A_386 = arith.index_cast %add3A_385 : i32 to index
        %swap3A_387 = arith.constant 80 : index
        %swap3A_388 = tpu.vector_load %arg11[%swap3A_386, %swap3A_387] {strides = array<i32>} : memref<128x128xf32, #tpu.memory_space<vmem>>, vector<16xf32>,
        tpu.vector_store %arg11[%swap3A_386, %swap3A_387], %mul3A_383 {strides = array<i32>} : memref<128x128xf32, #tpu.memory_space<vmem>>, vector<16xf32>,
        %add3A_389 = arith.constant 3 : i32
        %add3A_390 = arith.addi %mul3A_34, %add3A_389 : i32
        %get3A_391 = arith.index_cast %add3A_390 : i32 to index
        %get3A_392 = arith.constant 96 : index
        %get3A_393 = tpu.vector_load %arg11[%get3A_391, %get3A_392] {strides = array<i32>} : memref<128x128xf32, #tpu.memory_space<vmem>>, vector<16xf32>,
        %mul3A_394 = arith.mulf %get3A_393, %gather3A_322 : vector<16xf32>
        %add3A_395 = arith.constant 3 : i32
        %add3A_396 = arith.addi %mul3A_34, %add3A_395 : i32
        %swap3A_397 = arith.index_cast %add3A_396 : i32 to index
        %swap3A_398 = arith.constant 96 : index
        %swap3A_399 = tpu.vector_load %arg11[%swap3A_397, %swap3A_398] {strides = array<i32>} : memref<128x128xf32, #tpu.memory_space<vmem>>, vector<16xf32>,
        tpu.vector_store %arg11[%swap3A_397, %swap3A_398], %mul3A_394 {strides = array<i32>} : memref<128x128xf32, #tpu.memory_space<vmem>>, vector<16xf32>,
        %add3A_400 = arith.constant 3 : i32
        %add3A_401 = arith.addi %mul3A_34, %add3A_400 : i32
        %get3A_402 = arith.index_cast %add3A_401 : i32 to index
        %get3A_403 = arith.constant 112 : index
        %get3A_404 = tpu.vector_load %arg11[%get3A_402, %get3A_403] {strides = array<i32>} : memref<128x128xf32, #tpu.memory_space<vmem>>, vector<16xf32>,
        %mul3A_405 = arith.mulf %get3A_404, %gather3A_322 : vector<16xf32>
        %add3A_406 = arith.constant 3 : i32
        %add3A_407 = arith.addi %mul3A_34, %add3A_406 : i32
        %swap3A_408 = arith.index_cast %add3A_407 : i32 to index
        %swap3A_409 = arith.constant 112 : index
        %swap3A_410 = tpu.vector_load %arg11[%swap3A_408, %swap3A_409] {strides = array<i32>} : memref<128x128xf32, #tpu.memory_space<vmem>>, vector<16xf32>,
        tpu.vector_store %arg11[%swap3A_408, %swap3A_409], %mul3A_405 {strides = array<i32>} : memref<128x128xf32, #tpu.memory_space<vmem>>, vector<16xf32>,
      }
      %scan3A_31 = arith.constant 32 : i32
      "tpu.region"() ({
        %run_scoped3A = tpu.sem_alloc : memref<!tpu.dma_semaphore, #tpu.memory_space<semaphore_mem>>
        %dma_start3A_32 = arith.constant 0 : i32
        %dma_start3A_33 = tpu.memref_slice %arg9[%scan3A_15, %dma_start3A_32] : memref<81x128xi32, #tpu.memory_space<vmem>> -> memref<1x128xi32, #tpu.memory_space<vmem>>
        %dma_start3A_34 = tpu.memref_squeeze %dma_start3A_33 : memref<1x128xi32, #tpu.memory_space<vmem>> -> memref<128xi32, #tpu.memory_space<vmem>>
        %dma_start3A_35 = arith.constant 0 : i32
        %dma_start3A_36 = arith.constant 0 : i32
        %dma_start3A_37 = tpu.memref_slice %arg12[%dma_start3A_35, %dma_start3A_36] : memref<10112x128xf32, #tpu.memory_space<vmem_shared>> -> memref<10112x128xf32, #tpu.memory_space<vmem_shared>>
        tpu.enqueue_indirect_dma source(%arg11 : memref<128x128xf32, #tpu.memory_space<vmem>>) target(%dma_start3A_37 : memref<10112x128xf32, #tpu.memory_space<vmem_shared>>) offsets(%dma_start3A_34 : memref<128xi32, #tpu.memory_space<vmem>>) semaphore(%run_scoped3A : memref<!tpu.dma_semaphore, #tpu.memory_space<semaphore_mem>>) {add = true}
        %dma_wait3A_38 = arith.constant 0 : i32
        %dma_wait3A_39 = tpu.memref_slice %arg9[%scan3A_15, %dma_wait3A_38] : memref<81x128xi32, #tpu.memory_space<vmem>> -> memref<1x128xi32, #tpu.memory_space<vmem>>
        %dma_wait3A_40 = tpu.memref_squeeze %dma_wait3A_39 : memref<1x128xi32, #tpu.memory_space<vmem>> -> memref<128xi32, #tpu.memory_space<vmem>>
        %dma_wait3A_41 = arith.constant 0 : i32
        %dma_wait3A_42 = arith.constant 0 : i32
        %dma_wait3A_43 = tpu.memref_slice %arg12[%dma_wait3A_41, %dma_wait3A_42] : memref<10112x128xf32, #tpu.memory_space<vmem_shared>> -> memref<10112x128xf32, #tpu.memory_space<vmem_shared>>
        tpu.wait_indirect_dma semaphore(%run_scoped3A : memref<!tpu.dma_semaphore, #tpu.memory_space<semaphore_mem>>) src(%arg11 : memref<128x128xf32, #tpu.memory_space<vmem>>) dst(%dma_wait3A_43 : memref<10112x128xf32, #tpu.memory_space<vmem_shared>>)
        tpu.yield
      }) : () -> ()
    }
    %scan3A_9 = arith.constant 81 : i32
    %barrier3A_10 = arith.constant 0 : index
    tpu.barrier barrier_id(%barrier3A_10)
    %mul3A_11 = arith.constant 632 : i32
    %mul3A_12 = arith.muli %arg1, %mul3A_11 : i32
    %mul3A_13 = arith.constant 632 : i32
    %mul3A_14 = arith.muli %arg1, %mul3A_13 : i32
    "tpu.region"() ({
      %run_scoped3A = tpu.sem_alloc : memref<!tpu.dma_semaphore, #tpu.memory_space<semaphore_mem>>
      %dma_start3A = arith.constant 0 : i32
      %dma_start3A_15 = tpu.memref_slice %arg7[%arg0, %mul3A_14, %dma_start3A] : memref<2x10112x128xf32, #tpu.memory_space<hbm>> -> memref<1x632x128xf32, #tpu.memory_space<hbm>>
      %dma_start3A_16 = tpu.memref_squeeze %dma_start3A_15 : memref<1x632x128xf32, #tpu.memory_space<hbm>> -> memref<632x128xf32, #tpu.memory_space<hbm>>
      %dma_start3A_17 = arith.constant 0 : i32
      %dma_start3A_18 = tpu.memref_slice %arg12[%mul3A_12, %dma_start3A_17] : memref<10112x128xf32, #tpu.memory_space<vmem_shared>> -> memref<632x128xf32, #tpu.memory_space<vmem_shared>>
      tpu.enqueue_dma source(%dma_start3A_18 : memref<632x128xf32, #tpu.memory_space<vmem_shared>>) target(%dma_start3A_16 : memref<632x128xf32, #tpu.memory_space<hbm>>) target_semaphore(%run_scoped3A : memref<!tpu.dma_semaphore, #tpu.memory_space<semaphore_mem>>)
      %dma_wait3A = arith.constant 0 : i32
      %dma_wait3A_19 = tpu.memref_slice %arg7[%arg0, %mul3A_14, %dma_wait3A] : memref<2x10112x128xf32, #tpu.memory_space<hbm>> -> memref<1x632x128xf32, #tpu.memory_space<hbm>>
      %dma_wait3A_20 = tpu.memref_squeeze %dma_wait3A_19 : memref<1x632x128xf32, #tpu.memory_space<hbm>> -> memref<632x128xf32, #tpu.memory_space<hbm>>
      %dma_wait3A_21 = arith.constant 0 : i32
      %dma_wait3A_22 = tpu.memref_slice %arg12[%mul3A_12, %dma_wait3A_21] : memref<10112x128xf32, #tpu.memory_space<vmem_shared>> -> memref<632x128xf32, #tpu.memory_space<vmem_shared>>
      tpu.wait_dma2 semaphore(%run_scoped3A : memref<!tpu.dma_semaphore, #tpu.memory_space<semaphore_mem>>) src(%dma_wait3A_22 : memref<632x128xf32, #tpu.memory_space<vmem_shared>>) dst(%dma_wait3A_20 : memref<632x128xf32, #tpu.memory_space<hbm>>)
      tpu.yield
    }) : () -> ()
    return
  }
}

#map = affine_map<(d0, d1) -> (0)>
#map1 = affine_map<(d0, d1) -> (0, 0, 0)>
#map2 = affine_map<(d0, d1) -> (0, 0)>
module attributes {stable_mosaic.version = 14 : i64} {
  func.func @_sc_gat_edges(%arg0: i32, %arg1: i32, %arg2: memref<10240xf32, #tpu.memory_space<hbm>>, %arg3: memref<10240xf32, #tpu.memory_space<hbm>>, %arg4: memref<16xf32, #tpu.memory_space<hbm>>, %arg5: memref<32x81x128xi32, #tpu.memory_space<hbm>>, %arg6: memref<32x81x128xi32, #tpu.memory_space<hbm>>, %arg7: memref<32x81x128xf32, #tpu.memory_space<hbm>>, %arg8: memref<10240xf32, #tpu.memory_space<hbm>>, %arg9: memref<32x81x128xf32, #tpu.memory_space<hbm>>, %arg10: memref<2x10240xf32, #tpu.memory_space<hbm>>, %arg11: memref<10240xf32, #tpu.memory_space<vmem>>, %arg12: memref<10240xf32, #tpu.memory_space<vmem>>, %arg13: memref<16xf32, #tpu.memory_space<vmem>>, %arg14: memref<81x128xi32, #tpu.memory_space<vmem>>, %arg15: memref<81x128xi32, #tpu.memory_space<vmem>>, %arg16: memref<81x128xf32, #tpu.memory_space<vmem>>, %arg17: memref<81x128xf32, #tpu.memory_space<vmem>>, %arg18: memref<10240xf32, #tpu.memory_space<vmem_shared>>) attributes {dimension_semantics = [#tpu.dimension_semantics<core_parallel>, #tpu.dimension_semantics<subcore_parallel>], iteration_bounds = array<i64: 2, 16>, scalar_prefetch = 0 : i64, scratch_operands = 8 : i64, tpu.core_type = #tpu.core_type<sc_vector_subcore>, window_params = [{transform_indices = #map}, {transform_indices = #map}, {transform_indices = #map}, {transform_indices = #map1}, {transform_indices = #map1}, {transform_indices = #map1}, {transform_indices = #map}, {transform_indices = #map1}, {transform_indices = #map2}]} {
    %mul3A = arith.constant 16 : i32
    %mul3A_0 = arith.muli %arg0, %mul3A : i32
    %add3A = arith.addi %mul3A_0, %arg1 : i32
    "tpu.region"() ({
      %run_scoped3A = tpu.sem_alloc : memref<!tpu.dma_semaphore, #tpu.memory_space<semaphore_mem>>
      tpu.enqueue_dma source(%arg2 : memref<10240xf32, #tpu.memory_space<hbm>>) target(%arg11 : memref<10240xf32, #tpu.memory_space<vmem>>) target_semaphore(%run_scoped3A : memref<!tpu.dma_semaphore, #tpu.memory_space<semaphore_mem>>)
      tpu.wait_dma2 semaphore(%run_scoped3A : memref<!tpu.dma_semaphore, #tpu.memory_space<semaphore_mem>>) src(%arg2 : memref<10240xf32, #tpu.memory_space<hbm>>) dst(%arg11 : memref<10240xf32, #tpu.memory_space<vmem>>)
      tpu.yield
    }) : () -> ()
    "tpu.region"() ({
      %run_scoped3A = tpu.sem_alloc : memref<!tpu.dma_semaphore, #tpu.memory_space<semaphore_mem>>
      tpu.enqueue_dma source(%arg3 : memref<10240xf32, #tpu.memory_space<hbm>>) target(%arg12 : memref<10240xf32, #tpu.memory_space<vmem>>) target_semaphore(%run_scoped3A : memref<!tpu.dma_semaphore, #tpu.memory_space<semaphore_mem>>)
      tpu.wait_dma2 semaphore(%run_scoped3A : memref<!tpu.dma_semaphore, #tpu.memory_space<semaphore_mem>>) src(%arg3 : memref<10240xf32, #tpu.memory_space<hbm>>) dst(%arg12 : memref<10240xf32, #tpu.memory_space<vmem>>)
      tpu.yield
    }) : () -> ()
    "tpu.region"() ({
      %run_scoped3A = tpu.sem_alloc : memref<!tpu.dma_semaphore, #tpu.memory_space<semaphore_mem>>
      tpu.enqueue_dma source(%arg4 : memref<16xf32, #tpu.memory_space<hbm>>) target(%arg13 : memref<16xf32, #tpu.memory_space<vmem>>) target_semaphore(%run_scoped3A : memref<!tpu.dma_semaphore, #tpu.memory_space<semaphore_mem>>)
      tpu.wait_dma2 semaphore(%run_scoped3A : memref<!tpu.dma_semaphore, #tpu.memory_space<semaphore_mem>>) src(%arg4 : memref<16xf32, #tpu.memory_space<hbm>>) dst(%arg13 : memref<16xf32, #tpu.memory_space<vmem>>)
      tpu.yield
    }) : () -> ()
    "tpu.region"() ({
      %run_scoped3A = tpu.sem_alloc : memref<!tpu.dma_semaphore, #tpu.memory_space<semaphore_mem>>
      %dma_start3A = arith.constant 0 : i32
      %dma_start3A_16 = arith.constant 0 : i32
      %dma_start3A_17 = tpu.memref_slice %arg5[%add3A, %dma_start3A, %dma_start3A_16] : memref<32x81x128xi32, #tpu.memory_space<hbm>> -> memref<1x81x128xi32, #tpu.memory_space<hbm>>
      %dma_start3A_18 = tpu.memref_squeeze %dma_start3A_17 : memref<1x81x128xi32, #tpu.memory_space<hbm>> -> memref<81x128xi32, #tpu.memory_space<hbm>>
      %dma_start3A_19 = arith.constant 0 : i32
      %dma_start3A_20 = arith.constant 0 : i32
      %dma_start3A_21 = tpu.memref_slice %arg5[%add3A, %dma_start3A_19, %dma_start3A_20] : memref<32x81x128xi32, #tpu.memory_space<hbm>> -> memref<1x81x128xi32, #tpu.memory_space<hbm>>
      %dma_start3A_22 = tpu.memref_squeeze %dma_start3A_21 : memref<1x81x128xi32, #tpu.memory_space<hbm>> -> memref<81x128xi32, #tpu.memory_space<hbm>>
      tpu.enqueue_dma source(%dma_start3A_22 : memref<81x128xi32, #tpu.memory_space<hbm>>) target(%arg14 : memref<81x128xi32, #tpu.memory_space<vmem>>) target_semaphore(%run_scoped3A : memref<!tpu.dma_semaphore, #tpu.memory_space<semaphore_mem>>)
      %dma_wait3A = arith.constant 0 : i32
      %dma_wait3A_23 = arith.constant 0 : i32
      %dma_wait3A_24 = tpu.memref_slice %arg5[%add3A, %dma_wait3A, %dma_wait3A_23] : memref<32x81x128xi32, #tpu.memory_space<hbm>> -> memref<1x81x128xi32, #tpu.memory_space<hbm>>
      %dma_wait3A_25 = tpu.memref_squeeze %dma_wait3A_24 : memref<1x81x128xi32, #tpu.memory_space<hbm>> -> memref<81x128xi32, #tpu.memory_space<hbm>>
      %dma_wait3A_26 = arith.constant 0 : i32
      %dma_wait3A_27 = arith.constant 0 : i32
      %dma_wait3A_28 = tpu.memref_slice %arg5[%add3A, %dma_wait3A_26, %dma_wait3A_27] : memref<32x81x128xi32, #tpu.memory_space<hbm>> -> memref<1x81x128xi32, #tpu.memory_space<hbm>>
      %dma_wait3A_29 = tpu.memref_squeeze %dma_wait3A_28 : memref<1x81x128xi32, #tpu.memory_space<hbm>> -> memref<81x128xi32, #tpu.memory_space<hbm>>
      tpu.wait_dma2 semaphore(%run_scoped3A : memref<!tpu.dma_semaphore, #tpu.memory_space<semaphore_mem>>) src(%dma_wait3A_29 : memref<81x128xi32, #tpu.memory_space<hbm>>) dst(%arg14 : memref<81x128xi32, #tpu.memory_space<vmem>>)
      tpu.yield
    }) : () -> ()
    "tpu.region"() ({
      %run_scoped3A = tpu.sem_alloc : memref<!tpu.dma_semaphore, #tpu.memory_space<semaphore_mem>>
      %dma_start3A = arith.constant 0 : i32
      %dma_start3A_16 = arith.constant 0 : i32
      %dma_start3A_17 = tpu.memref_slice %arg6[%add3A, %dma_start3A, %dma_start3A_16] : memref<32x81x128xi32, #tpu.memory_space<hbm>> -> memref<1x81x128xi32, #tpu.memory_space<hbm>>
      %dma_start3A_18 = tpu.memref_squeeze %dma_start3A_17 : memref<1x81x128xi32, #tpu.memory_space<hbm>> -> memref<81x128xi32, #tpu.memory_space<hbm>>
      %dma_start3A_19 = arith.constant 0 : i32
      %dma_start3A_20 = arith.constant 0 : i32
      %dma_start3A_21 = tpu.memref_slice %arg6[%add3A, %dma_start3A_19, %dma_start3A_20] : memref<32x81x128xi32, #tpu.memory_space<hbm>> -> memref<1x81x128xi32, #tpu.memory_space<hbm>>
      %dma_start3A_22 = tpu.memref_squeeze %dma_start3A_21 : memref<1x81x128xi32, #tpu.memory_space<hbm>> -> memref<81x128xi32, #tpu.memory_space<hbm>>
      tpu.enqueue_dma source(%dma_start3A_22 : memref<81x128xi32, #tpu.memory_space<hbm>>) target(%arg15 : memref<81x128xi32, #tpu.memory_space<vmem>>) target_semaphore(%run_scoped3A : memref<!tpu.dma_semaphore, #tpu.memory_space<semaphore_mem>>)
      %dma_wait3A = arith.constant 0 : i32
      %dma_wait3A_23 = arith.constant 0 : i32
      %dma_wait3A_24 = tpu.memref_slice %arg6[%add3A, %dma_wait3A, %dma_wait3A_23] : memref<32x81x128xi32, #tpu.memory_space<hbm>> -> memref<1x81x128xi32, #tpu.memory_space<hbm>>
      %dma_wait3A_25 = tpu.memref_squeeze %dma_wait3A_24 : memref<1x81x128xi32, #tpu.memory_space<hbm>> -> memref<81x128xi32, #tpu.memory_space<hbm>>
      %dma_wait3A_26 = arith.constant 0 : i32
      %dma_wait3A_27 = arith.constant 0 : i32
      %dma_wait3A_28 = tpu.memref_slice %arg6[%add3A, %dma_wait3A_26, %dma_wait3A_27] : memref<32x81x128xi32, #tpu.memory_space<hbm>> -> memref<1x81x128xi32, #tpu.memory_space<hbm>>
      %dma_wait3A_29 = tpu.memref_squeeze %dma_wait3A_28 : memref<1x81x128xi32, #tpu.memory_space<hbm>> -> memref<81x128xi32, #tpu.memory_space<hbm>>
      tpu.wait_dma2 semaphore(%run_scoped3A : memref<!tpu.dma_semaphore, #tpu.memory_space<semaphore_mem>>) src(%dma_wait3A_29 : memref<81x128xi32, #tpu.memory_space<hbm>>) dst(%arg15 : memref<81x128xi32, #tpu.memory_space<vmem>>)
      tpu.yield
    }) : () -> ()
    "tpu.region"() ({
      %run_scoped3A = tpu.sem_alloc : memref<!tpu.dma_semaphore, #tpu.memory_space<semaphore_mem>>
      %dma_start3A = arith.constant 0 : i32
      %dma_start3A_16 = arith.constant 0 : i32
      %dma_start3A_17 = tpu.memref_slice %arg7[%add3A, %dma_start3A, %dma_start3A_16] : memref<32x81x128xf32, #tpu.memory_space<hbm>> -> memref<1x81x128xf32, #tpu.memory_space<hbm>>
      %dma_start3A_18 = tpu.memref_squeeze %dma_start3A_17 : memref<1x81x128xf32, #tpu.memory_space<hbm>> -> memref<81x128xf32, #tpu.memory_space<hbm>>
      %dma_start3A_19 = arith.constant 0 : i32
      %dma_start3A_20 = arith.constant 0 : i32
      %dma_start3A_21 = tpu.memref_slice %arg7[%add3A, %dma_start3A_19, %dma_start3A_20] : memref<32x81x128xf32, #tpu.memory_space<hbm>> -> memref<1x81x128xf32, #tpu.memory_space<hbm>>
      %dma_start3A_22 = tpu.memref_squeeze %dma_start3A_21 : memref<1x81x128xf32, #tpu.memory_space<hbm>> -> memref<81x128xf32, #tpu.memory_space<hbm>>
      tpu.enqueue_dma source(%dma_start3A_22 : memref<81x128xf32, #tpu.memory_space<hbm>>) target(%arg16 : memref<81x128xf32, #tpu.memory_space<vmem>>) target_semaphore(%run_scoped3A : memref<!tpu.dma_semaphore, #tpu.memory_space<semaphore_mem>>)
      %dma_wait3A = arith.constant 0 : i32
      %dma_wait3A_23 = arith.constant 0 : i32
      %dma_wait3A_24 = tpu.memref_slice %arg7[%add3A, %dma_wait3A, %dma_wait3A_23] : memref<32x81x128xf32, #tpu.memory_space<hbm>> -> memref<1x81x128xf32, #tpu.memory_space<hbm>>
      %dma_wait3A_25 = tpu.memref_squeeze %dma_wait3A_24 : memref<1x81x128xf32, #tpu.memory_space<hbm>> -> memref<81x128xf32, #tpu.memory_space<hbm>>
      %dma_wait3A_26 = arith.constant 0 : i32
      %dma_wait3A_27 = arith.constant 0 : i32
      %dma_wait3A_28 = tpu.memref_slice %arg7[%add3A, %dma_wait3A_26, %dma_wait3A_27] : memref<32x81x128xf32, #tpu.memory_space<hbm>> -> memref<1x81x128xf32, #tpu.memory_space<hbm>>
      %dma_wait3A_29 = tpu.memref_squeeze %dma_wait3A_28 : memref<1x81x128xf32, #tpu.memory_space<hbm>> -> memref<81x128xf32, #tpu.memory_space<hbm>>
      tpu.wait_dma2 semaphore(%run_scoped3A : memref<!tpu.dma_semaphore, #tpu.memory_space<semaphore_mem>>) src(%dma_wait3A_29 : memref<81x128xf32, #tpu.memory_space<hbm>>) dst(%arg16 : memref<81x128xf32, #tpu.memory_space<vmem>>)
      tpu.yield
    }) : () -> ()
    %mul3A_1 = arith.constant 640 : i32
    %mul3A_2 = arith.muli %arg1, %mul3A_1 : i32
    %mul3A_3 = arith.constant 640 : i32
    %mul3A_4 = arith.muli %arg1, %mul3A_3 : i32
    "tpu.region"() ({
      %run_scoped3A = tpu.sem_alloc : memref<!tpu.dma_semaphore, #tpu.memory_space<semaphore_mem>>
      %dma_start3A = tpu.memref_slice %arg18[%mul3A_4] : memref<10240xf32, #tpu.memory_space<vmem_shared>> -> memref<640xf32, #tpu.memory_space<vmem_shared>>
      %dma_start3A_16 = tpu.memref_slice %arg8[%mul3A_2] : memref<10240xf32, #tpu.memory_space<hbm>> -> memref<640xf32, #tpu.memory_space<hbm>>
      tpu.enqueue_dma source(%dma_start3A_16 : memref<640xf32, #tpu.memory_space<hbm>>) target(%dma_start3A : memref<640xf32, #tpu.memory_space<vmem_shared>>) target_semaphore(%run_scoped3A : memref<!tpu.dma_semaphore, #tpu.memory_space<semaphore_mem>>)
      %dma_wait3A = tpu.memref_slice %arg18[%mul3A_4] : memref<10240xf32, #tpu.memory_space<vmem_shared>> -> memref<640xf32, #tpu.memory_space<vmem_shared>>
      %dma_wait3A_17 = tpu.memref_slice %arg8[%mul3A_2] : memref<10240xf32, #tpu.memory_space<hbm>> -> memref<640xf32, #tpu.memory_space<hbm>>
      tpu.wait_dma2 semaphore(%run_scoped3A : memref<!tpu.dma_semaphore, #tpu.memory_space<semaphore_mem>>) src(%dma_wait3A_17 : memref<640xf32, #tpu.memory_space<hbm>>) dst(%dma_wait3A : memref<640xf32, #tpu.memory_space<vmem_shared>>)
      tpu.yield
    }) : () -> ()
    %barrier3A = arith.constant 0 : index
    tpu.barrier barrier_id(%barrier3A)
    %get3A = arith.constant 0 : index
    %get3A_5 = tpu.vector_load %arg13[%get3A] {strides = array<i32>} : memref<16xf32, #tpu.memory_space<vmem>>, vector<16xf32>,
    %scan3A = arith.constant 0 : i32
    %scan3A_6 = arith.constant 0 : i32
    %scan3A_7 = arith.constant 81 : i32
    %scan3A_8 = arith.addi %scan3A_6, %scan3A_7 : i32
    %scan3A_9 = arith.constant 1 : i32
    scf.for %scan3A_16 = %scan3A_6 to %scan3A_8 step %scan3A_9  : i32 {
      %scan3A_17 = arith.constant 0 : i32
      %scan3A_18 = arith.constant 0 : i32
      %scan3A_19 = arith.constant 8 : i32
      %scan3A_20 = arith.addi %scan3A_18, %scan3A_19 : i32
      %scan3A_21 = arith.constant 1 : i32
      scf.for %scan3A_23 = %scan3A_18 to %scan3A_20 step %scan3A_21  : i32 {
        %mul3A_24 = arith.constant 16 : i32
        %mul3A_25 = arith.muli %scan3A_23, %mul3A_24 : i32
        %get3A_26 = arith.index_cast %scan3A_16 : i32 to index
        %get3A_27 = arith.index_cast %mul3A_25 : i32 to index
        %get3A_28 = tpu.vector_load %arg14[%get3A_26, %get3A_27] {strides = array<i32>} : memref<81x128xi32, #tpu.memory_space<vmem>>, vector<16xi32>,
        %mul3A_29 = arith.constant 16 : i32
        %mul3A_30 = arith.muli %scan3A_23, %mul3A_29 : i32
        %get3A_31 = arith.index_cast %scan3A_16 : i32 to index
        %get3A_32 = arith.index_cast %mul3A_30 : i32 to index
        %get3A_33 = tpu.vector_load %arg15[%get3A_31, %get3A_32] {strides = array<i32>} : memref<81x128xi32, #tpu.memory_space<vmem>>, vector<16xi32>,
        %mul3A_34 = arith.constant 16 : i32
        %mul3A_35 = arith.muli %scan3A_23, %mul3A_34 : i32
        %get3A_36 = arith.index_cast %scan3A_16 : i32 to index
        %get3A_37 = arith.index_cast %mul3A_35 : i32 to index
        %get3A_38 = tpu.vector_load %arg16[%get3A_36, %get3A_37] {strides = array<i32>} : memref<81x128xf32, #tpu.memory_space<vmem>>, vector<16xf32>,
        %gather3A = tpu.vector_load_idx %arg11[%get3A_28] : memref<10240xf32, #tpu.memory_space<vmem>>[vector<16xi32>], vector<16xf32>,
        %gather3A_39 = tpu.vector_load_idx %arg12[%get3A_33] : memref<10240xf32, #tpu.memory_space<vmem>>[vector<16xi32>], vector<16xf32>,
        %add3A_40 = arith.addf %gather3A, %gather3A_39 : vector<16xf32>
        %gt3A = arith.constant 0.000000e+00 : f32
        %gt3A_41 = vector.broadcast %gt3A : f32 to vector<16xf32>
        %gt3A_42 = arith.cmpf ogt, %add3A_40, %gt3A_41 : vector<16xf32>
        %mul3A_43 = arith.constant 2.000000e-01 : f32
        %mul3A_44 = vector.broadcast %mul3A_43 : f32 to vector<16xf32>
        %mul3A_45 = arith.mulf %mul3A_44, %add3A_40 : vector<16xf32>
        %select_n3A = arith.select %gt3A_42, %add3A_40, %mul3A_45 : vector<16xi1>, vector<16xf32>
        %sub3A = arith.subf %select_n3A, %get3A_5 : vector<16xf32>
        %exp3A = math.exp %sub3A : vector<16xf32>
        %mul3A_46 = arith.mulf %exp3A, %get3A_38 : vector<16xf32>
        %mul3A_47 = arith.constant 16 : i32
        %mul3A_48 = arith.muli %scan3A_23, %mul3A_47 : i32
        %swap3A = arith.index_cast %scan3A_16 : i32 to index
        %swap3A_49 = arith.index_cast %mul3A_48 : i32 to index
        %swap3A_50 = tpu.vector_load %arg17[%swap3A, %swap3A_49] {strides = array<i32>} : memref<81x128xf32, #tpu.memory_space<vmem>>, vector<16xf32>,
        tpu.vector_store %arg17[%swap3A, %swap3A_49], %mul3A_46 {strides = array<i32>} : memref<81x128xf32, #tpu.memory_space<vmem>>, vector<16xf32>,
      }
      %scan3A_22 = arith.constant 8 : i32
      "tpu.region"() ({
        %run_scoped3A = tpu.sem_alloc : memref<!tpu.dma_semaphore, #tpu.memory_space<semaphore_mem>>
        %dma_start3A = arith.constant 0 : i32
        %dma_start3A_23 = tpu.memref_slice %arg17[%scan3A_16, %dma_start3A] : memref<81x128xf32, #tpu.memory_space<vmem>> -> memref<1x128xf32, #tpu.memory_space<vmem>>
        %dma_start3A_24 = tpu.memref_squeeze %dma_start3A_23 : memref<1x128xf32, #tpu.memory_space<vmem>> -> memref<128xf32, #tpu.memory_space<vmem>>
        %dma_start3A_25 = arith.constant 0 : i32
        %dma_start3A_26 = tpu.memref_slice %arg15[%scan3A_16, %dma_start3A_25] : memref<81x128xi32, #tpu.memory_space<vmem>> -> memref<1x128xi32, #tpu.memory_space<vmem>>
        %dma_start3A_27 = tpu.memref_squeeze %dma_start3A_26 : memref<1x128xi32, #tpu.memory_space<vmem>> -> memref<128xi32, #tpu.memory_space<vmem>>
        %dma_start3A_28 = arith.constant 0 : i32
        %dma_start3A_29 = tpu.memref_slice %arg18[%dma_start3A_28] : memref<10240xf32, #tpu.memory_space<vmem_shared>> -> memref<10240xf32, #tpu.memory_space<vmem_shared>>
        tpu.enqueue_indirect_dma source(%dma_start3A_24 : memref<128xf32, #tpu.memory_space<vmem>>) target(%dma_start3A_29 : memref<10240xf32, #tpu.memory_space<vmem_shared>>) offsets(%dma_start3A_27 : memref<128xi32, #tpu.memory_space<vmem>>) semaphore(%run_scoped3A : memref<!tpu.dma_semaphore, #tpu.memory_space<semaphore_mem>>) {add = true}
        %dma_wait3A = arith.constant 0 : i32
        %dma_wait3A_30 = tpu.memref_slice %arg17[%scan3A_16, %dma_wait3A] : memref<81x128xf32, #tpu.memory_space<vmem>> -> memref<1x128xf32, #tpu.memory_space<vmem>>
        %dma_wait3A_31 = tpu.memref_squeeze %dma_wait3A_30 : memref<1x128xf32, #tpu.memory_space<vmem>> -> memref<128xf32, #tpu.memory_space<vmem>>
        %dma_wait3A_32 = arith.constant 0 : i32
        %dma_wait3A_33 = tpu.memref_slice %arg15[%scan3A_16, %dma_wait3A_32] : memref<81x128xi32, #tpu.memory_space<vmem>> -> memref<1x128xi32, #tpu.memory_space<vmem>>
        %dma_wait3A_34 = tpu.memref_squeeze %dma_wait3A_33 : memref<1x128xi32, #tpu.memory_space<vmem>> -> memref<128xi32, #tpu.memory_space<vmem>>
        %dma_wait3A_35 = arith.constant 0 : i32
        %dma_wait3A_36 = tpu.memref_slice %arg18[%dma_wait3A_35] : memref<10240xf32, #tpu.memory_space<vmem_shared>> -> memref<10240xf32, #tpu.memory_space<vmem_shared>>
        tpu.wait_indirect_dma semaphore(%run_scoped3A : memref<!tpu.dma_semaphore, #tpu.memory_space<semaphore_mem>>) src(%dma_wait3A_31 : memref<128xf32, #tpu.memory_space<vmem>>) dst(%dma_wait3A_36 : memref<10240xf32, #tpu.memory_space<vmem_shared>>)
        tpu.yield
      }) : () -> ()
    }
    %scan3A_10 = arith.constant 81 : i32
    "tpu.region"() ({
      %run_scoped3A = tpu.sem_alloc : memref<!tpu.dma_semaphore, #tpu.memory_space<semaphore_mem>>
      %dma_start3A = arith.constant 0 : i32
      %dma_start3A_16 = arith.constant 0 : i32
      %dma_start3A_17 = tpu.memref_slice %arg9[%add3A, %dma_start3A, %dma_start3A_16] : memref<32x81x128xf32, #tpu.memory_space<hbm>> -> memref<1x81x128xf32, #tpu.memory_space<hbm>>
      %dma_start3A_18 = tpu.memref_squeeze %dma_start3A_17 : memref<1x81x128xf32, #tpu.memory_space<hbm>> -> memref<81x128xf32, #tpu.memory_space<hbm>>
      %dma_start3A_19 = arith.constant 0 : i32
      %dma_start3A_20 = arith.constant 0 : i32
      %dma_start3A_21 = tpu.memref_slice %arg9[%add3A, %dma_start3A_19, %dma_start3A_20] : memref<32x81x128xf32, #tpu.memory_space<hbm>> -> memref<1x81x128xf32, #tpu.memory_space<hbm>>
      %dma_start3A_22 = tpu.memref_squeeze %dma_start3A_21 : memref<1x81x128xf32, #tpu.memory_space<hbm>> -> memref<81x128xf32, #tpu.memory_space<hbm>>
      tpu.enqueue_dma source(%arg17 : memref<81x128xf32, #tpu.memory_space<vmem>>) target(%dma_start3A_22 : memref<81x128xf32, #tpu.memory_space<hbm>>) target_semaphore(%run_scoped3A : memref<!tpu.dma_semaphore, #tpu.memory_space<semaphore_mem>>)
      %dma_wait3A = arith.constant 0 : i32
      %dma_wait3A_23 = arith.constant 0 : i32
      %dma_wait3A_24 = tpu.memref_slice %arg9[%add3A, %dma_wait3A, %dma_wait3A_23] : memref<32x81x128xf32, #tpu.memory_space<hbm>> -> memref<1x81x128xf32, #tpu.memory_space<hbm>>
      %dma_wait3A_25 = tpu.memref_squeeze %dma_wait3A_24 : memref<1x81x128xf32, #tpu.memory_space<hbm>> -> memref<81x128xf32, #tpu.memory_space<hbm>>
      %dma_wait3A_26 = arith.constant 0 : i32
      %dma_wait3A_27 = arith.constant 0 : i32
      %dma_wait3A_28 = tpu.memref_slice %arg9[%add3A, %dma_wait3A_26, %dma_wait3A_27] : memref<32x81x128xf32, #tpu.memory_space<hbm>> -> memref<1x81x128xf32, #tpu.memory_space<hbm>>
      %dma_wait3A_29 = tpu.memref_squeeze %dma_wait3A_28 : memref<1x81x128xf32, #tpu.memory_space<hbm>> -> memref<81x128xf32, #tpu.memory_space<hbm>>
      tpu.wait_dma2 semaphore(%run_scoped3A : memref<!tpu.dma_semaphore, #tpu.memory_space<semaphore_mem>>) src(%arg17 : memref<81x128xf32, #tpu.memory_space<vmem>>) dst(%dma_wait3A_29 : memref<81x128xf32, #tpu.memory_space<hbm>>)
      tpu.yield
    }) : () -> ()
    %barrier3A_11 = arith.constant 0 : index
    tpu.barrier barrier_id(%barrier3A_11)
    %mul3A_12 = arith.constant 640 : i32
    %mul3A_13 = arith.muli %arg1, %mul3A_12 : i32
    %mul3A_14 = arith.constant 640 : i32
    %mul3A_15 = arith.muli %arg1, %mul3A_14 : i32
    "tpu.region"() ({
      %run_scoped3A = tpu.sem_alloc : memref<!tpu.dma_semaphore, #tpu.memory_space<semaphore_mem>>
      %dma_start3A = tpu.memref_slice %arg10[%arg0, %mul3A_15] : memref<2x10240xf32, #tpu.memory_space<hbm>> -> memref<1x640xf32, #tpu.memory_space<hbm>>
      %dma_start3A_16 = tpu.memref_squeeze %dma_start3A : memref<1x640xf32, #tpu.memory_space<hbm>> -> memref<640xf32, #tpu.memory_space<hbm>>
      %dma_start3A_17 = tpu.memref_slice %arg18[%mul3A_13] : memref<10240xf32, #tpu.memory_space<vmem_shared>> -> memref<640xf32, #tpu.memory_space<vmem_shared>>
      tpu.enqueue_dma source(%dma_start3A_17 : memref<640xf32, #tpu.memory_space<vmem_shared>>) target(%dma_start3A_16 : memref<640xf32, #tpu.memory_space<hbm>>) target_semaphore(%run_scoped3A : memref<!tpu.dma_semaphore, #tpu.memory_space<semaphore_mem>>)
      %dma_wait3A = tpu.memref_slice %arg10[%arg0, %mul3A_15] : memref<2x10240xf32, #tpu.memory_space<hbm>> -> memref<1x640xf32, #tpu.memory_space<hbm>>
      %dma_wait3A_18 = tpu.memref_squeeze %dma_wait3A : memref<1x640xf32, #tpu.memory_space<hbm>> -> memref<640xf32, #tpu.memory_space<hbm>>
      %dma_wait3A_19 = tpu.memref_slice %arg18[%mul3A_13] : memref<10240xf32, #tpu.memory_space<vmem_shared>> -> memref<640xf32, #tpu.memory_space<vmem_shared>>
      tpu.wait_dma2 semaphore(%run_scoped3A : memref<!tpu.dma_semaphore, #tpu.memory_space<semaphore_mem>>) src(%dma_wait3A_19 : memref<640xf32, #tpu.memory_space<vmem_shared>>) dst(%dma_wait3A_18 : memref<640xf32, #tpu.memory_space<hbm>>)
      tpu.yield
    }) : () -> ()
    return
  }
}

#map = affine_map<(d0, d1) -> (0, 0)>
#map1 = affine_map<(d0, d1) -> (0, 0, 0)>
module attributes {stable_mosaic.version = 14 : i64} {
  func.func @_sc_segsum_rows(%arg0: i32, %arg1: i32, %arg2: memref<10000x128xf32, #tpu.memory_space<hbm>>, %arg3: memref<32x81x128xi32, #tpu.memory_space<hbm>>, %arg4: memref<32x81x128xi32, #tpu.memory_space<hbm>>, %arg5: memref<32x10368xf32, #tpu.memory_space<hbm>>, %arg6: memref<10112x128xf32, #tpu.memory_space<hbm>>, %arg7: memref<2x10112x128xf32, #tpu.memory_space<hbm>>, %arg8: memref<81x128xi32, #tpu.memory_space<vmem>>, %arg9: memref<81x128xi32, #tpu.memory_space<vmem>>, %arg10: memref<10368xf32, #tpu.memory_space<vmem>>, %arg11: memref<128x128xf32, #tpu.memory_space<vmem>>, %arg12: memref<10112x128xf32, #tpu.memory_space<vmem_shared>>, %arg13: memref<!tpu.dma_semaphore, #tpu.memory_space<semaphore_mem>>) attributes {dimension_semantics = [#tpu.dimension_semantics<core_parallel>, #tpu.dimension_semantics<subcore_parallel>], iteration_bounds = array<i64: 2, 16>, scalar_prefetch = 0 : i64, scratch_operands = 6 : i64, tpu.core_type = #tpu.core_type<sc_vector_subcore>, window_params = [{transform_indices = #map}, {transform_indices = #map1}, {transform_indices = #map1}, {transform_indices = #map}, {transform_indices = #map}, {transform_indices = #map1}]} {
    %mul3A = arith.constant 16 : i32
    %mul3A_0 = arith.muli %arg0, %mul3A : i32
    %add3A = arith.addi %mul3A_0, %arg1 : i32
    "tpu.region"() ({
      %run_scoped3A = tpu.sem_alloc : memref<!tpu.dma_semaphore, #tpu.memory_space<semaphore_mem>>
      %dma_start3A = arith.constant 0 : i32
      %dma_start3A_15 = arith.constant 0 : i32
      %dma_start3A_16 = tpu.memref_slice %arg3[%add3A, %dma_start3A, %dma_start3A_15] : memref<32x81x128xi32, #tpu.memory_space<hbm>> -> memref<1x81x128xi32, #tpu.memory_space<hbm>>
      %dma_start3A_17 = tpu.memref_squeeze %dma_start3A_16 : memref<1x81x128xi32, #tpu.memory_space<hbm>> -> memref<81x128xi32, #tpu.memory_space<hbm>>
      %dma_start3A_18 = arith.constant 0 : i32
      %dma_start3A_19 = arith.constant 0 : i32
      %dma_start3A_20 = tpu.memref_slice %arg3[%add3A, %dma_start3A_18, %dma_start3A_19] : memref<32x81x128xi32, #tpu.memory_space<hbm>> -> memref<1x81x128xi32, #tpu.memory_space<hbm>>
      %dma_start3A_21 = tpu.memref_squeeze %dma_start3A_20 : memref<1x81x128xi32, #tpu.memory_space<hbm>> -> memref<81x128xi32, #tpu.memory_space<hbm>>
      tpu.enqueue_dma source(%dma_start3A_21 : memref<81x128xi32, #tpu.memory_space<hbm>>) target(%arg8 : memref<81x128xi32, #tpu.memory_space<vmem>>) target_semaphore(%run_scoped3A : memref<!tpu.dma_semaphore, #tpu.memory_space<semaphore_mem>>)
      %dma_wait3A = arith.constant 0 : i32
      %dma_wait3A_22 = arith.constant 0 : i32
      %dma_wait3A_23 = tpu.memref_slice %arg3[%add3A, %dma_wait3A, %dma_wait3A_22] : memref<32x81x128xi32, #tpu.memory_space<hbm>> -> memref<1x81x128xi32, #tpu.memory_space<hbm>>
      %dma_wait3A_24 = tpu.memref_squeeze %dma_wait3A_23 : memref<1x81x128xi32, #tpu.memory_space<hbm>> -> memref<81x128xi32, #tpu.memory_space<hbm>>
      %dma_wait3A_25 = arith.constant 0 : i32
      %dma_wait3A_26 = arith.constant 0 : i32
      %dma_wait3A_27 = tpu.memref_slice %arg3[%add3A, %dma_wait3A_25, %dma_wait3A_26] : memref<32x81x128xi32, #tpu.memory_space<hbm>> -> memref<1x81x128xi32, #tpu.memory_space<hbm>>
      %dma_wait3A_28 = tpu.memref_squeeze %dma_wait3A_27 : memref<1x81x128xi32, #tpu.memory_space<hbm>> -> memref<81x128xi32, #tpu.memory_space<hbm>>
      tpu.wait_dma2 semaphore(%run_scoped3A : memref<!tpu.dma_semaphore, #tpu.memory_space<semaphore_mem>>) src(%dma_wait3A_28 : memref<81x128xi32, #tpu.memory_space<hbm>>) dst(%arg8 : memref<81x128xi32, #tpu.memory_space<vmem>>)
      tpu.yield
    }) : () -> ()
    "tpu.region"() ({
      %run_scoped3A = tpu.sem_alloc : memref<!tpu.dma_semaphore, #tpu.memory_space<semaphore_mem>>
      %dma_start3A = arith.constant 0 : i32
      %dma_start3A_15 = arith.constant 0 : i32
      %dma_start3A_16 = tpu.memref_slice %arg4[%add3A, %dma_start3A, %dma_start3A_15] : memref<32x81x128xi32, #tpu.memory_space<hbm>> -> memref<1x81x128xi32, #tpu.memory_space<hbm>>
      %dma_start3A_17 = tpu.memref_squeeze %dma_start3A_16 : memref<1x81x128xi32, #tpu.memory_space<hbm>> -> memref<81x128xi32, #tpu.memory_space<hbm>>
      %dma_start3A_18 = arith.constant 0 : i32
      %dma_start3A_19 = arith.constant 0 : i32
      %dma_start3A_20 = tpu.memref_slice %arg4[%add3A, %dma_start3A_18, %dma_start3A_19] : memref<32x81x128xi32, #tpu.memory_space<hbm>> -> memref<1x81x128xi32, #tpu.memory_space<hbm>>
      %dma_start3A_21 = tpu.memref_squeeze %dma_start3A_20 : memref<1x81x128xi32, #tpu.memory_space<hbm>> -> memref<81x128xi32, #tpu.memory_space<hbm>>
      tpu.enqueue_dma source(%dma_start3A_21 : memref<81x128xi32, #tpu.memory_space<hbm>>) target(%arg9 : memref<81x128xi32, #tpu.memory_space<vmem>>) target_semaphore(%run_scoped3A : memref<!tpu.dma_semaphore, #tpu.memory_space<semaphore_mem>>)
      %dma_wait3A = arith.constant 0 : i32
      %dma_wait3A_22 = arith.constant 0 : i32
      %dma_wait3A_23 = tpu.memref_slice %arg4[%add3A, %dma_wait3A, %dma_wait3A_22] : memref<32x81x128xi32, #tpu.memory_space<hbm>> -> memref<1x81x128xi32, #tpu.memory_space<hbm>>
      %dma_wait3A_24 = tpu.memref_squeeze %dma_wait3A_23 : memref<1x81x128xi32, #tpu.memory_space<hbm>> -> memref<81x128xi32, #tpu.memory_space<hbm>>
      %dma_wait3A_25 = arith.constant 0 : i32
      %dma_wait3A_26 = arith.constant 0 : i32
      %dma_wait3A_27 = tpu.memref_slice %arg4[%add3A, %dma_wait3A_25, %dma_wait3A_26] : memref<32x81x128xi32, #tpu.memory_space<hbm>> -> memref<1x81x128xi32, #tpu.memory_space<hbm>>
      %dma_wait3A_28 = tpu.memref_squeeze %dma_wait3A_27 : memref<1x81x128xi32, #tpu.memory_space<hbm>> -> memref<81x128xi32, #tpu.memory_space<hbm>>
      tpu.wait_dma2 semaphore(%run_scoped3A : memref<!tpu.dma_semaphore, #tpu.memory_space<semaphore_mem>>) src(%dma_wait3A_28 : memref<81x128xi32, #tpu.memory_space<hbm>>) dst(%arg9 : memref<81x128xi32, #tpu.memory_space<vmem>>)
      tpu.yield
    }) : () -> ()
    "tpu.region"() ({
      %run_scoped3A = tpu.sem_alloc : memref<!tpu.dma_semaphore, #tpu.memory_space<semaphore_mem>>
      %dma_start3A = arith.constant 0 : i32
      %dma_start3A_15 = tpu.memref_slice %arg5[%add3A, %dma_start3A] : memref<32x10368xf32, #tpu.memory_space<hbm>> -> memref<1x10368xf32, #tpu.memory_space<hbm>>
      %dma_start3A_16 = tpu.memref_squeeze %dma_start3A_15 : memref<1x10368xf32, #tpu.memory_space<hbm>> -> memref<10368xf32, #tpu.memory_space<hbm>>
      %dma_start3A_17 = arith.constant 0 : i32
      %dma_start3A_18 = tpu.memref_slice %arg5[%add3A, %dma_start3A_17] : memref<32x10368xf32, #tpu.memory_space<hbm>> -> memref<1x10368xf32, #tpu.memory_space<hbm>>
      %dma_start3A_19 = tpu.memref_squeeze %dma_start3A_18 : memref<1x10368xf32, #tpu.memory_space<hbm>> -> memref<10368xf32, #tpu.memory_space<hbm>>
      tpu.enqueue_dma source(%dma_start3A_19 : memref<10368xf32, #tpu.memory_space<hbm>>) target(%arg10 : memref<10368xf32, #tpu.memory_space<vmem>>) target_semaphore(%run_scoped3A : memref<!tpu.dma_semaphore, #tpu.memory_space<semaphore_mem>>)
      %dma_wait3A = arith.constant 0 : i32
      %dma_wait3A_20 = tpu.memref_slice %arg5[%add3A, %dma_wait3A] : memref<32x10368xf32, #tpu.memory_space<hbm>> -> memref<1x10368xf32, #tpu.memory_space<hbm>>
      %dma_wait3A_21 = tpu.memref_squeeze %dma_wait3A_20 : memref<1x10368xf32, #tpu.memory_space<hbm>> -> memref<10368xf32, #tpu.memory_space<hbm>>
      %dma_wait3A_22 = arith.constant 0 : i32
      %dma_wait3A_23 = tpu.memref_slice %arg5[%add3A, %dma_wait3A_22] : memref<32x10368xf32, #tpu.memory_space<hbm>> -> memref<1x10368xf32, #tpu.memory_space<hbm>>
      %dma_wait3A_24 = tpu.memref_squeeze %dma_wait3A_23 : memref<1x10368xf32, #tpu.memory_space<hbm>> -> memref<10368xf32, #tpu.memory_space<hbm>>
      tpu.wait_dma2 semaphore(%run_scoped3A : memref<!tpu.dma_semaphore, #tpu.memory_space<semaphore_mem>>) src(%dma_wait3A_24 : memref<10368xf32, #tpu.memory_space<hbm>>) dst(%arg10 : memref<10368xf32, #tpu.memory_space<vmem>>)
      tpu.yield
    }) : () -> ()
    %mul3A_1 = arith.constant 632 : i32
    %mul3A_2 = arith.muli %arg1, %mul3A_1 : i32
    %mul3A_3 = arith.constant 632 : i32
    %mul3A_4 = arith.muli %arg1, %mul3A_3 : i32
    "tpu.region"() ({
      %run_scoped3A = tpu.sem_alloc : memref<!tpu.dma_semaphore, #tpu.memory_space<semaphore_mem>>
      %dma_start3A = arith.constant 0 : i32
      %dma_start3A_15 = tpu.memref_slice %arg12[%mul3A_4, %dma_start3A] : memref<10112x128xf32, #tpu.memory_space<vmem_shared>> -> memref<632x128xf32, #tpu.memory_space<vmem_shared>>
      %dma_start3A_16 = arith.constant 0 : i32
      %dma_start3A_17 = tpu.memref_slice %arg6[%mul3A_2, %dma_start3A_16] : memref<10112x128xf32, #tpu.memory_space<hbm>> -> memref<632x128xf32, #tpu.memory_space<hbm>>
      tpu.enqueue_dma source(%dma_start3A_17 : memref<632x128xf32, #tpu.memory_space<hbm>>) target(%dma_start3A_15 : memref<632x128xf32, #tpu.memory_space<vmem_shared>>) target_semaphore(%run_scoped3A : memref<!tpu.dma_semaphore, #tpu.memory_space<semaphore_mem>>)
      %dma_wait3A = arith.constant 0 : i32
      %dma_wait3A_18 = tpu.memref_slice %arg12[%mul3A_4, %dma_wait3A] : memref<10112x128xf32, #tpu.memory_space<vmem_shared>> -> memref<632x128xf32, #tpu.memory_space<vmem_shared>>
      %dma_wait3A_19 = arith.constant 0 : i32
      %dma_wait3A_20 = tpu.memref_slice %arg6[%mul3A_2, %dma_wait3A_19] : memref<10112x128xf32, #tpu.memory_space<hbm>> -> memref<632x128xf32, #tpu.memory_space<hbm>>
      tpu.wait_dma2 semaphore(%run_scoped3A : memref<!tpu.dma_semaphore, #tpu.memory_space<semaphore_mem>>) src(%dma_wait3A_20 : memref<632x128xf32, #tpu.memory_space<hbm>>) dst(%dma_wait3A_18 : memref<632x128xf32, #tpu.memory_space<vmem_shared>>)
      tpu.yield
    }) : () -> ()
    %barrier3A = arith.constant 0 : index
    tpu.barrier barrier_id(%barrier3A)
    %scan3A = arith.constant 0 : i32
    %scan3A_5 = arith.constant 0 : i32
    %scan3A_6 = arith.constant 81 : i32
    %scan3A_7 = arith.addi %scan3A_5, %scan3A_6 : i32
    %scan3A_8 = arith.constant 1 : i32
    scf.for %scan3A_15 = %scan3A_5 to %scan3A_7 step %scan3A_8  : i32 {
      %dma_start3A = arith.constant 0 : i32
      %dma_start3A_16 = tpu.memref_slice %arg8[%scan3A_15, %dma_start3A] : memref<81x128xi32, #tpu.memory_space<vmem>> -> memref<1x128xi32, #tpu.memory_space<vmem>>
      %dma_start3A_17 = tpu.memref_squeeze %dma_start3A_16 : memref<1x128xi32, #tpu.memory_space<vmem>> -> memref<128xi32, #tpu.memory_space<vmem>>
      %dma_start3A_18 = arith.constant 0 : i32
      %dma_start3A_19 = arith.constant 0 : i32
      %dma_start3A_20 = tpu.memref_slice %arg2[%dma_start3A_18, %dma_start3A_19] : memref<10000x128xf32, #tpu.memory_space<hbm>> -> memref<10000x128xf32, #tpu.memory_space<hbm>>
      tpu.enqueue_indirect_dma source(%dma_start3A_20 : memref<10000x128xf32, #tpu.memory_space<hbm>>) target(%arg11 : memref<128x128xf32, #tpu.memory_space<vmem>>) offsets(%dma_start3A_17 : memref<128xi32, #tpu.memory_space<vmem>>) semaphore(%arg13 : memref<!tpu.dma_semaphore, #tpu.memory_space<semaphore_mem>>)
      %dma_wait3A = arith.constant 0 : i32
      %dma_wait3A_21 = tpu.memref_slice %arg8[%scan3A_15, %dma_wait3A] : memref<81x128xi32, #tpu.memory_space<vmem>> -> memref<1x128xi32, #tpu.memory_space<vmem>>
      %dma_wait3A_22 = tpu.memref_squeeze %dma_wait3A_21 : memref<1x128xi32, #tpu.memory_space<vmem>> -> memref<128xi32, #tpu.memory_space<vmem>>
      %dma_wait3A_23 = arith.constant 0 : i32
      %dma_wait3A_24 = arith.constant 0 : i32
      %dma_wait3A_25 = tpu.memref_slice %arg2[%dma_wait3A_23, %dma_wait3A_24] : memref<10000x128xf32, #tpu.memory_space<hbm>> -> memref<10000x128xf32, #tpu.memory_space<hbm>>
      tpu.wait_indirect_dma semaphore(%arg13 : memref<!tpu.dma_semaphore, #tpu.memory_space<semaphore_mem>>) src(%dma_wait3A_25 : memref<10000x128xf32, #tpu.memory_space<hbm>>) dst(%arg11 : memref<128x128xf32, #tpu.memory_space<vmem>>)
      %scan3A_26 = arith.constant 0 : i32
      %scan3A_27 = arith.constant 0 : i32
      %scan3A_28 = arith.constant 32 : i32
      %scan3A_29 = arith.addi %scan3A_27, %scan3A_28 : i32
      %scan3A_30 = arith.constant 1 : i32
      scf.for %scan3A_32 = %scan3A_27 to %scan3A_29 step %scan3A_30  : i32 {
        %mul3A_33 = arith.constant 4 : i32
        %mul3A_34 = arith.muli %scan3A_32, %mul3A_33 : i32
        %mul3A_35 = arith.constant 128 : i32
        %mul3A_36 = arith.muli %scan3A_15, %mul3A_35 : i32
        %add3A_37 = arith.addi %mul3A_36, %mul3A_34 : i32
        %add3A_38 = arith.constant 0 : i32
        %add3A_39 = arith.addi %add3A_37, %add3A_38 : i32
        %broadcast_in_dim3A = vector.broadcast %add3A_39 : i32 to vector<16xi32>
        %gather3A = tpu.vector_load_idx %arg10[%broadcast_in_dim3A] : memref<10368xf32, #tpu.memory_space<vmem>>[vector<16xi32>], vector<16xf32>,
        %add3A_40 = arith.constant 0 : i32
        %add3A_41 = arith.addi %mul3A_34, %add3A_40 : i32
        %get3A = arith.index_cast %add3A_41 : i32 to index
        %get3A_42 = arith.constant 0 : index
        %get3A_43 = tpu.vector_load %arg11[%get3A, %get3A_42] {strides = array<i32>} : memref<128x128xf32, #tpu.memory_space<vmem>>, vector<16xf32>,
        %mul3A_44 = arith.mulf %get3A_43, %gather3A : vector<16xf32>
        %add3A_45 = arith.constant 0 : i32
        %add3A_46 = arith.addi %mul3A_34, %add3A_45 : i32
        %swap3A = arith.index_cast %add3A_46 : i32 to index
        %swap3A_47 = arith.constant 0 : index
        %swap3A_48 = tpu.vector_load %arg11[%swap3A, %swap3A_47] {strides = array<i32>} : memref<128x128xf32, #tpu.memory_space<vmem>>, vector<16xf32>,
        tpu.vector_store %arg11[%swap3A, %swap3A_47], %mul3A_44 {strides = array<i32>} : memref<128x128xf32, #tpu.memory_space<vmem>>, vector<16xf32>,
        %add3A_49 = arith.constant 0 : i32
        %add3A_50 = arith.addi %mul3A_34, %add3A_49 : i32
        %get3A_51 = arith.index_cast %add3A_50 : i32 to index
        %get3A_52 = arith.constant 16 : index
        %get3A_53 = tpu.vector_load %arg11[%get3A_51, %get3A_52] {strides = array<i32>} : memref<128x128xf32, #tpu.memory_space<vmem>>, vector<16xf32>,
        %mul3A_54 = arith.mulf %get3A_53, %gather3A : vector<16xf32>
        %add3A_55 = arith.constant 0 : i32
        %add3A_56 = arith.addi %mul3A_34, %add3A_55 : i32
        %swap3A_57 = arith.index_cast %add3A_56 : i32 to index
        %swap3A_58 = arith.constant 16 : index
        %swap3A_59 = tpu.vector_load %arg11[%swap3A_57, %swap3A_58] {strides = array<i32>} : memref<128x128xf32, #tpu.memory_space<vmem>>, vector<16xf32>,
        tpu.vector_store %arg11[%swap3A_57, %swap3A_58], %mul3A_54 {strides = array<i32>} : memref<128x128xf32, #tpu.memory_space<vmem>>, vector<16xf32>,
        %add3A_60 = arith.constant 0 : i32
        %add3A_61 = arith.addi %mul3A_34, %add3A_60 : i32
        %get3A_62 = arith.index_cast %add3A_61 : i32 to index
        %get3A_63 = arith.constant 32 : index
        %get3A_64 = tpu.vector_load %arg11[%get3A_62, %get3A_63] {strides = array<i32>} : memref<128x128xf32, #tpu.memory_space<vmem>>, vector<16xf32>,
        %mul3A_65 = arith.mulf %get3A_64, %gather3A : vector<16xf32>
        %add3A_66 = arith.constant 0 : i32
        %add3A_67 = arith.addi %mul3A_34, %add3A_66 : i32
        %swap3A_68 = arith.index_cast %add3A_67 : i32 to index
        %swap3A_69 = arith.constant 32 : index
        %swap3A_70 = tpu.vector_load %arg11[%swap3A_68, %swap3A_69] {strides = array<i32>} : memref<128x128xf32, #tpu.memory_space<vmem>>, vector<16xf32>,
        tpu.vector_store %arg11[%swap3A_68, %swap3A_69], %mul3A_65 {strides = array<i32>} : memref<128x128xf32, #tpu.memory_space<vmem>>, vector<16xf32>,
        %add3A_71 = arith.constant 0 : i32
        %add3A_72 = arith.addi %mul3A_34, %add3A_71 : i32
        %get3A_73 = arith.index_cast %add3A_72 : i32 to index
        %get3A_74 = arith.constant 48 : index
        %get3A_75 = tpu.vector_load %arg11[%get3A_73, %get3A_74] {strides = array<i32>} : memref<128x128xf32, #tpu.memory_space<vmem>>, vector<16xf32>,
        %mul3A_76 = arith.mulf %get3A_75, %gather3A : vector<16xf32>
        %add3A_77 = arith.constant 0 : i32
        %add3A_78 = arith.addi %mul3A_34, %add3A_77 : i32
        %swap3A_79 = arith.index_cast %add3A_78 : i32 to index
        %swap3A_80 = arith.constant 48 : index
        %swap3A_81 = tpu.vector_load %arg11[%swap3A_79, %swap3A_80] {strides = array<i32>} : memref<128x128xf32, #tpu.memory_space<vmem>>, vector<16xf32>,
        tpu.vector_store %arg11[%swap3A_79, %swap3A_80], %mul3A_76 {strides = array<i32>} : memref<128x128xf32, #tpu.memory_space<vmem>>, vector<16xf32>,
        %add3A_82 = arith.constant 0 : i32
        %add3A_83 = arith.addi %mul3A_34, %add3A_82 : i32
        %get3A_84 = arith.index_cast %add3A_83 : i32 to index
        %get3A_85 = arith.constant 64 : index
        %get3A_86 = tpu.vector_load %arg11[%get3A_84, %get3A_85] {strides = array<i32>} : memref<128x128xf32, #tpu.memory_space<vmem>>, vector<16xf32>,
        %mul3A_87 = arith.mulf %get3A_86, %gather3A : vector<16xf32>
        %add3A_88 = arith.constant 0 : i32
        %add3A_89 = arith.addi %mul3A_34, %add3A_88 : i32
        %swap3A_90 = arith.index_cast %add3A_89 : i32 to index
        %swap3A_91 = arith.constant 64 : index
        %swap3A_92 = tpu.vector_load %arg11[%swap3A_90, %swap3A_91] {strides = array<i32>} : memref<128x128xf32, #tpu.memory_space<vmem>>, vector<16xf32>,
        tpu.vector_store %arg11[%swap3A_90, %swap3A_91], %mul3A_87 {strides = array<i32>} : memref<128x128xf32, #tpu.memory_space<vmem>>, vector<16xf32>,
        %add3A_93 = arith.constant 0 : i32
        %add3A_94 = arith.addi %mul3A_34, %add3A_93 : i32
        %get3A_95 = arith.index_cast %add3A_94 : i32 to index
        %get3A_96 = arith.constant 80 : index
        %get3A_97 = tpu.vector_load %arg11[%get3A_95, %get3A_96] {strides = array<i32>} : memref<128x128xf32, #tpu.memory_space<vmem>>, vector<16xf32>,
        %mul3A_98 = arith.mulf %get3A_97, %gather3A : vector<16xf32>
        %add3A_99 = arith.constant 0 : i32
        %add3A_100 = arith.addi %mul3A_34, %add3A_99 : i32
        %swap3A_101 = arith.index_cast %add3A_100 : i32 to index
        %swap3A_102 = arith.constant 80 : index
        %swap3A_103 = tpu.vector_load %arg11[%swap3A_101, %swap3A_102] {strides = array<i32>} : memref<128x128xf32, #tpu.memory_space<vmem>>, vector<16xf32>,
        tpu.vector_store %arg11[%swap3A_101, %swap3A_102], %mul3A_98 {strides = array<i32>} : memref<128x128xf32, #tpu.memory_space<vmem>>, vector<16xf32>,
        %add3A_104 = arith.constant 0 : i32
        %add3A_105 = arith.addi %mul3A_34, %add3A_104 : i32
        %get3A_106 = arith.index_cast %add3A_105 : i32 to index
        %get3A_107 = arith.constant 96 : index
        %get3A_108 = tpu.vector_load %arg11[%get3A_106, %get3A_107] {strides = array<i32>} : memref<128x128xf32, #tpu.memory_space<vmem>>, vector<16xf32>,
        %mul3A_109 = arith.mulf %get3A_108, %gather3A : vector<16xf32>
        %add3A_110 = arith.constant 0 : i32
        %add3A_111 = arith.addi %mul3A_34, %add3A_110 : i32
        %swap3A_112 = arith.index_cast %add3A_111 : i32 to index
        %swap3A_113 = arith.constant 96 : index
        %swap3A_114 = tpu.vector_load %arg11[%swap3A_112, %swap3A_113] {strides = array<i32>} : memref<128x128xf32, #tpu.memory_space<vmem>>, vector<16xf32>,
        tpu.vector_store %arg11[%swap3A_112, %swap3A_113], %mul3A_109 {strides = array<i32>} : memref<128x128xf32, #tpu.memory_space<vmem>>, vector<16xf32>,
        %add3A_115 = arith.constant 0 : i32
        %add3A_116 = arith.addi %mul3A_34, %add3A_115 : i32
        %get3A_117 = arith.index_cast %add3A_116 : i32 to index
        %get3A_118 = arith.constant 112 : index
        %get3A_119 = tpu.vector_load %arg11[%get3A_117, %get3A_118] {strides = array<i32>} : memref<128x128xf32, #tpu.memory_space<vmem>>, vector<16xf32>,
        %mul3A_120 = arith.mulf %get3A_119, %gather3A : vector<16xf32>
        %add3A_121 = arith.constant 0 : i32
        %add3A_122 = arith.addi %mul3A_34, %add3A_121 : i32
        %swap3A_123 = arith.index_cast %add3A_122 : i32 to index
        %swap3A_124 = arith.constant 112 : index
        %swap3A_125 = tpu.vector_load %arg11[%swap3A_123, %swap3A_124] {strides = array<i32>} : memref<128x128xf32, #tpu.memory_space<vmem>>, vector<16xf32>,
        tpu.vector_store %arg11[%swap3A_123, %swap3A_124], %mul3A_120 {strides = array<i32>} : memref<128x128xf32, #tpu.memory_space<vmem>>, vector<16xf32>,
        %mul3A_126 = arith.constant 128 : i32
        %mul3A_127 = arith.muli %scan3A_15, %mul3A_126 : i32
        %add3A_128 = arith.addi %mul3A_127, %mul3A_34 : i32
        %add3A_129 = arith.constant 1 : i32
        %add3A_130 = arith.addi %add3A_128, %add3A_129 : i32
        %broadcast_in_dim3A_131 = vector.broadcast %add3A_130 : i32 to vector<16xi32>
        %gather3A_132 = tpu.vector_load_idx %arg10[%broadcast_in_dim3A_131] : memref<10368xf32, #tpu.memory_space<vmem>>[vector<16xi32>], vector<16xf32>,
        %add3A_133 = arith.constant 1 : i32
        %add3A_134 = arith.addi %mul3A_34, %add3A_133 : i32
        %get3A_135 = arith.index_cast %add3A_134 : i32 to index
        %get3A_136 = arith.constant 0 : index
        %get3A_137 = tpu.vector_load %arg11[%get3A_135, %get3A_136] {strides = array<i32>} : memref<128x128xf32, #tpu.memory_space<vmem>>, vector<16xf32>,
        %mul3A_138 = arith.mulf %get3A_137, %gather3A_132 : vector<16xf32>
        %add3A_139 = arith.constant 1 : i32
        %add3A_140 = arith.addi %mul3A_34, %add3A_139 : i32
        %swap3A_141 = arith.index_cast %add3A_140 : i32 to index
        %swap3A_142 = arith.constant 0 : index
        %swap3A_143 = tpu.vector_load %arg11[%swap3A_141, %swap3A_142] {strides = array<i32>} : memref<128x128xf32, #tpu.memory_space<vmem>>, vector<16xf32>,
        tpu.vector_store %arg11[%swap3A_141, %swap3A_142], %mul3A_138 {strides = array<i32>} : memref<128x128xf32, #tpu.memory_space<vmem>>, vector<16xf32>,
        %add3A_144 = arith.constant 1 : i32
        %add3A_145 = arith.addi %mul3A_34, %add3A_144 : i32
        %get3A_146 = arith.index_cast %add3A_145 : i32 to index
        %get3A_147 = arith.constant 16 : index
        %get3A_148 = tpu.vector_load %arg11[%get3A_146, %get3A_147] {strides = array<i32>} : memref<128x128xf32, #tpu.memory_space<vmem>>, vector<16xf32>,
        %mul3A_149 = arith.mulf %get3A_148, %gather3A_132 : vector<16xf32>
        %add3A_150 = arith.constant 1 : i32
        %add3A_151 = arith.addi %mul3A_34, %add3A_150 : i32
        %swap3A_152 = arith.index_cast %add3A_151 : i32 to index
        %swap3A_153 = arith.constant 16 : index
        %swap3A_154 = tpu.vector_load %arg11[%swap3A_152, %swap3A_153] {strides = array<i32>} : memref<128x128xf32, #tpu.memory_space<vmem>>, vector<16xf32>,
        tpu.vector_store %arg11[%swap3A_152, %swap3A_153], %mul3A_149 {strides = array<i32>} : memref<128x128xf32, #tpu.memory_space<vmem>>, vector<16xf32>,
        %add3A_155 = arith.constant 1 : i32
        %add3A_156 = arith.addi %mul3A_34, %add3A_155 : i32
        %get3A_157 = arith.index_cast %add3A_156 : i32 to index
        %get3A_158 = arith.constant 32 : index
        %get3A_159 = tpu.vector_load %arg11[%get3A_157, %get3A_158] {strides = array<i32>} : memref<128x128xf32, #tpu.memory_space<vmem>>, vector<16xf32>,
        %mul3A_160 = arith.mulf %get3A_159, %gather3A_132 : vector<16xf32>
        %add3A_161 = arith.constant 1 : i32
        %add3A_162 = arith.addi %mul3A_34, %add3A_161 : i32
        %swap3A_163 = arith.index_cast %add3A_162 : i32 to index
        %swap3A_164 = arith.constant 32 : index
        %swap3A_165 = tpu.vector_load %arg11[%swap3A_163, %swap3A_164] {strides = array<i32>} : memref<128x128xf32, #tpu.memory_space<vmem>>, vector<16xf32>,
        tpu.vector_store %arg11[%swap3A_163, %swap3A_164], %mul3A_160 {strides = array<i32>} : memref<128x128xf32, #tpu.memory_space<vmem>>, vector<16xf32>,
        %add3A_166 = arith.constant 1 : i32
        %add3A_167 = arith.addi %mul3A_34, %add3A_166 : i32
        %get3A_168 = arith.index_cast %add3A_167 : i32 to index
        %get3A_169 = arith.constant 48 : index
        %get3A_170 = tpu.vector_load %arg11[%get3A_168, %get3A_169] {strides = array<i32>} : memref<128x128xf32, #tpu.memory_space<vmem>>, vector<16xf32>,
        %mul3A_171 = arith.mulf %get3A_170, %gather3A_132 : vector<16xf32>
        %add3A_172 = arith.constant 1 : i32
        %add3A_173 = arith.addi %mul3A_34, %add3A_172 : i32
        %swap3A_174 = arith.index_cast %add3A_173 : i32 to index
        %swap3A_175 = arith.constant 48 : index
        %swap3A_176 = tpu.vector_load %arg11[%swap3A_174, %swap3A_175] {strides = array<i32>} : memref<128x128xf32, #tpu.memory_space<vmem>>, vector<16xf32>,
        tpu.vector_store %arg11[%swap3A_174, %swap3A_175], %mul3A_171 {strides = array<i32>} : memref<128x128xf32, #tpu.memory_space<vmem>>, vector<16xf32>,
        %add3A_177 = arith.constant 1 : i32
        %add3A_178 = arith.addi %mul3A_34, %add3A_177 : i32
        %get3A_179 = arith.index_cast %add3A_178 : i32 to index
        %get3A_180 = arith.constant 64 : index
        %get3A_181 = tpu.vector_load %arg11[%get3A_179, %get3A_180] {strides = array<i32>} : memref<128x128xf32, #tpu.memory_space<vmem>>, vector<16xf32>,
        %mul3A_182 = arith.mulf %get3A_181, %gather3A_132 : vector<16xf32>
        %add3A_183 = arith.constant 1 : i32
        %add3A_184 = arith.addi %mul3A_34, %add3A_183 : i32
        %swap3A_185 = arith.index_cast %add3A_184 : i32 to index
        %swap3A_186 = arith.constant 64 : index
        %swap3A_187 = tpu.vector_load %arg11[%swap3A_185, %swap3A_186] {strides = array<i32>} : memref<128x128xf32, #tpu.memory_space<vmem>>, vector<16xf32>,
        tpu.vector_store %arg11[%swap3A_185, %swap3A_186], %mul3A_182 {strides = array<i32>} : memref<128x128xf32, #tpu.memory_space<vmem>>, vector<16xf32>,
        %add3A_188 = arith.constant 1 : i32
        %add3A_189 = arith.addi %mul3A_34, %add3A_188 : i32
        %get3A_190 = arith.index_cast %add3A_189 : i32 to index
        %get3A_191 = arith.constant 80 : index
        %get3A_192 = tpu.vector_load %arg11[%get3A_190, %get3A_191] {strides = array<i32>} : memref<128x128xf32, #tpu.memory_space<vmem>>, vector<16xf32>,
        %mul3A_193 = arith.mulf %get3A_192, %gather3A_132 : vector<16xf32>
        %add3A_194 = arith.constant 1 : i32
        %add3A_195 = arith.addi %mul3A_34, %add3A_194 : i32
        %swap3A_196 = arith.index_cast %add3A_195 : i32 to index
        %swap3A_197 = arith.constant 80 : index
        %swap3A_198 = tpu.vector_load %arg11[%swap3A_196, %swap3A_197] {strides = array<i32>} : memref<128x128xf32, #tpu.memory_space<vmem>>, vector<16xf32>,
        tpu.vector_store %arg11[%swap3A_196, %swap3A_197], %mul3A_193 {strides = array<i32>} : memref<128x128xf32, #tpu.memory_space<vmem>>, vector<16xf32>,
        %add3A_199 = arith.constant 1 : i32
        %add3A_200 = arith.addi %mul3A_34, %add3A_199 : i32
        %get3A_201 = arith.index_cast %add3A_200 : i32 to index
        %get3A_202 = arith.constant 96 : index
        %get3A_203 = tpu.vector_load %arg11[%get3A_201, %get3A_202] {strides = array<i32>} : memref<128x128xf32, #tpu.memory_space<vmem>>, vector<16xf32>,
        %mul3A_204 = arith.mulf %get3A_203, %gather3A_132 : vector<16xf32>
        %add3A_205 = arith.constant 1 : i32
        %add3A_206 = arith.addi %mul3A_34, %add3A_205 : i32
        %swap3A_207 = arith.index_cast %add3A_206 : i32 to index
        %swap3A_208 = arith.constant 96 : index
        %swap3A_209 = tpu.vector_load %arg11[%swap3A_207, %swap3A_208] {strides = array<i32>} : memref<128x128xf32, #tpu.memory_space<vmem>>, vector<16xf32>,
        tpu.vector_store %arg11[%swap3A_207, %swap3A_208], %mul3A_204 {strides = array<i32>} : memref<128x128xf32, #tpu.memory_space<vmem>>, vector<16xf32>,
        %add3A_210 = arith.constant 1 : i32
        %add3A_211 = arith.addi %mul3A_34, %add3A_210 : i32
        %get3A_212 = arith.index_cast %add3A_211 : i32 to index
        %get3A_213 = arith.constant 112 : index
        %get3A_214 = tpu.vector_load %arg11[%get3A_212, %get3A_213] {strides = array<i32>} : memref<128x128xf32, #tpu.memory_space<vmem>>, vector<16xf32>,
        %mul3A_215 = arith.mulf %get3A_214, %gather3A_132 : vector<16xf32>
        %add3A_216 = arith.constant 1 : i32
        %add3A_217 = arith.addi %mul3A_34, %add3A_216 : i32
        %swap3A_218 = arith.index_cast %add3A_217 : i32 to index
        %swap3A_219 = arith.constant 112 : index
        %swap3A_220 = tpu.vector_load %arg11[%swap3A_218, %swap3A_219] {strides = array<i32>} : memref<128x128xf32, #tpu.memory_space<vmem>>, vector<16xf32>,
        tpu.vector_store %arg11[%swap3A_218, %swap3A_219], %mul3A_215 {strides = array<i32>} : memref<128x128xf32, #tpu.memory_space<vmem>>, vector<16xf32>,
        %mul3A_221 = arith.constant 128 : i32
        %mul3A_222 = arith.muli %scan3A_15, %mul3A_221 : i32
        %add3A_223 = arith.addi %mul3A_222, %mul3A_34 : i32
        %add3A_224 = arith.constant 2 : i32
        %add3A_225 = arith.addi %add3A_223, %add3A_224 : i32
        %broadcast_in_dim3A_226 = vector.broadcast %add3A_225 : i32 to vector<16xi32>
        %gather3A_227 = tpu.vector_load_idx %arg10[%broadcast_in_dim3A_226] : memref<10368xf32, #tpu.memory_space<vmem>>[vector<16xi32>], vector<16xf32>,
        %add3A_228 = arith.constant 2 : i32
        %add3A_229 = arith.addi %mul3A_34, %add3A_228 : i32
        %get3A_230 = arith.index_cast %add3A_229 : i32 to index
        %get3A_231 = arith.constant 0 : index
        %get3A_232 = tpu.vector_load %arg11[%get3A_230, %get3A_231] {strides = array<i32>} : memref<128x128xf32, #tpu.memory_space<vmem>>, vector<16xf32>,
        %mul3A_233 = arith.mulf %get3A_232, %gather3A_227 : vector<16xf32>
        %add3A_234 = arith.constant 2 : i32
        %add3A_235 = arith.addi %mul3A_34, %add3A_234 : i32
        %swap3A_236 = arith.index_cast %add3A_235 : i32 to index
        %swap3A_237 = arith.constant 0 : index
        %swap3A_238 = tpu.vector_load %arg11[%swap3A_236, %swap3A_237] {strides = array<i32>} : memref<128x128xf32, #tpu.memory_space<vmem>>, vector<16xf32>,
        tpu.vector_store %arg11[%swap3A_236, %swap3A_237], %mul3A_233 {strides = array<i32>} : memref<128x128xf32, #tpu.memory_space<vmem>>, vector<16xf32>,
        %add3A_239 = arith.constant 2 : i32
        %add3A_240 = arith.addi %mul3A_34, %add3A_239 : i32
        %get3A_241 = arith.index_cast %add3A_240 : i32 to index
        %get3A_242 = arith.constant 16 : index
        %get3A_243 = tpu.vector_load %arg11[%get3A_241, %get3A_242] {strides = array<i32>} : memref<128x128xf32, #tpu.memory_space<vmem>>, vector<16xf32>,
        %mul3A_244 = arith.mulf %get3A_243, %gather3A_227 : vector<16xf32>
        %add3A_245 = arith.constant 2 : i32
        %add3A_246 = arith.addi %mul3A_34, %add3A_245 : i32
        %swap3A_247 = arith.index_cast %add3A_246 : i32 to index
        %swap3A_248 = arith.constant 16 : index
        %swap3A_249 = tpu.vector_load %arg11[%swap3A_247, %swap3A_248] {strides = array<i32>} : memref<128x128xf32, #tpu.memory_space<vmem>>, vector<16xf32>,
        tpu.vector_store %arg11[%swap3A_247, %swap3A_248], %mul3A_244 {strides = array<i32>} : memref<128x128xf32, #tpu.memory_space<vmem>>, vector<16xf32>,
        %add3A_250 = arith.constant 2 : i32
        %add3A_251 = arith.addi %mul3A_34, %add3A_250 : i32
        %get3A_252 = arith.index_cast %add3A_251 : i32 to index
        %get3A_253 = arith.constant 32 : index
        %get3A_254 = tpu.vector_load %arg11[%get3A_252, %get3A_253] {strides = array<i32>} : memref<128x128xf32, #tpu.memory_space<vmem>>, vector<16xf32>,
        %mul3A_255 = arith.mulf %get3A_254, %gather3A_227 : vector<16xf32>
        %add3A_256 = arith.constant 2 : i32
        %add3A_257 = arith.addi %mul3A_34, %add3A_256 : i32
        %swap3A_258 = arith.index_cast %add3A_257 : i32 to index
        %swap3A_259 = arith.constant 32 : index
        %swap3A_260 = tpu.vector_load %arg11[%swap3A_258, %swap3A_259] {strides = array<i32>} : memref<128x128xf32, #tpu.memory_space<vmem>>, vector<16xf32>,
        tpu.vector_store %arg11[%swap3A_258, %swap3A_259], %mul3A_255 {strides = array<i32>} : memref<128x128xf32, #tpu.memory_space<vmem>>, vector<16xf32>,
        %add3A_261 = arith.constant 2 : i32
        %add3A_262 = arith.addi %mul3A_34, %add3A_261 : i32
        %get3A_263 = arith.index_cast %add3A_262 : i32 to index
        %get3A_264 = arith.constant 48 : index
        %get3A_265 = tpu.vector_load %arg11[%get3A_263, %get3A_264] {strides = array<i32>} : memref<128x128xf32, #tpu.memory_space<vmem>>, vector<16xf32>,
        %mul3A_266 = arith.mulf %get3A_265, %gather3A_227 : vector<16xf32>
        %add3A_267 = arith.constant 2 : i32
        %add3A_268 = arith.addi %mul3A_34, %add3A_267 : i32
        %swap3A_269 = arith.index_cast %add3A_268 : i32 to index
        %swap3A_270 = arith.constant 48 : index
        %swap3A_271 = tpu.vector_load %arg11[%swap3A_269, %swap3A_270] {strides = array<i32>} : memref<128x128xf32, #tpu.memory_space<vmem>>, vector<16xf32>,
        tpu.vector_store %arg11[%swap3A_269, %swap3A_270], %mul3A_266 {strides = array<i32>} : memref<128x128xf32, #tpu.memory_space<vmem>>, vector<16xf32>,
        %add3A_272 = arith.constant 2 : i32
        %add3A_273 = arith.addi %mul3A_34, %add3A_272 : i32
        %get3A_274 = arith.index_cast %add3A_273 : i32 to index
        %get3A_275 = arith.constant 64 : index
        %get3A_276 = tpu.vector_load %arg11[%get3A_274, %get3A_275] {strides = array<i32>} : memref<128x128xf32, #tpu.memory_space<vmem>>, vector<16xf32>,
        %mul3A_277 = arith.mulf %get3A_276, %gather3A_227 : vector<16xf32>
        %add3A_278 = arith.constant 2 : i32
        %add3A_279 = arith.addi %mul3A_34, %add3A_278 : i32
        %swap3A_280 = arith.index_cast %add3A_279 : i32 to index
        %swap3A_281 = arith.constant 64 : index
        %swap3A_282 = tpu.vector_load %arg11[%swap3A_280, %swap3A_281] {strides = array<i32>} : memref<128x128xf32, #tpu.memory_space<vmem>>, vector<16xf32>,
        tpu.vector_store %arg11[%swap3A_280, %swap3A_281], %mul3A_277 {strides = array<i32>} : memref<128x128xf32, #tpu.memory_space<vmem>>, vector<16xf32>,
        %add3A_283 = arith.constant 2 : i32
        %add3A_284 = arith.addi %mul3A_34, %add3A_283 : i32
        %get3A_285 = arith.index_cast %add3A_284 : i32 to index
        %get3A_286 = arith.constant 80 : index
        %get3A_287 = tpu.vector_load %arg11[%get3A_285, %get3A_286] {strides = array<i32>} : memref<128x128xf32, #tpu.memory_space<vmem>>, vector<16xf32>,
        %mul3A_288 = arith.mulf %get3A_287, %gather3A_227 : vector<16xf32>
        %add3A_289 = arith.constant 2 : i32
        %add3A_290 = arith.addi %mul3A_34, %add3A_289 : i32
        %swap3A_291 = arith.index_cast %add3A_290 : i32 to index
        %swap3A_292 = arith.constant 80 : index
        %swap3A_293 = tpu.vector_load %arg11[%swap3A_291, %swap3A_292] {strides = array<i32>} : memref<128x128xf32, #tpu.memory_space<vmem>>, vector<16xf32>,
        tpu.vector_store %arg11[%swap3A_291, %swap3A_292], %mul3A_288 {strides = array<i32>} : memref<128x128xf32, #tpu.memory_space<vmem>>, vector<16xf32>,
        %add3A_294 = arith.constant 2 : i32
        %add3A_295 = arith.addi %mul3A_34, %add3A_294 : i32
        %get3A_296 = arith.index_cast %add3A_295 : i32 to index
        %get3A_297 = arith.constant 96 : index
        %get3A_298 = tpu.vector_load %arg11[%get3A_296, %get3A_297] {strides = array<i32>} : memref<128x128xf32, #tpu.memory_space<vmem>>, vector<16xf32>,
        %mul3A_299 = arith.mulf %get3A_298, %gather3A_227 : vector<16xf32>
        %add3A_300 = arith.constant 2 : i32
        %add3A_301 = arith.addi %mul3A_34, %add3A_300 : i32
        %swap3A_302 = arith.index_cast %add3A_301 : i32 to index
        %swap3A_303 = arith.constant 96 : index
        %swap3A_304 = tpu.vector_load %arg11[%swap3A_302, %swap3A_303] {strides = array<i32>} : memref<128x128xf32, #tpu.memory_space<vmem>>, vector<16xf32>,
        tpu.vector_store %arg11[%swap3A_302, %swap3A_303], %mul3A_299 {strides = array<i32>} : memref<128x128xf32, #tpu.memory_space<vmem>>, vector<16xf32>,
        %add3A_305 = arith.constant 2 : i32
        %add3A_306 = arith.addi %mul3A_34, %add3A_305 : i32
        %get3A_307 = arith.index_cast %add3A_306 : i32 to index
        %get3A_308 = arith.constant 112 : index
        %get3A_309 = tpu.vector_load %arg11[%get3A_307, %get3A_308] {strides = array<i32>} : memref<128x128xf32, #tpu.memory_space<vmem>>, vector<16xf32>,
        %mul3A_310 = arith.mulf %get3A_309, %gather3A_227 : vector<16xf32>
        %add3A_311 = arith.constant 2 : i32
        %add3A_312 = arith.addi %mul3A_34, %add3A_311 : i32
        %swap3A_313 = arith.index_cast %add3A_312 : i32 to index
        %swap3A_314 = arith.constant 112 : index
        %swap3A_315 = tpu.vector_load %arg11[%swap3A_313, %swap3A_314] {strides = array<i32>} : memref<128x128xf32, #tpu.memory_space<vmem>>, vector<16xf32>,
        tpu.vector_store %arg11[%swap3A_313, %swap3A_314], %mul3A_310 {strides = array<i32>} : memref<128x128xf32, #tpu.memory_space<vmem>>, vector<16xf32>,
        %mul3A_316 = arith.constant 128 : i32
        %mul3A_317 = arith.muli %scan3A_15, %mul3A_316 : i32
        %add3A_318 = arith.addi %mul3A_317, %mul3A_34 : i32
        %add3A_319 = arith.constant 3 : i32
        %add3A_320 = arith.addi %add3A_318, %add3A_319 : i32
        %broadcast_in_dim3A_321 = vector.broadcast %add3A_320 : i32 to vector<16xi32>
        %gather3A_322 = tpu.vector_load_idx %arg10[%broadcast_in_dim3A_321] : memref<10368xf32, #tpu.memory_space<vmem>>[vector<16xi32>], vector<16xf32>,
        %add3A_323 = arith.constant 3 : i32
        %add3A_324 = arith.addi %mul3A_34, %add3A_323 : i32
        %get3A_325 = arith.index_cast %add3A_324 : i32 to index
        %get3A_326 = arith.constant 0 : index
        %get3A_327 = tpu.vector_load %arg11[%get3A_325, %get3A_326] {strides = array<i32>} : memref<128x128xf32, #tpu.memory_space<vmem>>, vector<16xf32>,
        %mul3A_328 = arith.mulf %get3A_327, %gather3A_322 : vector<16xf32>
        %add3A_329 = arith.constant 3 : i32
        %add3A_330 = arith.addi %mul3A_34, %add3A_329 : i32
        %swap3A_331 = arith.index_cast %add3A_330 : i32 to index
        %swap3A_332 = arith.constant 0 : index
        %swap3A_333 = tpu.vector_load %arg11[%swap3A_331, %swap3A_332] {strides = array<i32>} : memref<128x128xf32, #tpu.memory_space<vmem>>, vector<16xf32>,
        tpu.vector_store %arg11[%swap3A_331, %swap3A_332], %mul3A_328 {strides = array<i32>} : memref<128x128xf32, #tpu.memory_space<vmem>>, vector<16xf32>,
        %add3A_334 = arith.constant 3 : i32
        %add3A_335 = arith.addi %mul3A_34, %add3A_334 : i32
        %get3A_336 = arith.index_cast %add3A_335 : i32 to index
        %get3A_337 = arith.constant 16 : index
        %get3A_338 = tpu.vector_load %arg11[%get3A_336, %get3A_337] {strides = array<i32>} : memref<128x128xf32, #tpu.memory_space<vmem>>, vector<16xf32>,
        %mul3A_339 = arith.mulf %get3A_338, %gather3A_322 : vector<16xf32>
        %add3A_340 = arith.constant 3 : i32
        %add3A_341 = arith.addi %mul3A_34, %add3A_340 : i32
        %swap3A_342 = arith.index_cast %add3A_341 : i32 to index
        %swap3A_343 = arith.constant 16 : index
        %swap3A_344 = tpu.vector_load %arg11[%swap3A_342, %swap3A_343] {strides = array<i32>} : memref<128x128xf32, #tpu.memory_space<vmem>>, vector<16xf32>,
        tpu.vector_store %arg11[%swap3A_342, %swap3A_343], %mul3A_339 {strides = array<i32>} : memref<128x128xf32, #tpu.memory_space<vmem>>, vector<16xf32>,
        %add3A_345 = arith.constant 3 : i32
        %add3A_346 = arith.addi %mul3A_34, %add3A_345 : i32
        %get3A_347 = arith.index_cast %add3A_346 : i32 to index
        %get3A_348 = arith.constant 32 : index
        %get3A_349 = tpu.vector_load %arg11[%get3A_347, %get3A_348] {strides = array<i32>} : memref<128x128xf32, #tpu.memory_space<vmem>>, vector<16xf32>,
        %mul3A_350 = arith.mulf %get3A_349, %gather3A_322 : vector<16xf32>
        %add3A_351 = arith.constant 3 : i32
        %add3A_352 = arith.addi %mul3A_34, %add3A_351 : i32
        %swap3A_353 = arith.index_cast %add3A_352 : i32 to index
        %swap3A_354 = arith.constant 32 : index
        %swap3A_355 = tpu.vector_load %arg11[%swap3A_353, %swap3A_354] {strides = array<i32>} : memref<128x128xf32, #tpu.memory_space<vmem>>, vector<16xf32>,
        tpu.vector_store %arg11[%swap3A_353, %swap3A_354], %mul3A_350 {strides = array<i32>} : memref<128x128xf32, #tpu.memory_space<vmem>>, vector<16xf32>,
        %add3A_356 = arith.constant 3 : i32
        %add3A_357 = arith.addi %mul3A_34, %add3A_356 : i32
        %get3A_358 = arith.index_cast %add3A_357 : i32 to index
        %get3A_359 = arith.constant 48 : index
        %get3A_360 = tpu.vector_load %arg11[%get3A_358, %get3A_359] {strides = array<i32>} : memref<128x128xf32, #tpu.memory_space<vmem>>, vector<16xf32>,
        %mul3A_361 = arith.mulf %get3A_360, %gather3A_322 : vector<16xf32>
        %add3A_362 = arith.constant 3 : i32
        %add3A_363 = arith.addi %mul3A_34, %add3A_362 : i32
        %swap3A_364 = arith.index_cast %add3A_363 : i32 to index
        %swap3A_365 = arith.constant 48 : index
        %swap3A_366 = tpu.vector_load %arg11[%swap3A_364, %swap3A_365] {strides = array<i32>} : memref<128x128xf32, #tpu.memory_space<vmem>>, vector<16xf32>,
        tpu.vector_store %arg11[%swap3A_364, %swap3A_365], %mul3A_361 {strides = array<i32>} : memref<128x128xf32, #tpu.memory_space<vmem>>, vector<16xf32>,
        %add3A_367 = arith.constant 3 : i32
        %add3A_368 = arith.addi %mul3A_34, %add3A_367 : i32
        %get3A_369 = arith.index_cast %add3A_368 : i32 to index
        %get3A_370 = arith.constant 64 : index
        %get3A_371 = tpu.vector_load %arg11[%get3A_369, %get3A_370] {strides = array<i32>} : memref<128x128xf32, #tpu.memory_space<vmem>>, vector<16xf32>,
        %mul3A_372 = arith.mulf %get3A_371, %gather3A_322 : vector<16xf32>
        %add3A_373 = arith.constant 3 : i32
        %add3A_374 = arith.addi %mul3A_34, %add3A_373 : i32
        %swap3A_375 = arith.index_cast %add3A_374 : i32 to index
        %swap3A_376 = arith.constant 64 : index
        %swap3A_377 = tpu.vector_load %arg11[%swap3A_375, %swap3A_376] {strides = array<i32>} : memref<128x128xf32, #tpu.memory_space<vmem>>, vector<16xf32>,
        tpu.vector_store %arg11[%swap3A_375, %swap3A_376], %mul3A_372 {strides = array<i32>} : memref<128x128xf32, #tpu.memory_space<vmem>>, vector<16xf32>,
        %add3A_378 = arith.constant 3 : i32
        %add3A_379 = arith.addi %mul3A_34, %add3A_378 : i32
        %get3A_380 = arith.index_cast %add3A_379 : i32 to index
        %get3A_381 = arith.constant 80 : index
        %get3A_382 = tpu.vector_load %arg11[%get3A_380, %get3A_381] {strides = array<i32>} : memref<128x128xf32, #tpu.memory_space<vmem>>, vector<16xf32>,
        %mul3A_383 = arith.mulf %get3A_382, %gather3A_322 : vector<16xf32>
        %add3A_384 = arith.constant 3 : i32
        %add3A_385 = arith.addi %mul3A_34, %add3A_384 : i32
        %swap3A_386 = arith.index_cast %add3A_385 : i32 to index
        %swap3A_387 = arith.constant 80 : index
        %swap3A_388 = tpu.vector_load %arg11[%swap3A_386, %swap3A_387] {strides = array<i32>} : memref<128x128xf32, #tpu.memory_space<vmem>>, vector<16xf32>,
        tpu.vector_store %arg11[%swap3A_386, %swap3A_387], %mul3A_383 {strides = array<i32>} : memref<128x128xf32, #tpu.memory_space<vmem>>, vector<16xf32>,
        %add3A_389 = arith.constant 3 : i32
        %add3A_390 = arith.addi %mul3A_34, %add3A_389 : i32
        %get3A_391 = arith.index_cast %add3A_390 : i32 to index
        %get3A_392 = arith.constant 96 : index
        %get3A_393 = tpu.vector_load %arg11[%get3A_391, %get3A_392] {strides = array<i32>} : memref<128x128xf32, #tpu.memory_space<vmem>>, vector<16xf32>,
        %mul3A_394 = arith.mulf %get3A_393, %gather3A_322 : vector<16xf32>
        %add3A_395 = arith.constant 3 : i32
        %add3A_396 = arith.addi %mul3A_34, %add3A_395 : i32
        %swap3A_397 = arith.index_cast %add3A_396 : i32 to index
        %swap3A_398 = arith.constant 96 : index
        %swap3A_399 = tpu.vector_load %arg11[%swap3A_397, %swap3A_398] {strides = array<i32>} : memref<128x128xf32, #tpu.memory_space<vmem>>, vector<16xf32>,
        tpu.vector_store %arg11[%swap3A_397, %swap3A_398], %mul3A_394 {strides = array<i32>} : memref<128x128xf32, #tpu.memory_space<vmem>>, vector<16xf32>,
        %add3A_400 = arith.constant 3 : i32
        %add3A_401 = arith.addi %mul3A_34, %add3A_400 : i32
        %get3A_402 = arith.index_cast %add3A_401 : i32 to index
        %get3A_403 = arith.constant 112 : index
        %get3A_404 = tpu.vector_load %arg11[%get3A_402, %get3A_403] {strides = array<i32>} : memref<128x128xf32, #tpu.memory_space<vmem>>, vector<16xf32>,
        %mul3A_405 = arith.mulf %get3A_404, %gather3A_322 : vector<16xf32>
        %add3A_406 = arith.constant 3 : i32
        %add3A_407 = arith.addi %mul3A_34, %add3A_406 : i32
        %swap3A_408 = arith.index_cast %add3A_407 : i32 to index
        %swap3A_409 = arith.constant 112 : index
        %swap3A_410 = tpu.vector_load %arg11[%swap3A_408, %swap3A_409] {strides = array<i32>} : memref<128x128xf32, #tpu.memory_space<vmem>>, vector<16xf32>,
        tpu.vector_store %arg11[%swap3A_408, %swap3A_409], %mul3A_405 {strides = array<i32>} : memref<128x128xf32, #tpu.memory_space<vmem>>, vector<16xf32>,
      }
      %scan3A_31 = arith.constant 32 : i32
      "tpu.region"() ({
        %run_scoped3A = tpu.sem_alloc : memref<!tpu.dma_semaphore, #tpu.memory_space<semaphore_mem>>
        %dma_start3A_32 = arith.constant 0 : i32
        %dma_start3A_33 = tpu.memref_slice %arg9[%scan3A_15, %dma_start3A_32] : memref<81x128xi32, #tpu.memory_space<vmem>> -> memref<1x128xi32, #tpu.memory_space<vmem>>
        %dma_start3A_34 = tpu.memref_squeeze %dma_start3A_33 : memref<1x128xi32, #tpu.memory_space<vmem>> -> memref<128xi32, #tpu.memory_space<vmem>>
        %dma_start3A_35 = arith.constant 0 : i32
        %dma_start3A_36 = arith.constant 0 : i32
        %dma_start3A_37 = tpu.memref_slice %arg12[%dma_start3A_35, %dma_start3A_36] : memref<10112x128xf32, #tpu.memory_space<vmem_shared>> -> memref<10112x128xf32, #tpu.memory_space<vmem_shared>>
        tpu.enqueue_indirect_dma source(%arg11 : memref<128x128xf32, #tpu.memory_space<vmem>>) target(%dma_start3A_37 : memref<10112x128xf32, #tpu.memory_space<vmem_shared>>) offsets(%dma_start3A_34 : memref<128xi32, #tpu.memory_space<vmem>>) semaphore(%run_scoped3A : memref<!tpu.dma_semaphore, #tpu.memory_space<semaphore_mem>>) {add = true}
        %dma_wait3A_38 = arith.constant 0 : i32
        %dma_wait3A_39 = tpu.memref_slice %arg9[%scan3A_15, %dma_wait3A_38] : memref<81x128xi32, #tpu.memory_space<vmem>> -> memref<1x128xi32, #tpu.memory_space<vmem>>
        %dma_wait3A_40 = tpu.memref_squeeze %dma_wait3A_39 : memref<1x128xi32, #tpu.memory_space<vmem>> -> memref<128xi32, #tpu.memory_space<vmem>>
        %dma_wait3A_41 = arith.constant 0 : i32
        %dma_wait3A_42 = arith.constant 0 : i32
        %dma_wait3A_43 = tpu.memref_slice %arg12[%dma_wait3A_41, %dma_wait3A_42] : memref<10112x128xf32, #tpu.memory_space<vmem_shared>> -> memref<10112x128xf32, #tpu.memory_space<vmem_shared>>
        tpu.wait_indirect_dma semaphore(%run_scoped3A : memref<!tpu.dma_semaphore, #tpu.memory_space<semaphore_mem>>) src(%arg11 : memref<128x128xf32, #tpu.memory_space<vmem>>) dst(%dma_wait3A_43 : memref<10112x128xf32, #tpu.memory_space<vmem_shared>>)
        tpu.yield
      }) : () -> ()
    }
    %scan3A_9 = arith.constant 81 : i32
    %barrier3A_10 = arith.constant 0 : index
    tpu.barrier barrier_id(%barrier3A_10)
    %mul3A_11 = arith.constant 632 : i32
    %mul3A_12 = arith.muli %arg1, %mul3A_11 : i32
    %mul3A_13 = arith.constant 632 : i32
    %mul3A_14 = arith.muli %arg1, %mul3A_13 : i32
    "tpu.region"() ({
      %run_scoped3A = tpu.sem_alloc : memref<!tpu.dma_semaphore, #tpu.memory_space<semaphore_mem>>
      %dma_start3A = arith.constant 0 : i32
      %dma_start3A_15 = tpu.memref_slice %arg7[%arg0, %mul3A_14, %dma_start3A] : memref<2x10112x128xf32, #tpu.memory_space<hbm>> -> memref<1x632x128xf32, #tpu.memory_space<hbm>>
      %dma_start3A_16 = tpu.memref_squeeze %dma_start3A_15 : memref<1x632x128xf32, #tpu.memory_space<hbm>> -> memref<632x128xf32, #tpu.memory_space<hbm>>
      %dma_start3A_17 = arith.constant 0 : i32
      %dma_start3A_18 = tpu.memref_slice %arg12[%mul3A_12, %dma_start3A_17] : memref<10112x128xf32, #tpu.memory_space<vmem_shared>> -> memref<632x128xf32, #tpu.memory_space<vmem_shared>>
      tpu.enqueue_dma source(%dma_start3A_18 : memref<632x128xf32, #tpu.memory_space<vmem_shared>>) target(%dma_start3A_16 : memref<632x128xf32, #tpu.memory_space<hbm>>) target_semaphore(%run_scoped3A : memref<!tpu.dma_semaphore, #tpu.memory_space<semaphore_mem>>)
      %dma_wait3A = arith.constant 0 : i32
      %dma_wait3A_19 = tpu.memref_slice %arg7[%arg0, %mul3A_14, %dma_wait3A] : memref<2x10112x128xf32, #tpu.memory_space<hbm>> -> memref<1x632x128xf32, #tpu.memory_space<hbm>>
      %dma_wait3A_20 = tpu.memref_squeeze %dma_wait3A_19 : memref<1x632x128xf32, #tpu.memory_space<hbm>> -> memref<632x128xf32, #tpu.memory_space<hbm>>
      %dma_wait3A_21 = arith.constant 0 : i32
      %dma_wait3A_22 = tpu.memref_slice %arg12[%mul3A_12, %dma_wait3A_21] : memref<10112x128xf32, #tpu.memory_space<vmem_shared>> -> memref<632x128xf32, #tpu.memory_space<vmem_shared>>
      tpu.wait_dma2 semaphore(%run_scoped3A : memref<!tpu.dma_semaphore, #tpu.memory_space<semaphore_mem>>) src(%dma_wait3A_22 : memref<632x128xf32, #tpu.memory_space<vmem_shared>>) dst(%dma_wait3A_20 : memref<632x128xf32, #tpu.memory_space<hbm>>)
      tpu.yield
    }) : () -> ()
    return
  }
}

#map = affine_map<(d0, d1) -> (0, 0)>
#map1 = affine_map<(d0, d1) -> (0, 0, 0)>
module attributes {stable_mosaic.version = 14 : i64} {
  func.func @_sc_segsum_rows(%arg0: i32, %arg1: i32, %arg2: memref<10000x128xf32, #tpu.memory_space<hbm>>, %arg3: memref<32x81x128xi32, #tpu.memory_space<hbm>>, %arg4: memref<32x81x128xi32, #tpu.memory_space<hbm>>, %arg5: memref<32x10368xf32, #tpu.memory_space<hbm>>, %arg6: memref<10112x128xf32, #tpu.memory_space<hbm>>, %arg7: memref<2x10112x128xf32, #tpu.memory_space<hbm>>, %arg8: memref<81x128xi32, #tpu.memory_space<vmem>>, %arg9: memref<81x128xi32, #tpu.memory_space<vmem>>, %arg10: memref<10368xf32, #tpu.memory_space<vmem>>, %arg11: memref<128x128xf32, #tpu.memory_space<vmem>>, %arg12: memref<10112x128xf32, #tpu.memory_space<vmem_shared>>, %arg13: memref<!tpu.dma_semaphore, #tpu.memory_space<semaphore_mem>>) attributes {dimension_semantics = [#tpu.dimension_semantics<core_parallel>, #tpu.dimension_semantics<subcore_parallel>], iteration_bounds = array<i64: 2, 16>, scalar_prefetch = 0 : i64, scratch_operands = 6 : i64, tpu.core_type = #tpu.core_type<sc_vector_subcore>, window_params = [{transform_indices = #map}, {transform_indices = #map1}, {transform_indices = #map1}, {transform_indices = #map}, {transform_indices = #map}, {transform_indices = #map1}]} {
    %mul3A = arith.constant 16 : i32
    %mul3A_0 = arith.muli %arg0, %mul3A : i32
    %add3A = arith.addi %mul3A_0, %arg1 : i32
    "tpu.region"() ({
      %run_scoped3A = tpu.sem_alloc : memref<!tpu.dma_semaphore, #tpu.memory_space<semaphore_mem>>
      %dma_start3A = arith.constant 0 : i32
      %dma_start3A_15 = arith.constant 0 : i32
      %dma_start3A_16 = tpu.memref_slice %arg3[%add3A, %dma_start3A, %dma_start3A_15] : memref<32x81x128xi32, #tpu.memory_space<hbm>> -> memref<1x81x128xi32, #tpu.memory_space<hbm>>
      %dma_start3A_17 = tpu.memref_squeeze %dma_start3A_16 : memref<1x81x128xi32, #tpu.memory_space<hbm>> -> memref<81x128xi32, #tpu.memory_space<hbm>>
      %dma_start3A_18 = arith.constant 0 : i32
      %dma_start3A_19 = arith.constant 0 : i32
      %dma_start3A_20 = tpu.memref_slice %arg3[%add3A, %dma_start3A_18, %dma_start3A_19] : memref<32x81x128xi32, #tpu.memory_space<hbm>> -> memref<1x81x128xi32, #tpu.memory_space<hbm>>
      %dma_start3A_21 = tpu.memref_squeeze %dma_start3A_20 : memref<1x81x128xi32, #tpu.memory_space<hbm>> -> memref<81x128xi32, #tpu.memory_space<hbm>>
      tpu.enqueue_dma source(%dma_start3A_21 : memref<81x128xi32, #tpu.memory_space<hbm>>) target(%arg8 : memref<81x128xi32, #tpu.memory_space<vmem>>) target_semaphore(%run_scoped3A : memref<!tpu.dma_semaphore, #tpu.memory_space<semaphore_mem>>)
      %dma_wait3A = arith.constant 0 : i32
      %dma_wait3A_22 = arith.constant 0 : i32
      %dma_wait3A_23 = tpu.memref_slice %arg3[%add3A, %dma_wait3A, %dma_wait3A_22] : memref<32x81x128xi32, #tpu.memory_space<hbm>> -> memref<1x81x128xi32, #tpu.memory_space<hbm>>
      %dma_wait3A_24 = tpu.memref_squeeze %dma_wait3A_23 : memref<1x81x128xi32, #tpu.memory_space<hbm>> -> memref<81x128xi32, #tpu.memory_space<hbm>>
      %dma_wait3A_25 = arith.constant 0 : i32
      %dma_wait3A_26 = arith.constant 0 : i32
      %dma_wait3A_27 = tpu.memref_slice %arg3[%add3A, %dma_wait3A_25, %dma_wait3A_26] : memref<32x81x128xi32, #tpu.memory_space<hbm>> -> memref<1x81x128xi32, #tpu.memory_space<hbm>>
      %dma_wait3A_28 = tpu.memref_squeeze %dma_wait3A_27 : memref<1x81x128xi32, #tpu.memory_space<hbm>> -> memref<81x128xi32, #tpu.memory_space<hbm>>
      tpu.wait_dma2 semaphore(%run_scoped3A : memref<!tpu.dma_semaphore, #tpu.memory_space<semaphore_mem>>) src(%dma_wait3A_28 : memref<81x128xi32, #tpu.memory_space<hbm>>) dst(%arg8 : memref<81x128xi32, #tpu.memory_space<vmem>>)
      tpu.yield
    }) : () -> ()
    "tpu.region"() ({
      %run_scoped3A = tpu.sem_alloc : memref<!tpu.dma_semaphore, #tpu.memory_space<semaphore_mem>>
      %dma_start3A = arith.constant 0 : i32
      %dma_start3A_15 = arith.constant 0 : i32
      %dma_start3A_16 = tpu.memref_slice %arg4[%add3A, %dma_start3A, %dma_start3A_15] : memref<32x81x128xi32, #tpu.memory_space<hbm>> -> memref<1x81x128xi32, #tpu.memory_space<hbm>>
      %dma_start3A_17 = tpu.memref_squeeze %dma_start3A_16 : memref<1x81x128xi32, #tpu.memory_space<hbm>> -> memref<81x128xi32, #tpu.memory_space<hbm>>
      %dma_start3A_18 = arith.constant 0 : i32
      %dma_start3A_19 = arith.constant 0 : i32
      %dma_start3A_20 = tpu.memref_slice %arg4[%add3A, %dma_start3A_18, %dma_start3A_19] : memref<32x81x128xi32, #tpu.memory_space<hbm>> -> memref<1x81x128xi32, #tpu.memory_space<hbm>>
      %dma_start3A_21 = tpu.memref_squeeze %dma_start3A_20 : memref<1x81x128xi32, #tpu.memory_space<hbm>> -> memref<81x128xi32, #tpu.memory_space<hbm>>
      tpu.enqueue_dma source(%dma_start3A_21 : memref<81x128xi32, #tpu.memory_space<hbm>>) target(%arg9 : memref<81x128xi32, #tpu.memory_space<vmem>>) target_semaphore(%run_scoped3A : memref<!tpu.dma_semaphore, #tpu.memory_space<semaphore_mem>>)
      %dma_wait3A = arith.constant 0 : i32
      %dma_wait3A_22 = arith.constant 0 : i32
      %dma_wait3A_23 = tpu.memref_slice %arg4[%add3A, %dma_wait3A, %dma_wait3A_22] : memref<32x81x128xi32, #tpu.memory_space<hbm>> -> memref<1x81x128xi32, #tpu.memory_space<hbm>>
      %dma_wait3A_24 = tpu.memref_squeeze %dma_wait3A_23 : memref<1x81x128xi32, #tpu.memory_space<hbm>> -> memref<81x128xi32, #tpu.memory_space<hbm>>
      %dma_wait3A_25 = arith.constant 0 : i32
      %dma_wait3A_26 = arith.constant 0 : i32
      %dma_wait3A_27 = tpu.memref_slice %arg4[%add3A, %dma_wait3A_25, %dma_wait3A_26] : memref<32x81x128xi32, #tpu.memory_space<hbm>> -> memref<1x81x128xi32, #tpu.memory_space<hbm>>
      %dma_wait3A_28 = tpu.memref_squeeze %dma_wait3A_27 : memref<1x81x128xi32, #tpu.memory_space<hbm>> -> memref<81x128xi32, #tpu.memory_space<hbm>>
      tpu.wait_dma2 semaphore(%run_scoped3A : memref<!tpu.dma_semaphore, #tpu.memory_space<semaphore_mem>>) src(%dma_wait3A_28 : memref<81x128xi32, #tpu.memory_space<hbm>>) dst(%arg9 : memref<81x128xi32, #tpu.memory_space<vmem>>)
      tpu.yield
    }) : () -> ()
    "tpu.region"() ({
      %run_scoped3A = tpu.sem_alloc : memref<!tpu.dma_semaphore, #tpu.memory_space<semaphore_mem>>
      %dma_start3A = arith.constant 0 : i32
      %dma_start3A_15 = tpu.memref_slice %arg5[%add3A, %dma_start3A] : memref<32x10368xf32, #tpu.memory_space<hbm>> -> memref<1x10368xf32, #tpu.memory_space<hbm>>
      %dma_start3A_16 = tpu.memref_squeeze %dma_start3A_15 : memref<1x10368xf32, #tpu.memory_space<hbm>> -> memref<10368xf32, #tpu.memory_space<hbm>>
      %dma_start3A_17 = arith.constant 0 : i32
      %dma_start3A_18 = tpu.memref_slice %arg5[%add3A, %dma_start3A_17] : memref<32x10368xf32, #tpu.memory_space<hbm>> -> memref<1x10368xf32, #tpu.memory_space<hbm>>
      %dma_start3A_19 = tpu.memref_squeeze %dma_start3A_18 : memref<1x10368xf32, #tpu.memory_space<hbm>> -> memref<10368xf32, #tpu.memory_space<hbm>>
      tpu.enqueue_dma source(%dma_start3A_19 : memref<10368xf32, #tpu.memory_space<hbm>>) target(%arg10 : memref<10368xf32, #tpu.memory_space<vmem>>) target_semaphore(%run_scoped3A : memref<!tpu.dma_semaphore, #tpu.memory_space<semaphore_mem>>)
      %dma_wait3A = arith.constant 0 : i32
      %dma_wait3A_20 = tpu.memref_slice %arg5[%add3A, %dma_wait3A] : memref<32x10368xf32, #tpu.memory_space<hbm>> -> memref<1x10368xf32, #tpu.memory_space<hbm>>
      %dma_wait3A_21 = tpu.memref_squeeze %dma_wait3A_20 : memref<1x10368xf32, #tpu.memory_space<hbm>> -> memref<10368xf32, #tpu.memory_space<hbm>>
      %dma_wait3A_22 = arith.constant 0 : i32
      %dma_wait3A_23 = tpu.memref_slice %arg5[%add3A, %dma_wait3A_22] : memref<32x10368xf32, #tpu.memory_space<hbm>> -> memref<1x10368xf32, #tpu.memory_space<hbm>>
      %dma_wait3A_24 = tpu.memref_squeeze %dma_wait3A_23 : memref<1x10368xf32, #tpu.memory_space<hbm>> -> memref<10368xf32, #tpu.memory_space<hbm>>
      tpu.wait_dma2 semaphore(%run_scoped3A : memref<!tpu.dma_semaphore, #tpu.memory_space<semaphore_mem>>) src(%dma_wait3A_24 : memref<10368xf32, #tpu.memory_space<hbm>>) dst(%arg10 : memref<10368xf32, #tpu.memory_space<vmem>>)
      tpu.yield
    }) : () -> ()
    %mul3A_1 = arith.constant 632 : i32
    %mul3A_2 = arith.muli %arg1, %mul3A_1 : i32
    %mul3A_3 = arith.constant 632 : i32
    %mul3A_4 = arith.muli %arg1, %mul3A_3 : i32
    "tpu.region"() ({
      %run_scoped3A = tpu.sem_alloc : memref<!tpu.dma_semaphore, #tpu.memory_space<semaphore_mem>>
      %dma_start3A = arith.constant 0 : i32
      %dma_start3A_15 = tpu.memref_slice %arg12[%mul3A_4, %dma_start3A] : memref<10112x128xf32, #tpu.memory_space<vmem_shared>> -> memref<632x128xf32, #tpu.memory_space<vmem_shared>>
      %dma_start3A_16 = arith.constant 0 : i32
      %dma_start3A_17 = tpu.memref_slice %arg6[%mul3A_2, %dma_start3A_16] : memref<10112x128xf32, #tpu.memory_space<hbm>> -> memref<632x128xf32, #tpu.memory_space<hbm>>
      tpu.enqueue_dma source(%dma_start3A_17 : memref<632x128xf32, #tpu.memory_space<hbm>>) target(%dma_start3A_15 : memref<632x128xf32, #tpu.memory_space<vmem_shared>>) target_semaphore(%run_scoped3A : memref<!tpu.dma_semaphore, #tpu.memory_space<semaphore_mem>>)
      %dma_wait3A = arith.constant 0 : i32
      %dma_wait3A_18 = tpu.memref_slice %arg12[%mul3A_4, %dma_wait3A] : memref<10112x128xf32, #tpu.memory_space<vmem_shared>> -> memref<632x128xf32, #tpu.memory_space<vmem_shared>>
      %dma_wait3A_19 = arith.constant 0 : i32
      %dma_wait3A_20 = tpu.memref_slice %arg6[%mul3A_2, %dma_wait3A_19] : memref<10112x128xf32, #tpu.memory_space<hbm>> -> memref<632x128xf32, #tpu.memory_space<hbm>>
      tpu.wait_dma2 semaphore(%run_scoped3A : memref<!tpu.dma_semaphore, #tpu.memory_space<semaphore_mem>>) src(%dma_wait3A_20 : memref<632x128xf32, #tpu.memory_space<hbm>>) dst(%dma_wait3A_18 : memref<632x128xf32, #tpu.memory_space<vmem_shared>>)
      tpu.yield
    }) : () -> ()
    %barrier3A = arith.constant 0 : index
    tpu.barrier barrier_id(%barrier3A)
    %scan3A = arith.constant 0 : i32
    %scan3A_5 = arith.constant 0 : i32
    %scan3A_6 = arith.constant 81 : i32
    %scan3A_7 = arith.addi %scan3A_5, %scan3A_6 : i32
    %scan3A_8 = arith.constant 1 : i32
    scf.for %scan3A_15 = %scan3A_5 to %scan3A_7 step %scan3A_8  : i32 {
      %dma_start3A = arith.constant 0 : i32
      %dma_start3A_16 = tpu.memref_slice %arg8[%scan3A_15, %dma_start3A] : memref<81x128xi32, #tpu.memory_space<vmem>> -> memref<1x128xi32, #tpu.memory_space<vmem>>
      %dma_start3A_17 = tpu.memref_squeeze %dma_start3A_16 : memref<1x128xi32, #tpu.memory_space<vmem>> -> memref<128xi32, #tpu.memory_space<vmem>>
      %dma_start3A_18 = arith.constant 0 : i32
      %dma_start3A_19 = arith.constant 0 : i32
      %dma_start3A_20 = tpu.memref_slice %arg2[%dma_start3A_18, %dma_start3A_19] : memref<10000x128xf32, #tpu.memory_space<hbm>> -> memref<10000x128xf32, #tpu.memory_space<hbm>>
      tpu.enqueue_indirect_dma source(%dma_start3A_20 : memref<10000x128xf32, #tpu.memory_space<hbm>>) target(%arg11 : memref<128x128xf32, #tpu.memory_space<vmem>>) offsets(%dma_start3A_17 : memref<128xi32, #tpu.memory_space<vmem>>) semaphore(%arg13 : memref<!tpu.dma_semaphore, #tpu.memory_space<semaphore_mem>>)
      %dma_wait3A = arith.constant 0 : i32
      %dma_wait3A_21 = tpu.memref_slice %arg8[%scan3A_15, %dma_wait3A] : memref<81x128xi32, #tpu.memory_space<vmem>> -> memref<1x128xi32, #tpu.memory_space<vmem>>
      %dma_wait3A_22 = tpu.memref_squeeze %dma_wait3A_21 : memref<1x128xi32, #tpu.memory_space<vmem>> -> memref<128xi32, #tpu.memory_space<vmem>>
      %dma_wait3A_23 = arith.constant 0 : i32
      %dma_wait3A_24 = arith.constant 0 : i32
      %dma_wait3A_25 = tpu.memref_slice %arg2[%dma_wait3A_23, %dma_wait3A_24] : memref<10000x128xf32, #tpu.memory_space<hbm>> -> memref<10000x128xf32, #tpu.memory_space<hbm>>
      tpu.wait_indirect_dma semaphore(%arg13 : memref<!tpu.dma_semaphore, #tpu.memory_space<semaphore_mem>>) src(%dma_wait3A_25 : memref<10000x128xf32, #tpu.memory_space<hbm>>) dst(%arg11 : memref<128x128xf32, #tpu.memory_space<vmem>>)
      %scan3A_26 = arith.constant 0 : i32
      %scan3A_27 = arith.constant 0 : i32
      %scan3A_28 = arith.constant 32 : i32
      %scan3A_29 = arith.addi %scan3A_27, %scan3A_28 : i32
      %scan3A_30 = arith.constant 1 : i32
      scf.for %scan3A_32 = %scan3A_27 to %scan3A_29 step %scan3A_30  : i32 {
        %mul3A_33 = arith.constant 4 : i32
        %mul3A_34 = arith.muli %scan3A_32, %mul3A_33 : i32
        %mul3A_35 = arith.constant 128 : i32
        %mul3A_36 = arith.muli %scan3A_15, %mul3A_35 : i32
        %add3A_37 = arith.addi %mul3A_36, %mul3A_34 : i32
        %add3A_38 = arith.constant 0 : i32
        %add3A_39 = arith.addi %add3A_37, %add3A_38 : i32
        %broadcast_in_dim3A = vector.broadcast %add3A_39 : i32 to vector<16xi32>
        %gather3A = tpu.vector_load_idx %arg10[%broadcast_in_dim3A] : memref<10368xf32, #tpu.memory_space<vmem>>[vector<16xi32>], vector<16xf32>,
        %add3A_40 = arith.constant 0 : i32
        %add3A_41 = arith.addi %mul3A_34, %add3A_40 : i32
        %get3A = arith.index_cast %add3A_41 : i32 to index
        %get3A_42 = arith.constant 0 : index
        %get3A_43 = tpu.vector_load %arg11[%get3A, %get3A_42] {strides = array<i32>} : memref<128x128xf32, #tpu.memory_space<vmem>>, vector<16xf32>,
        %mul3A_44 = arith.mulf %get3A_43, %gather3A : vector<16xf32>
        %add3A_45 = arith.constant 0 : i32
        %add3A_46 = arith.addi %mul3A_34, %add3A_45 : i32
        %swap3A = arith.index_cast %add3A_46 : i32 to index
        %swap3A_47 = arith.constant 0 : index
        %swap3A_48 = tpu.vector_load %arg11[%swap3A, %swap3A_47] {strides = array<i32>} : memref<128x128xf32, #tpu.memory_space<vmem>>, vector<16xf32>,
        tpu.vector_store %arg11[%swap3A, %swap3A_47], %mul3A_44 {strides = array<i32>} : memref<128x128xf32, #tpu.memory_space<vmem>>, vector<16xf32>,
        %add3A_49 = arith.constant 0 : i32
        %add3A_50 = arith.addi %mul3A_34, %add3A_49 : i32
        %get3A_51 = arith.index_cast %add3A_50 : i32 to index
        %get3A_52 = arith.constant 16 : index
        %get3A_53 = tpu.vector_load %arg11[%get3A_51, %get3A_52] {strides = array<i32>} : memref<128x128xf32, #tpu.memory_space<vmem>>, vector<16xf32>,
        %mul3A_54 = arith.mulf %get3A_53, %gather3A : vector<16xf32>
        %add3A_55 = arith.constant 0 : i32
        %add3A_56 = arith.addi %mul3A_34, %add3A_55 : i32
        %swap3A_57 = arith.index_cast %add3A_56 : i32 to index
        %swap3A_58 = arith.constant 16 : index
        %swap3A_59 = tpu.vector_load %arg11[%swap3A_57, %swap3A_58] {strides = array<i32>} : memref<128x128xf32, #tpu.memory_space<vmem>>, vector<16xf32>,
        tpu.vector_store %arg11[%swap3A_57, %swap3A_58], %mul3A_54 {strides = array<i32>} : memref<128x128xf32, #tpu.memory_space<vmem>>, vector<16xf32>,
        %add3A_60 = arith.constant 0 : i32
        %add3A_61 = arith.addi %mul3A_34, %add3A_60 : i32
        %get3A_62 = arith.index_cast %add3A_61 : i32 to index
        %get3A_63 = arith.constant 32 : index
        %get3A_64 = tpu.vector_load %arg11[%get3A_62, %get3A_63] {strides = array<i32>} : memref<128x128xf32, #tpu.memory_space<vmem>>, vector<16xf32>,
        %mul3A_65 = arith.mulf %get3A_64, %gather3A : vector<16xf32>
        %add3A_66 = arith.constant 0 : i32
        %add3A_67 = arith.addi %mul3A_34, %add3A_66 : i32
        %swap3A_68 = arith.index_cast %add3A_67 : i32 to index
        %swap3A_69 = arith.constant 32 : index
        %swap3A_70 = tpu.vector_load %arg11[%swap3A_68, %swap3A_69] {strides = array<i32>} : memref<128x128xf32, #tpu.memory_space<vmem>>, vector<16xf32>,
        tpu.vector_store %arg11[%swap3A_68, %swap3A_69], %mul3A_65 {strides = array<i32>} : memref<128x128xf32, #tpu.memory_space<vmem>>, vector<16xf32>,
        %add3A_71 = arith.constant 0 : i32
        %add3A_72 = arith.addi %mul3A_34, %add3A_71 : i32
        %get3A_73 = arith.index_cast %add3A_72 : i32 to index
        %get3A_74 = arith.constant 48 : index
        %get3A_75 = tpu.vector_load %arg11[%get3A_73, %get3A_74] {strides = array<i32>} : memref<128x128xf32, #tpu.memory_space<vmem>>, vector<16xf32>,
        %mul3A_76 = arith.mulf %get3A_75, %gather3A : vector<16xf32>
        %add3A_77 = arith.constant 0 : i32
        %add3A_78 = arith.addi %mul3A_34, %add3A_77 : i32
        %swap3A_79 = arith.index_cast %add3A_78 : i32 to index
        %swap3A_80 = arith.constant 48 : index
        %swap3A_81 = tpu.vector_load %arg11[%swap3A_79, %swap3A_80] {strides = array<i32>} : memref<128x128xf32, #tpu.memory_space<vmem>>, vector<16xf32>,
        tpu.vector_store %arg11[%swap3A_79, %swap3A_80], %mul3A_76 {strides = array<i32>} : memref<128x128xf32, #tpu.memory_space<vmem>>, vector<16xf32>,
        %add3A_82 = arith.constant 0 : i32
        %add3A_83 = arith.addi %mul3A_34, %add3A_82 : i32
        %get3A_84 = arith.index_cast %add3A_83 : i32 to index
        %get3A_85 = arith.constant 64 : index
        %get3A_86 = tpu.vector_load %arg11[%get3A_84, %get3A_85] {strides = array<i32>} : memref<128x128xf32, #tpu.memory_space<vmem>>, vector<16xf32>,
        %mul3A_87 = arith.mulf %get3A_86, %gather3A : vector<16xf32>
        %add3A_88 = arith.constant 0 : i32
        %add3A_89 = arith.addi %mul3A_34, %add3A_88 : i32
        %swap3A_90 = arith.index_cast %add3A_89 : i32 to index
        %swap3A_91 = arith.constant 64 : index
        %swap3A_92 = tpu.vector_load %arg11[%swap3A_90, %swap3A_91] {strides = array<i32>} : memref<128x128xf32, #tpu.memory_space<vmem>>, vector<16xf32>,
        tpu.vector_store %arg11[%swap3A_90, %swap3A_91], %mul3A_87 {strides = array<i32>} : memref<128x128xf32, #tpu.memory_space<vmem>>, vector<16xf32>,
        %add3A_93 = arith.constant 0 : i32
        %add3A_94 = arith.addi %mul3A_34, %add3A_93 : i32
        %get3A_95 = arith.index_cast %add3A_94 : i32 to index
        %get3A_96 = arith.constant 80 : index
        %get3A_97 = tpu.vector_load %arg11[%get3A_95, %get3A_96] {strides = array<i32>} : memref<128x128xf32, #tpu.memory_space<vmem>>, vector<16xf32>,
        %mul3A_98 = arith.mulf %get3A_97, %gather3A : vector<16xf32>
        %add3A_99 = arith.constant 0 : i32
        %add3A_100 = arith.addi %mul3A_34, %add3A_99 : i32
        %swap3A_101 = arith.index_cast %add3A_100 : i32 to index
        %swap3A_102 = arith.constant 80 : index
        %swap3A_103 = tpu.vector_load %arg11[%swap3A_101, %swap3A_102] {strides = array<i32>} : memref<128x128xf32, #tpu.memory_space<vmem>>, vector<16xf32>,
        tpu.vector_store %arg11[%swap3A_101, %swap3A_102], %mul3A_98 {strides = array<i32>} : memref<128x128xf32, #tpu.memory_space<vmem>>, vector<16xf32>,
        %add3A_104 = arith.constant 0 : i32
        %add3A_105 = arith.addi %mul3A_34, %add3A_104 : i32
        %get3A_106 = arith.index_cast %add3A_105 : i32 to index
        %get3A_107 = arith.constant 96 : index
        %get3A_108 = tpu.vector_load %arg11[%get3A_106, %get3A_107] {strides = array<i32>} : memref<128x128xf32, #tpu.memory_space<vmem>>, vector<16xf32>,
        %mul3A_109 = arith.mulf %get3A_108, %gather3A : vector<16xf32>
        %add3A_110 = arith.constant 0 : i32
        %add3A_111 = arith.addi %mul3A_34, %add3A_110 : i32
        %swap3A_112 = arith.index_cast %add3A_111 : i32 to index
        %swap3A_113 = arith.constant 96 : index
        %swap3A_114 = tpu.vector_load %arg11[%swap3A_112, %swap3A_113] {strides = array<i32>} : memref<128x128xf32, #tpu.memory_space<vmem>>, vector<16xf32>,
        tpu.vector_store %arg11[%swap3A_112, %swap3A_113], %mul3A_109 {strides = array<i32>} : memref<128x128xf32, #tpu.memory_space<vmem>>, vector<16xf32>,
        %add3A_115 = arith.constant 0 : i32
        %add3A_116 = arith.addi %mul3A_34, %add3A_115 : i32
        %get3A_117 = arith.index_cast %add3A_116 : i32 to index
        %get3A_118 = arith.constant 112 : index
        %get3A_119 = tpu.vector_load %arg11[%get3A_117, %get3A_118] {strides = array<i32>} : memref<128x128xf32, #tpu.memory_space<vmem>>, vector<16xf32>,
        %mul3A_120 = arith.mulf %get3A_119, %gather3A : vector<16xf32>
        %add3A_121 = arith.constant 0 : i32
        %add3A_122 = arith.addi %mul3A_34, %add3A_121 : i32
        %swap3A_123 = arith.index_cast %add3A_122 : i32 to index
        %swap3A_124 = arith.constant 112 : index
        %swap3A_125 = tpu.vector_load %arg11[%swap3A_123, %swap3A_124] {strides = array<i32>} : memref<128x128xf32, #tpu.memory_space<vmem>>, vector<16xf32>,
        tpu.vector_store %arg11[%swap3A_123, %swap3A_124], %mul3A_120 {strides = array<i32>} : memref<128x128xf32, #tpu.memory_space<vmem>>, vector<16xf32>,
        %mul3A_126 = arith.constant 128 : i32
        %mul3A_127 = arith.muli %scan3A_15, %mul3A_126 : i32
        %add3A_128 = arith.addi %mul3A_127, %mul3A_34 : i32
        %add3A_129 = arith.constant 1 : i32
        %add3A_130 = arith.addi %add3A_128, %add3A_129 : i32
        %broadcast_in_dim3A_131 = vector.broadcast %add3A_130 : i32 to vector<16xi32>
        %gather3A_132 = tpu.vector_load_idx %arg10[%broadcast_in_dim3A_131] : memref<10368xf32, #tpu.memory_space<vmem>>[vector<16xi32>], vector<16xf32>,
        %add3A_133 = arith.constant 1 : i32
        %add3A_134 = arith.addi %mul3A_34, %add3A_133 : i32
        %get3A_135 = arith.index_cast %add3A_134 : i32 to index
        %get3A_136 = arith.constant 0 : index
        %get3A_137 = tpu.vector_load %arg11[%get3A_135, %get3A_136] {strides = array<i32>} : memref<128x128xf32, #tpu.memory_space<vmem>>, vector<16xf32>,
        %mul3A_138 = arith.mulf %get3A_137, %gather3A_132 : vector<16xf32>
        %add3A_139 = arith.constant 1 : i32
        %add3A_140 = arith.addi %mul3A_34, %add3A_139 : i32
        %swap3A_141 = arith.index_cast %add3A_140 : i32 to index
        %swap3A_142 = arith.constant 0 : index
        %swap3A_143 = tpu.vector_load %arg11[%swap3A_141, %swap3A_142] {strides = array<i32>} : memref<128x128xf32, #tpu.memory_space<vmem>>, vector<16xf32>,
        tpu.vector_store %arg11[%swap3A_141, %swap3A_142], %mul3A_138 {strides = array<i32>} : memref<128x128xf32, #tpu.memory_space<vmem>>, vector<16xf32>,
        %add3A_144 = arith.constant 1 : i32
        %add3A_145 = arith.addi %mul3A_34, %add3A_144 : i32
        %get3A_146 = arith.index_cast %add3A_145 : i32 to index
        %get3A_147 = arith.constant 16 : index
        %get3A_148 = tpu.vector_load %arg11[%get3A_146, %get3A_147] {strides = array<i32>} : memref<128x128xf32, #tpu.memory_space<vmem>>, vector<16xf32>,
        %mul3A_149 = arith.mulf %get3A_148, %gather3A_132 : vector<16xf32>
        %add3A_150 = arith.constant 1 : i32
        %add3A_151 = arith.addi %mul3A_34, %add3A_150 : i32
        %swap3A_152 = arith.index_cast %add3A_151 : i32 to index
        %swap3A_153 = arith.constant 16 : index
        %swap3A_154 = tpu.vector_load %arg11[%swap3A_152, %swap3A_153] {strides = array<i32>} : memref<128x128xf32, #tpu.memory_space<vmem>>, vector<16xf32>,
        tpu.vector_store %arg11[%swap3A_152, %swap3A_153], %mul3A_149 {strides = array<i32>} : memref<128x128xf32, #tpu.memory_space<vmem>>, vector<16xf32>,
        %add3A_155 = arith.constant 1 : i32
        %add3A_156 = arith.addi %mul3A_34, %add3A_155 : i32
        %get3A_157 = arith.index_cast %add3A_156 : i32 to index
        %get3A_158 = arith.constant 32 : index
        %get3A_159 = tpu.vector_load %arg11[%get3A_157, %get3A_158] {strides = array<i32>} : memref<128x128xf32, #tpu.memory_space<vmem>>, vector<16xf32>,
        %mul3A_160 = arith.mulf %get3A_159, %gather3A_132 : vector<16xf32>
        %add3A_161 = arith.constant 1 : i32
        %add3A_162 = arith.addi %mul3A_34, %add3A_161 : i32
        %swap3A_163 = arith.index_cast %add3A_162 : i32 to index
        %swap3A_164 = arith.constant 32 : index
        %swap3A_165 = tpu.vector_load %arg11[%swap3A_163, %swap3A_164] {strides = array<i32>} : memref<128x128xf32, #tpu.memory_space<vmem>>, vector<16xf32>,
        tpu.vector_store %arg11[%swap3A_163, %swap3A_164], %mul3A_160 {strides = array<i32>} : memref<128x128xf32, #tpu.memory_space<vmem>>, vector<16xf32>,
        %add3A_166 = arith.constant 1 : i32
        %add3A_167 = arith.addi %mul3A_34, %add3A_166 : i32
        %get3A_168 = arith.index_cast %add3A_167 : i32 to index
        %get3A_169 = arith.constant 48 : index
        %get3A_170 = tpu.vector_load %arg11[%get3A_168, %get3A_169] {strides = array<i32>} : memref<128x128xf32, #tpu.memory_space<vmem>>, vector<16xf32>,
        %mul3A_171 = arith.mulf %get3A_170, %gather3A_132 : vector<16xf32>
        %add3A_172 = arith.constant 1 : i32
        %add3A_173 = arith.addi %mul3A_34, %add3A_172 : i32
        %swap3A_174 = arith.index_cast %add3A_173 : i32 to index
        %swap3A_175 = arith.constant 48 : index
        %swap3A_176 = tpu.vector_load %arg11[%swap3A_174, %swap3A_175] {strides = array<i32>} : memref<128x128xf32, #tpu.memory_space<vmem>>, vector<16xf32>,
        tpu.vector_store %arg11[%swap3A_174, %swap3A_175], %mul3A_171 {strides = array<i32>} : memref<128x128xf32, #tpu.memory_space<vmem>>, vector<16xf32>,
        %add3A_177 = arith.constant 1 : i32
        %add3A_178 = arith.addi %mul3A_34, %add3A_177 : i32
        %get3A_179 = arith.index_cast %add3A_178 : i32 to index
        %get3A_180 = arith.constant 64 : index
        %get3A_181 = tpu.vector_load %arg11[%get3A_179, %get3A_180] {strides = array<i32>} : memref<128x128xf32, #tpu.memory_space<vmem>>, vector<16xf32>,
        %mul3A_182 = arith.mulf %get3A_181, %gather3A_132 : vector<16xf32>
        %add3A_183 = arith.constant 1 : i32
        %add3A_184 = arith.addi %mul3A_34, %add3A_183 : i32
        %swap3A_185 = arith.index_cast %add3A_184 : i32 to index
        %swap3A_186 = arith.constant 64 : index
        %swap3A_187 = tpu.vector_load %arg11[%swap3A_185, %swap3A_186] {strides = array<i32>} : memref<128x128xf32, #tpu.memory_space<vmem>>, vector<16xf32>,
        tpu.vector_store %arg11[%swap3A_185, %swap3A_186], %mul3A_182 {strides = array<i32>} : memref<128x128xf32, #tpu.memory_space<vmem>>, vector<16xf32>,
        %add3A_188 = arith.constant 1 : i32
        %add3A_189 = arith.addi %mul3A_34, %add3A_188 : i32
        %get3A_190 = arith.index_cast %add3A_189 : i32 to index
        %get3A_191 = arith.constant 80 : index
        %get3A_192 = tpu.vector_load %arg11[%get3A_190, %get3A_191] {strides = array<i32>} : memref<128x128xf32, #tpu.memory_space<vmem>>, vector<16xf32>,
        %mul3A_193 = arith.mulf %get3A_192, %gather3A_132 : vector<16xf32>
        %add3A_194 = arith.constant 1 : i32
        %add3A_195 = arith.addi %mul3A_34, %add3A_194 : i32
        %swap3A_196 = arith.index_cast %add3A_195 : i32 to index
        %swap3A_197 = arith.constant 80 : index
        %swap3A_198 = tpu.vector_load %arg11[%swap3A_196, %swap3A_197] {strides = array<i32>} : memref<128x128xf32, #tpu.memory_space<vmem>>, vector<16xf32>,
        tpu.vector_store %arg11[%swap3A_196, %swap3A_197], %mul3A_193 {strides = array<i32>} : memref<128x128xf32, #tpu.memory_space<vmem>>, vector<16xf32>,
        %add3A_199 = arith.constant 1 : i32
        %add3A_200 = arith.addi %mul3A_34, %add3A_199 : i32
        %get3A_201 = arith.index_cast %add3A_200 : i32 to index
        %get3A_202 = arith.constant 96 : index
        %get3A_203 = tpu.vector_load %arg11[%get3A_201, %get3A_202] {strides = array<i32>} : memref<128x128xf32, #tpu.memory_space<vmem>>, vector<16xf32>,
        %mul3A_204 = arith.mulf %get3A_203, %gather3A_132 : vector<16xf32>
        %add3A_205 = arith.constant 1 : i32
        %add3A_206 = arith.addi %mul3A_34, %add3A_205 : i32
        %swap3A_207 = arith.index_cast %add3A_206 : i32 to index
        %swap3A_208 = arith.constant 96 : index
        %swap3A_209 = tpu.vector_load %arg11[%swap3A_207, %swap3A_208] {strides = array<i32>} : memref<128x128xf32, #tpu.memory_space<vmem>>, vector<16xf32>,
        tpu.vector_store %arg11[%swap3A_207, %swap3A_208], %mul3A_204 {strides = array<i32>} : memref<128x128xf32, #tpu.memory_space<vmem>>, vector<16xf32>,
        %add3A_210 = arith.constant 1 : i32
        %add3A_211 = arith.addi %mul3A_34, %add3A_210 : i32
        %get3A_212 = arith.index_cast %add3A_211 : i32 to index
        %get3A_213 = arith.constant 112 : index
        %get3A_214 = tpu.vector_load %arg11[%get3A_212, %get3A_213] {strides = array<i32>} : memref<128x128xf32, #tpu.memory_space<vmem>>, vector<16xf32>,
        %mul3A_215 = arith.mulf %get3A_214, %gather3A_132 : vector<16xf32>
        %add3A_216 = arith.constant 1 : i32
        %add3A_217 = arith.addi %mul3A_34, %add3A_216 : i32
        %swap3A_218 = arith.index_cast %add3A_217 : i32 to index
        %swap3A_219 = arith.constant 112 : index
        %swap3A_220 = tpu.vector_load %arg11[%swap3A_218, %swap3A_219] {strides = array<i32>} : memref<128x128xf32, #tpu.memory_space<vmem>>, vector<16xf32>,
        tpu.vector_store %arg11[%swap3A_218, %swap3A_219], %mul3A_215 {strides = array<i32>} : memref<128x128xf32, #tpu.memory_space<vmem>>, vector<16xf32>,
        %mul3A_221 = arith.constant 128 : i32
        %mul3A_222 = arith.muli %scan3A_15, %mul3A_221 : i32
        %add3A_223 = arith.addi %mul3A_222, %mul3A_34 : i32
        %add3A_224 = arith.constant 2 : i32
        %add3A_225 = arith.addi %add3A_223, %add3A_224 : i32
        %broadcast_in_dim3A_226 = vector.broadcast %add3A_225 : i32 to vector<16xi32>
        %gather3A_227 = tpu.vector_load_idx %arg10[%broadcast_in_dim3A_226] : memref<10368xf32, #tpu.memory_space<vmem>>[vector<16xi32>], vector<16xf32>,
        %add3A_228 = arith.constant 2 : i32
        %add3A_229 = arith.addi %mul3A_34, %add3A_228 : i32
        %get3A_230 = arith.index_cast %add3A_229 : i32 to index
        %get3A_231 = arith.constant 0 : index
        %get3A_232 = tpu.vector_load %arg11[%get3A_230, %get3A_231] {strides = array<i32>} : memref<128x128xf32, #tpu.memory_space<vmem>>, vector<16xf32>,
        %mul3A_233 = arith.mulf %get3A_232, %gather3A_227 : vector<16xf32>
        %add3A_234 = arith.constant 2 : i32
        %add3A_235 = arith.addi %mul3A_34, %add3A_234 : i32
        %swap3A_236 = arith.index_cast %add3A_235 : i32 to index
        %swap3A_237 = arith.constant 0 : index
        %swap3A_238 = tpu.vector_load %arg11[%swap3A_236, %swap3A_237] {strides = array<i32>} : memref<128x128xf32, #tpu.memory_space<vmem>>, vector<16xf32>,
        tpu.vector_store %arg11[%swap3A_236, %swap3A_237], %mul3A_233 {strides = array<i32>} : memref<128x128xf32, #tpu.memory_space<vmem>>, vector<16xf32>,
        %add3A_239 = arith.constant 2 : i32
        %add3A_240 = arith.addi %mul3A_34, %add3A_239 : i32
        %get3A_241 = arith.index_cast %add3A_240 : i32 to index
        %get3A_242 = arith.constant 16 : index
        %get3A_243 = tpu.vector_load %arg11[%get3A_241, %get3A_242] {strides = array<i32>} : memref<128x128xf32, #tpu.memory_space<vmem>>, vector<16xf32>,
        %mul3A_244 = arith.mulf %get3A_243, %gather3A_227 : vector<16xf32>
        %add3A_245 = arith.constant 2 : i32
        %add3A_246 = arith.addi %mul3A_34, %add3A_245 : i32
        %swap3A_247 = arith.index_cast %add3A_246 : i32 to index
        %swap3A_248 = arith.constant 16 : index
        %swap3A_249 = tpu.vector_load %arg11[%swap3A_247, %swap3A_248] {strides = array<i32>} : memref<128x128xf32, #tpu.memory_space<vmem>>, vector<16xf32>,
        tpu.vector_store %arg11[%swap3A_247, %swap3A_248], %mul3A_244 {strides = array<i32>} : memref<128x128xf32, #tpu.memory_space<vmem>>, vector<16xf32>,
        %add3A_250 = arith.constant 2 : i32
        %add3A_251 = arith.addi %mul3A_34, %add3A_250 : i32
        %get3A_252 = arith.index_cast %add3A_251 : i32 to index
        %get3A_253 = arith.constant 32 : index
        %get3A_254 = tpu.vector_load %arg11[%get3A_252, %get3A_253] {strides = array<i32>} : memref<128x128xf32, #tpu.memory_space<vmem>>, vector<16xf32>,
        %mul3A_255 = arith.mulf %get3A_254, %gather3A_227 : vector<16xf32>
        %add3A_256 = arith.constant 2 : i32
        %add3A_257 = arith.addi %mul3A_34, %add3A_256 : i32
        %swap3A_258 = arith.index_cast %add3A_257 : i32 to index
        %swap3A_259 = arith.constant 32 : index
        %swap3A_260 = tpu.vector_load %arg11[%swap3A_258, %swap3A_259] {strides = array<i32>} : memref<128x128xf32, #tpu.memory_space<vmem>>, vector<16xf32>,
        tpu.vector_store %arg11[%swap3A_258, %swap3A_259], %mul3A_255 {strides = array<i32>} : memref<128x128xf32, #tpu.memory_space<vmem>>, vector<16xf32>,
        %add3A_261 = arith.constant 2 : i32
        %add3A_262 = arith.addi %mul3A_34, %add3A_261 : i32
        %get3A_263 = arith.index_cast %add3A_262 : i32 to index
        %get3A_264 = arith.constant 48 : index
        %get3A_265 = tpu.vector_load %arg11[%get3A_263, %get3A_264] {strides = array<i32>} : memref<128x128xf32, #tpu.memory_space<vmem>>, vector<16xf32>,
        %mul3A_266 = arith.mulf %get3A_265, %gather3A_227 : vector<16xf32>
        %add3A_267 = arith.constant 2 : i32
        %add3A_268 = arith.addi %mul3A_34, %add3A_267 : i32
        %swap3A_269 = arith.index_cast %add3A_268 : i32 to index
        %swap3A_270 = arith.constant 48 : index
        %swap3A_271 = tpu.vector_load %arg11[%swap3A_269, %swap3A_270] {strides = array<i32>} : memref<128x128xf32, #tpu.memory_space<vmem>>, vector<16xf32>,
        tpu.vector_store %arg11[%swap3A_269, %swap3A_270], %mul3A_266 {strides = array<i32>} : memref<128x128xf32, #tpu.memory_space<vmem>>, vector<16xf32>,
        %add3A_272 = arith.constant 2 : i32
        %add3A_273 = arith.addi %mul3A_34, %add3A_272 : i32
        %get3A_274 = arith.index_cast %add3A_273 : i32 to index
        %get3A_275 = arith.constant 64 : index
        %get3A_276 = tpu.vector_load %arg11[%get3A_274, %get3A_275] {strides = array<i32>} : memref<128x128xf32, #tpu.memory_space<vmem>>, vector<16xf32>,
        %mul3A_277 = arith.mulf %get3A_276, %gather3A_227 : vector<16xf32>
        %add3A_278 = arith.constant 2 : i32
        %add3A_279 = arith.addi %mul3A_34, %add3A_278 : i32
        %swap3A_280 = arith.index_cast %add3A_279 : i32 to index
        %swap3A_281 = arith.constant 64 : index
        %swap3A_282 = tpu.vector_load %arg11[%swap3A_280, %swap3A_281] {strides = array<i32>} : memref<128x128xf32, #tpu.memory_space<vmem>>, vector<16xf32>,
        tpu.vector_store %arg11[%swap3A_280, %swap3A_281], %mul3A_277 {strides = array<i32>} : memref<128x128xf32, #tpu.memory_space<vmem>>, vector<16xf32>,
        %add3A_283 = arith.constant 2 : i32
        %add3A_284 = arith.addi %mul3A_34, %add3A_283 : i32
        %get3A_285 = arith.index_cast %add3A_284 : i32 to index
        %get3A_286 = arith.constant 80 : index
        %get3A_287 = tpu.vector_load %arg11[%get3A_285, %get3A_286] {strides = array<i32>} : memref<128x128xf32, #tpu.memory_space<vmem>>, vector<16xf32>,
        %mul3A_288 = arith.mulf %get3A_287, %gather3A_227 : vector<16xf32>
        %add3A_289 = arith.constant 2 : i32
        %add3A_290 = arith.addi %mul3A_34, %add3A_289 : i32
        %swap3A_291 = arith.index_cast %add3A_290 : i32 to index
        %swap3A_292 = arith.constant 80 : index
        %swap3A_293 = tpu.vector_load %arg11[%swap3A_291, %swap3A_292] {strides = array<i32>} : memref<128x128xf32, #tpu.memory_space<vmem>>, vector<16xf32>,
        tpu.vector_store %arg11[%swap3A_291, %swap3A_292], %mul3A_288 {strides = array<i32>} : memref<128x128xf32, #tpu.memory_space<vmem>>, vector<16xf32>,
        %add3A_294 = arith.constant 2 : i32
        %add3A_295 = arith.addi %mul3A_34, %add3A_294 : i32
        %get3A_296 = arith.index_cast %add3A_295 : i32 to index
        %get3A_297 = arith.constant 96 : index
        %get3A_298 = tpu.vector_load %arg11[%get3A_296, %get3A_297] {strides = array<i32>} : memref<128x128xf32, #tpu.memory_space<vmem>>, vector<16xf32>,
        %mul3A_299 = arith.mulf %get3A_298, %gather3A_227 : vector<16xf32>
        %add3A_300 = arith.constant 2 : i32
        %add3A_301 = arith.addi %mul3A_34, %add3A_300 : i32
        %swap3A_302 = arith.index_cast %add3A_301 : i32 to index
        %swap3A_303 = arith.constant 96 : index
        %swap3A_304 = tpu.vector_load %arg11[%swap3A_302, %swap3A_303] {strides = array<i32>} : memref<128x128xf32, #tpu.memory_space<vmem>>, vector<16xf32>,
        tpu.vector_store %arg11[%swap3A_302, %swap3A_303], %mul3A_299 {strides = array<i32>} : memref<128x128xf32, #tpu.memory_space<vmem>>, vector<16xf32>,
        %add3A_305 = arith.constant 2 : i32
        %add3A_306 = arith.addi %mul3A_34, %add3A_305 : i32
        %get3A_307 = arith.index_cast %add3A_306 : i32 to index
        %get3A_308 = arith.constant 112 : index
        %get3A_309 = tpu.vector_load %arg11[%get3A_307, %get3A_308] {strides = array<i32>} : memref<128x128xf32, #tpu.memory_space<vmem>>, vector<16xf32>,
        %mul3A_310 = arith.mulf %get3A_309, %gather3A_227 : vector<16xf32>
        %add3A_311 = arith.constant 2 : i32
        %add3A_312 = arith.addi %mul3A_34, %add3A_311 : i32
        %swap3A_313 = arith.index_cast %add3A_312 : i32 to index
        %swap3A_314 = arith.constant 112 : index
        %swap3A_315 = tpu.vector_load %arg11[%swap3A_313, %swap3A_314] {strides = array<i32>} : memref<128x128xf32, #tpu.memory_space<vmem>>, vector<16xf32>,
        tpu.vector_store %arg11[%swap3A_313, %swap3A_314], %mul3A_310 {strides = array<i32>} : memref<128x128xf32, #tpu.memory_space<vmem>>, vector<16xf32>,
        %mul3A_316 = arith.constant 128 : i32
        %mul3A_317 = arith.muli %scan3A_15, %mul3A_316 : i32
        %add3A_318 = arith.addi %mul3A_317, %mul3A_34 : i32
        %add3A_319 = arith.constant 3 : i32
        %add3A_320 = arith.addi %add3A_318, %add3A_319 : i32
        %broadcast_in_dim3A_321 = vector.broadcast %add3A_320 : i32 to vector<16xi32>
        %gather3A_322 = tpu.vector_load_idx %arg10[%broadcast_in_dim3A_321] : memref<10368xf32, #tpu.memory_space<vmem>>[vector<16xi32>], vector<16xf32>,
        %add3A_323 = arith.constant 3 : i32
        %add3A_324 = arith.addi %mul3A_34, %add3A_323 : i32
        %get3A_325 = arith.index_cast %add3A_324 : i32 to index
        %get3A_326 = arith.constant 0 : index
        %get3A_327 = tpu.vector_load %arg11[%get3A_325, %get3A_326] {strides = array<i32>} : memref<128x128xf32, #tpu.memory_space<vmem>>, vector<16xf32>,
        %mul3A_328 = arith.mulf %get3A_327, %gather3A_322 : vector<16xf32>
        %add3A_329 = arith.constant 3 : i32
        %add3A_330 = arith.addi %mul3A_34, %add3A_329 : i32
        %swap3A_331 = arith.index_cast %add3A_330 : i32 to index
        %swap3A_332 = arith.constant 0 : index
        %swap3A_333 = tpu.vector_load %arg11[%swap3A_331, %swap3A_332] {strides = array<i32>} : memref<128x128xf32, #tpu.memory_space<vmem>>, vector<16xf32>,
        tpu.vector_store %arg11[%swap3A_331, %swap3A_332], %mul3A_328 {strides = array<i32>} : memref<128x128xf32, #tpu.memory_space<vmem>>, vector<16xf32>,
        %add3A_334 = arith.constant 3 : i32
        %add3A_335 = arith.addi %mul3A_34, %add3A_334 : i32
        %get3A_336 = arith.index_cast %add3A_335 : i32 to index
        %get3A_337 = arith.constant 16 : index
        %get3A_338 = tpu.vector_load %arg11[%get3A_336, %get3A_337] {strides = array<i32>} : memref<128x128xf32, #tpu.memory_space<vmem>>, vector<16xf32>,
        %mul3A_339 = arith.mulf %get3A_338, %gather3A_322 : vector<16xf32>
        %add3A_340 = arith.constant 3 : i32
        %add3A_341 = arith.addi %mul3A_34, %add3A_340 : i32
        %swap3A_342 = arith.index_cast %add3A_341 : i32 to index
        %swap3A_343 = arith.constant 16 : index
        %swap3A_344 = tpu.vector_load %arg11[%swap3A_342, %swap3A_343] {strides = array<i32>} : memref<128x128xf32, #tpu.memory_space<vmem>>, vector<16xf32>,
        tpu.vector_store %arg11[%swap3A_342, %swap3A_343], %mul3A_339 {strides = array<i32>} : memref<128x128xf32, #tpu.memory_space<vmem>>, vector<16xf32>,
        %add3A_345 = arith.constant 3 : i32
        %add3A_346 = arith.addi %mul3A_34, %add3A_345 : i32
        %get3A_347 = arith.index_cast %add3A_346 : i32 to index
        %get3A_348 = arith.constant 32 : index
        %get3A_349 = tpu.vector_load %arg11[%get3A_347, %get3A_348] {strides = array<i32>} : memref<128x128xf32, #tpu.memory_space<vmem>>, vector<16xf32>,
        %mul3A_350 = arith.mulf %get3A_349, %gather3A_322 : vector<16xf32>
        %add3A_351 = arith.constant 3 : i32
        %add3A_352 = arith.addi %mul3A_34, %add3A_351 : i32
        %swap3A_353 = arith.index_cast %add3A_352 : i32 to index
        %swap3A_354 = arith.constant 32 : index
        %swap3A_355 = tpu.vector_load %arg11[%swap3A_353, %swap3A_354] {strides = array<i32>} : memref<128x128xf32, #tpu.memory_space<vmem>>, vector<16xf32>,
        tpu.vector_store %arg11[%swap3A_353, %swap3A_354], %mul3A_350 {strides = array<i32>} : memref<128x128xf32, #tpu.memory_space<vmem>>, vector<16xf32>,
        %add3A_356 = arith.constant 3 : i32
        %add3A_357 = arith.addi %mul3A_34, %add3A_356 : i32
        %get3A_358 = arith.index_cast %add3A_357 : i32 to index
        %get3A_359 = arith.constant 48 : index
        %get3A_360 = tpu.vector_load %arg11[%get3A_358, %get3A_359] {strides = array<i32>} : memref<128x128xf32, #tpu.memory_space<vmem>>, vector<16xf32>,
        %mul3A_361 = arith.mulf %get3A_360, %gather3A_322 : vector<16xf32>
        %add3A_362 = arith.constant 3 : i32
        %add3A_363 = arith.addi %mul3A_34, %add3A_362 : i32
        %swap3A_364 = arith.index_cast %add3A_363 : i32 to index
        %swap3A_365 = arith.constant 48 : index
        %swap3A_366 = tpu.vector_load %arg11[%swap3A_364, %swap3A_365] {strides = array<i32>} : memref<128x128xf32, #tpu.memory_space<vmem>>, vector<16xf32>,
        tpu.vector_store %arg11[%swap3A_364, %swap3A_365], %mul3A_361 {strides = array<i32>} : memref<128x128xf32, #tpu.memory_space<vmem>>, vector<16xf32>,
        %add3A_367 = arith.constant 3 : i32
        %add3A_368 = arith.addi %mul3A_34, %add3A_367 : i32
        %get3A_369 = arith.index_cast %add3A_368 : i32 to index
        %get3A_370 = arith.constant 64 : index
        %get3A_371 = tpu.vector_load %arg11[%get3A_369, %get3A_370] {strides = array<i32>} : memref<128x128xf32, #tpu.memory_space<vmem>>, vector<16xf32>,
        %mul3A_372 = arith.mulf %get3A_371, %gather3A_322 : vector<16xf32>
        %add3A_373 = arith.constant 3 : i32
        %add3A_374 = arith.addi %mul3A_34, %add3A_373 : i32
        %swap3A_375 = arith.index_cast %add3A_374 : i32 to index
        %swap3A_376 = arith.constant 64 : index
        %swap3A_377 = tpu.vector_load %arg11[%swap3A_375, %swap3A_376] {strides = array<i32>} : memref<128x128xf32, #tpu.memory_space<vmem>>, vector<16xf32>,
        tpu.vector_store %arg11[%swap3A_375, %swap3A_376], %mul3A_372 {strides = array<i32>} : memref<128x128xf32, #tpu.memory_space<vmem>>, vector<16xf32>,
        %add3A_378 = arith.constant 3 : i32
        %add3A_379 = arith.addi %mul3A_34, %add3A_378 : i32
        %get3A_380 = arith.index_cast %add3A_379 : i32 to index
        %get3A_381 = arith.constant 80 : index
        %get3A_382 = tpu.vector_load %arg11[%get3A_380, %get3A_381] {strides = array<i32>} : memref<128x128xf32, #tpu.memory_space<vmem>>, vector<16xf32>,
        %mul3A_383 = arith.mulf %get3A_382, %gather3A_322 : vector<16xf32>
        %add3A_384 = arith.constant 3 : i32
        %add3A_385 = arith.addi %mul3A_34, %add3A_384 : i32
        %swap3A_386 = arith.index_cast %add3A_385 : i32 to index
        %swap3A_387 = arith.constant 80 : index
        %swap3A_388 = tpu.vector_load %arg11[%swap3A_386, %swap3A_387] {strides = array<i32>} : memref<128x128xf32, #tpu.memory_space<vmem>>, vector<16xf32>,
        tpu.vector_store %arg11[%swap3A_386, %swap3A_387], %mul3A_383 {strides = array<i32>} : memref<128x128xf32, #tpu.memory_space<vmem>>, vector<16xf32>,
        %add3A_389 = arith.constant 3 : i32
        %add3A_390 = arith.addi %mul3A_34, %add3A_389 : i32
        %get3A_391 = arith.index_cast %add3A_390 : i32 to index
        %get3A_392 = arith.constant 96 : index
        %get3A_393 = tpu.vector_load %arg11[%get3A_391, %get3A_392] {strides = array<i32>} : memref<128x128xf32, #tpu.memory_space<vmem>>, vector<16xf32>,
        %mul3A_394 = arith.mulf %get3A_393, %gather3A_322 : vector<16xf32>
        %add3A_395 = arith.constant 3 : i32
        %add3A_396 = arith.addi %mul3A_34, %add3A_395 : i32
        %swap3A_397 = arith.index_cast %add3A_396 : i32 to index
        %swap3A_398 = arith.constant 96 : index
        %swap3A_399 = tpu.vector_load %arg11[%swap3A_397, %swap3A_398] {strides = array<i32>} : memref<128x128xf32, #tpu.memory_space<vmem>>, vector<16xf32>,
        tpu.vector_store %arg11[%swap3A_397, %swap3A_398], %mul3A_394 {strides = array<i32>} : memref<128x128xf32, #tpu.memory_space<vmem>>, vector<16xf32>,
        %add3A_400 = arith.constant 3 : i32
        %add3A_401 = arith.addi %mul3A_34, %add3A_400 : i32
        %get3A_402 = arith.index_cast %add3A_401 : i32 to index
        %get3A_403 = arith.constant 112 : index
        %get3A_404 = tpu.vector_load %arg11[%get3A_402, %get3A_403] {strides = array<i32>} : memref<128x128xf32, #tpu.memory_space<vmem>>, vector<16xf32>,
        %mul3A_405 = arith.mulf %get3A_404, %gather3A_322 : vector<16xf32>
        %add3A_406 = arith.constant 3 : i32
        %add3A_407 = arith.addi %mul3A_34, %add3A_406 : i32
        %swap3A_408 = arith.index_cast %add3A_407 : i32 to index
        %swap3A_409 = arith.constant 112 : index
        %swap3A_410 = tpu.vector_load %arg11[%swap3A_408, %swap3A_409] {strides = array<i32>} : memref<128x128xf32, #tpu.memory_space<vmem>>, vector<16xf32>,
        tpu.vector_store %arg11[%swap3A_408, %swap3A_409], %mul3A_405 {strides = array<i32>} : memref<128x128xf32, #tpu.memory_space<vmem>>, vector<16xf32>,
      }
      %scan3A_31 = arith.constant 32 : i32
      "tpu.region"() ({
        %run_scoped3A = tpu.sem_alloc : memref<!tpu.dma_semaphore, #tpu.memory_space<semaphore_mem>>
        %dma_start3A_32 = arith.constant 0 : i32
        %dma_start3A_33 = tpu.memref_slice %arg9[%scan3A_15, %dma_start3A_32] : memref<81x128xi32, #tpu.memory_space<vmem>> -> memref<1x128xi32, #tpu.memory_space<vmem>>
        %dma_start3A_34 = tpu.memref_squeeze %dma_start3A_33 : memref<1x128xi32, #tpu.memory_space<vmem>> -> memref<128xi32, #tpu.memory_space<vmem>>
        %dma_start3A_35 = arith.constant 0 : i32
        %dma_start3A_36 = arith.constant 0 : i32
        %dma_start3A_37 = tpu.memref_slice %arg12[%dma_start3A_35, %dma_start3A_36] : memref<10112x128xf32, #tpu.memory_space<vmem_shared>> -> memref<10112x128xf32, #tpu.memory_space<vmem_shared>>
        tpu.enqueue_indirect_dma source(%arg11 : memref<128x128xf32, #tpu.memory_space<vmem>>) target(%dma_start3A_37 : memref<10112x128xf32, #tpu.memory_space<vmem_shared>>) offsets(%dma_start3A_34 : memref<128xi32, #tpu.memory_space<vmem>>) semaphore(%run_scoped3A : memref<!tpu.dma_semaphore, #tpu.memory_space<semaphore_mem>>) {add = true}
        %dma_wait3A_38 = arith.constant 0 : i32
        %dma_wait3A_39 = tpu.memref_slice %arg9[%scan3A_15, %dma_wait3A_38] : memref<81x128xi32, #tpu.memory_space<vmem>> -> memref<1x128xi32, #tpu.memory_space<vmem>>
        %dma_wait3A_40 = tpu.memref_squeeze %dma_wait3A_39 : memref<1x128xi32, #tpu.memory_space<vmem>> -> memref<128xi32, #tpu.memory_space<vmem>>
        %dma_wait3A_41 = arith.constant 0 : i32
        %dma_wait3A_42 = arith.constant 0 : i32
        %dma_wait3A_43 = tpu.memref_slice %arg12[%dma_wait3A_41, %dma_wait3A_42] : memref<10112x128xf32, #tpu.memory_space<vmem_shared>> -> memref<10112x128xf32, #tpu.memory_space<vmem_shared>>
        tpu.wait_indirect_dma semaphore(%run_scoped3A : memref<!tpu.dma_semaphore, #tpu.memory_space<semaphore_mem>>) src(%arg11 : memref<128x128xf32, #tpu.memory_space<vmem>>) dst(%dma_wait3A_43 : memref<10112x128xf32, #tpu.memory_space<vmem_shared>>)
        tpu.yield
      }) : () -> ()
    }
    %scan3A_9 = arith.constant 81 : i32
    %barrier3A_10 = arith.constant 0 : index
    tpu.barrier barrier_id(%barrier3A_10)
    %mul3A_11 = arith.constant 632 : i32
    %mul3A_12 = arith.muli %arg1, %mul3A_11 : i32
    %mul3A_13 = arith.constant 632 : i32
    %mul3A_14 = arith.muli %arg1, %mul3A_13 : i32
    "tpu.region"() ({
      %run_scoped3A = tpu.sem_alloc : memref<!tpu.dma_semaphore, #tpu.memory_space<semaphore_mem>>
      %dma_start3A = arith.constant 0 : i32
      %dma_start3A_15 = tpu.memref_slice %arg7[%arg0, %mul3A_14, %dma_start3A] : memref<2x10112x128xf32, #tpu.memory_space<hbm>> -> memref<1x632x128xf32, #tpu.memory_space<hbm>>
      %dma_start3A_16 = tpu.memref_squeeze %dma_start3A_15 : memref<1x632x128xf32, #tpu.memory_space<hbm>> -> memref<632x128xf32, #tpu.memory_space<hbm>>
      %dma_start3A_17 = arith.constant 0 : i32
      %dma_start3A_18 = tpu.memref_slice %arg12[%mul3A_12, %dma_start3A_17] : memref<10112x128xf32, #tpu.memory_space<vmem_shared>> -> memref<632x128xf32, #tpu.memory_space<vmem_shared>>
      tpu.enqueue_dma source(%dma_start3A_18 : memref<632x128xf32, #tpu.memory_space<vmem_shared>>) target(%dma_start3A_16 : memref<632x128xf32, #tpu.memory_space<hbm>>) target_semaphore(%run_scoped3A : memref<!tpu.dma_semaphore, #tpu.memory_space<semaphore_mem>>)
      %dma_wait3A = arith.constant 0 : i32
      %dma_wait3A_19 = tpu.memref_slice %arg7[%arg0, %mul3A_14, %dma_wait3A] : memref<2x10112x128xf32, #tpu.memory_space<hbm>> -> memref<1x632x128xf32, #tpu.memory_space<hbm>>
      %dma_wait3A_20 = tpu.memref_squeeze %dma_wait3A_19 : memref<1x632x128xf32, #tpu.memory_space<hbm>> -> memref<632x128xf32, #tpu.memory_space<hbm>>
      %dma_wait3A_21 = arith.constant 0 : i32
      %dma_wait3A_22 = tpu.memref_slice %arg12[%mul3A_12, %dma_wait3A_21] : memref<10112x128xf32, #tpu.memory_space<vmem_shared>> -> memref<632x128xf32, #tpu.memory_space<vmem_shared>>
      tpu.wait_dma2 semaphore(%run_scoped3A : memref<!tpu.dma_semaphore, #tpu.memory_space<semaphore_mem>>) src(%dma_wait3A_22 : memref<632x128xf32, #tpu.memory_space<vmem_shared>>) dst(%dma_wait3A_20 : memref<632x128xf32, #tpu.memory_space<hbm>>)
      tpu.yield
    }) : () -> ()
    return
  }
}

#map = affine_map<(d0, d1) -> (0, 0)>
#map1 = affine_map<(d0, d1) -> (0, 0, 0)>
module attributes {stable_mosaic.version = 14 : i64} {
  func.func @_sc_segsum_rows(%arg0: i32, %arg1: i32, %arg2: memref<10000x128xf32, #tpu.memory_space<hbm>>, %arg3: memref<32x81x128xi32, #tpu.memory_space<hbm>>, %arg4: memref<32x81x128xi32, #tpu.memory_space<hbm>>, %arg5: memref<32x10368xf32, #tpu.memory_space<hbm>>, %arg6: memref<10112x128xf32, #tpu.memory_space<hbm>>, %arg7: memref<2x10112x128xf32, #tpu.memory_space<hbm>>, %arg8: memref<81x128xi32, #tpu.memory_space<vmem>>, %arg9: memref<81x128xi32, #tpu.memory_space<vmem>>, %arg10: memref<10368xf32, #tpu.memory_space<vmem>>, %arg11: memref<128x128xf32, #tpu.memory_space<vmem>>, %arg12: memref<10112x128xf32, #tpu.memory_space<vmem_shared>>, %arg13: memref<!tpu.dma_semaphore, #tpu.memory_space<semaphore_mem>>) attributes {dimension_semantics = [#tpu.dimension_semantics<core_parallel>, #tpu.dimension_semantics<subcore_parallel>], iteration_bounds = array<i64: 2, 16>, scalar_prefetch = 0 : i64, scratch_operands = 6 : i64, tpu.core_type = #tpu.core_type<sc_vector_subcore>, window_params = [{transform_indices = #map}, {transform_indices = #map1}, {transform_indices = #map1}, {transform_indices = #map}, {transform_indices = #map}, {transform_indices = #map1}]} {
    %mul3A = arith.constant 16 : i32
    %mul3A_0 = arith.muli %arg0, %mul3A : i32
    %add3A = arith.addi %mul3A_0, %arg1 : i32
    "tpu.region"() ({
      %run_scoped3A = tpu.sem_alloc : memref<!tpu.dma_semaphore, #tpu.memory_space<semaphore_mem>>
      %dma_start3A = arith.constant 0 : i32
      %dma_start3A_15 = arith.constant 0 : i32
      %dma_start3A_16 = tpu.memref_slice %arg3[%add3A, %dma_start3A, %dma_start3A_15] : memref<32x81x128xi32, #tpu.memory_space<hbm>> -> memref<1x81x128xi32, #tpu.memory_space<hbm>>
      %dma_start3A_17 = tpu.memref_squeeze %dma_start3A_16 : memref<1x81x128xi32, #tpu.memory_space<hbm>> -> memref<81x128xi32, #tpu.memory_space<hbm>>
      %dma_start3A_18 = arith.constant 0 : i32
      %dma_start3A_19 = arith.constant 0 : i32
      %dma_start3A_20 = tpu.memref_slice %arg3[%add3A, %dma_start3A_18, %dma_start3A_19] : memref<32x81x128xi32, #tpu.memory_space<hbm>> -> memref<1x81x128xi32, #tpu.memory_space<hbm>>
      %dma_start3A_21 = tpu.memref_squeeze %dma_start3A_20 : memref<1x81x128xi32, #tpu.memory_space<hbm>> -> memref<81x128xi32, #tpu.memory_space<hbm>>
      tpu.enqueue_dma source(%dma_start3A_21 : memref<81x128xi32, #tpu.memory_space<hbm>>) target(%arg8 : memref<81x128xi32, #tpu.memory_space<vmem>>) target_semaphore(%run_scoped3A : memref<!tpu.dma_semaphore, #tpu.memory_space<semaphore_mem>>)
      %dma_wait3A = arith.constant 0 : i32
      %dma_wait3A_22 = arith.constant 0 : i32
      %dma_wait3A_23 = tpu.memref_slice %arg3[%add3A, %dma_wait3A, %dma_wait3A_22] : memref<32x81x128xi32, #tpu.memory_space<hbm>> -> memref<1x81x128xi32, #tpu.memory_space<hbm>>
      %dma_wait3A_24 = tpu.memref_squeeze %dma_wait3A_23 : memref<1x81x128xi32, #tpu.memory_space<hbm>> -> memref<81x128xi32, #tpu.memory_space<hbm>>
      %dma_wait3A_25 = arith.constant 0 : i32
      %dma_wait3A_26 = arith.constant 0 : i32
      %dma_wait3A_27 = tpu.memref_slice %arg3[%add3A, %dma_wait3A_25, %dma_wait3A_26] : memref<32x81x128xi32, #tpu.memory_space<hbm>> -> memref<1x81x128xi32, #tpu.memory_space<hbm>>
      %dma_wait3A_28 = tpu.memref_squeeze %dma_wait3A_27 : memref<1x81x128xi32, #tpu.memory_space<hbm>> -> memref<81x128xi32, #tpu.memory_space<hbm>>
      tpu.wait_dma2 semaphore(%run_scoped3A : memref<!tpu.dma_semaphore, #tpu.memory_space<semaphore_mem>>) src(%dma_wait3A_28 : memref<81x128xi32, #tpu.memory_space<hbm>>) dst(%arg8 : memref<81x128xi32, #tpu.memory_space<vmem>>)
      tpu.yield
    }) : () -> ()
    "tpu.region"() ({
      %run_scoped3A = tpu.sem_alloc : memref<!tpu.dma_semaphore, #tpu.memory_space<semaphore_mem>>
      %dma_start3A = arith.constant 0 : i32
      %dma_start3A_15 = arith.constant 0 : i32
      %dma_start3A_16 = tpu.memref_slice %arg4[%add3A, %dma_start3A, %dma_start3A_15] : memref<32x81x128xi32, #tpu.memory_space<hbm>> -> memref<1x81x128xi32, #tpu.memory_space<hbm>>
      %dma_start3A_17 = tpu.memref_squeeze %dma_start3A_16 : memref<1x81x128xi32, #tpu.memory_space<hbm>> -> memref<81x128xi32, #tpu.memory_space<hbm>>
      %dma_start3A_18 = arith.constant 0 : i32
      %dma_start3A_19 = arith.constant 0 : i32
      %dma_start3A_20 = tpu.memref_slice %arg4[%add3A, %dma_start3A_18, %dma_start3A_19] : memref<32x81x128xi32, #tpu.memory_space<hbm>> -> memref<1x81x128xi32, #tpu.memory_space<hbm>>
      %dma_start3A_21 = tpu.memref_squeeze %dma_start3A_20 : memref<1x81x128xi32, #tpu.memory_space<hbm>> -> memref<81x128xi32, #tpu.memory_space<hbm>>
      tpu.enqueue_dma source(%dma_start3A_21 : memref<81x128xi32, #tpu.memory_space<hbm>>) target(%arg9 : memref<81x128xi32, #tpu.memory_space<vmem>>) target_semaphore(%run_scoped3A : memref<!tpu.dma_semaphore, #tpu.memory_space<semaphore_mem>>)
      %dma_wait3A = arith.constant 0 : i32
      %dma_wait3A_22 = arith.constant 0 : i32
      %dma_wait3A_23 = tpu.memref_slice %arg4[%add3A, %dma_wait3A, %dma_wait3A_22] : memref<32x81x128xi32, #tpu.memory_space<hbm>> -> memref<1x81x128xi32, #tpu.memory_space<hbm>>
      %dma_wait3A_24 = tpu.memref_squeeze %dma_wait3A_23 : memref<1x81x128xi32, #tpu.memory_space<hbm>> -> memref<81x128xi32, #tpu.memory_space<hbm>>
      %dma_wait3A_25 = arith.constant 0 : i32
      %dma_wait3A_26 = arith.constant 0 : i32
      %dma_wait3A_27 = tpu.memref_slice %arg4[%add3A, %dma_wait3A_25, %dma_wait3A_26] : memref<32x81x128xi32, #tpu.memory_space<hbm>> -> memref<1x81x128xi32, #tpu.memory_space<hbm>>
      %dma_wait3A_28 = tpu.memref_squeeze %dma_wait3A_27 : memref<1x81x128xi32, #tpu.memory_space<hbm>> -> memref<81x128xi32, #tpu.memory_space<hbm>>
      tpu.wait_dma2 semaphore(%run_scoped3A : memref<!tpu.dma_semaphore, #tpu.memory_space<semaphore_mem>>) src(%dma_wait3A_28 : memref<81x128xi32, #tpu.memory_space<hbm>>) dst(%arg9 : memref<81x128xi32, #tpu.memory_space<vmem>>)
      tpu.yield
    }) : () -> ()
    "tpu.region"() ({
      %run_scoped3A = tpu.sem_alloc : memref<!tpu.dma_semaphore, #tpu.memory_space<semaphore_mem>>
      %dma_start3A = arith.constant 0 : i32
      %dma_start3A_15 = tpu.memref_slice %arg5[%add3A, %dma_start3A] : memref<32x10368xf32, #tpu.memory_space<hbm>> -> memref<1x10368xf32, #tpu.memory_space<hbm>>
      %dma_start3A_16 = tpu.memref_squeeze %dma_start3A_15 : memref<1x10368xf32, #tpu.memory_space<hbm>> -> memref<10368xf32, #tpu.memory_space<hbm>>
      %dma_start3A_17 = arith.constant 0 : i32
      %dma_start3A_18 = tpu.memref_slice %arg5[%add3A, %dma_start3A_17] : memref<32x10368xf32, #tpu.memory_space<hbm>> -> memref<1x10368xf32, #tpu.memory_space<hbm>>
      %dma_start3A_19 = tpu.memref_squeeze %dma_start3A_18 : memref<1x10368xf32, #tpu.memory_space<hbm>> -> memref<10368xf32, #tpu.memory_space<hbm>>
      tpu.enqueue_dma source(%dma_start3A_19 : memref<10368xf32, #tpu.memory_space<hbm>>) target(%arg10 : memref<10368xf32, #tpu.memory_space<vmem>>) target_semaphore(%run_scoped3A : memref<!tpu.dma_semaphore, #tpu.memory_space<semaphore_mem>>)
      %dma_wait3A = arith.constant 0 : i32
      %dma_wait3A_20 = tpu.memref_slice %arg5[%add3A, %dma_wait3A] : memref<32x10368xf32, #tpu.memory_space<hbm>> -> memref<1x10368xf32, #tpu.memory_space<hbm>>
      %dma_wait3A_21 = tpu.memref_squeeze %dma_wait3A_20 : memref<1x10368xf32, #tpu.memory_space<hbm>> -> memref<10368xf32, #tpu.memory_space<hbm>>
      %dma_wait3A_22 = arith.constant 0 : i32
      %dma_wait3A_23 = tpu.memref_slice %arg5[%add3A, %dma_wait3A_22] : memref<32x10368xf32, #tpu.memory_space<hbm>> -> memref<1x10368xf32, #tpu.memory_space<hbm>>
      %dma_wait3A_24 = tpu.memref_squeeze %dma_wait3A_23 : memref<1x10368xf32, #tpu.memory_space<hbm>> -> memref<10368xf32, #tpu.memory_space<hbm>>
      tpu.wait_dma2 semaphore(%run_scoped3A : memref<!tpu.dma_semaphore, #tpu.memory_space<semaphore_mem>>) src(%dma_wait3A_24 : memref<10368xf32, #tpu.memory_space<hbm>>) dst(%arg10 : memref<10368xf32, #tpu.memory_space<vmem>>)
      tpu.yield
    }) : () -> ()
    %mul3A_1 = arith.constant 632 : i32
    %mul3A_2 = arith.muli %arg1, %mul3A_1 : i32
    %mul3A_3 = arith.constant 632 : i32
    %mul3A_4 = arith.muli %arg1, %mul3A_3 : i32
    "tpu.region"() ({
      %run_scoped3A = tpu.sem_alloc : memref<!tpu.dma_semaphore, #tpu.memory_space<semaphore_mem>>
      %dma_start3A = arith.constant 0 : i32
      %dma_start3A_15 = tpu.memref_slice %arg12[%mul3A_4, %dma_start3A] : memref<10112x128xf32, #tpu.memory_space<vmem_shared>> -> memref<632x128xf32, #tpu.memory_space<vmem_shared>>
      %dma_start3A_16 = arith.constant 0 : i32
      %dma_start3A_17 = tpu.memref_slice %arg6[%mul3A_2, %dma_start3A_16] : memref<10112x128xf32, #tpu.memory_space<hbm>> -> memref<632x128xf32, #tpu.memory_space<hbm>>
      tpu.enqueue_dma source(%dma_start3A_17 : memref<632x128xf32, #tpu.memory_space<hbm>>) target(%dma_start3A_15 : memref<632x128xf32, #tpu.memory_space<vmem_shared>>) target_semaphore(%run_scoped3A : memref<!tpu.dma_semaphore, #tpu.memory_space<semaphore_mem>>)
      %dma_wait3A = arith.constant 0 : i32
      %dma_wait3A_18 = tpu.memref_slice %arg12[%mul3A_4, %dma_wait3A] : memref<10112x128xf32, #tpu.memory_space<vmem_shared>> -> memref<632x128xf32, #tpu.memory_space<vmem_shared>>
      %dma_wait3A_19 = arith.constant 0 : i32
      %dma_wait3A_20 = tpu.memref_slice %arg6[%mul3A_2, %dma_wait3A_19] : memref<10112x128xf32, #tpu.memory_space<hbm>> -> memref<632x128xf32, #tpu.memory_space<hbm>>
      tpu.wait_dma2 semaphore(%run_scoped3A : memref<!tpu.dma_semaphore, #tpu.memory_space<semaphore_mem>>) src(%dma_wait3A_20 : memref<632x128xf32, #tpu.memory_space<hbm>>) dst(%dma_wait3A_18 : memref<632x128xf32, #tpu.memory_space<vmem_shared>>)
      tpu.yield
    }) : () -> ()
    %barrier3A = arith.constant 0 : index
    tpu.barrier barrier_id(%barrier3A)
    %scan3A = arith.constant 0 : i32
    %scan3A_5 = arith.constant 0 : i32
    %scan3A_6 = arith.constant 81 : i32
    %scan3A_7 = arith.addi %scan3A_5, %scan3A_6 : i32
    %scan3A_8 = arith.constant 1 : i32
    scf.for %scan3A_15 = %scan3A_5 to %scan3A_7 step %scan3A_8  : i32 {
      %dma_start3A = arith.constant 0 : i32
      %dma_start3A_16 = tpu.memref_slice %arg8[%scan3A_15, %dma_start3A] : memref<81x128xi32, #tpu.memory_space<vmem>> -> memref<1x128xi32, #tpu.memory_space<vmem>>
      %dma_start3A_17 = tpu.memref_squeeze %dma_start3A_16 : memref<1x128xi32, #tpu.memory_space<vmem>> -> memref<128xi32, #tpu.memory_space<vmem>>
      %dma_start3A_18 = arith.constant 0 : i32
      %dma_start3A_19 = arith.constant 0 : i32
      %dma_start3A_20 = tpu.memref_slice %arg2[%dma_start3A_18, %dma_start3A_19] : memref<10000x128xf32, #tpu.memory_space<hbm>> -> memref<10000x128xf32, #tpu.memory_space<hbm>>
      tpu.enqueue_indirect_dma source(%dma_start3A_20 : memref<10000x128xf32, #tpu.memory_space<hbm>>) target(%arg11 : memref<128x128xf32, #tpu.memory_space<vmem>>) offsets(%dma_start3A_17 : memref<128xi32, #tpu.memory_space<vmem>>) semaphore(%arg13 : memref<!tpu.dma_semaphore, #tpu.memory_space<semaphore_mem>>)
      %dma_wait3A = arith.constant 0 : i32
      %dma_wait3A_21 = tpu.memref_slice %arg8[%scan3A_15, %dma_wait3A] : memref<81x128xi32, #tpu.memory_space<vmem>> -> memref<1x128xi32, #tpu.memory_space<vmem>>
      %dma_wait3A_22 = tpu.memref_squeeze %dma_wait3A_21 : memref<1x128xi32, #tpu.memory_space<vmem>> -> memref<128xi32, #tpu.memory_space<vmem>>
      %dma_wait3A_23 = arith.constant 0 : i32
      %dma_wait3A_24 = arith.constant 0 : i32
      %dma_wait3A_25 = tpu.memref_slice %arg2[%dma_wait3A_23, %dma_wait3A_24] : memref<10000x128xf32, #tpu.memory_space<hbm>> -> memref<10000x128xf32, #tpu.memory_space<hbm>>
      tpu.wait_indirect_dma semaphore(%arg13 : memref<!tpu.dma_semaphore, #tpu.memory_space<semaphore_mem>>) src(%dma_wait3A_25 : memref<10000x128xf32, #tpu.memory_space<hbm>>) dst(%arg11 : memref<128x128xf32, #tpu.memory_space<vmem>>)
      %scan3A_26 = arith.constant 0 : i32
      %scan3A_27 = arith.constant 0 : i32
      %scan3A_28 = arith.constant 32 : i32
      %scan3A_29 = arith.addi %scan3A_27, %scan3A_28 : i32
      %scan3A_30 = arith.constant 1 : i32
      scf.for %scan3A_32 = %scan3A_27 to %scan3A_29 step %scan3A_30  : i32 {
        %mul3A_33 = arith.constant 4 : i32
        %mul3A_34 = arith.muli %scan3A_32, %mul3A_33 : i32
        %mul3A_35 = arith.constant 128 : i32
        %mul3A_36 = arith.muli %scan3A_15, %mul3A_35 : i32
        %add3A_37 = arith.addi %mul3A_36, %mul3A_34 : i32
        %add3A_38 = arith.constant 0 : i32
        %add3A_39 = arith.addi %add3A_37, %add3A_38 : i32
        %broadcast_in_dim3A = vector.broadcast %add3A_39 : i32 to vector<16xi32>
        %gather3A = tpu.vector_load_idx %arg10[%broadcast_in_dim3A] : memref<10368xf32, #tpu.memory_space<vmem>>[vector<16xi32>], vector<16xf32>,
        %add3A_40 = arith.constant 0 : i32
        %add3A_41 = arith.addi %mul3A_34, %add3A_40 : i32
        %get3A = arith.index_cast %add3A_41 : i32 to index
        %get3A_42 = arith.constant 0 : index
        %get3A_43 = tpu.vector_load %arg11[%get3A, %get3A_42] {strides = array<i32>} : memref<128x128xf32, #tpu.memory_space<vmem>>, vector<16xf32>,
        %mul3A_44 = arith.mulf %get3A_43, %gather3A : vector<16xf32>
        %add3A_45 = arith.constant 0 : i32
        %add3A_46 = arith.addi %mul3A_34, %add3A_45 : i32
        %swap3A = arith.index_cast %add3A_46 : i32 to index
        %swap3A_47 = arith.constant 0 : index
        %swap3A_48 = tpu.vector_load %arg11[%swap3A, %swap3A_47] {strides = array<i32>} : memref<128x128xf32, #tpu.memory_space<vmem>>, vector<16xf32>,
        tpu.vector_store %arg11[%swap3A, %swap3A_47], %mul3A_44 {strides = array<i32>} : memref<128x128xf32, #tpu.memory_space<vmem>>, vector<16xf32>,
        %add3A_49 = arith.constant 0 : i32
        %add3A_50 = arith.addi %mul3A_34, %add3A_49 : i32
        %get3A_51 = arith.index_cast %add3A_50 : i32 to index
        %get3A_52 = arith.constant 16 : index
        %get3A_53 = tpu.vector_load %arg11[%get3A_51, %get3A_52] {strides = array<i32>} : memref<128x128xf32, #tpu.memory_space<vmem>>, vector<16xf32>,
        %mul3A_54 = arith.mulf %get3A_53, %gather3A : vector<16xf32>
        %add3A_55 = arith.constant 0 : i32
        %add3A_56 = arith.addi %mul3A_34, %add3A_55 : i32
        %swap3A_57 = arith.index_cast %add3A_56 : i32 to index
        %swap3A_58 = arith.constant 16 : index
        %swap3A_59 = tpu.vector_load %arg11[%swap3A_57, %swap3A_58] {strides = array<i32>} : memref<128x128xf32, #tpu.memory_space<vmem>>, vector<16xf32>,
        tpu.vector_store %arg11[%swap3A_57, %swap3A_58], %mul3A_54 {strides = array<i32>} : memref<128x128xf32, #tpu.memory_space<vmem>>, vector<16xf32>,
        %add3A_60 = arith.constant 0 : i32
        %add3A_61 = arith.addi %mul3A_34, %add3A_60 : i32
        %get3A_62 = arith.index_cast %add3A_61 : i32 to index
        %get3A_63 = arith.constant 32 : index
        %get3A_64 = tpu.vector_load %arg11[%get3A_62, %get3A_63] {strides = array<i32>} : memref<128x128xf32, #tpu.memory_space<vmem>>, vector<16xf32>,
        %mul3A_65 = arith.mulf %get3A_64, %gather3A : vector<16xf32>
        %add3A_66 = arith.constant 0 : i32
        %add3A_67 = arith.addi %mul3A_34, %add3A_66 : i32
        %swap3A_68 = arith.index_cast %add3A_67 : i32 to index
        %swap3A_69 = arith.constant 32 : index
        %swap3A_70 = tpu.vector_load %arg11[%swap3A_68, %swap3A_69] {strides = array<i32>} : memref<128x128xf32, #tpu.memory_space<vmem>>, vector<16xf32>,
        tpu.vector_store %arg11[%swap3A_68, %swap3A_69], %mul3A_65 {strides = array<i32>} : memref<128x128xf32, #tpu.memory_space<vmem>>, vector<16xf32>,
        %add3A_71 = arith.constant 0 : i32
        %add3A_72 = arith.addi %mul3A_34, %add3A_71 : i32
        %get3A_73 = arith.index_cast %add3A_72 : i32 to index
        %get3A_74 = arith.constant 48 : index
        %get3A_75 = tpu.vector_load %arg11[%get3A_73, %get3A_74] {strides = array<i32>} : memref<128x128xf32, #tpu.memory_space<vmem>>, vector<16xf32>,
        %mul3A_76 = arith.mulf %get3A_75, %gather3A : vector<16xf32>
        %add3A_77 = arith.constant 0 : i32
        %add3A_78 = arith.addi %mul3A_34, %add3A_77 : i32
        %swap3A_79 = arith.index_cast %add3A_78 : i32 to index
        %swap3A_80 = arith.constant 48 : index
        %swap3A_81 = tpu.vector_load %arg11[%swap3A_79, %swap3A_80] {strides = array<i32>} : memref<128x128xf32, #tpu.memory_space<vmem>>, vector<16xf32>,
        tpu.vector_store %arg11[%swap3A_79, %swap3A_80], %mul3A_76 {strides = array<i32>} : memref<128x128xf32, #tpu.memory_space<vmem>>, vector<16xf32>,
        %add3A_82 = arith.constant 0 : i32
        %add3A_83 = arith.addi %mul3A_34, %add3A_82 : i32
        %get3A_84 = arith.index_cast %add3A_83 : i32 to index
        %get3A_85 = arith.constant 64 : index
        %get3A_86 = tpu.vector_load %arg11[%get3A_84, %get3A_85] {strides = array<i32>} : memref<128x128xf32, #tpu.memory_space<vmem>>, vector<16xf32>,
        %mul3A_87 = arith.mulf %get3A_86, %gather3A : vector<16xf32>
        %add3A_88 = arith.constant 0 : i32
        %add3A_89 = arith.addi %mul3A_34, %add3A_88 : i32
        %swap3A_90 = arith.index_cast %add3A_89 : i32 to index
        %swap3A_91 = arith.constant 64 : index
        %swap3A_92 = tpu.vector_load %arg11[%swap3A_90, %swap3A_91] {strides = array<i32>} : memref<128x128xf32, #tpu.memory_space<vmem>>, vector<16xf32>,
        tpu.vector_store %arg11[%swap3A_90, %swap3A_91], %mul3A_87 {strides = array<i32>} : memref<128x128xf32, #tpu.memory_space<vmem>>, vector<16xf32>,
        %add3A_93 = arith.constant 0 : i32
        %add3A_94 = arith.addi %mul3A_34, %add3A_93 : i32
        %get3A_95 = arith.index_cast %add3A_94 : i32 to index
        %get3A_96 = arith.constant 80 : index
        %get3A_97 = tpu.vector_load %arg11[%get3A_95, %get3A_96] {strides = array<i32>} : memref<128x128xf32, #tpu.memory_space<vmem>>, vector<16xf32>,
        %mul3A_98 = arith.mulf %get3A_97, %gather3A : vector<16xf32>
        %add3A_99 = arith.constant 0 : i32
        %add3A_100 = arith.addi %mul3A_34, %add3A_99 : i32
        %swap3A_101 = arith.index_cast %add3A_100 : i32 to index
        %swap3A_102 = arith.constant 80 : index
        %swap3A_103 = tpu.vector_load %arg11[%swap3A_101, %swap3A_102] {strides = array<i32>} : memref<128x128xf32, #tpu.memory_space<vmem>>, vector<16xf32>,
        tpu.vector_store %arg11[%swap3A_101, %swap3A_102], %mul3A_98 {strides = array<i32>} : memref<128x128xf32, #tpu.memory_space<vmem>>, vector<16xf32>,
        %add3A_104 = arith.constant 0 : i32
        %add3A_105 = arith.addi %mul3A_34, %add3A_104 : i32
        %get3A_106 = arith.index_cast %add3A_105 : i32 to index
        %get3A_107 = arith.constant 96 : index
        %get3A_108 = tpu.vector_load %arg11[%get3A_106, %get3A_107] {strides = array<i32>} : memref<128x128xf32, #tpu.memory_space<vmem>>, vector<16xf32>,
        %mul3A_109 = arith.mulf %get3A_108, %gather3A : vector<16xf32>
        %add3A_110 = arith.constant 0 : i32
        %add3A_111 = arith.addi %mul3A_34, %add3A_110 : i32
        %swap3A_112 = arith.index_cast %add3A_111 : i32 to index
        %swap3A_113 = arith.constant 96 : index
        %swap3A_114 = tpu.vector_load %arg11[%swap3A_112, %swap3A_113] {strides = array<i32>} : memref<128x128xf32, #tpu.memory_space<vmem>>, vector<16xf32>,
        tpu.vector_store %arg11[%swap3A_112, %swap3A_113], %mul3A_109 {strides = array<i32>} : memref<128x128xf32, #tpu.memory_space<vmem>>, vector<16xf32>,
        %add3A_115 = arith.constant 0 : i32
        %add3A_116 = arith.addi %mul3A_34, %add3A_115 : i32
        %get3A_117 = arith.index_cast %add3A_116 : i32 to index
        %get3A_118 = arith.constant 112 : index
        %get3A_119 = tpu.vector_load %arg11[%get3A_117, %get3A_118] {strides = array<i32>} : memref<128x128xf32, #tpu.memory_space<vmem>>, vector<16xf32>,
        %mul3A_120 = arith.mulf %get3A_119, %gather3A : vector<16xf32>
        %add3A_121 = arith.constant 0 : i32
        %add3A_122 = arith.addi %mul3A_34, %add3A_121 : i32
        %swap3A_123 = arith.index_cast %add3A_122 : i32 to index
        %swap3A_124 = arith.constant 112 : index
        %swap3A_125 = tpu.vector_load %arg11[%swap3A_123, %swap3A_124] {strides = array<i32>} : memref<128x128xf32, #tpu.memory_space<vmem>>, vector<16xf32>,
        tpu.vector_store %arg11[%swap3A_123, %swap3A_124], %mul3A_120 {strides = array<i32>} : memref<128x128xf32, #tpu.memory_space<vmem>>, vector<16xf32>,
        %mul3A_126 = arith.constant 128 : i32
        %mul3A_127 = arith.muli %scan3A_15, %mul3A_126 : i32
        %add3A_128 = arith.addi %mul3A_127, %mul3A_34 : i32
        %add3A_129 = arith.constant 1 : i32
        %add3A_130 = arith.addi %add3A_128, %add3A_129 : i32
        %broadcast_in_dim3A_131 = vector.broadcast %add3A_130 : i32 to vector<16xi32>
        %gather3A_132 = tpu.vector_load_idx %arg10[%broadcast_in_dim3A_131] : memref<10368xf32, #tpu.memory_space<vmem>>[vector<16xi32>], vector<16xf32>,
        %add3A_133 = arith.constant 1 : i32
        %add3A_134 = arith.addi %mul3A_34, %add3A_133 : i32
        %get3A_135 = arith.index_cast %add3A_134 : i32 to index
        %get3A_136 = arith.constant 0 : index
        %get3A_137 = tpu.vector_load %arg11[%get3A_135, %get3A_136] {strides = array<i32>} : memref<128x128xf32, #tpu.memory_space<vmem>>, vector<16xf32>,
        %mul3A_138 = arith.mulf %get3A_137, %gather3A_132 : vector<16xf32>
        %add3A_139 = arith.constant 1 : i32
        %add3A_140 = arith.addi %mul3A_34, %add3A_139 : i32
        %swap3A_141 = arith.index_cast %add3A_140 : i32 to index
        %swap3A_142 = arith.constant 0 : index
        %swap3A_143 = tpu.vector_load %arg11[%swap3A_141, %swap3A_142] {strides = array<i32>} : memref<128x128xf32, #tpu.memory_space<vmem>>, vector<16xf32>,
        tpu.vector_store %arg11[%swap3A_141, %swap3A_142], %mul3A_138 {strides = array<i32>} : memref<128x128xf32, #tpu.memory_space<vmem>>, vector<16xf32>,
        %add3A_144 = arith.constant 1 : i32
        %add3A_145 = arith.addi %mul3A_34, %add3A_144 : i32
        %get3A_146 = arith.index_cast %add3A_145 : i32 to index
        %get3A_147 = arith.constant 16 : index
        %get3A_148 = tpu.vector_load %arg11[%get3A_146, %get3A_147] {strides = array<i32>} : memref<128x128xf32, #tpu.memory_space<vmem>>, vector<16xf32>,
        %mul3A_149 = arith.mulf %get3A_148, %gather3A_132 : vector<16xf32>
        %add3A_150 = arith.constant 1 : i32
        %add3A_151 = arith.addi %mul3A_34, %add3A_150 : i32
        %swap3A_152 = arith.index_cast %add3A_151 : i32 to index
        %swap3A_153 = arith.constant 16 : index
        %swap3A_154 = tpu.vector_load %arg11[%swap3A_152, %swap3A_153] {strides = array<i32>} : memref<128x128xf32, #tpu.memory_space<vmem>>, vector<16xf32>,
        tpu.vector_store %arg11[%swap3A_152, %swap3A_153], %mul3A_149 {strides = array<i32>} : memref<128x128xf32, #tpu.memory_space<vmem>>, vector<16xf32>,
        %add3A_155 = arith.constant 1 : i32
        %add3A_156 = arith.addi %mul3A_34, %add3A_155 : i32
        %get3A_157 = arith.index_cast %add3A_156 : i32 to index
        %get3A_158 = arith.constant 32 : index
        %get3A_159 = tpu.vector_load %arg11[%get3A_157, %get3A_158] {strides = array<i32>} : memref<128x128xf32, #tpu.memory_space<vmem>>, vector<16xf32>,
        %mul3A_160 = arith.mulf %get3A_159, %gather3A_132 : vector<16xf32>
        %add3A_161 = arith.constant 1 : i32
        %add3A_162 = arith.addi %mul3A_34, %add3A_161 : i32
        %swap3A_163 = arith.index_cast %add3A_162 : i32 to index
        %swap3A_164 = arith.constant 32 : index
        %swap3A_165 = tpu.vector_load %arg11[%swap3A_163, %swap3A_164] {strides = array<i32>} : memref<128x128xf32, #tpu.memory_space<vmem>>, vector<16xf32>,
        tpu.vector_store %arg11[%swap3A_163, %swap3A_164], %mul3A_160 {strides = array<i32>} : memref<128x128xf32, #tpu.memory_space<vmem>>, vector<16xf32>,
        %add3A_166 = arith.constant 1 : i32
        %add3A_167 = arith.addi %mul3A_34, %add3A_166 : i32
        %get3A_168 = arith.index_cast %add3A_167 : i32 to index
        %get3A_169 = arith.constant 48 : index
        %get3A_170 = tpu.vector_load %arg11[%get3A_168, %get3A_169] {strides = array<i32>} : memref<128x128xf32, #tpu.memory_space<vmem>>, vector<16xf32>,
        %mul3A_171 = arith.mulf %get3A_170, %gather3A_132 : vector<16xf32>
        %add3A_172 = arith.constant 1 : i32
        %add3A_173 = arith.addi %mul3A_34, %add3A_172 : i32
        %swap3A_174 = arith.index_cast %add3A_173 : i32 to index
        %swap3A_175 = arith.constant 48 : index
        %swap3A_176 = tpu.vector_load %arg11[%swap3A_174, %swap3A_175] {strides = array<i32>} : memref<128x128xf32, #tpu.memory_space<vmem>>, vector<16xf32>,
        tpu.vector_store %arg11[%swap3A_174, %swap3A_175], %mul3A_171 {strides = array<i32>} : memref<128x128xf32, #tpu.memory_space<vmem>>, vector<16xf32>,
        %add3A_177 = arith.constant 1 : i32
        %add3A_178 = arith.addi %mul3A_34, %add3A_177 : i32
        %get3A_179 = arith.index_cast %add3A_178 : i32 to index
        %get3A_180 = arith.constant 64 : index
        %get3A_181 = tpu.vector_load %arg11[%get3A_179, %get3A_180] {strides = array<i32>} : memref<128x128xf32, #tpu.memory_space<vmem>>, vector<16xf32>,
        %mul3A_182 = arith.mulf %get3A_181, %gather3A_132 : vector<16xf32>
        %add3A_183 = arith.constant 1 : i32
        %add3A_184 = arith.addi %mul3A_34, %add3A_183 : i32
        %swap3A_185 = arith.index_cast %add3A_184 : i32 to index
        %swap3A_186 = arith.constant 64 : index
        %swap3A_187 = tpu.vector_load %arg11[%swap3A_185, %swap3A_186] {strides = array<i32>} : memref<128x128xf32, #tpu.memory_space<vmem>>, vector<16xf32>,
        tpu.vector_store %arg11[%swap3A_185, %swap3A_186], %mul3A_182 {strides = array<i32>} : memref<128x128xf32, #tpu.memory_space<vmem>>, vector<16xf32>,
        %add3A_188 = arith.constant 1 : i32
        %add3A_189 = arith.addi %mul3A_34, %add3A_188 : i32
        %get3A_190 = arith.index_cast %add3A_189 : i32 to index
        %get3A_191 = arith.constant 80 : index
        %get3A_192 = tpu.vector_load %arg11[%get3A_190, %get3A_191] {strides = array<i32>} : memref<128x128xf32, #tpu.memory_space<vmem>>, vector<16xf32>,
        %mul3A_193 = arith.mulf %get3A_192, %gather3A_132 : vector<16xf32>
        %add3A_194 = arith.constant 1 : i32
        %add3A_195 = arith.addi %mul3A_34, %add3A_194 : i32
        %swap3A_196 = arith.index_cast %add3A_195 : i32 to index
        %swap3A_197 = arith.constant 80 : index
        %swap3A_198 = tpu.vector_load %arg11[%swap3A_196, %swap3A_197] {strides = array<i32>} : memref<128x128xf32, #tpu.memory_space<vmem>>, vector<16xf32>,
        tpu.vector_store %arg11[%swap3A_196, %swap3A_197], %mul3A_193 {strides = array<i32>} : memref<128x128xf32, #tpu.memory_space<vmem>>, vector<16xf32>,
        %add3A_199 = arith.constant 1 : i32
        %add3A_200 = arith.addi %mul3A_34, %add3A_199 : i32
        %get3A_201 = arith.index_cast %add3A_200 : i32 to index
        %get3A_202 = arith.constant 96 : index
        %get3A_203 = tpu.vector_load %arg11[%get3A_201, %get3A_202] {strides = array<i32>} : memref<128x128xf32, #tpu.memory_space<vmem>>, vector<16xf32>,
        %mul3A_204 = arith.mulf %get3A_203, %gather3A_132 : vector<16xf32>
        %add3A_205 = arith.constant 1 : i32
        %add3A_206 = arith.addi %mul3A_34, %add3A_205 : i32
        %swap3A_207 = arith.index_cast %add3A_206 : i32 to index
        %swap3A_208 = arith.constant 96 : index
        %swap3A_209 = tpu.vector_load %arg11[%swap3A_207, %swap3A_208] {strides = array<i32>} : memref<128x128xf32, #tpu.memory_space<vmem>>, vector<16xf32>,
        tpu.vector_store %arg11[%swap3A_207, %swap3A_208], %mul3A_204 {strides = array<i32>} : memref<128x128xf32, #tpu.memory_space<vmem>>, vector<16xf32>,
        %add3A_210 = arith.constant 1 : i32
        %add3A_211 = arith.addi %mul3A_34, %add3A_210 : i32
        %get3A_212 = arith.index_cast %add3A_211 : i32 to index
        %get3A_213 = arith.constant 112 : index
        %get3A_214 = tpu.vector_load %arg11[%get3A_212, %get3A_213] {strides = array<i32>} : memref<128x128xf32, #tpu.memory_space<vmem>>, vector<16xf32>,
        %mul3A_215 = arith.mulf %get3A_214, %gather3A_132 : vector<16xf32>
        %add3A_216 = arith.constant 1 : i32
        %add3A_217 = arith.addi %mul3A_34, %add3A_216 : i32
        %swap3A_218 = arith.index_cast %add3A_217 : i32 to index
        %swap3A_219 = arith.constant 112 : index
        %swap3A_220 = tpu.vector_load %arg11[%swap3A_218, %swap3A_219] {strides = array<i32>} : memref<128x128xf32, #tpu.memory_space<vmem>>, vector<16xf32>,
        tpu.vector_store %arg11[%swap3A_218, %swap3A_219], %mul3A_215 {strides = array<i32>} : memref<128x128xf32, #tpu.memory_space<vmem>>, vector<16xf32>,
        %mul3A_221 = arith.constant 128 : i32
        %mul3A_222 = arith.muli %scan3A_15, %mul3A_221 : i32
        %add3A_223 = arith.addi %mul3A_222, %mul3A_34 : i32
        %add3A_224 = arith.constant 2 : i32
        %add3A_225 = arith.addi %add3A_223, %add3A_224 : i32
        %broadcast_in_dim3A_226 = vector.broadcast %add3A_225 : i32 to vector<16xi32>
        %gather3A_227 = tpu.vector_load_idx %arg10[%broadcast_in_dim3A_226] : memref<10368xf32, #tpu.memory_space<vmem>>[vector<16xi32>], vector<16xf32>,
        %add3A_228 = arith.constant 2 : i32
        %add3A_229 = arith.addi %mul3A_34, %add3A_228 : i32
        %get3A_230 = arith.index_cast %add3A_229 : i32 to index
        %get3A_231 = arith.constant 0 : index
        %get3A_232 = tpu.vector_load %arg11[%get3A_230, %get3A_231] {strides = array<i32>} : memref<128x128xf32, #tpu.memory_space<vmem>>, vector<16xf32>,
        %mul3A_233 = arith.mulf %get3A_232, %gather3A_227 : vector<16xf32>
        %add3A_234 = arith.constant 2 : i32
        %add3A_235 = arith.addi %mul3A_34, %add3A_234 : i32
        %swap3A_236 = arith.index_cast %add3A_235 : i32 to index
        %swap3A_237 = arith.constant 0 : index
        %swap3A_238 = tpu.vector_load %arg11[%swap3A_236, %swap3A_237] {strides = array<i32>} : memref<128x128xf32, #tpu.memory_space<vmem>>, vector<16xf32>,
        tpu.vector_store %arg11[%swap3A_236, %swap3A_237], %mul3A_233 {strides = array<i32>} : memref<128x128xf32, #tpu.memory_space<vmem>>, vector<16xf32>,
        %add3A_239 = arith.constant 2 : i32
        %add3A_240 = arith.addi %mul3A_34, %add3A_239 : i32
        %get3A_241 = arith.index_cast %add3A_240 : i32 to index
        %get3A_242 = arith.constant 16 : index
        %get3A_243 = tpu.vector_load %arg11[%get3A_241, %get3A_242] {strides = array<i32>} : memref<128x128xf32, #tpu.memory_space<vmem>>, vector<16xf32>,
        %mul3A_244 = arith.mulf %get3A_243, %gather3A_227 : vector<16xf32>
        %add3A_245 = arith.constant 2 : i32
        %add3A_246 = arith.addi %mul3A_34, %add3A_245 : i32
        %swap3A_247 = arith.index_cast %add3A_246 : i32 to index
        %swap3A_248 = arith.constant 16 : index
        %swap3A_249 = tpu.vector_load %arg11[%swap3A_247, %swap3A_248] {strides = array<i32>} : memref<128x128xf32, #tpu.memory_space<vmem>>, vector<16xf32>,
        tpu.vector_store %arg11[%swap3A_247, %swap3A_248], %mul3A_244 {strides = array<i32>} : memref<128x128xf32, #tpu.memory_space<vmem>>, vector<16xf32>,
        %add3A_250 = arith.constant 2 : i32
        %add3A_251 = arith.addi %mul3A_34, %add3A_250 : i32
        %get3A_252 = arith.index_cast %add3A_251 : i32 to index
        %get3A_253 = arith.constant 32 : index
        %get3A_254 = tpu.vector_load %arg11[%get3A_252, %get3A_253] {strides = array<i32>} : memref<128x128xf32, #tpu.memory_space<vmem>>, vector<16xf32>,
        %mul3A_255 = arith.mulf %get3A_254, %gather3A_227 : vector<16xf32>
        %add3A_256 = arith.constant 2 : i32
        %add3A_257 = arith.addi %mul3A_34, %add3A_256 : i32
        %swap3A_258 = arith.index_cast %add3A_257 : i32 to index
        %swap3A_259 = arith.constant 32 : index
        %swap3A_260 = tpu.vector_load %arg11[%swap3A_258, %swap3A_259] {strides = array<i32>} : memref<128x128xf32, #tpu.memory_space<vmem>>, vector<16xf32>,
        tpu.vector_store %arg11[%swap3A_258, %swap3A_259], %mul3A_255 {strides = array<i32>} : memref<128x128xf32, #tpu.memory_space<vmem>>, vector<16xf32>,
        %add3A_261 = arith.constant 2 : i32
        %add3A_262 = arith.addi %mul3A_34, %add3A_261 : i32
        %get3A_263 = arith.index_cast %add3A_262 : i32 to index
        %get3A_264 = arith.constant 48 : index
        %get3A_265 = tpu.vector_load %arg11[%get3A_263, %get3A_264] {strides = array<i32>} : memref<128x128xf32, #tpu.memory_space<vmem>>, vector<16xf32>,
        %mul3A_266 = arith.mulf %get3A_265, %gather3A_227 : vector<16xf32>
        %add3A_267 = arith.constant 2 : i32
        %add3A_268 = arith.addi %mul3A_34, %add3A_267 : i32
        %swap3A_269 = arith.index_cast %add3A_268 : i32 to index
        %swap3A_270 = arith.constant 48 : index
        %swap3A_271 = tpu.vector_load %arg11[%swap3A_269, %swap3A_270] {strides = array<i32>} : memref<128x128xf32, #tpu.memory_space<vmem>>, vector<16xf32>,
        tpu.vector_store %arg11[%swap3A_269, %swap3A_270], %mul3A_266 {strides = array<i32>} : memref<128x128xf32, #tpu.memory_space<vmem>>, vector<16xf32>,
        %add3A_272 = arith.constant 2 : i32
        %add3A_273 = arith.addi %mul3A_34, %add3A_272 : i32
        %get3A_274 = arith.index_cast %add3A_273 : i32 to index
        %get3A_275 = arith.constant 64 : index
        %get3A_276 = tpu.vector_load %arg11[%get3A_274, %get3A_275] {strides = array<i32>} : memref<128x128xf32, #tpu.memory_space<vmem>>, vector<16xf32>,
        %mul3A_277 = arith.mulf %get3A_276, %gather3A_227 : vector<16xf32>
        %add3A_278 = arith.constant 2 : i32
        %add3A_279 = arith.addi %mul3A_34, %add3A_278 : i32
        %swap3A_280 = arith.index_cast %add3A_279 : i32 to index
        %swap3A_281 = arith.constant 64 : index
        %swap3A_282 = tpu.vector_load %arg11[%swap3A_280, %swap3A_281] {strides = array<i32>} : memref<128x128xf32, #tpu.memory_space<vmem>>, vector<16xf32>,
        tpu.vector_store %arg11[%swap3A_280, %swap3A_281], %mul3A_277 {strides = array<i32>} : memref<128x128xf32, #tpu.memory_space<vmem>>, vector<16xf32>,
        %add3A_283 = arith.constant 2 : i32
        %add3A_284 = arith.addi %mul3A_34, %add3A_283 : i32
        %get3A_285 = arith.index_cast %add3A_284 : i32 to index
        %get3A_286 = arith.constant 80 : index
        %get3A_287 = tpu.vector_load %arg11[%get3A_285, %get3A_286] {strides = array<i32>} : memref<128x128xf32, #tpu.memory_space<vmem>>, vector<16xf32>,
        %mul3A_288 = arith.mulf %get3A_287, %gather3A_227 : vector<16xf32>
        %add3A_289 = arith.constant 2 : i32
        %add3A_290 = arith.addi %mul3A_34, %add3A_289 : i32
        %swap3A_291 = arith.index_cast %add3A_290 : i32 to index
        %swap3A_292 = arith.constant 80 : index
        %swap3A_293 = tpu.vector_load %arg11[%swap3A_291, %swap3A_292] {strides = array<i32>} : memref<128x128xf32, #tpu.memory_space<vmem>>, vector<16xf32>,
        tpu.vector_store %arg11[%swap3A_291, %swap3A_292], %mul3A_288 {strides = array<i32>} : memref<128x128xf32, #tpu.memory_space<vmem>>, vector<16xf32>,
        %add3A_294 = arith.constant 2 : i32
        %add3A_295 = arith.addi %mul3A_34, %add3A_294 : i32
        %get3A_296 = arith.index_cast %add3A_295 : i32 to index
        %get3A_297 = arith.constant 96 : index
        %get3A_298 = tpu.vector_load %arg11[%get3A_296, %get3A_297] {strides = array<i32>} : memref<128x128xf32, #tpu.memory_space<vmem>>, vector<16xf32>,
        %mul3A_299 = arith.mulf %get3A_298, %gather3A_227 : vector<16xf32>
        %add3A_300 = arith.constant 2 : i32
        %add3A_301 = arith.addi %mul3A_34, %add3A_300 : i32
        %swap3A_302 = arith.index_cast %add3A_301 : i32 to index
        %swap3A_303 = arith.constant 96 : index
        %swap3A_304 = tpu.vector_load %arg11[%swap3A_302, %swap3A_303] {strides = array<i32>} : memref<128x128xf32, #tpu.memory_space<vmem>>, vector<16xf32>,
        tpu.vector_store %arg11[%swap3A_302, %swap3A_303], %mul3A_299 {strides = array<i32>} : memref<128x128xf32, #tpu.memory_space<vmem>>, vector<16xf32>,
        %add3A_305 = arith.constant 2 : i32
        %add3A_306 = arith.addi %mul3A_34, %add3A_305 : i32
        %get3A_307 = arith.index_cast %add3A_306 : i32 to index
        %get3A_308 = arith.constant 112 : index
        %get3A_309 = tpu.vector_load %arg11[%get3A_307, %get3A_308] {strides = array<i32>} : memref<128x128xf32, #tpu.memory_space<vmem>>, vector<16xf32>,
        %mul3A_310 = arith.mulf %get3A_309, %gather3A_227 : vector<16xf32>
        %add3A_311 = arith.constant 2 : i32
        %add3A_312 = arith.addi %mul3A_34, %add3A_311 : i32
        %swap3A_313 = arith.index_cast %add3A_312 : i32 to index
        %swap3A_314 = arith.constant 112 : index
        %swap3A_315 = tpu.vector_load %arg11[%swap3A_313, %swap3A_314] {strides = array<i32>} : memref<128x128xf32, #tpu.memory_space<vmem>>, vector<16xf32>,
        tpu.vector_store %arg11[%swap3A_313, %swap3A_314], %mul3A_310 {strides = array<i32>} : memref<128x128xf32, #tpu.memory_space<vmem>>, vector<16xf32>,
        %mul3A_316 = arith.constant 128 : i32
        %mul3A_317 = arith.muli %scan3A_15, %mul3A_316 : i32
        %add3A_318 = arith.addi %mul3A_317, %mul3A_34 : i32
        %add3A_319 = arith.constant 3 : i32
        %add3A_320 = arith.addi %add3A_318, %add3A_319 : i32
        %broadcast_in_dim3A_321 = vector.broadcast %add3A_320 : i32 to vector<16xi32>
        %gather3A_322 = tpu.vector_load_idx %arg10[%broadcast_in_dim3A_321] : memref<10368xf32, #tpu.memory_space<vmem>>[vector<16xi32>], vector<16xf32>,
        %add3A_323 = arith.constant 3 : i32
        %add3A_324 = arith.addi %mul3A_34, %add3A_323 : i32
        %get3A_325 = arith.index_cast %add3A_324 : i32 to index
        %get3A_326 = arith.constant 0 : index
        %get3A_327 = tpu.vector_load %arg11[%get3A_325, %get3A_326] {strides = array<i32>} : memref<128x128xf32, #tpu.memory_space<vmem>>, vector<16xf32>,
        %mul3A_328 = arith.mulf %get3A_327, %gather3A_322 : vector<16xf32>
        %add3A_329 = arith.constant 3 : i32
        %add3A_330 = arith.addi %mul3A_34, %add3A_329 : i32
        %swap3A_331 = arith.index_cast %add3A_330 : i32 to index
        %swap3A_332 = arith.constant 0 : index
        %swap3A_333 = tpu.vector_load %arg11[%swap3A_331, %swap3A_332] {strides = array<i32>} : memref<128x128xf32, #tpu.memory_space<vmem>>, vector<16xf32>,
        tpu.vector_store %arg11[%swap3A_331, %swap3A_332], %mul3A_328 {strides = array<i32>} : memref<128x128xf32, #tpu.memory_space<vmem>>, vector<16xf32>,
        %add3A_334 = arith.constant 3 : i32
        %add3A_335 = arith.addi %mul3A_34, %add3A_334 : i32
        %get3A_336 = arith.index_cast %add3A_335 : i32 to index
        %get3A_337 = arith.constant 16 : index
        %get3A_338 = tpu.vector_load %arg11[%get3A_336, %get3A_337] {strides = array<i32>} : memref<128x128xf32, #tpu.memory_space<vmem>>, vector<16xf32>,
        %mul3A_339 = arith.mulf %get3A_338, %gather3A_322 : vector<16xf32>
        %add3A_340 = arith.constant 3 : i32
        %add3A_341 = arith.addi %mul3A_34, %add3A_340 : i32
        %swap3A_342 = arith.index_cast %add3A_341 : i32 to index
        %swap3A_343 = arith.constant 16 : index
        %swap3A_344 = tpu.vector_load %arg11[%swap3A_342, %swap3A_343] {strides = array<i32>} : memref<128x128xf32, #tpu.memory_space<vmem>>, vector<16xf32>,
        tpu.vector_store %arg11[%swap3A_342, %swap3A_343], %mul3A_339 {strides = array<i32>} : memref<128x128xf32, #tpu.memory_space<vmem>>, vector<16xf32>,
        %add3A_345 = arith.constant 3 : i32
        %add3A_346 = arith.addi %mul3A_34, %add3A_345 : i32
        %get3A_347 = arith.index_cast %add3A_346 : i32 to index
        %get3A_348 = arith.constant 32 : index
        %get3A_349 = tpu.vector_load %arg11[%get3A_347, %get3A_348] {strides = array<i32>} : memref<128x128xf32, #tpu.memory_space<vmem>>, vector<16xf32>,
        %mul3A_350 = arith.mulf %get3A_349, %gather3A_322 : vector<16xf32>
        %add3A_351 = arith.constant 3 : i32
        %add3A_352 = arith.addi %mul3A_34, %add3A_351 : i32
        %swap3A_353 = arith.index_cast %add3A_352 : i32 to index
        %swap3A_354 = arith.constant 32 : index
        %swap3A_355 = tpu.vector_load %arg11[%swap3A_353, %swap3A_354] {strides = array<i32>} : memref<128x128xf32, #tpu.memory_space<vmem>>, vector<16xf32>,
        tpu.vector_store %arg11[%swap3A_353, %swap3A_354], %mul3A_350 {strides = array<i32>} : memref<128x128xf32, #tpu.memory_space<vmem>>, vector<16xf32>,
        %add3A_356 = arith.constant 3 : i32
        %add3A_357 = arith.addi %mul3A_34, %add3A_356 : i32
        %get3A_358 = arith.index_cast %add3A_357 : i32 to index
        %get3A_359 = arith.constant 48 : index
        %get3A_360 = tpu.vector_load %arg11[%get3A_358, %get3A_359] {strides = array<i32>} : memref<128x128xf32, #tpu.memory_space<vmem>>, vector<16xf32>,
        %mul3A_361 = arith.mulf %get3A_360, %gather3A_322 : vector<16xf32>
        %add3A_362 = arith.constant 3 : i32
        %add3A_363 = arith.addi %mul3A_34, %add3A_362 : i32
        %swap3A_364 = arith.index_cast %add3A_363 : i32 to index
        %swap3A_365 = arith.constant 48 : index
        %swap3A_366 = tpu.vector_load %arg11[%swap3A_364, %swap3A_365] {strides = array<i32>} : memref<128x128xf32, #tpu.memory_space<vmem>>, vector<16xf32>,
        tpu.vector_store %arg11[%swap3A_364, %swap3A_365], %mul3A_361 {strides = array<i32>} : memref<128x128xf32, #tpu.memory_space<vmem>>, vector<16xf32>,
        %add3A_367 = arith.constant 3 : i32
        %add3A_368 = arith.addi %mul3A_34, %add3A_367 : i32
        %get3A_369 = arith.index_cast %add3A_368 : i32 to index
        %get3A_370 = arith.constant 64 : index
        %get3A_371 = tpu.vector_load %arg11[%get3A_369, %get3A_370] {strides = array<i32>} : memref<128x128xf32, #tpu.memory_space<vmem>>, vector<16xf32>,
        %mul3A_372 = arith.mulf %get3A_371, %gather3A_322 : vector<16xf32>
        %add3A_373 = arith.constant 3 : i32
        %add3A_374 = arith.addi %mul3A_34, %add3A_373 : i32
        %swap3A_375 = arith.index_cast %add3A_374 : i32 to index
        %swap3A_376 = arith.constant 64 : index
        %swap3A_377 = tpu.vector_load %arg11[%swap3A_375, %swap3A_376] {strides = array<i32>} : memref<128x128xf32, #tpu.memory_space<vmem>>, vector<16xf32>,
        tpu.vector_store %arg11[%swap3A_375, %swap3A_376], %mul3A_372 {strides = array<i32>} : memref<128x128xf32, #tpu.memory_space<vmem>>, vector<16xf32>,
        %add3A_378 = arith.constant 3 : i32
        %add3A_379 = arith.addi %mul3A_34, %add3A_378 : i32
        %get3A_380 = arith.index_cast %add3A_379 : i32 to index
        %get3A_381 = arith.constant 80 : index
        %get3A_382 = tpu.vector_load %arg11[%get3A_380, %get3A_381] {strides = array<i32>} : memref<128x128xf32, #tpu.memory_space<vmem>>, vector<16xf32>,
        %mul3A_383 = arith.mulf %get3A_382, %gather3A_322 : vector<16xf32>
        %add3A_384 = arith.constant 3 : i32
        %add3A_385 = arith.addi %mul3A_34, %add3A_384 : i32
        %swap3A_386 = arith.index_cast %add3A_385 : i32 to index
        %swap3A_387 = arith.constant 80 : index
        %swap3A_388 = tpu.vector_load %arg11[%swap3A_386, %swap3A_387] {strides = array<i32>} : memref<128x128xf32, #tpu.memory_space<vmem>>, vector<16xf32>,
        tpu.vector_store %arg11[%swap3A_386, %swap3A_387], %mul3A_383 {strides = array<i32>} : memref<128x128xf32, #tpu.memory_space<vmem>>, vector<16xf32>,
        %add3A_389 = arith.constant 3 : i32
        %add3A_390 = arith.addi %mul3A_34, %add3A_389 : i32
        %get3A_391 = arith.index_cast %add3A_390 : i32 to index
        %get3A_392 = arith.constant 96 : index
        %get3A_393 = tpu.vector_load %arg11[%get3A_391, %get3A_392] {strides = array<i32>} : memref<128x128xf32, #tpu.memory_space<vmem>>, vector<16xf32>,
        %mul3A_394 = arith.mulf %get3A_393, %gather3A_322 : vector<16xf32>
        %add3A_395 = arith.constant 3 : i32
        %add3A_396 = arith.addi %mul3A_34, %add3A_395 : i32
        %swap3A_397 = arith.index_cast %add3A_396 : i32 to index
        %swap3A_398 = arith.constant 96 : index
        %swap3A_399 = tpu.vector_load %arg11[%swap3A_397, %swap3A_398] {strides = array<i32>} : memref<128x128xf32, #tpu.memory_space<vmem>>, vector<16xf32>,
        tpu.vector_store %arg11[%swap3A_397, %swap3A_398], %mul3A_394 {strides = array<i32>} : memref<128x128xf32, #tpu.memory_space<vmem>>, vector<16xf32>,
        %add3A_400 = arith.constant 3 : i32
        %add3A_401 = arith.addi %mul3A_34, %add3A_400 : i32
        %get3A_402 = arith.index_cast %add3A_401 : i32 to index
        %get3A_403 = arith.constant 112 : index
        %get3A_404 = tpu.vector_load %arg11[%get3A_402, %get3A_403] {strides = array<i32>} : memref<128x128xf32, #tpu.memory_space<vmem>>, vector<16xf32>,
        %mul3A_405 = arith.mulf %get3A_404, %gather3A_322 : vector<16xf32>
        %add3A_406 = arith.constant 3 : i32
        %add3A_407 = arith.addi %mul3A_34, %add3A_406 : i32
        %swap3A_408 = arith.index_cast %add3A_407 : i32 to index
        %swap3A_409 = arith.constant 112 : index
        %swap3A_410 = tpu.vector_load %arg11[%swap3A_408, %swap3A_409] {strides = array<i32>} : memref<128x128xf32, #tpu.memory_space<vmem>>, vector<16xf32>,
        tpu.vector_store %arg11[%swap3A_408, %swap3A_409], %mul3A_405 {strides = array<i32>} : memref<128x128xf32, #tpu.memory_space<vmem>>, vector<16xf32>,
      }
      %scan3A_31 = arith.constant 32 : i32
      "tpu.region"() ({
        %run_scoped3A = tpu.sem_alloc : memref<!tpu.dma_semaphore, #tpu.memory_space<semaphore_mem>>
        %dma_start3A_32 = arith.constant 0 : i32
        %dma_start3A_33 = tpu.memref_slice %arg9[%scan3A_15, %dma_start3A_32] : memref<81x128xi32, #tpu.memory_space<vmem>> -> memref<1x128xi32, #tpu.memory_space<vmem>>
        %dma_start3A_34 = tpu.memref_squeeze %dma_start3A_33 : memref<1x128xi32, #tpu.memory_space<vmem>> -> memref<128xi32, #tpu.memory_space<vmem>>
        %dma_start3A_35 = arith.constant 0 : i32
        %dma_start3A_36 = arith.constant 0 : i32
        %dma_start3A_37 = tpu.memref_slice %arg12[%dma_start3A_35, %dma_start3A_36] : memref<10112x128xf32, #tpu.memory_space<vmem_shared>> -> memref<10112x128xf32, #tpu.memory_space<vmem_shared>>
        tpu.enqueue_indirect_dma source(%arg11 : memref<128x128xf32, #tpu.memory_space<vmem>>) target(%dma_start3A_37 : memref<10112x128xf32, #tpu.memory_space<vmem_shared>>) offsets(%dma_start3A_34 : memref<128xi32, #tpu.memory_space<vmem>>) semaphore(%run_scoped3A : memref<!tpu.dma_semaphore, #tpu.memory_space<semaphore_mem>>) {add = true}
        %dma_wait3A_38 = arith.constant 0 : i32
        %dma_wait3A_39 = tpu.memref_slice %arg9[%scan3A_15, %dma_wait3A_38] : memref<81x128xi32, #tpu.memory_space<vmem>> -> memref<1x128xi32, #tpu.memory_space<vmem>>
        %dma_wait3A_40 = tpu.memref_squeeze %dma_wait3A_39 : memref<1x128xi32, #tpu.memory_space<vmem>> -> memref<128xi32, #tpu.memory_space<vmem>>
        %dma_wait3A_41 = arith.constant 0 : i32
        %dma_wait3A_42 = arith.constant 0 : i32
        %dma_wait3A_43 = tpu.memref_slice %arg12[%dma_wait3A_41, %dma_wait3A_42] : memref<10112x128xf32, #tpu.memory_space<vmem_shared>> -> memref<10112x128xf32, #tpu.memory_space<vmem_shared>>
        tpu.wait_indirect_dma semaphore(%run_scoped3A : memref<!tpu.dma_semaphore, #tpu.memory_space<semaphore_mem>>) src(%arg11 : memref<128x128xf32, #tpu.memory_space<vmem>>) dst(%dma_wait3A_43 : memref<10112x128xf32, #tpu.memory_space<vmem_shared>>)
        tpu.yield
      }) : () -> ()
    }
    %scan3A_9 = arith.constant 81 : i32
    %barrier3A_10 = arith.constant 0 : index
    tpu.barrier barrier_id(%barrier3A_10)
    %mul3A_11 = arith.constant 632 : i32
    %mul3A_12 = arith.muli %arg1, %mul3A_11 : i32
    %mul3A_13 = arith.constant 632 : i32
    %mul3A_14 = arith.muli %arg1, %mul3A_13 : i32
    "tpu.region"() ({
      %run_scoped3A = tpu.sem_alloc : memref<!tpu.dma_semaphore, #tpu.memory_space<semaphore_mem>>
      %dma_start3A = arith.constant 0 : i32
      %dma_start3A_15 = tpu.memref_slice %arg7[%arg0, %mul3A_14, %dma_start3A] : memref<2x10112x128xf32, #tpu.memory_space<hbm>> -> memref<1x632x128xf32, #tpu.memory_space<hbm>>
      %dma_start3A_16 = tpu.memref_squeeze %dma_start3A_15 : memref<1x632x128xf32, #tpu.memory_space<hbm>> -> memref<632x128xf32, #tpu.memory_space<hbm>>
      %dma_start3A_17 = arith.constant 0 : i32
      %dma_start3A_18 = tpu.memref_slice %arg12[%mul3A_12, %dma_start3A_17] : memref<10112x128xf32, #tpu.memory_space<vmem_shared>> -> memref<632x128xf32, #tpu.memory_space<vmem_shared>>
      tpu.enqueue_dma source(%dma_start3A_18 : memref<632x128xf32, #tpu.memory_space<vmem_shared>>) target(%dma_start3A_16 : memref<632x128xf32, #tpu.memory_space<hbm>>) target_semaphore(%run_scoped3A : memref<!tpu.dma_semaphore, #tpu.memory_space<semaphore_mem>>)
      %dma_wait3A = arith.constant 0 : i32
      %dma_wait3A_19 = tpu.memref_slice %arg7[%arg0, %mul3A_14, %dma_wait3A] : memref<2x10112x128xf32, #tpu.memory_space<hbm>> -> memref<1x632x128xf32, #tpu.memory_space<hbm>>
      %dma_wait3A_20 = tpu.memref_squeeze %dma_wait3A_19 : memref<1x632x128xf32, #tpu.memory_space<hbm>> -> memref<632x128xf32, #tpu.memory_space<hbm>>
      %dma_wait3A_21 = arith.constant 0 : i32
      %dma_wait3A_22 = tpu.memref_slice %arg12[%mul3A_12, %dma_wait3A_21] : memref<10112x128xf32, #tpu.memory_space<vmem_shared>> -> memref<632x128xf32, #tpu.memory_space<vmem_shared>>
      tpu.wait_dma2 semaphore(%run_scoped3A : memref<!tpu.dma_semaphore, #tpu.memory_space<semaphore_mem>>) src(%dma_wait3A_22 : memref<632x128xf32, #tpu.memory_space<vmem_shared>>) dst(%dma_wait3A_20 : memref<632x128xf32, #tpu.memory_space<hbm>>)
      tpu.yield
    }) : () -> ()
    return
  }
}

module attributes {stable_mosaic.version = 14 : i64} {
  func.func @_tc1_body(%arg0: memref<10000x128xf32, #tpu.memory_space<vmem>>, %arg1: memref<128x128xf32, #tpu.memory_space<vmem>>, %arg2: memref<2x10240xf32, #tpu.memory_space<vmem>>, %arg3: memref<10000x128xf32, #tpu.memory_space<vmem>>, %arg4: memref<10000x1xf32, #tpu.memory_space<vmem>>) attributes {dimension_semantics = [], scalar_prefetch = 0 : i64, scratch_operands = 0 : i64, tpu.core_type = #tpu.core_type<tc>} {
    %get3A = arith.constant 0 : index
    %get3A_0 = arith.constant 0 : index
    %get3A_1 = vector.load %arg0[%get3A, %get3A_0] : memref<10000x128xf32, #tpu.memory_space<vmem>>, vector<10000x128xf32>
    %ne3A = arith.cmpf one, %get3A_1, %get3A_1 : vector<10000x128xf32>
    %abs3A = math.absf %get3A_1 : vector<10000x128xf32>
    %eq3A = arith.constant 0x7F800000 : f32
    %eq3A_2 = vector.broadcast %eq3A : f32 to vector<10000x128xf32>
    %eq3A_3 = arith.cmpf oeq, %abs3A, %eq3A_2 : vector<10000x128xf32>
    %or3A = arith.ori %ne3A, %eq3A_3 : vector<10000x128xi1>
    %broadcast_in_dim3A = arith.constant 0.000000e+00 : f32
    %broadcast_in_dim3A_4 = vector.broadcast %broadcast_in_dim3A : f32 to vector<10000x128xf32>
    %select_n3A = arith.select %or3A, %broadcast_in_dim3A_4, %get3A_1 : vector<10000x128xi1>, vector<10000x128xf32>
    %get3A_5 = arith.constant 0 : index
    %get3A_6 = arith.constant 0 : index
    %get3A_7 = vector.load %arg2[%get3A_5, %get3A_6] : memref<2x10240xf32, #tpu.memory_space<vmem>>, vector<1x10240xf32>
    %get3A_8 = vector.shape_cast %get3A_7 : vector<1x10240xf32> to vector<10240xf32>
    %get3A_9 = arith.constant 1 : index
    %get3A_10 = arith.constant 0 : index
    %get3A_11 = vector.load %arg2[%get3A_9, %get3A_10] : memref<2x10240xf32, #tpu.memory_space<vmem>>, vector<1x10240xf32>
    %get3A_12 = vector.shape_cast %get3A_11 : vector<1x10240xf32> to vector<10240xf32>
    %add3A = arith.addf %get3A_8, %get3A_12 : vector<10240xf32>
    %slice3A = vector.extract_strided_slice %add3A {offsets = [0], sizes = [10000], strides = [1]} : vector<10240xf32> to vector<10000xf32>
    %gt3A = arith.constant 0.000000e+00 : f32
    %gt3A_13 = vector.broadcast %gt3A : f32 to vector<10000xf32>
    %gt3A_14 = arith.cmpf ogt, %slice3A, %gt3A_13 : vector<10000xf32>
    %rsqrt3A = math.rsqrt %slice3A : vector<10000xf32>
    %jit3A = arith.constant 0.000000e+00 : f32
    %broadcast_in_dim3A_15 = vector.broadcast %jit3A : f32 to vector<10000xf32>
    %select_n3A_16 = arith.select %gt3A_14, %rsqrt3A, %broadcast_in_dim3A_15 : vector<10000xi1>, vector<10000xf32>
    %broadcast_in_dim3A_17 = vector.shape_cast %select_n3A_16 : vector<10000xf32> to vector<10000x1xf32>
    %swap3A = arith.constant 0 : index
    %swap3A_18 = arith.constant 0 : index
    %swap3A_19 = vector.load %arg4[%swap3A, %swap3A_18] : memref<10000x1xf32, #tpu.memory_space<vmem>>, vector<10000x1xf32>
    tpu.vector_store %arg4[%swap3A, %swap3A_18], %broadcast_in_dim3A_17 {strides = array<i32>} : memref<10000x1xf32, #tpu.memory_space<vmem>>, vector<10000x1xf32>,
    %broadcast_in_dim3A_20 = vector.shape_cast %select_n3A_16 : vector<10000xf32> to vector<10000x1xf32>
    %get3A_21 = arith.constant 0 : index
    %get3A_22 = arith.constant 0 : index
    %get3A_23 = vector.load %arg1[%get3A_21, %get3A_22] : memref<128x128xf32, #tpu.memory_space<vmem>>, vector<128x128xf32>
    %dot_general3A = arith.constant dense<0.000000e+00> : vector<10000x128xf32>
    %dot_general3A_24 = tpu.matmul %select_n3A, %get3A_23, %dot_general3A {dimension_numbers = #tpu.dot_dimension_numbers<[1], [0], [0], [1], [0, 0, 1, 1], [], []>, transpose_lhs_hint = false} : vector<10000x128xf32>, vector<128x128xf32>, vector<10000x128xf32> -> vector<10000x128xf32>
    %mul3A = vector.broadcast %broadcast_in_dim3A_20 : vector<10000x1xf32> to vector<10000x128xf32>
    %mul3A_25 = arith.mulf %mul3A, %dot_general3A_24 : vector<10000x128xf32>
    %swap3A_26 = arith.constant 0 : index
    %swap3A_27 = arith.constant 0 : index
    %swap3A_28 = vector.load %arg3[%swap3A_26, %swap3A_27] : memref<10000x128xf32, #tpu.memory_space<vmem>>, vector<10000x128xf32>
    tpu.vector_store %arg3[%swap3A_26, %swap3A_27], %mul3A_25 {strides = array<i32>} : memref<10000x128xf32, #tpu.memory_space<vmem>>, vector<10000x128xf32>,
    return
  }
}

module attributes {stable_mosaic.version = 14 : i64} {
  func.func @_tc2_body(%arg0: memref<2x10112x128xf32, #tpu.memory_space<vmem>>, %arg1: memref<10000x1xf32, #tpu.memory_space<vmem>>, %arg2: memref<128xf32, #tpu.memory_space<vmem>>, %arg3: memref<128xf32, #tpu.memory_space<vmem>>, %arg4: memref<128xf32, #tpu.memory_space<vmem>>, %arg5: memref<128x128xf32, #tpu.memory_space<vmem>>, %arg6: memref<128xf32, #tpu.memory_space<vmem>>, %arg7: memref<128xf32, #tpu.memory_space<vmem>>, %arg8: memref<10000x128xf32, #tpu.memory_space<vmem>>, %arg9: memref<10000xf32, #tpu.memory_space<vmem>>, %arg10: memref<10000xf32, #tpu.memory_space<vmem>>, %arg11: memref<1x1xf32, #tpu.memory_space<vmem>>) attributes {dimension_semantics = [], scalar_prefetch = 0 : i64, scratch_operands = 0 : i64, tpu.core_type = #tpu.core_type<tc>} {
    %get3A = arith.constant 0 : index
    %get3A_0 = arith.constant 0 : index
    %get3A_1 = vector.load %arg1[%get3A, %get3A_0] : memref<10000x1xf32, #tpu.memory_space<vmem>>, vector<10000x1xf32>
    %get3A_2 = arith.constant 0 : index
    %get3A_3 = arith.constant 0 : index
    %get3A_4 = arith.constant 0 : index
    %get3A_5 = vector.load %arg0[%get3A_2, %get3A_3, %get3A_4] : memref<2x10112x128xf32, #tpu.memory_space<vmem>>, vector<1x10112x128xf32>
    %get3A_6 = vector.shape_cast %get3A_5 : vector<1x10112x128xf32> to vector<10112x128xf32>
    %get3A_7 = arith.constant 1 : index
    %get3A_8 = arith.constant 0 : index
    %get3A_9 = arith.constant 0 : index
    %get3A_10 = vector.load %arg0[%get3A_7, %get3A_8, %get3A_9] : memref<2x10112x128xf32, #tpu.memory_space<vmem>>, vector<1x10112x128xf32>
    %get3A_11 = vector.shape_cast %get3A_10 : vector<1x10112x128xf32> to vector<10112x128xf32>
    %add3A = arith.addf %get3A_6, %get3A_11 : vector<10112x128xf32>
    %slice3A = vector.extract_strided_slice %add3A {offsets = [0, 0], sizes = [10000, 128], strides = [1, 1]} : vector<10112x128xf32> to vector<10000x128xf32>
    %mul3A = vector.broadcast %get3A_1 : vector<10000x1xf32> to vector<10000x128xf32>
    %mul3A_12 = arith.mulf %mul3A, %slice3A : vector<10000x128xf32>
    %get3A_13 = arith.constant 0 : index
    %get3A_14 = vector.load %arg2[%get3A_13] : memref<128xf32, #tpu.memory_space<vmem>>, vector<128xf32>
    %broadcast_in_dim3A = vector.shape_cast %get3A_14 : vector<128xf32> to vector<1x128xf32>
    %add3A_15 = vector.broadcast %broadcast_in_dim3A : vector<1x128xf32> to vector<10000x128xf32>
    %add3A_16 = arith.addf %mul3A_12, %add3A_15 : vector<10000x128xf32>
    %reduce_sum3A = arith.constant dense<0.000000e+00> : vector<128xf32>
    %reduce_sum3A_17 = vector.multi_reduction <add>, %add3A_16, %reduce_sum3A [0] : vector<10000x128xf32> to vector<128xf32>
    %broadcast_in_dim3A_18 = vector.shape_cast %reduce_sum3A_17 : vector<128xf32> to vector<1x128xf32>
    %div3A = arith.constant 1.000000e+04 : f32
    %div3A_19 = vector.broadcast %div3A : f32 to vector<1x128xf32>
    %div3A_20 = arith.divf %broadcast_in_dim3A_18, %div3A_19 : vector<1x128xf32>
    %sub3A = vector.broadcast %div3A_20 : vector<1x128xf32> to vector<10000x128xf32>
    %sub3A_21 = arith.subf %add3A_16, %sub3A : vector<10000x128xf32>
    %sub3A_22 = vector.broadcast %div3A_20 : vector<1x128xf32> to vector<10000x128xf32>
    %sub3A_23 = arith.subf %add3A_16, %sub3A_22 : vector<10000x128xf32>
    %mul3A_24 = arith.mulf %sub3A_21, %sub3A_23 : vector<10000x128xf32>
    %reduce_sum3A_25 = arith.constant dense<0.000000e+00> : vector<128xf32>
    %reduce_sum3A_26 = vector.multi_reduction <add>, %mul3A_24, %reduce_sum3A_25 [0] : vector<10000x128xf32> to vector<128xf32>
    %broadcast_in_dim3A_27 = vector.shape_cast %reduce_sum3A_26 : vector<128xf32> to vector<1x128xf32>
    %div3A_28 = arith.constant 1.000000e+04 : f32
    %div3A_29 = vector.broadcast %div3A_28 : f32 to vector<1x128xf32>
    %div3A_30 = arith.divf %broadcast_in_dim3A_27, %div3A_29 : vector<1x128xf32>
    %sub3A_31 = vector.broadcast %div3A_20 : vector<1x128xf32> to vector<10000x128xf32>
    %sub3A_32 = arith.subf %add3A_16, %sub3A_31 : vector<10000x128xf32>
    %add3A_33 = arith.constant 9.99999974E-6 : f32
    %add3A_34 = vector.broadcast %add3A_33 : f32 to vector<1x128xf32>
    %add3A_35 = arith.addf %div3A_30, %add3A_34 : vector<1x128xf32>
    %rsqrt3A = math.rsqrt %add3A_35 : vector<1x128xf32>
    %mul3A_36 = vector.broadcast %rsqrt3A : vector<1x128xf32> to vector<10000x128xf32>
    %mul3A_37 = arith.mulf %sub3A_32, %mul3A_36 : vector<10000x128xf32>
    %get3A_38 = arith.constant 0 : index
    %get3A_39 = vector.load %arg3[%get3A_38] : memref<128xf32, #tpu.memory_space<vmem>>, vector<128xf32>
    %broadcast_in_dim3A_40 = vector.shape_cast %get3A_39 : vector<128xf32> to vector<1x128xf32>
    %mul3A_41 = vector.broadcast %broadcast_in_dim3A_40 : vector<1x128xf32> to vector<10000x128xf32>
    %mul3A_42 = arith.mulf %mul3A_37, %mul3A_41 : vector<10000x128xf32>
    %get3A_43 = arith.constant 0 : index
    %get3A_44 = vector.load %arg4[%get3A_43] : memref<128xf32, #tpu.memory_space<vmem>>, vector<128xf32>
    %broadcast_in_dim3A_45 = vector.shape_cast %get3A_44 : vector<128xf32> to vector<1x128xf32>
    %add3A_46 = vector.broadcast %broadcast_in_dim3A_45 : vector<1x128xf32> to vector<10000x128xf32>
    %add3A_47 = arith.addf %mul3A_42, %add3A_46 : vector<10000x128xf32>
    %max3A = arith.constant 0.000000e+00 : f32
    %max3A_48 = vector.broadcast %max3A : f32 to vector<10000x128xf32>
    %max3A_49 = arith.maximumf %add3A_47, %max3A_48 : vector<10000x128xf32>
    %get3A_50 = arith.constant 0 : index
    %get3A_51 = arith.constant 0 : index
    %get3A_52 = vector.load %arg5[%get3A_50, %get3A_51] : memref<128x128xf32, #tpu.memory_space<vmem>>, vector<128x128xf32>
    %dot_general3A = arith.constant dense<0.000000e+00> : vector<10000x128xf32>
    %dot_general3A_53 = tpu.matmul %max3A_49, %get3A_52, %dot_general3A {dimension_numbers = #tpu.dot_dimension_numbers<[1], [0], [0], [1], [0, 0, 1, 1], [], []>, transpose_lhs_hint = false} : vector<10000x128xf32>, vector<128x128xf32>, vector<10000x128xf32> -> vector<10000x128xf32>
    %swap3A = arith.constant 0 : index
    %swap3A_54 = arith.constant 0 : index
    %swap3A_55 = vector.load %arg8[%swap3A, %swap3A_54] : memref<10000x128xf32, #tpu.memory_space<vmem>>, vector<10000x128xf32>
    tpu.vector_store %arg8[%swap3A, %swap3A_54], %dot_general3A_53 {strides = array<i32>} : memref<10000x128xf32, #tpu.memory_space<vmem>>, vector<10000x128xf32>,
    %get3A_56 = arith.constant 0 : index
    %get3A_57 = vector.load %arg6[%get3A_56] : memref<128xf32, #tpu.memory_space<vmem>>, vector<128xf32>
    %dot_general3A_58 = arith.constant dense<0.000000e+00> : vector<10000xf32>
    %dot_general3A_59 = tpu.matmul %dot_general3A_53, %get3A_57, %dot_general3A_58 {dimension_numbers = #tpu.dot_dimension_numbers<[1], [0], [0], [], [0, 0], [], []>, transpose_lhs_hint = false} : vector<10000x128xf32>, vector<128xf32>, vector<10000xf32> -> vector<10000xf32>
    %get3A_60 = arith.constant 0 : index
    %get3A_61 = vector.load %arg7[%get3A_60] : memref<128xf32, #tpu.memory_space<vmem>>, vector<128xf32>
    %dot_general3A_62 = arith.constant dense<0.000000e+00> : vector<10000xf32>
    %dot_general3A_63 = tpu.matmul %dot_general3A_53, %get3A_61, %dot_general3A_62 {dimension_numbers = #tpu.dot_dimension_numbers<[1], [0], [0], [], [0, 0], [], []>, transpose_lhs_hint = false} : vector<10000x128xf32>, vector<128xf32>, vector<10000xf32> -> vector<10000xf32>
    %swap3A_64 = arith.constant 0 : index
    %swap3A_65 = vector.load %arg9[%swap3A_64] : memref<10000xf32, #tpu.memory_space<vmem>>, vector<10000xf32>
    tpu.vector_store %arg9[%swap3A_64], %dot_general3A_59 {strides = array<i32>} : memref<10000xf32, #tpu.memory_space<vmem>>, vector<10000xf32>,
    %swap3A_66 = arith.constant 0 : index
    %swap3A_67 = vector.load %arg10[%swap3A_66] : memref<10000xf32, #tpu.memory_space<vmem>>, vector<10000xf32>
    tpu.vector_store %arg10[%swap3A_66], %dot_general3A_63 {strides = array<i32>} : memref<10000xf32, #tpu.memory_space<vmem>>, vector<10000xf32>,
    %broadcast_in_dim3A_68 = arith.constant 0.000000e+00 : f32
    %broadcast_in_dim3A_69 = vector.broadcast %broadcast_in_dim3A_68 : f32 to vector<1x1xf32>
    %reduce_max3A = vector.shape_cast %dot_general3A_59 : vector<10000xf32> to vector<1x10000xf32>
    %reduce_max3A_70 = arith.constant dense<0xFF800000> : vector<1xf32>
    %reduce_max3A_71 = vector.multi_reduction <maximumf>, %reduce_max3A, %reduce_max3A_70 [1] : vector<1x10000xf32> to vector<1xf32>
    %reduce_max3A_72 = vector.shape_cast %reduce_max3A_71 : vector<1xf32> to vector<1x1xf32>
    %reduce_max3A_73 = vector.extract %reduce_max3A_72[0, 0] : f32 from vector<1x1xf32>
    %add3A_74 = vector.broadcast %reduce_max3A_73 : f32 to vector<1x1xf32>
    %add3A_75 = arith.addf %broadcast_in_dim3A_69, %add3A_74 : vector<1x1xf32>
    %reduce_max3A_76 = vector.shape_cast %dot_general3A_63 : vector<10000xf32> to vector<1x10000xf32>
    %reduce_max3A_77 = arith.constant dense<0xFF800000> : vector<1xf32>
    %reduce_max3A_78 = vector.multi_reduction <maximumf>, %reduce_max3A_76, %reduce_max3A_77 [1] : vector<1x10000xf32> to vector<1xf32>
    %reduce_max3A_79 = vector.shape_cast %reduce_max3A_78 : vector<1xf32> to vector<1x1xf32>
    %reduce_max3A_80 = vector.extract %reduce_max3A_79[0, 0] : f32 from vector<1x1xf32>
    %add3A_81 = vector.broadcast %reduce_max3A_80 : f32 to vector<1x1xf32>
    %add3A_82 = arith.addf %add3A_75, %add3A_81 : vector<1x1xf32>
    %swap3A_83 = arith.constant 0 : index
    %swap3A_84 = arith.constant 0 : index
    %swap3A_85 = vector.load %arg11[%swap3A_83, %swap3A_84] : memref<1x1xf32, #tpu.memory_space<vmem>>, vector<1x1xf32>
    tpu.vector_store %arg11[%swap3A_83, %swap3A_84], %add3A_82 {strides = array<i32>} : memref<1x1xf32, #tpu.memory_space<vmem>>, vector<1x1xf32>,
    return
  }
}

module attributes {stable_mosaic.version = 14 : i64} {
  func.func @_tc3_body(%arg0: memref<2x10112x128xf32, #tpu.memory_space<vmem>>, %arg1: memref<2x10240xf32, #tpu.memory_space<vmem>>, %arg2: memref<128xf32, #tpu.memory_space<vmem>>, %arg3: memref<128x128xf32, #tpu.memory_space<vmem>>, %arg4: memref<10000x1xf32, #tpu.memory_space<vmem>>, %arg5: memref<10000x128xf32, #tpu.memory_space<vmem>>) attributes {dimension_semantics = [], scalar_prefetch = 0 : i64, scratch_operands = 0 : i64, tpu.core_type = #tpu.core_type<tc>} {
    %get3A = arith.constant 0 : index
    %get3A_0 = arith.constant 0 : index
    %get3A_1 = vector.load %arg1[%get3A, %get3A_0] : memref<2x10240xf32, #tpu.memory_space<vmem>>, vector<1x10240xf32>
    %get3A_2 = vector.shape_cast %get3A_1 : vector<1x10240xf32> to vector<10240xf32>
    %get3A_3 = arith.constant 1 : index
    %get3A_4 = arith.constant 0 : index
    %get3A_5 = vector.load %arg1[%get3A_3, %get3A_4] : memref<2x10240xf32, #tpu.memory_space<vmem>>, vector<1x10240xf32>
    %get3A_6 = vector.shape_cast %get3A_5 : vector<1x10240xf32> to vector<10240xf32>
    %add3A = arith.addf %get3A_2, %get3A_6 : vector<10240xf32>
    %slice3A = vector.extract_strided_slice %add3A {offsets = [0], sizes = [10000], strides = [1]} : vector<10240xf32> to vector<10000xf32>
    %broadcast_in_dim3A = vector.shape_cast %slice3A : vector<10000xf32> to vector<10000x1xf32>
    %get3A_7 = arith.constant 0 : index
    %get3A_8 = arith.constant 0 : index
    %get3A_9 = arith.constant 0 : index
    %get3A_10 = vector.load %arg0[%get3A_7, %get3A_8, %get3A_9] : memref<2x10112x128xf32, #tpu.memory_space<vmem>>, vector<1x10112x128xf32>
    %get3A_11 = vector.shape_cast %get3A_10 : vector<1x10112x128xf32> to vector<10112x128xf32>
    %get3A_12 = arith.constant 1 : index
    %get3A_13 = arith.constant 0 : index
    %get3A_14 = arith.constant 0 : index
    %get3A_15 = vector.load %arg0[%get3A_12, %get3A_13, %get3A_14] : memref<2x10112x128xf32, #tpu.memory_space<vmem>>, vector<1x10112x128xf32>
    %get3A_16 = vector.shape_cast %get3A_15 : vector<1x10112x128xf32> to vector<10112x128xf32>
    %add3A_17 = arith.addf %get3A_11, %get3A_16 : vector<10112x128xf32>
    %slice3A_18 = vector.extract_strided_slice %add3A_17 {offsets = [0, 0], sizes = [10000, 128], strides = [1, 1]} : vector<10112x128xf32> to vector<10000x128xf32>
    %div3A = vector.broadcast %broadcast_in_dim3A : vector<10000x1xf32> to vector<10000x128xf32>
    %div3A_19 = arith.divf %slice3A_18, %div3A : vector<10000x128xf32>
    %get3A_20 = arith.constant 0 : index
    %get3A_21 = vector.load %arg2[%get3A_20] : memref<128xf32, #tpu.memory_space<vmem>>, vector<128xf32>
    %broadcast_in_dim3A_22 = vector.shape_cast %get3A_21 : vector<128xf32> to vector<1x128xf32>
    %add3A_23 = vector.broadcast %broadcast_in_dim3A_22 : vector<1x128xf32> to vector<10000x128xf32>
    %add3A_24 = arith.addf %div3A_19, %add3A_23 : vector<10000x128xf32>
    %max3A = arith.constant 0.000000e+00 : f32
    %max3A_25 = vector.broadcast %max3A : f32 to vector<10000x128xf32>
    %max3A_26 = arith.maximumf %add3A_24, %max3A_25 : vector<10000x128xf32>
    %get3A_27 = arith.constant 0 : index
    %get3A_28 = arith.constant 0 : index
    %get3A_29 = vector.load %arg4[%get3A_27, %get3A_28] : memref<10000x1xf32, #tpu.memory_space<vmem>>, vector<10000x1xf32>
    %get3A_30 = arith.constant 0 : index
    %get3A_31 = arith.constant 0 : index
    %get3A_32 = vector.load %arg3[%get3A_30, %get3A_31] : memref<128x128xf32, #tpu.memory_space<vmem>>, vector<128x128xf32>
    %dot_general3A = arith.constant dense<0.000000e+00> : vector<10000x128xf32>
    %dot_general3A_33 = tpu.matmul %max3A_26, %get3A_32, %dot_general3A {dimension_numbers = #tpu.dot_dimension_numbers<[1], [0], [0], [1], [0, 0, 1, 1], [], []>, transpose_lhs_hint = false} : vector<10000x128xf32>, vector<128x128xf32>, vector<10000x128xf32> -> vector<10000x128xf32>
    %mul3A = vector.broadcast %get3A_29 : vector<10000x1xf32> to vector<10000x128xf32>
    %mul3A_34 = arith.mulf %mul3A, %dot_general3A_33 : vector<10000x128xf32>
    %swap3A = arith.constant 0 : index
    %swap3A_35 = arith.constant 0 : index
    %swap3A_36 = vector.load %arg5[%swap3A, %swap3A_35] : memref<10000x128xf32, #tpu.memory_space<vmem>>, vector<10000x128xf32>
    tpu.vector_store %arg5[%swap3A, %swap3A_35], %mul3A_34 {strides = array<i32>} : memref<10000x128xf32, #tpu.memory_space<vmem>>, vector<10000x128xf32>,
    return
  }
}

module attributes {stable_mosaic.version = 14 : i64} {
  func.func @_tc4_body(%arg0: memref<2x10112x128xf32, #tpu.memory_space<vmem>>, %arg1: memref<10000x1xf32, #tpu.memory_space<vmem>>, %arg2: memref<128xf32, #tpu.memory_space<vmem>>, %arg3: memref<128x128xf32, #tpu.memory_space<vmem>>, %arg4: memref<10000x128xf32, #tpu.memory_space<vmem>>) attributes {dimension_semantics = [], scalar_prefetch = 0 : i64, scratch_operands = 0 : i64, tpu.core_type = #tpu.core_type<tc>} {
    %get3A = arith.constant 0 : index
    %get3A_0 = arith.constant 0 : index
    %get3A_1 = vector.load %arg1[%get3A, %get3A_0] : memref<10000x1xf32, #tpu.memory_space<vmem>>, vector<10000x1xf32>
    %get3A_2 = arith.constant 0 : index
    %get3A_3 = arith.constant 0 : index
    %get3A_4 = arith.constant 0 : index
    %get3A_5 = vector.load %arg0[%get3A_2, %get3A_3, %get3A_4] : memref<2x10112x128xf32, #tpu.memory_space<vmem>>, vector<1x10112x128xf32>
    %get3A_6 = vector.shape_cast %get3A_5 : vector<1x10112x128xf32> to vector<10112x128xf32>
    %get3A_7 = arith.constant 1 : index
    %get3A_8 = arith.constant 0 : index
    %get3A_9 = arith.constant 0 : index
    %get3A_10 = vector.load %arg0[%get3A_7, %get3A_8, %get3A_9] : memref<2x10112x128xf32, #tpu.memory_space<vmem>>, vector<1x10112x128xf32>
    %get3A_11 = vector.shape_cast %get3A_10 : vector<1x10112x128xf32> to vector<10112x128xf32>
    %add3A = arith.addf %get3A_6, %get3A_11 : vector<10112x128xf32>
    %slice3A = vector.extract_strided_slice %add3A {offsets = [0, 0], sizes = [10000, 128], strides = [1, 1]} : vector<10112x128xf32> to vector<10000x128xf32>
    %mul3A = vector.broadcast %get3A_1 : vector<10000x1xf32> to vector<10000x128xf32>
    %mul3A_12 = arith.mulf %mul3A, %slice3A : vector<10000x128xf32>
    %get3A_13 = arith.constant 0 : index
    %get3A_14 = vector.load %arg2[%get3A_13] : memref<128xf32, #tpu.memory_space<vmem>>, vector<128xf32>
    %broadcast_in_dim3A = vector.shape_cast %get3A_14 : vector<128xf32> to vector<1x128xf32>
    %add3A_15 = vector.broadcast %broadcast_in_dim3A : vector<1x128xf32> to vector<10000x128xf32>
    %add3A_16 = arith.addf %mul3A_12, %add3A_15 : vector<10000x128xf32>
    %get3A_17 = arith.constant 0 : index
    %get3A_18 = arith.constant 0 : index
    %get3A_19 = vector.load %arg1[%get3A_17, %get3A_18] : memref<10000x1xf32, #tpu.memory_space<vmem>>, vector<10000x1xf32>
    %get3A_20 = arith.constant 0 : index
    %get3A_21 = arith.constant 0 : index
    %get3A_22 = vector.load %arg3[%get3A_20, %get3A_21] : memref<128x128xf32, #tpu.memory_space<vmem>>, vector<128x128xf32>
    %dot_general3A = arith.constant dense<0.000000e+00> : vector<10000x128xf32>
    %dot_general3A_23 = tpu.matmul %add3A_16, %get3A_22, %dot_general3A {dimension_numbers = #tpu.dot_dimension_numbers<[1], [0], [0], [1], [0, 0, 1, 1], [], []>, transpose_lhs_hint = false} : vector<10000x128xf32>, vector<128x128xf32>, vector<10000x128xf32> -> vector<10000x128xf32>
    %mul3A_24 = vector.broadcast %get3A_19 : vector<10000x1xf32> to vector<10000x128xf32>
    %mul3A_25 = arith.mulf %mul3A_24, %dot_general3A_23 : vector<10000x128xf32>
    %swap3A = arith.constant 0 : index
    %swap3A_26 = arith.constant 0 : index
    %swap3A_27 = vector.load %arg4[%swap3A, %swap3A_26] : memref<10000x128xf32, #tpu.memory_space<vmem>>, vector<10000x128xf32>
    tpu.vector_store %arg4[%swap3A, %swap3A_26], %mul3A_25 {strides = array<i32>} : memref<10000x128xf32, #tpu.memory_space<vmem>>, vector<10000x128xf32>,
    return
  }
}

module attributes {stable_mosaic.version = 14 : i64} {
  func.func @_tc5_body(%arg0: memref<2x10112x128xf32, #tpu.memory_space<vmem>>, %arg1: memref<10000x1xf32, #tpu.memory_space<vmem>>, %arg2: memref<128xf32, #tpu.memory_space<vmem>>, %arg3: memref<10000x128xf32, #tpu.memory_space<vmem>>) attributes {dimension_semantics = [], scalar_prefetch = 0 : i64, scratch_operands = 0 : i64, tpu.core_type = #tpu.core_type<tc>} {
    %get3A = arith.constant 0 : index
    %get3A_0 = arith.constant 0 : index
    %get3A_1 = vector.load %arg1[%get3A, %get3A_0] : memref<10000x1xf32, #tpu.memory_space<vmem>>, vector<10000x1xf32>
    %get3A_2 = arith.constant 0 : index
    %get3A_3 = arith.constant 0 : index
    %get3A_4 = arith.constant 0 : index
    %get3A_5 = vector.load %arg0[%get3A_2, %get3A_3, %get3A_4] : memref<2x10112x128xf32, #tpu.memory_space<vmem>>, vector<1x10112x128xf32>
    %get3A_6 = vector.shape_cast %get3A_5 : vector<1x10112x128xf32> to vector<10112x128xf32>
    %get3A_7 = arith.constant 1 : index
    %get3A_8 = arith.constant 0 : index
    %get3A_9 = arith.constant 0 : index
    %get3A_10 = vector.load %arg0[%get3A_7, %get3A_8, %get3A_9] : memref<2x10112x128xf32, #tpu.memory_space<vmem>>, vector<1x10112x128xf32>
    %get3A_11 = vector.shape_cast %get3A_10 : vector<1x10112x128xf32> to vector<10112x128xf32>
    %add3A = arith.addf %get3A_6, %get3A_11 : vector<10112x128xf32>
    %slice3A = vector.extract_strided_slice %add3A {offsets = [0, 0], sizes = [10000, 128], strides = [1, 1]} : vector<10112x128xf32> to vector<10000x128xf32>
    %mul3A = vector.broadcast %get3A_1 : vector<10000x1xf32> to vector<10000x128xf32>
    %mul3A_12 = arith.mulf %mul3A, %slice3A : vector<10000x128xf32>
    %get3A_13 = arith.constant 0 : index
    %get3A_14 = vector.load %arg2[%get3A_13] : memref<128xf32, #tpu.memory_space<vmem>>, vector<128xf32>
    %broadcast_in_dim3A = vector.shape_cast %get3A_14 : vector<128xf32> to vector<1x128xf32>
    %add3A_15 = vector.broadcast %broadcast_in_dim3A : vector<1x128xf32> to vector<10000x128xf32>
    %add3A_16 = arith.addf %mul3A_12, %add3A_15 : vector<10000x128xf32>
    %swap3A = arith.constant 0 : index
    %swap3A_17 = arith.constant 0 : index
    %swap3A_18 = vector.load %arg3[%swap3A, %swap3A_17] : memref<10000x128xf32, #tpu.memory_space<vmem>>, vector<10000x128xf32>
    tpu.vector_store %arg3[%swap3A, %swap3A_17], %add3A_16 {strides = array<i32>} : memref<10000x128xf32, #tpu.memory_space<vmem>>, vector<10000x128xf32>,
    return
  }
}

</mosaic_0001>

<sc_bundles>
// kernel: kernel.13.cloned.1.call-start
scs
__scs_entry_jumppad:
0x0: {  	(pc) =	sbr.rel $0x88, $3  }
0x1: {  	(tag) =	ssettag $0x0;
	lr =	simm.s32 $0x1  }
0x2: {  	[smem:$0x3F92] =	sst lr;
	_ =	strace $0xD0000000  }
0x3: {  	_ = 	snop  }
0x4: {  	_ = 	snop  }
0x5: {  	_ = 	snop  }
0x6: {  	_ = 	snop  }
0x7: {  	_ = 	snop  }
__scs_overlays_trampoline_lowered:
0x8: {  	[smem:$0x3FA1] =	sst s0  }
0x9: {  	[smem:$0x3FA2] =	sst s1  }
0xa: {  	[smem:$0x3FA3] =	sst s2  }
0xb: {  	[smem:$0x3FA4] =	sst s3  }
0xc: {  	[smem:$0x3FA5] =	sst s4  }
0xd: {  	[smem:$0x3FA6] =	sst s5  }
0xe: {  	[smem:$0x3FA7] =	sst s6  }
0xf: {  	[smem:$0x3FA8] =	sst s7  }
0x10: {  	[smem:$0x3FA9] =	sst s8  }
0x11: {  	[smem:$0x3FAA] =	sst s9;
	s0 =	simm.s32 @!p0 $0x0  }
0x12: {  	s1 =	sld [smem:$0x3F90];
	s0 =	simm.s32 @p0 $0x1  }
0x13: {  	[smem:$0x3FAB] =	sst s0;
	s0 =	simm.s32 @!p1 $0x0  }
0x14: {  	s2 =	sld [smem:$0x3F8F];
	s0 =	simm.s32 @p1 $0x1  }
0x15: {  	[smem:$0x3FAC] =	sst s0;
	s0 =	simm.s32 @!p2 $0x0  }
0x16: {  	s3 =	sld [smem:$0x3FDB];
	s0 =	simm.s32 @p2 $0x1  }
0x17: {  	s4 =	simm.s32 $0x1BF5;
	[smem:$0x3FAE] =	sst s0  }
0x18: {  	s0 =	sld [smem:$0x3F91];
	_ =	swait.ge [sflag:s4], $0x0  }
0x19: {  	s7 =	sld [smem:$0x3F92]  }
0x1a: {  	s8 =	sadd.s32 $0xFFFFE003, lr  }
0x1b: {  	s9 =	sadd.s32 $0xFFFFFEF7, lr;
	s5 =	simm.s32 $0xFFFFFFFF;
	p2 =	slt.u32 s8, $0xFFFFF086  }
0x1c: {  	p1 =	slt.u32 s9, $0xF7A;
	s5 =	simm.s32 @!p2 $0x0  }
0x1d: {  	s5 =	simm.s32 @p1 $0x1;
	p0 =	seq.s32 s7, s2  }
0x1e: {  	s7 =	smul.u32 @!p0 $0xF7A, s2;
	p2 =	seq.s32 @!p0 s5, $0x0  }
0x1f: {  	s9 =	smul.u32 $0xF7A, s1;
	s8 =	simm.s32 @!p0 $0x1BF5;
	p2 =	por !p2, p0  }
0x20: {  	[sflag:s8] =	ssyncset.s32 @!p0 $0xFFFFF086;
	s6 =	sadd.s32 @!p0 s3, s7;
	s7 =	simm.s32 @!p0 $0x108  }
0x21: {  	s3 =	sadd.s32 s3, s9;
	s6 =	sadd.s32 @!p0 $0x88, s6;
	s7 =	simm.s32 @p2 $0x1082  }
0x22: {  	[simem:s7], [sflag:s8] =	dma.local @!p0 [hbm:s6], $0xF7A  }
0x23: {  	s9 =	sor.u32 $0xD0000000, s2;
	s6 =	simm.s32 $0x108;
	_ =	swait.ge @!p0 [sflag:s8], $0x0  }
0x24: {  	s3 =	sadd.s32 $0x88, s3;
	s6 =	simm.s32 @!p1 $0x1082;
	[sflag:s4] =	ssyncset.s32 $0xFFFFF086  }
0x25: {  	[simem:s6], [sflag:s4] =	dma.local [hbm:s3], $0xF7A  }
0x26: {  	[smem:$0x3F92] =	sst s1;
	(tag) =	ssettag s2;
	_ =	strace s9  }
0x27: {  	s1 =	sld [smem:$0x3FA2]  }
0x28: {  	s2 =	sld [smem:$0x3FA3]  }
0x29: {  	s4 =	sld [smem:$0x3FA5]  }
0x2a: {  	p0 =	seq.s32 s5, $0x0;
	s5 =	sld [smem:$0x3FA6]  }
0x2b: {  	s6 =	sld [smem:$0x3FA7]  }
0x2c: {  	s7 =	sld [smem:$0x3FA8]  }
0x2d: {  	s3 =	simm.s32 $0x108;
	s8 =	sld [smem:$0x3FA9]  }
0x2e: {  	s3 =	simm.s32 @!p0 $0x1082;
	s9 =	sld [smem:$0x3FAA]  }
0x2f: {  	lr =	sadd.s32 s0, s3;
	s0 =	sld [smem:$0x3FA1]  }
0x30: {  	s3 =	sld [smem:$0x3FA4]  }
0x31: {  	[smem:$0x3FAD] =	sst s10  }
0x32: {  	s10 =	sld [smem:$0x3FAB];
	_ =	sdelay $0x3  }
0x33: {  	p0 =	seq.s32 s10, $0x1;
	s10 =	sld [smem:$0x3FAD];
	_ =	sdelay $0x3  }
0x34: {  	[smem:$0x3FAD] =	sst s10  }
0x35: {  	s10 =	sld [smem:$0x3FAC];
	_ =	sdelay $0x3  }
0x36: {  	p1 =	seq.s32 s10, $0x1;
	s10 =	sld [smem:$0x3FAD];
	_ =	sdelay $0x3  }
0x37: {  	[smem:$0x3FAD] =	sst s10  }
0x38: {  	s10 =	sld [smem:$0x3FAE]  }
0x39: {  	_ = 	snop;
	(pc) =	sbr.ind lr, $3  }
0x3a: {  	_ = 	snop  }
0x3b: {  	_ = 	snop  }
0x3c: {  	p2 =	seq.s32 s10, $0x1;
	s10 =	sld [smem:$0x3FAD]  }
0x3d: {  	_ =	shalt  }
0x3e: {  	_ =	shalt  }
0x3f: {  	_ =	shalt  }
0x40: {  	_ =	shalt  }
0x41: {  	_ =	shalt  }
0x42: {  	_ =	shalt  }
0x43: {  	_ =	shalt  }
0x44: {  	_ =	shalt  }
0x45: {  	_ =	shalt  }
0x46: {  	_ =	shalt  }
0x47: {  	_ =	shalt  }
0x48: {  	_ =	shalt  }
0x49: {  	_ =	shalt  }
0x4a: {  	_ =	shalt  }
0x4b: {  	_ =	shalt  }
0x4c: {  	_ =	shalt  }
0x4d: {  	_ =	shalt  }
0x4e: {  	_ =	shalt  }
0x4f: {  	_ =	shalt  }
0x50: {  	_ =	shalt  }
0x51: {  	_ =	shalt  }
0x52: {  	_ =	shalt  }
0x53: {  	_ =	shalt  }
0x54: {  	_ =	shalt  }
0x55: {  	_ =	shalt  }
0x56: {  	_ =	shalt  }
0x57: {  	_ =	shalt  }
0x58: {  	_ =	shalt  }
0x59: {  	_ =	shalt  }
0x5a: {  	_ =	shalt  }
0x5b: {  	_ =	shalt  }
0x5c: {  	_ =	shalt  }
0x5d: {  	_ =	shalt  }
0x5e: {  	_ =	shalt  }
0x5f: {  	_ =	shalt  }
0x60: {  	_ =	shalt  }
0x61: {  	_ =	shalt  }
0x62: {  	_ =	shalt  }
0x63: {  	_ =	shalt  }
0x64: {  	_ =	shalt  }
0x65: {  	_ =	shalt  }
0x66: {  	_ =	shalt  }
0x67: {  	_ =	shalt  }
0x68: {  	_ =	shalt  }
0x69: {  	_ =	shalt  }
0x6a: {  	_ =	shalt  }
0x6b: {  	_ =	shalt  }
0x6c: {  	_ =	shalt  }
0x6d: {  	_ =	shalt  }
0x6e: {  	_ =	shalt  }
0x6f: {  	_ =	shalt  }
0x70: {  	_ =	shalt  }
0x71: {  	_ =	shalt  }
0x72: {  	_ =	shalt  }
0x73: {  	_ =	shalt  }
0x74: {  	_ =	shalt  }
0x75: {  	_ =	shalt  }
0x76: {  	_ =	shalt  }
0x77: {  	_ =	shalt  }
0x78: {  	_ =	shalt  }
0x79: {  	_ =	shalt  }
0x7a: {  	_ =	shalt  }
0x7b: {  	_ =	shalt  }
0x7c: {  	_ =	shalt  }
0x7d: {  	_ =	shalt  }
0x7e: {  	_ =	shalt  }
0x7f: {  	_ =	shalt  }
0x80: {  	_ =	shalt  }
0x81: {  	_ =	shalt  }
0x82: {  	_ =	shalt  }
0x83: {  	_ =	shalt  }
0x84: {  	_ =	shalt  }
0x85: {  	_ =	shalt  }
0x86: {  	_ =	shalt  }
0x87: {  	_ =	shalt  }
.Lfunc_end0:
.L_simem_size_0:
called_computation_lowered:
.L_overlay_start_0:
0x88: {  	s2 =	sld [smem:$0x3FD9]  }
0x89: {  	s3 =	sld [smem:$0x3FFE];
	_ =	sdelay $0x1  }
0x8a: {  	s1 =	srdreg.scid  }
0x8b: {  	s0 =	sand.u32 $0x1, s1  }
0x8c: {  	s17 =	sshll.u32 s0, $0xA;
	s2 =	sadd.s32 s3, s2  }
0x8d: {  	s2 =	sadd.s32 s2, s17  }
0x8e: {  	[smem:$0x3FB9] =	sst s2  }
0x8f: {  	_ = 	snop  }
0x90: {  	s2 =	sld [smem:$0x3FD0];
	(tm) =	ssettm $0x1  }
0x91: {  	s18 =	sld [smem:$0x3FFB];
	_ =	sdelay $0x3  }
0x92: {  	_ =	strace s18  }
0x93: {  	s3 =	sld [smem:$0x3FFC];
	_ =	sdelay $0x3  }
0x94: {  	_ =	strace s3  }
0x95: {  	s3 =	sld [smem:$0x3FFD];
	_ =	sdelay $0x3  }
0x96: {  	_ =	strace s3  }
0x97: {  	_ =	strace $0x8FFFFFFF  }
0x98: {  	s19 =	sld [smem:$0x3FDB];
	_ =	sdelay $0x1  }
0x99: {  	s4 =	simm.s32 $_scs_section_size  }
0x9a: {  	s5 =	simm.s32 $_size__tile_overlayer_lowered;
	s6 =	simm.s32 $_tile_overlayer_lowered  }
0x9b: {  	s22 =	simm.s32 $0x1BFF;
	s21 =	sshll.u32 s6, $0x1;
	s3 =	sadd.s32 s4, s19  }
0x9c: {  	s7 =	simm.s32 $0x0;
	s20 =	sshll.u32 s5, $0x1;
	s5 =	sadd.s32 s21, s3  }
0x9d: {  	[timem:s7], [sflag:s22] =	dma.local [hbm:s5], s20  }
0x9e: {  	_ =	swait.ge [sflag:s22], s20  }
0x9f: {  	s4 =	ssub.s32 $0x0, s20;
	[sflag:s22] =	ssyncset.done $0x0  }
0xa0: {  	[sflag:s22] =	ssyncadd.s32 s4;
	_ =	sdelay $0x1  }
0xa1: {  	s23 =	simm.s32 $0x1B8B  }
0xa2: {  	_ =	swait.ge [sflag:s23], $0x1  }
0xa3: {  	[sflag:s23] =	ssyncset.done $0x0  }
0xa4: {  	s25 =	simm.s32 $0x1B8E;
	s24 =	sld [smem:$0x3FFE];
	[sflag:s23] =	ssyncadd.s32 $0xFFFFFFFF  }
0xa5: {  	s26 =	simm.s32 $execute0_lowered;
	[smem:$0x3FD2] =	sst s25  }
0xa6: {  	s5 =	sshll.u32 s26, $0x1;
	_ =	strace $0x80000046;
	[dreg:$0x1] =	wrdreg $0xFFFFFFFF  }
0xa7: {  	s28 =	simm.s32 $_size_execute0_lowered;
	s3 =	sadd.s32 s3, s5;
	[dreg:$0x0] =	wrdreg $0x0  }
0xa8: {  	s5 =	sshll.u32 s28, $0x1;
	[dreg:$0x2] =	wrdreg s3  }
0xa9: {  	[dreg:$0x3] =	wrdreg s5  }
0xaa: {  	[dreg:$0x4] =	wrdreg $0xC0  }
0xab: {  	_ =	task [dreg:s7], $0x5FFFF  }
0xac: {  	[dreg:$0x1] =	wrdreg $0xFFFFFFFF  }
0xad: {  	[dreg:$0x0] =	wrdreg $0x60  }
0xae: {  	[dreg:$0x2] =	wrdreg s24  }
0xaf: {  	[dreg:$0x3] =	wrdreg s2  }
0xb0: {  	[dreg:$0x4] =	wrdreg $0x58000  }
0xb1: {  	[dreg:$0x5] =	wrdreg $0x9  }
0xb2: {  	_ =	task.clear_ibuf [dreg:s7], $0x6FFFF;
	_ =	strace $0x90000046  }
0xb3: {  	s29 =	simm.s32 $0x9;
	_ =	strace $0x80000048  }
0xb4: {  	_ =	swait.ge [sflag:s29], $0x1  }
0xb5: {  	[sflag:s29] =	ssyncadd.s32 $0xFFFFFFFF  }
0xb6: {  	_ =	strace $0x90000048  }
0xb7: {  	_ =	sfence  }
0xb8: {  	s30 =	sld [smem:$0x0];
	_ =	sdelay $0x2  }
0xb9: {  	s31 =	sshll.u32 s1, $0xD;
	s1 =	sshrl.u32 s1, $0x2  }
0xba: {  	s3 =	sand.u32 $0x4000, s31;
	s1 =	sadd.s32 s1, s30  }
0xbb: {  	s0 =	sor.u32 s3, s0;
	s1 =	sshll.u32 s1, $0x11  }
0xbc: {  	s0 =	sor.u32 s1, s0  }
0xbd: {  	s0 =	sadd.s32 $0x8F2B, s0  }
0xbe: {  	[sflag:s0] =	ssyncadd.remote.s32 $0x1  }
0xbf: {  	_ =	sfence.sel $0xFFFF  }
0xc0: {  	[dreg:$0x0] =	wrdreg $0xFFFFFFFF;
	(pc) =	sbr.abs _section_cstart, $3  }
0xc1: {  	[dreg:$0x1] =	wrdreg $0xFFFFFFFF  }
0xc2: {  	_ =	task.clear_ibuf [dreg:s7], $0x2FFFF;
	_ =	strace $0x9FFFFFFF  }
0xc3: {  	(tm) =	ssettm $0x7FFFFFFF  }
tec
execute0_lowered:
.L_overlay_start_1:
0x0: {  	(tag) =	ssettag $0x1  }
0x1: {  	s4 =	rddreg [dreg:$0x0]  }
0x2: {  	s6 =	rddreg [dreg:$0x1]  }
0x3: {  	s0 =	srdreg.scid;
	s2 =	rddreg [dreg:$0x2]  }
0x4: {  	s3 =	simm.s32 $0x0;
	s14 =	simm.s32 $0x20;
	s15 =	simm.s32 $0x10  }
0x5: {  	s16 =	simm.s32 $0x0;
	s5 =	sand.u32 $0x1, s0;
	s0 =	stileid.u32  }
0x6: {  	[smem:$0x7FF] =	sst s3;
	s1 =	sshll.u32 s5, $0x4;
	s8 =	smul.u32 $0x500, s0  }
0x7: {  	s9 =	smul.u32 $0x280, s0;
	s10 =	sshll.u32 s5, $0x7;
	s5 =	ssub.s32 $0x2, s5  }
0x8: {  	s31 =	sshll.u32 s0, $0x6;
	s7 =	sor.u32 s0, s1;
	s1 =	rddreg [dreg:$0x3]  }
0x9: {  	_ =	strace $0x80000047;
	s12 =	sshrl.u32 s5, $0x1;
	s7 =	smul.u32 $0x580, s7  }
0xa: {  	s8 =	sor.u32 s10, s8;
	s30 =	sshrl.u32 s9, $0x3;
	s12 =	ssub.s32 s5, s12  }
0xb: {  	s13 =	sadd.s32 s9, s2;
	s9 =	simm.s32 $0x1;
	s8 =	sshrl.u32 s8, $0x3  }
0xc: {  	s10 =	sadd.s32 s30, s4;
	s11 =	sadd.s32 s7, s4;
	s8 =	sadd.s32 s8, s4  }
0xd: {  	s5 =	sadd.s32 s6, s7;
	s6 =	sadd.s32 $0x10000, s10;
	s10 =	simm.s32 $0x2C00  }
0xe: {  	s4 =	sadd.s32 $0x5000, s11;
	s7 =	sadd.s32 $0x10600, s8;
	s8 =	smax.u32 s12, $0x1  }
0xf: {  	s11 =	sor.u32 $0x1C01, s31;
	s12 =	sshrl.u32 s13, $0x3;
	s13 =	simm.s32 $0x80  }
.LBB2_1:
0x10: {  	[tilespmem:s3], [sflag:$0x1] =	stream.linear.gather [hbm4b:s4+s3], $0x2880, $0x38;
	[tilespmem:$0x5A80] =	vst v63  }
0x11: {  	_ =	swait.ge [sflag:s9], $0x2880  }
0x12: {  	[sflag:s9] =	ssyncset.done $0x0  }
0x13: {  	[sflag:s9] =	ssyncadd.s32 $0xFFFFD780  }
0x14: {  	[tilespmem:s10], [sflag:$0x1] =	stream.linear.gather [hbm4b:s5+s3], $0x2880, $0x38;
	[tilespmem:$0x5A80] =	vst v63  }
0x15: {  	_ =	swait.ge [sflag:s9], $0x2880  }
0x16: {  	[sflag:s9] =	ssyncset.done $0x0  }
0x17: {  	[sflag:s9] =	ssyncadd.s32 $0xFFFFD780  }
0x18: {  	[spmem:s12], [sflag:s11] =	dma.local [hbm:s6], $0x50  }
0x19: {  	_ =	swait.ge [sflag:s9], $0x50  }
0x1a: {  	[sflag:s9] =	ssyncset.done $0x0  }
0x1b: {  	[sflag:s9] =	ssyncadd.s32 $0xFFFFFFB0  }
0x1c: {  	s17 =	simm.s32 $0x0;
	s18 =	simm.s32 $0x2C00;
	[bflag:$0x0] =	sbarrier.arrive $0xFFFF  }
0x1d: {  	[spmem:s2] =	stream.indirect.scatter.add.f32 [tilespmem:s18], [sflag:$0x1], $0x1, s17, s13, $0xb8;
	[tilespmem:$0x5A80] =	vst v63  }
0x1e: {  	s17 =	simm.s32 $0x200;
	_ =	swait.ge [sflag:s9], $0x80  }
.LBB2_2:
0x1f: {  	s18 =	sshra.s32 s17, $0x2;
	[sflag:s9] =	ssyncset.done $0x0;
	p0 =	sne.s32 s17, $0xA000  }
.Ltmp0:
0x20: {  	s19 =	sadd.s32 $0x2C00, s18;
	[sflag:s9] =	ssyncadd.s32 $0xFFFFFF80;
	(pc) =	sbr.rel @p0 .LBB2_2-.Ltmp0, $3  }
0x21: {  	[spmem:s2] =	stream.indirect.scatter.add.f32 [tilespmem:s19], [sflag:$0x1], $0x1, s18, s13, $0xb8;
	[tilespmem:$0x5A80] =	vst v63  }
0x22: {  	s17 =	sadd.s32 $0x200, s17;
	_ =	sdelay $0x1  }
0x23: {  	_ =	swait.ge [sflag:s9], $0x80  }
0x24: {  	[sflag:s9] =	ssyncset.done $0x0;
	s16 =	sadd.s32 $0x1, s16  }
0x25: {  	[sflag:s9] =	ssyncadd.s32 $0xFFFFFF80;
	p0 =	sne.s32 s16, s8  }
.Ltmp1:
0x26: {  	[bflag:$0x0] =	sbarrier.arrive $0xFFFF;
	(pc) =	sbr.rel @p0 .LBB2_1-.Ltmp1, $4  }
0x27: {  	[hbm:s7@s14], [sflag:s11] =	dma.strided [spmem:s12@s15], $0x50, s9, $0x10   }
0x28: {  	_ =	swait.ge [sflag:s9], $0x50  }
0x29: {  	[sflag:s9] =	ssyncset.done $0x0  }
0x2a: {  	[sflag:s9] =	ssyncadd.s32 $0xFFFFFFB0  }
0x2b: {  	_ =	sfence.sel $0x180000  }
0x2c: {  	[bflag:$0x0] =	sbarrier.arrive $0xFFFF  }
0x2d: {  	p0 =	sne.s32 s0, $0x0;
	_ =	strace $0x90000047  }
0x2e: {  	s0 =	sadd.s32 @!p0 $0x100000, s1;
	[bflag:$0x2] =	sbarrier.arrive $0xFFFF  }
0x2f: {  	[sflag:s0] =	ssyncadd.tile.s32 @!p0 $0x1;
	_ =	shalt  }
.Lfunc_end2:
_tile_overlayer_lowered:
.L_overlay_start_2:
0x30: {  	(tag) =	ssettag $0x2  }
0x31: {  	s0 =	rddreg [dreg:$0x0];
	s2 =	stileid.u32  }
0x32: {  	s1 =	rddreg [dreg:$0x1];
	p0 =	sne.s32 s2, $0x0  }
0x33: {  	s3 =	rddreg [dreg:$0x2];
	[bflag:$0x3] =	sbarrier.arrive $0xFFFF;
	s2 =	simm.s32 @!p0 $0x1C01  }
0x34: {  	[timem:s3], [sflag:s2] =	dma.local @!p0 [hbm:s0], s1  }
0x35: {  	s0 =	simm.s32 @!p0 $0x1  }
0x36: {  	_ =	swait.ge @!p0 [sflag:s0], s1  }
0x37: {  	s1 =	ssub.s32 @!p0 $0x0, s1;
	[sflag:s0] =	ssyncset.done @!p0 $0x0  }
0x38: {  	[sflag:s0] =	ssyncadd.s32 @!p0 s1  }
0x39: {  	[bflag:$0x3] =	sbarrier.arrive $0xFFFF  }
0x3a: {  	_ =	shalt  }

// kernel: kernel.16.cloned.1.call-start
scs
__scs_entry_jumppad:
0x0: {  	(pc) =	sbr.rel $0x88, $3  }
0x1: {  	(tag) =	ssettag $0x0;
	lr =	simm.s32 $0x1  }
0x2: {  	[smem:$0x3F92] =	sst lr;
	_ =	strace $0xD0000000  }
0x3: {  	_ = 	snop  }
0x4: {  	_ = 	snop  }
0x5: {  	_ = 	snop  }
0x6: {  	_ = 	snop  }
0x7: {  	_ = 	snop  }
__scs_overlays_trampoline_lowered:
0x8: {  	[smem:$0x3FA1] =	sst s0  }
0x9: {  	[smem:$0x3FA2] =	sst s1  }
0xa: {  	[smem:$0x3FA3] =	sst s2  }
0xb: {  	[smem:$0x3FA4] =	sst s3  }
0xc: {  	[smem:$0x3FA5] =	sst s4  }
0xd: {  	[smem:$0x3FA6] =	sst s5  }
0xe: {  	[smem:$0x3FA7] =	sst s6  }
0xf: {  	[smem:$0x3FA8] =	sst s7  }
0x10: {  	[smem:$0x3FA9] =	sst s8  }
0x11: {  	[smem:$0x3FAA] =	sst s9;
	s0 =	simm.s32 @!p0 $0x0  }
0x12: {  	s1 =	sld [smem:$0x3F90];
	s0 =	simm.s32 @p0 $0x1  }
0x13: {  	[smem:$0x3FAB] =	sst s0;
	s0 =	simm.s32 @!p1 $0x0  }
0x14: {  	s2 =	sld [smem:$0x3F8F];
	s0 =	simm.s32 @p1 $0x1  }
0x15: {  	[smem:$0x3FAC] =	sst s0;
	s0 =	simm.s32 @!p2 $0x0  }
0x16: {  	s3 =	sld [smem:$0x3FDB];
	s0 =	simm.s32 @p2 $0x1  }
0x17: {  	s4 =	simm.s32 $0x1BF5;
	[smem:$0x3FAE] =	sst s0  }
0x18: {  	s0 =	sld [smem:$0x3F91];
	_ =	swait.ge [sflag:s4], $0x0  }
0x19: {  	s7 =	sld [smem:$0x3F92]  }
0x1a: {  	s8 =	sadd.s32 $0xFFFFE003, lr  }
0x1b: {  	s9 =	sadd.s32 $0xFFFFFEF7, lr;
	s5 =	simm.s32 $0xFFFFFFFF;
	p2 =	slt.u32 s8, $0xFFFFF086  }
0x1c: {  	p1 =	slt.u32 s9, $0xF7A;
	s5 =	simm.s32 @!p2 $0x0  }
0x1d: {  	s5 =	simm.s32 @p1 $0x1;
	p0 =	seq.s32 s7, s2  }
0x1e: {  	s7 =	smul.u32 @!p0 $0xF7A, s2;
	p2 =	seq.s32 @!p0 s5, $0x0  }
0x1f: {  	s9 =	smul.u32 $0xF7A, s1;
	s8 =	simm.s32 @!p0 $0x1BF5;
	p2 =	por !p2, p0  }
0x20: {  	[sflag:s8] =	ssyncset.s32 @!p0 $0xFFFFF086;
	s6 =	sadd.s32 @!p0 s3, s7;
	s7 =	simm.s32 @!p0 $0x108  }
0x21: {  	s3 =	sadd.s32 s3, s9;
	s6 =	sadd.s32 @!p0 $0x88, s6;
	s7 =	simm.s32 @p2 $0x1082  }
0x22: {  	[simem:s7], [sflag:s8] =	dma.local @!p0 [hbm:s6], $0xF7A  }
0x23: {  	s9 =	sor.u32 $0xD0000000, s2;
	s6 =	simm.s32 $0x108;
	_ =	swait.ge @!p0 [sflag:s8], $0x0  }
0x24: {  	s3 =	sadd.s32 $0x88, s3;
	s6 =	simm.s32 @!p1 $0x1082;
	[sflag:s4] =	ssyncset.s32 $0xFFFFF086  }
0x25: {  	[simem:s6], [sflag:s4] =	dma.local [hbm:s3], $0xF7A  }
0x26: {  	[smem:$0x3F92] =	sst s1;
	(tag) =	ssettag s2;
	_ =	strace s9  }
0x27: {  	s1 =	sld [smem:$0x3FA2]  }
0x28: {  	s2 =	sld [smem:$0x3FA3]  }
0x29: {  	s4 =	sld [smem:$0x3FA5]  }
0x2a: {  	p0 =	seq.s32 s5, $0x0;
	s5 =	sld [smem:$0x3FA6]  }
0x2b: {  	s6 =	sld [smem:$0x3FA7]  }
0x2c: {  	s7 =	sld [smem:$0x3FA8]  }
0x2d: {  	s3 =	simm.s32 $0x108;
	s8 =	sld [smem:$0x3FA9]  }
0x2e: {  	s3 =	simm.s32 @!p0 $0x1082;
	s9 =	sld [smem:$0x3FAA]  }
0x2f: {  	lr =	sadd.s32 s0, s3;
	s0 =	sld [smem:$0x3FA1]  }
0x30: {  	s3 =	sld [smem:$0x3FA4]  }
0x31: {  	[smem:$0x3FAD] =	sst s10  }
0x32: {  	s10 =	sld [smem:$0x3FAB];
	_ =	sdelay $0x3  }
0x33: {  	p0 =	seq.s32 s10, $0x1;
	s10 =	sld [smem:$0x3FAD];
	_ =	sdelay $0x3  }
0x34: {  	[smem:$0x3FAD] =	sst s10  }
0x35: {  	s10 =	sld [smem:$0x3FAC];
	_ =	sdelay $0x3  }
0x36: {  	p1 =	seq.s32 s10, $0x1;
	s10 =	sld [smem:$0x3FAD];
	_ =	sdelay $0x3  }
0x37: {  	[smem:$0x3FAD] =	sst s10  }
0x38: {  	s10 =	sld [smem:$0x3FAE]  }
0x39: {  	_ = 	snop;
	(pc) =	sbr.ind lr, $3  }
0x3a: {  	_ = 	snop  }
0x3b: {  	_ = 	snop  }
0x3c: {  	p2 =	seq.s32 s10, $0x1;
	s10 =	sld [smem:$0x3FAD]  }
0x3d: {  	_ =	shalt  }
0x3e: {  	_ =	shalt  }
0x3f: {  	_ =	shalt  }
0x40: {  	_ =	shalt  }
0x41: {  	_ =	shalt  }
0x42: {  	_ =	shalt  }
0x43: {  	_ =	shalt  }
0x44: {  	_ =	shalt  }
0x45: {  	_ =	shalt  }
0x46: {  	_ =	shalt  }
0x47: {  	_ =	shalt  }
0x48: {  	_ =	shalt  }
0x49: {  	_ =	shalt  }
0x4a: {  	_ =	shalt  }
0x4b: {  	_ =	shalt  }
0x4c: {  	_ =	shalt  }
0x4d: {  	_ =	shalt  }
0x4e: {  	_ =	shalt  }
0x4f: {  	_ =	shalt  }
0x50: {  	_ =	shalt  }
0x51: {  	_ =	shalt  }
0x52: {  	_ =	shalt  }
0x53: {  	_ =	shalt  }
0x54: {  	_ =	shalt  }
0x55: {  	_ =	shalt  }
0x56: {  	_ =	shalt  }
0x57: {  	_ =	shalt  }
0x58: {  	_ =	shalt  }
0x59: {  	_ =	shalt  }
0x5a: {  	_ =	shalt  }
0x5b: {  	_ =	shalt  }
0x5c: {  	_ =	shalt  }
0x5d: {  	_ =	shalt  }
0x5e: {  	_ =	shalt  }
0x5f: {  	_ =	shalt  }
0x60: {  	_ =	shalt  }
0x61: {  	_ =	shalt  }
0x62: {  	_ =	shalt  }
0x63: {  	_ =	shalt  }
0x64: {  	_ =	shalt  }
0x65: {  	_ =	shalt  }
0x66: {  	_ =	shalt  }
0x67: {  	_ =	shalt  }
0x68: {  	_ =	shalt  }
0x69: {  	_ =	shalt  }
0x6a: {  	_ =	shalt  }
0x6b: {  	_ =	shalt  }
0x6c: {  	_ =	shalt  }
0x6d: {  	_ =	shalt  }
0x6e: {  	_ =	shalt  }
0x6f: {  	_ =	shalt  }
0x70: {  	_ =	shalt  }
0x71: {  	_ =	shalt  }
0x72: {  	_ =	shalt  }
0x73: {  	_ =	shalt  }
0x74: {  	_ =	shalt  }
0x75: {  	_ =	shalt  }
0x76: {  	_ =	shalt  }
0x77: {  	_ =	shalt  }
0x78: {  	_ =	shalt  }
0x79: {  	_ =	shalt  }
0x7a: {  	_ =	shalt  }
0x7b: {  	_ =	shalt  }
0x7c: {  	_ =	shalt  }
0x7d: {  	_ =	shalt  }
0x7e: {  	_ =	shalt  }
0x7f: {  	_ =	shalt  }
0x80: {  	_ =	shalt  }
0x81: {  	_ =	shalt  }
0x82: {  	_ =	shalt  }
0x83: {  	_ =	shalt  }
0x84: {  	_ =	shalt  }
0x85: {  	_ =	shalt  }
0x86: {  	_ =	shalt  }
0x87: {  	_ =	shalt  }
.Lfunc_end0:
.L_simem_size_0:
called_computation.1_lowered:
.L_overlay_start_0:
0x88: {  	s2 =	sld [smem:$0x3FD9]  }
0x89: {  	s3 =	sld [smem:$0x3FFE];
	_ =	sdelay $0x1  }
0x8a: {  	s1 =	srdreg.scid  }
0x8b: {  	s0 =	sand.u32 $0x1, s1  }
0x8c: {  	s17 =	sshll.u32 s0, $0xA;
	s2 =	sadd.s32 s3, s2  }
0x8d: {  	s2 =	sadd.s32 s2, s17  }
0x8e: {  	[smem:$0x3FB9] =	sst s2  }
0x8f: {  	_ = 	snop  }
0x90: {  	s2 =	sld [smem:$0x3FD0];
	(tm) =	ssettm $0x1  }
0x91: {  	s18 =	sld [smem:$0x3FFB];
	_ =	sdelay $0x3  }
0x92: {  	_ =	strace s18  }
0x93: {  	s3 =	sld [smem:$0x3FFC];
	_ =	sdelay $0x3  }
0x94: {  	_ =	strace s3  }
0x95: {  	s3 =	sld [smem:$0x3FFD];
	_ =	sdelay $0x3  }
0x96: {  	_ =	strace s3  }
0x97: {  	_ =	strace $0x8FFFFFFF  }
0x98: {  	s19 =	sld [smem:$0x3FDB];
	_ =	sdelay $0x1  }
0x99: {  	s4 =	simm.s32 $_scs_section_size  }
0x9a: {  	s5 =	simm.s32 $_size__tile_overlayer_lowered;
	s6 =	simm.s32 $_tile_overlayer_lowered  }
0x9b: {  	s22 =	simm.s32 $0x1BFF;
	s21 =	sshll.u32 s6, $0x1;
	s3 =	sadd.s32 s4, s19  }
0x9c: {  	s7 =	simm.s32 $0x0;
	s20 =	sshll.u32 s5, $0x1;
	s5 =	sadd.s32 s21, s3  }
0x9d: {  	[timem:s7], [sflag:s22] =	dma.local [hbm:s5], s20  }
0x9e: {  	_ =	swait.ge [sflag:s22], s20  }
0x9f: {  	s4 =	ssub.s32 $0x0, s20;
	[sflag:s22] =	ssyncset.done $0x0  }
0xa0: {  	[sflag:s22] =	ssyncadd.s32 s4;
	_ =	sdelay $0x1  }
0xa1: {  	s23 =	simm.s32 $0x1B8B  }
0xa2: {  	_ =	swait.ge [sflag:s23], $0x1  }
0xa3: {  	[sflag:s23] =	ssyncset.done $0x0  }
0xa4: {  	s25 =	simm.s32 $0x1B8E;
	s24 =	sld [smem:$0x3FFE];
	[sflag:s23] =	ssyncadd.s32 $0xFFFFFFFF  }
0xa5: {  	s26 =	simm.s32 $execute0_lowered;
	[smem:$0x3FD2] =	sst s25  }
0xa6: {  	s5 =	sshll.u32 s26, $0x1;
	_ =	strace $0x80000049;
	[dreg:$0x1] =	wrdreg $0xFFFFFFFF  }
0xa7: {  	s28 =	simm.s32 $_size_execute0_lowered;
	s3 =	sadd.s32 s3, s5;
	[dreg:$0x0] =	wrdreg $0x0  }
0xa8: {  	s5 =	sshll.u32 s28, $0x1;
	[dreg:$0x2] =	wrdreg s3  }
0xa9: {  	[dreg:$0x3] =	wrdreg s5  }
0xaa: {  	[dreg:$0x4] =	wrdreg $0xC0  }
0xab: {  	_ =	task [dreg:s7], $0x5FFFF  }
0xac: {  	[dreg:$0x1] =	wrdreg $0xFFFFFFFF  }
0xad: {  	[dreg:$0x0] =	wrdreg $0x60  }
0xae: {  	[dreg:$0x2] =	wrdreg s2  }
0xaf: {  	[dreg:$0x3] =	wrdreg s24  }
0xb0: {  	[dreg:$0x4] =	wrdreg $0xC0800  }
0xb1: {  	[dreg:$0x5] =	wrdreg $0x9  }
0xb2: {  	_ =	task.clear_ibuf [dreg:s7], $0x6FFFF;
	_ =	strace $0x90000049  }
0xb3: {  	s29 =	simm.s32 $0x9;
	_ =	strace $0x8000004B  }
0xb4: {  	_ =	swait.ge [sflag:s29], $0x1  }
0xb5: {  	[sflag:s29] =	ssyncadd.s32 $0xFFFFFFFF  }
0xb6: {  	_ =	strace $0x9000004B  }
0xb7: {  	_ =	sfence  }
0xb8: {  	s30 =	sld [smem:$0x0];
	_ =	sdelay $0x2  }
0xb9: {  	s31 =	sshll.u32 s1, $0xD;
	s1 =	sshrl.u32 s1, $0x2  }
0xba: {  	s3 =	sand.u32 $0x4000, s31;
	s1 =	sadd.s32 s1, s30  }
0xbb: {  	s0 =	sor.u32 s3, s0;
	s1 =	sshll.u32 s1, $0x11  }
0xbc: {  	s0 =	sor.u32 s1, s0  }
0xbd: {  	s0 =	sadd.s32 $0x8F2B, s0  }
0xbe: {  	[sflag:s0] =	ssyncadd.remote.s32 $0x1  }
0xbf: {  	_ =	sfence.sel $0xFFFF  }
0xc0: {  	[dreg:$0x0] =	wrdreg $0xFFFFFFFF;
	(pc) =	sbr.abs _section_cstart, $3  }
0xc1: {  	[dreg:$0x1] =	wrdreg $0xFFFFFFFF  }
0xc2: {  	_ =	task.clear_ibuf [dreg:s7], $0x2FFFF;
	_ =	strace $0x9FFFFFFF  }
0xc3: {  	(tm) =	ssettm $0x7FFFFFFF  }
tec
execute0_lowered:
.L_overlay_start_1:
0x0: {  	(tag) =	ssettag $0x1  }
0x1: {  	s1 =	rddreg [dreg:$0x0]  }
0x2: {  	s0 =	srdreg.scid;
	s6 =	rddreg [dreg:$0x1]  }
0x3: {  	s3 =	rddreg [dreg:$0x2];
	s13 =	simm.s32 $0x80;
	s14 =	simm.s32 $0x400  }
0x4: {  	s15 =	simm.s32 $0x5800;
	s5 =	sand.u32 $0x1, s0;
	s0 =	stileid.u32  }
0x5: {  	s18 =	simm.s32 $0x8080;
	s19 =	simm.s32 $0x1;
	s29 =	smul.u32 $0x13C00, s0  }
0x6: {  	s20 =	simm.s32 $0x0;
	s2 =	sshll.u32 s5, $0x4;
	s10 =	smul.u32 $0x13C000, s5  }
0x7: {  	s9 =	sshll.u32 s0, $0x7;
	s5 =	ssub.s32 $0x2, s5;
	s12 =	smul.u32 $0x4F000, s0  }
0x8: {  	s16 =	sshll.u32 s0, $0x6;
	s7 =	sor.u32 s0, s2;
	s2 =	rddreg [dreg:$0x3]  }
0x9: {  	s9 =	sand.u32 $0x380, s9;
	s30 =	sshrl.u32 s5, $0x1;
	s16 =	sor.u32 $0x1C02, s16  }
0xa: {  	s4 =	sshrl.u32 s7, $0x3;
	s7 =	smul.u32 $0x580, s7;
	s11 =	sshrl.u32 s29, $0x3  }
0xb: {  	s31 =	sshrl.u32 s12, $0x2;
	s12 =	simm.s32 $0x2C00;
	s8 =	smul.u32 $0x14400, s4  }
0xc: {  	s4 =	simm.s32 $0x0;
	s11 =	sadd.s32 s11, s6;
	s17 =	sadd.s32 s31, s3  }
0xd: {  	[smem:$0x7FF] =	sst s4;
	s7 =	sadd.s32 s7, s6;
	s17 =	sshrl.u32 s17, $0x3  }
0xe: {  	s8 =	sor.u32 s9, s8;
	_ =	strace $0x8000004A;
	s9 =	sadd.s32 s29, s10  }
0xf: {  	s10 =	ssub.s32 s5, s30;
	s5 =	sadd.s32 $0x1B200, s7;
	s8 =	sshrl.u32 s8, $0x3  }
0x10: {  	s9 =	sshrl.u32 s9, $0x3;
	s10 =	smax.u32 s10, $0x1;
	s8 =	sadd.s32 s8, s6  }
0x11: {  	s9 =	sadd.s32 s9, s6;
	s6 =	sadd.s32 $0x5000, s7;
	s7 =	sadd.s32 $0x11000, s8  }
0x12: {  	s8 =	sadd.s32 $0x26200, s11;
	s9 =	sadd.s32 $0x4DA00, s9;
	s11 =	simm.s32 $0x2  }
.LBB2_1:
0x13: {  	[tilespmem:s4], [sflag:$0x2] =	stream.linear.gather [hbm4b:s5+s4], $0x2880, $0x38;
	[tilespmem:$0x1FC80] =	vst v63  }
0x14: {  	_ =	swait.ge [sflag:s11], $0x2880  }
0x15: {  	[sflag:s11] =	ssyncset.done $0x0  }
0x16: {  	[sflag:s11] =	ssyncadd.s32 $0xFFFFD780  }
0x17: {  	[tilespmem:s12], [sflag:$0x2] =	stream.linear.gather [hbm4b:s6+s4], $0x2880, $0x38;
	[tilespmem:$0x1FC80] =	vst v63  }
0x18: {  	_ =	swait.ge [sflag:s11], $0x2880  }
0x19: {  	[sflag:s11] =	ssyncset.done $0x0  }
0x1a: {  	[sflag:s11] =	ssyncadd.s32 $0xFFFFD780  }
0x1b: {  	[tilespmem:s15], [sflag:$0x2] =	stream.strided.gather [hbm4b:s7+s13], $0x2880, s14, s13, $0x38;
	[tilespmem:$0x1FC80] =	vst v63  }
0x1c: {  	_ =	swait.ge [sflag:s11], $0x2880  }
0x1d: {  	[sflag:s11] =	ssyncset.done $0x0  }
0x1e: {  	[sflag:s11] =	ssyncadd.s32 $0xFFFFD780  }
0x1f: {  	[spmem:s17], [sflag:s16] =	dma.local [hbm:s8], $0x2780  }
0x20: {  	_ =	swait.ge [sflag:s11], $0x2780  }
0x21: {  	[sflag:s11] =	ssyncset.done $0x0  }
0x22: {  	[sflag:s11] =	ssyncadd.s32 $0xFFFFD880  }
0x23: {  	s21 =	simm.s32 $0x0;
	s22 =	simm.s32 $0x0;
	[bflag:$0x0] =	sbarrier.arrive $0xFFFF  }
.LBB2_2:
0x24: {  	s26 =	sadd.s32 $0x0, s21  }
0x25: {  	v0 =	vmov s26  }
0x26: {  	v0 =	vand.u32 $0xFFFFFFFC, v0  }
0x27: {  	s23 =	sshll.u32 s22, $0x7;
	v0 =	vbroadcast v0, $0x0  }
0x28: {  	[tilespmem:s18], [sflag:$0x1] =	stream.indirect.gather [hbm4b:s1+s13], $0x80, s23, s13, $0xb8;
	[tilespmem:$0x1FC80] =	vst v63  }
0x29: {  	_ =	swait.ge [sflag:s19], $0x4000  }
0x2a: {  	[sflag:s19] =	ssyncset.done $0x0  }
0x2b: {  	s24 =	simm.s32 $0x8180;
	[sflag:s19] =	ssyncadd.s32 $0xFFFFC000  }
0x2c: {  	v1 =	vld [tilespmem:s24+$0xFFFFFF70]  }
0x2d: {  	v0 =	vld.idx.msk [tilespmem:v0+s15+$0x0], $0xffff  }
0x2e: {  	v2 =	vld [tilespmem:s24+$0xFFFFFF00]  }
0x2f: {  	v3 =	vld [tilespmem:s24+$0xFFFFFF20]  }
0x30: {  	v4 =	vld [tilespmem:s24+$0xFFFFFF50]  }
0x31: {  	v5 =	vld [tilespmem:s24+$0xFFFFFF40]  }
0x32: {  	v6 =	vld [tilespmem:s24+$0xFFFFFF60];
	v1 =	vmul.f32 v1, v0  }
0x33: {  	s25 =	sadd.s32 $0x1, s26;
	v7 =	vld [tilespmem:s24+$0xFFFFFF30];
	v2 =	vmul.f32 v2, v0  }
0x34: {  	v8 =	vmov s25;
	v9 =	vld [tilespmem:s24+$0xFFFFFF10];
	v3 =	vmul.f32 v3, v0;
	[tilespmem:s24+$0xFFFFFF70] =	vst v1  }
0x35: {  	v4 =	vmul.f32 v4, v0;
	v1 =	vand.u32 $0xFFFFFFFD, v8;
	[tilespmem:s24+$0xFFFFFF00] =	vst v2  }
0x36: {  	v2 =	vmul.f32 v5, v0;
	[tilespmem:s24+$0xFFFFFF20] =	vst v3;
	v1 =	vbroadcast v1, $0x0  }
0x37: {  	v3 =	vmul.f32 v6, v0;
	[tilespmem:s24+$0xFFFFFF50] =	vst v4  }
0x38: {  	v4 =	vmul.f32 v7, v0;
	[tilespmem:s24+$0xFFFFFF40] =	vst v2  }
0x39: {  	v0 =	vmul.f32 v9, v0;
	[tilespmem:s24+$0xFFFFFF60] =	vst v3  }
0x3a: {  	[tilespmem:s24+$0xFFFFFF30] =	vst v4  }
0x3b: {  	[tilespmem:s24+$0xFFFFFF10] =	vst v0;
	v0 =	vld [tilespmem:s24+$0xFFFFFF90]  }
0x3c: {  	v2 =	vld.idx.msk [tilespmem:v1+s15+$0x0], $0xffff  }
0x3d: {  	v1 =	vld [tilespmem:s24+$0xFFFFFFA0]  }
0x3e: {  	v3 =	vld [tilespmem:s24+$0xFFFFFF80]  }
0x3f: {  	v4 =	vld [tilespmem:s24+$0xFFFFFFB0]  }
0x40: {  	v5 =	vld [tilespmem:s24+$0xFFFFFFC0]  }
0x41: {  	v6 =	vld [tilespmem:s24+$0xFFFFFFD0];
	v0 =	vmul.f32 v0, v2  }
0x42: {  	s31 =	sadd.s32 $0x2, s26;
	v7 =	vld [tilespmem:s24+$0xFFFFFFF0];
	v1 =	vmul.f32 v1, v2  }
0x43: {  	v63 =	vld [tilespmem:s24+$0xFFFFFFE0];
	v8 =	vmov s31;
	v3 =	vmul.f32 v3, v2;
	[tilespmem:s24+$0xFFFFFF90] =	vst v0  }
0x44: {  	v4 =	vmul.f32 v4, v2;
	v0 =	vand.u32 $0xFFFFFFFE, v8;
	[tilespmem:s24+$0xFFFFFFA0] =	vst v1  }
0x45: {  	v1 =	vmul.f32 v5, v2;
	[tilespmem:s24+$0xFFFFFF80] =	vst v3;
	v5 =	vld [tilespmem:s24+$0x60];
	v8 =	vbroadcast v0, $0x0  }
0x46: {  	v3 =	vmul.f32 v6, v2;
	[tilespmem:s24+$0xFFFFFFB0] =	vst v4;
	v6 =	vld [tilespmem:s24+$0x0]  }
0x47: {  	v4 =	vmul.f32 v7, v2;
	v0 =	vld [tilespmem:s24+$0x20];
	[tilespmem:s24+$0xFFFFFFC0] =	vst v1  }
0x48: {  	v2 =	vmul.f32 v63, v2;
	v1 =	vld [tilespmem:s24+$0x30];
	[tilespmem:s24+$0xFFFFFFD0] =	vst v3  }
0x49: {  	[tilespmem:s24+$0xFFFFFFF0] =	vst v4;
	v3 =	vld [tilespmem:s24+$0x40]  }
0x4a: {  	[tilespmem:s24+$0xFFFFFFE0] =	vst v2;
	v4 =	vld [tilespmem:s24+$0x10]  }
0x4b: {  	s28 =	sadd.s32 $0x3, s26;
	s26 =	simm.s32 $0x8180;
	s25 =	simm.s32 $0x4;
	v2 =	vld.idx.msk [tilespmem:v8+s15+$0x0], $0xffff  }
.LBB2_3:
0x4c: {  	p0 =	sne.s32 s25, $0x7C  }
0x4d: {  	v7 =	vld [tilespmem:s24+$0x50];
	s26 =	sadd.s32 $0x200, s26;
	s29 =	smov.u32 s25;
	s25 =	sadd.s32 $0x4, s25  }
0x4e: {  	v8 =	vld [tilespmem:s24+$0x70];
	_ =	sdelay $0x1  }
0x4f: {  	v5 =	vmul.f32 v5, v2;
	v6 =	vmul.f32 v6, v2  }
0x50: {  	v3 =	vmul.f32 v3, v2;
	v4 =	vmul.f32 v4, v2  }
0x51: {  	v0 =	vmul.f32 v0, v2;
	v1 =	vmul.f32 v1, v2;
	[tilespmem:s24+$0x60] =	vst v5  }
0x52: {  	[tilespmem:s24+$0x40] =	vst v3;
	v3 =	vmul.f32 v7, v2;
	v2 =	vmul.f32 v8, v2  }
0x53: {  	[tilespmem:s24+$0x20] =	vst v0;
	v5 =	vld [tilespmem:s24+$0x80]  }
0x54: {  	v0 =	vld [tilespmem:s26+$0x20];
	[tilespmem:s24+$0x0] =	vst v6;
	v6 =	vmov s28  }
0x55: {  	[tilespmem:s24+$0x50] =	vst v3;
	v3 =	vld [tilespmem:s24+$0xE0]  }
0x56: {  	[tilespmem:s24+$0x30] =	vst v1;
	v7 =	vld [tilespmem:s24+$0xC0]  }
0x57: {  	v1 =	vld [tilespmem:s26+$0x30];
	[tilespmem:s24+$0x10] =	vst v4  }
0x58: {  	[tilespmem:s24+$0x70] =	vst v2;
	v2 =	vld [tilespmem:s24+$0xA0]  }
0x59: {  	v4 =	vld.idx.msk [tilespmem:v6+s15+$0x0], $0xffff  }
0x5a: {  	v6 =	vld [tilespmem:s24+$0x90]  }
0x5b: {  	v8 =	vld [tilespmem:s24+$0xB0]  }
0x5c: {  	v9 =	vld [tilespmem:s24+$0xD0]  }
0x5d: {  	v10 =	vld [tilespmem:s24+$0xF0];
	_ =	sdelay $0x1  }
0x5e: {  	v5 =	vmul.f32 v5, v4;
	v6 =	vmul.f32 v6, v4  }
0x5f: {  	s28 =	sadd.s32 s29, s21;
	v2 =	vmul.f32 v2, v4;
	v8 =	vmul.f32 v8, v4  }
0x60: {  	v11 =	vmov s28;
	s29 =	sadd.s32 $0x1, s28;
	s30 =	sadd.s32 $0x2, s28;
	s28 =	sadd.s32 $0x3, s28;
	[tilespmem:s24+$0x80] =	vst v5;
	v5 =	vmul.f32 v7, v4;
	v7 =	vmul.f32 v9, v4  }
0x61: {  	v9 =	vand.u32 $0xFFFFFFFC, v11;
	[tilespmem:s24+$0xA0] =	vst v2;
	v2 =	vmul.f32 v3, v4;
	v3 =	vmul.f32 v10, v4  }
0x62: {  	v4 =	vbroadcast v9, $0x0;
	v9 =	vmov s29;
	v10 =	vmov s30;
	[tilespmem:s24+$0xC0] =	vst v5  }
0x63: {  	v5 =	vand.u32 $0xFFFFFFFD, v9;
	v9 =	vand.u32 $0xFFFFFFFE, v10;
	[tilespmem:s24+$0xF0] =	vst v3  }
0x64: {  	v3 =	vld [tilespmem:s26+$0xFFFFFF40];
	[tilespmem:s24+$0xE0] =	vst v2  }
0x65: {  	v2 =	vld [tilespmem:s26+$0xFFFFFF50];
	[tilespmem:s24+$0x90] =	vst v6  }
0x66: {  	v6 =	vld [tilespmem:s26+$0xFFFFFF60];
	[tilespmem:s24+$0xB0] =	vst v8  }
0x67: {  	v8 =	vld [tilespmem:s26+$0xFFFFFF70];
	[tilespmem:s24+$0xD0] =	vst v7;
	s24 =	smov.u32 s26  }
0x68: {  	v4 =	vld.idx.msk [tilespmem:v4+s15+$0x0], $0xffff  }
0x69: {  	v7 =	vld [tilespmem:s26+$0xFFFFFF00]  }
0x6a: {  	v10 =	vld [tilespmem:s26+$0xFFFFFF20]  }
0x6b: {  	v11 =	vld [tilespmem:s26+$0xFFFFFF10]  }
0x6c: {  	v12 =	vld [tilespmem:s26+$0xFFFFFF30];
	_ =	sdelay $0x1  }
0x6d: {  	v8 =	vmul.f32 v8, v4;
	v7 =	vmul.f32 v7, v4  }
0x6e: {  	v6 =	vmul.f32 v6, v4;
	v10 =	vmul.f32 v10, v4  }
0x6f: {  	v2 =	vmul.f32 v2, v4;
	v11 =	vmul.f32 v11, v4;
	[tilespmem:s26+$0xFFFFFF70] =	vst v8  }
0x70: {  	v3 =	vmul.f32 v3, v4;
	[tilespmem:s26+$0xFFFFFF00] =	vst v7;
	v7 =	vmul.f32 v12, v4  }
0x71: {  	v4 =	vbroadcast v5, $0x0;
	[tilespmem:s26+$0xFFFFFF20] =	vst v10  }
0x72: {  	[tilespmem:s26+$0xFFFFFF50] =	vst v2  }
0x73: {  	[tilespmem:s26+$0xFFFFFF40] =	vst v3;
	v2 =	vld [tilespmem:s26+$0xFFFFFFF0]  }
0x74: {  	[tilespmem:s26+$0xFFFFFF60] =	vst v6;
	v3 =	vld [tilespmem:s26+$0xFFFFFFC0]  }
0x75: {  	[tilespmem:s26+$0xFFFFFF30] =	vst v7;
	v5 =	vld [tilespmem:s26+$0xFFFFFFD0]  }
0x76: {  	[tilespmem:s26+$0xFFFFFF10] =	vst v11;
	v6 =	vld [tilespmem:s26+$0xFFFFFF90]  }
0x77: {  	v4 =	vld.idx.msk [tilespmem:v4+s15+$0x0], $0xffff  }
0x78: {  	v7 =	vld [tilespmem:s26+$0xFFFFFF80]  }
0x79: {  	v8 =	vld [tilespmem:s26+$0xFFFFFFA0]  }
0x7a: {  	v10 =	vld [tilespmem:s26+$0xFFFFFFB0]  }
0x7b: {  	v11 =	vld [tilespmem:s26+$0xFFFFFFE0];
	_ =	sdelay $0x1  }
0x7c: {  	v6 =	vmul.f32 v6, v4;
	v7 =	vmul.f32 v7, v4  }
0x7d: {  	v5 =	vmul.f32 v5, v4;
	v8 =	vmul.f32 v8, v4  }
0x7e: {  	v3 =	vmul.f32 v3, v4;
	[tilespmem:s26+$0xFFFFFF90] =	vst v6;
	v6 =	vmul.f32 v10, v4  }
0x7f: {  	v2 =	vmul.f32 v2, v4;
	[tilespmem:s26+$0xFFFFFFA0] =	vst v8;
	v8 =	vmul.f32 v11, v4  }
0x80: {  	v4 =	vbroadcast v9, $0x0;
	[tilespmem:s26+$0xFFFFFF80] =	vst v7  }
0x81: {  	[tilespmem:s26+$0xFFFFFFB0] =	vst v6  }
0x82: {  	[tilespmem:s26+$0xFFFFFFC0] =	vst v3  }
0x83: {  	[tilespmem:s26+$0xFFFFFFD0] =	vst v5  }
.Ltmp0:
0x84: {  	[tilespmem:s26+$0xFFFFFFF0] =	vst v2;
	v3 =	vld [tilespmem:s26+$0x40];
	(pc) =	sbr.rel @p0 .LBB2_3-.Ltmp0, $4  }
0x85: {  	[tilespmem:s26+$0xFFFFFFE0] =	vst v8;
	v5 =	vld [tilespmem:s26+$0x60]  }
0x86: {  	v2 =	vld.idx.msk [tilespmem:v4+s15+$0x0], $0xffff  }
0x87: {  	v6 =	vld [tilespmem:s26+$0x0]  }
0x88: {  	v4 =	vld [tilespmem:s26+$0x10]  }
0x89: {  	_ =	sdelay $0x1  }
0x8a: {  	v5 =	vmul.f32 v5, v2  }
0x8b: {  	v7 =	vld [tilespmem:s24+$0x50];
	v3 =	vmul.f32 v3, v2  }
0x8c: {  	v8 =	vld [tilespmem:s24+$0x70];
	v0 =	vmul.f32 v0, v2;
	[tilespmem:s24+$0x60] =	vst v5  }
0x8d: {  	v48 =	vmul.f32 v1, v2;
	[tilespmem:s24+$0x40] =	vst v3  }
0x8e: {  	v46 =	vmul.f32 v6, v2;
	[tilespmem:s24+$0x20] =	vst v0  }
0x8f: {  	v50 =	vmov s28;
	v4 =	vmul.f32 v4, v2;
	[tilespmem:s24+$0x30] =	vst v48  }
0x90: {  	v47 =	vmul.f32 v7, v2;
	[tilespmem:s24+$0x0] =	vst v46  }
0x91: {  	v51 =	vmul.f32 v8, v2;
	[tilespmem:s24+$0x10] =	vst v4  }
0x92: {  	[tilespmem:s24+$0x50] =	vst v47  }
0x93: {  	v49 =	vld [tilespmem:s24+$0x80];
	[tilespmem:s24+$0x70] =	vst v51  }
0x94: {  	v0 =	vld.idx.msk [tilespmem:v50+s15+$0x0], $0xffff  }
0x95: {  	v52 =	vld [tilespmem:s24+$0xA0]  }
0x96: {  	v53 =	vld [tilespmem:s24+$0xC0]  }
0x97: {  	v54 =	vld [tilespmem:s24+$0xF0]  }
0x98: {  	v55 =	vld [tilespmem:s24+$0xE0]  }
0x99: {  	v56 =	vld [tilespmem:s24+$0x90];
	v1 =	vmul.f32 v49, v0  }
0x9a: {  	v57 =	vld [tilespmem:s24+$0xB0];
	v2 =	vmul.f32 v52, v0  }
0x9b: {  	v58 =	vld [tilespmem:s24+$0xD0];
	v59 =	vmul.f32 v53, v0;
	[tilespmem:s24+$0x80] =	vst v1  }
0x9c: {  	v60 =	vmul.f32 v54, v0;
	[tilespmem:s24+$0xA0] =	vst v2  }
0x9d: {  	v61 =	vmul.f32 v55, v0;
	[tilespmem:s24+$0xC0] =	vst v59  }
0x9e: {  	v62 =	vmul.f32 v56, v0;
	[tilespmem:s24+$0xF0] =	vst v60  }
0x9f: {  	v63 =	vmul.f32 v57, v0;
	[tilespmem:s24+$0xE0] =	vst v61  }
0xa0: {  	s22 =	sadd.s32 $0x1, s22;
	v0 =	vmul.f32 v58, v0;
	[tilespmem:s24+$0x90] =	vst v62  }
0xa1: {  	p0 =	sne.s32 s22, $0x51;
	[tilespmem:s24+$0xB0] =	vst v63  }
.Ltmp1:
0xa2: {  	s23 =	sadd.s32 $0x2C00, s23;
	[tilespmem:s24+$0xD0] =	vst v0;
	(pc) =	sbr.rel @p0 .LBB2_2-.Ltmp1, $4  }
0xa3: {  	[spmem:s3] =	stream.indirect.scatter.add.f32 [tilespmem:s18], [sflag:$0x2], $0x80, s23, s13, $0xb8;
	[tilespmem:$0x1FC80] =	vst v63  }
0xa4: {  	_ =	swait.ge [sflag:s11], $0x4000  }
0xa5: {  	[sflag:s11] =	ssyncset.done $0x0  }
0xa6: {  	s21 =	sadd.s32 $0x80, s21;
	[sflag:s11] =	ssyncadd.s32 $0xFFFFC000  }
0xa7: {  	s20 =	sadd.s32 $0x1, s20  }
0xa8: {  	p0 =	sne.s32 s20, s10  }
.Ltmp2:
0xa9: {  	[bflag:$0x0] =	sbarrier.arrive $0xFFFF;
	(pc) =	sbr.rel @p0 .LBB2_1-.Ltmp2, $4  }
0xaa: {  	[hbm:s9], [sflag:s16] =	dma.local [spmem:s17], $0x2780  }
0xab: {  	_ =	swait.ge [sflag:s11], $0x2780  }
0xac: {  	[sflag:s11] =	ssyncset.done $0x0  }
0xad: {  	[sflag:s11] =	ssyncadd.s32 $0xFFFFD880  }
0xae: {  	_ =	sfence.sel $0x180000  }
0xaf: {  	[bflag:$0x0] =	sbarrier.arrive $0xFFFF  }
0xb0: {  	p0 =	sne.s32 s0, $0x0;
	_ =	strace $0x9000004A  }
0xb1: {  	s0 =	sadd.s32 @!p0 $0x100000, s2;
	[bflag:$0x2] =	sbarrier.arrive $0xFFFF  }
0xb2: {  	[sflag:s0] =	ssyncadd.tile.s32 @!p0 $0x1;
	_ =	shalt  }
.Lfunc_end2:
_tile_overlayer_lowered:
.L_overlay_start_2:
0xb3: {  	(tag) =	ssettag $0x2  }
0xb4: {  	s0 =	rddreg [dreg:$0x0];
	s2 =	stileid.u32  }
0xb5: {  	s1 =	rddreg [dreg:$0x1];
	p0 =	sne.s32 s2, $0x0  }
0xb6: {  	s3 =	rddreg [dreg:$0x2];
	[bflag:$0x3] =	sbarrier.arrive $0xFFFF;
	s2 =	simm.s32 @!p0 $0x1C02  }
0xb7: {  	[timem:s3], [sflag:s2] =	dma.local @!p0 [hbm:s0], s1  }
0xb8: {  	s0 =	simm.s32 @!p0 $0x2  }
0xb9: {  	_ =	swait.ge @!p0 [sflag:s0], s1  }
0xba: {  	s1 =	ssub.s32 @!p0 $0x0, s1;
	[sflag:s0] =	ssyncset.done @!p0 $0x0  }
0xbb: {  	[sflag:s0] =	ssyncadd.s32 @!p0 s1  }
0xbc: {  	[bflag:$0x3] =	sbarrier.arrive $0xFFFF  }
0xbd: {  	_ =	shalt  }

// kernel: kernel.19.cloned.1.call-start
scs
__scs_entry_jumppad:
0x0: {  	(pc) =	sbr.rel $0x88, $3  }
0x1: {  	(tag) =	ssettag $0x0;
	lr =	simm.s32 $0x1  }
0x2: {  	[smem:$0x3F92] =	sst lr;
	_ =	strace $0xD0000000  }
0x3: {  	_ = 	snop  }
0x4: {  	_ = 	snop  }
0x5: {  	_ = 	snop  }
0x6: {  	_ = 	snop  }
0x7: {  	_ = 	snop  }
__scs_overlays_trampoline_lowered:
0x8: {  	[smem:$0x3FA1] =	sst s0  }
0x9: {  	[smem:$0x3FA2] =	sst s1  }
0xa: {  	[smem:$0x3FA3] =	sst s2  }
0xb: {  	[smem:$0x3FA4] =	sst s3  }
0xc: {  	[smem:$0x3FA5] =	sst s4  }
0xd: {  	[smem:$0x3FA6] =	sst s5  }
0xe: {  	[smem:$0x3FA7] =	sst s6  }
0xf: {  	[smem:$0x3FA8] =	sst s7  }
0x10: {  	[smem:$0x3FA9] =	sst s8  }
0x11: {  	[smem:$0x3FAA] =	sst s9;
	s0 =	simm.s32 @!p0 $0x0  }
0x12: {  	s1 =	sld [smem:$0x3F90];
	s0 =	simm.s32 @p0 $0x1  }
0x13: {  	[smem:$0x3FAB] =	sst s0;
	s0 =	simm.s32 @!p1 $0x0  }
0x14: {  	s2 =	sld [smem:$0x3F8F];
	s0 =	simm.s32 @p1 $0x1  }
0x15: {  	[smem:$0x3FAC] =	sst s0;
	s0 =	simm.s32 @!p2 $0x0  }
0x16: {  	s3 =	sld [smem:$0x3FDB];
	s0 =	simm.s32 @p2 $0x1  }
0x17: {  	s4 =	simm.s32 $0x1BF5;
	[smem:$0x3FAE] =	sst s0  }
0x18: {  	s0 =	sld [smem:$0x3F91];
	_ =	swait.ge [sflag:s4], $0x0  }
0x19: {  	s7 =	sld [smem:$0x3F92]  }
0x1a: {  	s8 =	sadd.s32 $0xFFFFE003, lr  }
0x1b: {  	s9 =	sadd.s32 $0xFFFFFEF7, lr;
	s5 =	simm.s32 $0xFFFFFFFF;
	p2 =	slt.u32 s8, $0xFFFFF086  }
0x1c: {  	p1 =	slt.u32 s9, $0xF7A;
	s5 =	simm.s32 @!p2 $0x0  }
0x1d: {  	s5 =	simm.s32 @p1 $0x1;
	p0 =	seq.s32 s7, s2  }
0x1e: {  	s7 =	smul.u32 @!p0 $0xF7A, s2;
	p2 =	seq.s32 @!p0 s5, $0x0  }
0x1f: {  	s9 =	smul.u32 $0xF7A, s1;
	s8 =	simm.s32 @!p0 $0x1BF5;
	p2 =	por !p2, p0  }
0x20: {  	[sflag:s8] =	ssyncset.s32 @!p0 $0xFFFFF086;
	s6 =	sadd.s32 @!p0 s3, s7;
	s7 =	simm.s32 @!p0 $0x108  }
0x21: {  	s3 =	sadd.s32 s3, s9;
	s6 =	sadd.s32 @!p0 $0x88, s6;
	s7 =	simm.s32 @p2 $0x1082  }
0x22: {  	[simem:s7], [sflag:s8] =	dma.local @!p0 [hbm:s6], $0xF7A  }
0x23: {  	s9 =	sor.u32 $0xD0000000, s2;
	s6 =	simm.s32 $0x108;
	_ =	swait.ge @!p0 [sflag:s8], $0x0  }
0x24: {  	s3 =	sadd.s32 $0x88, s3;
	s6 =	simm.s32 @!p1 $0x1082;
	[sflag:s4] =	ssyncset.s32 $0xFFFFF086  }
0x25: {  	[simem:s6], [sflag:s4] =	dma.local [hbm:s3], $0xF7A  }
0x26: {  	[smem:$0x3F92] =	sst s1;
	(tag) =	ssettag s2;
	_ =	strace s9  }
0x27: {  	s1 =	sld [smem:$0x3FA2]  }
0x28: {  	s2 =	sld [smem:$0x3FA3]  }
0x29: {  	s4 =	sld [smem:$0x3FA5]  }
0x2a: {  	p0 =	seq.s32 s5, $0x0;
	s5 =	sld [smem:$0x3FA6]  }
0x2b: {  	s6 =	sld [smem:$0x3FA7]  }
0x2c: {  	s7 =	sld [smem:$0x3FA8]  }
0x2d: {  	s3 =	simm.s32 $0x108;
	s8 =	sld [smem:$0x3FA9]  }
0x2e: {  	s3 =	simm.s32 @!p0 $0x1082;
	s9 =	sld [smem:$0x3FAA]  }
0x2f: {  	lr =	sadd.s32 s0, s3;
	s0 =	sld [smem:$0x3FA1]  }
0x30: {  	s3 =	sld [smem:$0x3FA4]  }
0x31: {  	[smem:$0x3FAD] =	sst s10  }
0x32: {  	s10 =	sld [smem:$0x3FAB];
	_ =	sdelay $0x3  }
0x33: {  	p0 =	seq.s32 s10, $0x1;
	s10 =	sld [smem:$0x3FAD];
	_ =	sdelay $0x3  }
0x34: {  	[smem:$0x3FAD] =	sst s10  }
0x35: {  	s10 =	sld [smem:$0x3FAC];
	_ =	sdelay $0x3  }
0x36: {  	p1 =	seq.s32 s10, $0x1;
	s10 =	sld [smem:$0x3FAD];
	_ =	sdelay $0x3  }
0x37: {  	[smem:$0x3FAD] =	sst s10  }
0x38: {  	s10 =	sld [smem:$0x3FAE]  }
0x39: {  	_ = 	snop;
	(pc) =	sbr.ind lr, $3  }
0x3a: {  	_ = 	snop  }
0x3b: {  	_ = 	snop  }
0x3c: {  	p2 =	seq.s32 s10, $0x1;
	s10 =	sld [smem:$0x3FAD]  }
0x3d: {  	_ =	shalt  }
0x3e: {  	_ =	shalt  }
0x3f: {  	_ =	shalt  }
0x40: {  	_ =	shalt  }
0x41: {  	_ =	shalt  }
0x42: {  	_ =	shalt  }
0x43: {  	_ =	shalt  }
0x44: {  	_ =	shalt  }
0x45: {  	_ =	shalt  }
0x46: {  	_ =	shalt  }
0x47: {  	_ =	shalt  }
0x48: {  	_ =	shalt  }
0x49: {  	_ =	shalt  }
0x4a: {  	_ =	shalt  }
0x4b: {  	_ =	shalt  }
0x4c: {  	_ =	shalt  }
0x4d: {  	_ =	shalt  }
0x4e: {  	_ =	shalt  }
0x4f: {  	_ =	shalt  }
0x50: {  	_ =	shalt  }
0x51: {  	_ =	shalt  }
0x52: {  	_ =	shalt  }
0x53: {  	_ =	shalt  }
0x54: {  	_ =	shalt  }
0x55: {  	_ =	shalt  }
0x56: {  	_ =	shalt  }
0x57: {  	_ =	shalt  }
0x58: {  	_ =	shalt  }
0x59: {  	_ =	shalt  }
0x5a: {  	_ =	shalt  }
0x5b: {  	_ =	shalt  }
0x5c: {  	_ =	shalt  }
0x5d: {  	_ =	shalt  }
0x5e: {  	_ =	shalt  }
0x5f: {  	_ =	shalt  }
0x60: {  	_ =	shalt  }
0x61: {  	_ =	shalt  }
0x62: {  	_ =	shalt  }
0x63: {  	_ =	shalt  }
0x64: {  	_ =	shalt  }
0x65: {  	_ =	shalt  }
0x66: {  	_ =	shalt  }
0x67: {  	_ =	shalt  }
0x68: {  	_ =	shalt  }
0x69: {  	_ =	shalt  }
0x6a: {  	_ =	shalt  }
0x6b: {  	_ =	shalt  }
0x6c: {  	_ =	shalt  }
0x6d: {  	_ =	shalt  }
0x6e: {  	_ =	shalt  }
0x6f: {  	_ =	shalt  }
0x70: {  	_ =	shalt  }
0x71: {  	_ =	shalt  }
0x72: {  	_ =	shalt  }
0x73: {  	_ =	shalt  }
0x74: {  	_ =	shalt  }
0x75: {  	_ =	shalt  }
0x76: {  	_ =	shalt  }
0x77: {  	_ =	shalt  }
0x78: {  	_ =	shalt  }
0x79: {  	_ =	shalt  }
0x7a: {  	_ =	shalt  }
0x7b: {  	_ =	shalt  }
0x7c: {  	_ =	shalt  }
0x7d: {  	_ =	shalt  }
0x7e: {  	_ =	shalt  }
0x7f: {  	_ =	shalt  }
0x80: {  	_ =	shalt  }
0x81: {  	_ =	shalt  }
0x82: {  	_ =	shalt  }
0x83: {  	_ =	shalt  }
0x84: {  	_ =	shalt  }
0x85: {  	_ =	shalt  }
0x86: {  	_ =	shalt  }
0x87: {  	_ =	shalt  }
.Lfunc_end0:
.L_simem_size_0:
called_computation.2_lowered:
.L_overlay_start_0:
0x88: {  	s2 =	sld [smem:$0x3FD9]  }
0x89: {  	s3 =	sld [smem:$0x3FFE];
	_ =	sdelay $0x1  }
0x8a: {  	s1 =	srdreg.scid  }
0x8b: {  	s0 =	sand.u32 $0x1, s1  }
0x8c: {  	s16 =	sshll.u32 s0, $0xA;
	s2 =	sadd.s32 s3, s2  }
0x8d: {  	s2 =	sadd.s32 s2, s16  }
0x8e: {  	[smem:$0x3FB9] =	sst s2  }
0x8f: {  	_ = 	snop  }
0x90: {  	(tm) =	ssettm $0x1  }
0x91: {  	s17 =	sld [smem:$0x3FFB];
	_ =	sdelay $0x3  }
0x92: {  	_ =	strace s17  }
0x93: {  	s2 =	sld [smem:$0x3FFC];
	_ =	sdelay $0x3  }
0x94: {  	_ =	strace s2  }
0x95: {  	s2 =	sld [smem:$0x3FFD];
	_ =	sdelay $0x3  }
0x96: {  	_ =	strace s2  }
0x97: {  	_ =	strace $0x8FFFFFFF  }
0x98: {  	s18 =	sld [smem:$0x3FDB];
	_ =	sdelay $0x1  }
0x99: {  	s19 =	simm.s32 $_scs_section_size  }
0x9a: {  	s4 =	simm.s32 $_size__tile_overlayer_lowered;
	s5 =	simm.s32 $_tile_overlayer_lowered  }
0x9b: {  	s22 =	simm.s32 $0x1BFF;
	s21 =	sshll.u32 s5, $0x1;
	s2 =	sadd.s32 s19, s18  }
0x9c: {  	s6 =	simm.s32 $0x0;
	s20 =	sshll.u32 s4, $0x1;
	s4 =	sadd.s32 s21, s2  }
0x9d: {  	[timem:s6], [sflag:s22] =	dma.local [hbm:s4], s20  }
0x9e: {  	_ =	swait.ge [sflag:s22], s20  }
0x9f: {  	s3 =	ssub.s32 $0x0, s20;
	[sflag:s22] =	ssyncset.done $0x0  }
0xa0: {  	[sflag:s22] =	ssyncadd.s32 s3;
	_ =	sdelay $0x1  }
0xa1: {  	s23 =	simm.s32 $0x1B8B  }
0xa2: {  	_ =	swait.ge [sflag:s23], $0x1  }
0xa3: {  	[sflag:s23] =	ssyncset.done $0x0  }
0xa4: {  	s25 =	simm.s32 $0x1B8E;
	s24 =	sld [smem:$0x3FFE];
	[sflag:s23] =	ssyncadd.s32 $0xFFFFFFFF  }
0xa5: {  	s26 =	simm.s32 $execute0_lowered;
	[smem:$0x3FD2] =	sst s25  }
0xa6: {  	s4 =	sshll.u32 s26, $0x1;
	_ =	strace $0x8000004C;
	[dreg:$0x1] =	wrdreg $0xFFFFFFFF  }
0xa7: {  	s28 =	simm.s32 $_size_execute0_lowered;
	s2 =	sadd.s32 s2, s4;
	[dreg:$0x0] =	wrdreg $0x0  }
0xa8: {  	s4 =	sshll.u32 s28, $0x1;
	[dreg:$0x2] =	wrdreg s2  }
0xa9: {  	[dreg:$0x3] =	wrdreg s4  }
0xaa: {  	[dreg:$0x4] =	wrdreg $0xC0  }
0xab: {  	_ =	task [dreg:s6], $0x5FFFF  }
0xac: {  	[dreg:$0x1] =	wrdreg $0xFFFFFFFF  }
0xad: {  	[dreg:$0x0] =	wrdreg $0x60  }
0xae: {  	[dreg:$0x2] =	wrdreg s24  }
0xaf: {  	[dreg:$0x3] =	wrdreg $0x100800  }
0xb0: {  	[dreg:$0x4] =	wrdreg $0x9  }
0xb1: {  	_ =	task.clear_ibuf [dreg:s6], $0x5FFFF;
	_ =	strace $0x9000004C  }
0xb2: {  	s29 =	simm.s32 $0x9;
	_ =	strace $0x8000004E  }
0xb3: {  	_ =	swait.ge [sflag:s29], $0x1  }
0xb4: {  	[sflag:s29] =	ssyncadd.s32 $0xFFFFFFFF  }
0xb5: {  	_ =	strace $0x9000004E  }
0xb6: {  	_ =	sfence  }
0xb7: {  	s30 =	sld [smem:$0x0];
	_ =	sdelay $0x2  }
0xb8: {  	s31 =	sshll.u32 s1, $0xD;
	s1 =	sshrl.u32 s1, $0x2  }
0xb9: {  	s3 =	sand.u32 $0x4000, s31;
	s1 =	sadd.s32 s1, s30  }
0xba: {  	s0 =	sor.u32 s3, s0;
	s1 =	sshll.u32 s1, $0x11  }
0xbb: {  	s0 =	sor.u32 s1, s0  }
0xbc: {  	s0 =	sadd.s32 $0x8F2B, s0  }
0xbd: {  	[sflag:s0] =	ssyncadd.remote.s32 $0x1  }
0xbe: {  	_ =	sfence.sel $0xFFFF  }
0xbf: {  	[dreg:$0x0] =	wrdreg $0xFFFFFFFF;
	(pc) =	sbr.abs _section_cstart, $3  }
0xc0: {  	[dreg:$0x1] =	wrdreg $0xFFFFFFFF  }
0xc1: {  	_ =	task.clear_ibuf [dreg:s6], $0x2FFFF;
	_ =	strace $0x9FFFFFFF  }
0xc2: {  	(tm) =	ssettm $0x7FFFFFFF  }
0xc3: {  	_ =	shalt  }
tec
execute0_lowered:
.L_overlay_start_1:
0x0: {  	(tag) =	ssettag $0x1  }
0x1: {  	s7 =	rddreg [dreg:$0x0]  }
0x2: {  	s1 =	rddreg [dreg:$0x1];
	s2 =	simm.s32 $0x0  }
0x3: {  	s5 =	srdreg.scid;
	s3 =	stileid.u32;
	s16 =	simm.s32 $0x5000  }
0x4: {  	s17 =	simm.s32 $0x5080;
	s18 =	simm.s32 $0x7C80;
	s19 =	simm.s32 $0xA880  }
0x5: {  	s22 =	simm.s32 $0x80;
	s23 =	simm.s32 $0xD480;
	s24 =	simm.s32 $0x20  }
0x6: {  	s25 =	simm.s32 $0x10;
	s26 =	simm.s32 $0x0;
	[smem:$0x7FF] =	sst s2  }
0x7: {  	s4 =	sadd.s32 $0x10800, s7;
	s8 =	sand.u32 $0x1, s5;
	s10 =	smul.u32 $0x280, s3  }
0x8: {  	s5 =	sadd.s32 $0x4DA00, s7;
	s6 =	sadd.s32 $0x10E00, s7;
	s11 =	smul.u32 $0x500, s3  }
0x9: {  	s20 =	sshll.u32 s3, $0x6;
	_ =	strace $0x8000004D;
	s9 =	sshll.u32 s8, $0x4  }
0xa: {  	s13 =	sshll.u32 s8, $0x7;
	s8 =	ssub.s32 $0x2, s8;
	s20 =	sor.u32 $0x1C01, s20  }
0xb: {  	s9 =	sor.u32 s3, s9;
	s12 =	sshrl.u32 s10, $0x3;
	s11 =	sor.u32 s13, s11  }
0xc: {  	s31 =	sshrl.u32 s8, $0x1;
	s21 =	sadd.s32 s10, s1;
	s9 =	smul.u32 $0x580, s9  }
0xd: {  	s12 =	sadd.s32 s12, s7;
	s30 =	sshrl.u32 s11, $0x3;
	s15 =	ssub.s32 s8, s31  }
0xe: {  	s21 =	sshrl.u32 s21, $0x3;
	s14 =	sadd.s32 s30, s7;
	s10 =	sadd.s32 $0x10000, s12  }
0xf: {  	s13 =	smax.u32 s15, $0x1;
	s15 =	simm.s32 $0x2800;
	s29 =	sadd.s32 s9, s7  }
0x10: {  	s12 =	sadd.s32 $0x59000, s14;
	s14 =	simm.s32 $0x1;
	s7 =	sadd.s32 $0x1B200, s29  }
0x11: {  	s8 =	sadd.s32 $0x5000, s29;
	s9 =	sadd.s32 $0x9CA00, s29;
	s11 =	sadd.s32 $0x4E000, s29  }
.LBB2_1:
0x12: {  	[tilespmem:s2], [sflag:$0x1] =	stream.linear.gather [hbm4b:s4+s2], $0x2800, $0x38;
	[tilespmem:$0x10300] =	vst v63  }
0x13: {  	_ =	swait.ge [sflag:s14], $0x2800  }
0x14: {  	[sflag:s14] =	ssyncset.done $0x0  }
0x15: {  	[sflag:s14] =	ssyncadd.s32 $0xFFFFD800  }
0x16: {  	[tilespmem:s15], [sflag:$0x1] =	stream.linear.gather [hbm4b:s5+s2], $0x2800, $0x38;
	[tilespmem:$0x10300] =	vst v63  }
0x17: {  	_ =	swait.ge [sflag:s14], $0x2800  }
0x18: {  	[sflag:s14] =	ssyncset.done $0x0  }
0x19: {  	[sflag:s14] =	ssyncadd.s32 $0xFFFFD800  }
0x1a: {  	[tilespmem:s16], [sflag:$0x1] =	stream.linear.gather [hbm4b:s6+s2], $0x80, $0x38;
	[tilespmem:$0x10300] =	vst v63  }
0x1b: {  	_ =	swait.ge [sflag:s14], $0x80  }
0x1c: {  	[sflag:s14] =	ssyncset.done $0x0  }
0x1d: {  	[sflag:s14] =	ssyncadd.s32 $0xFFFFFF80  }
0x1e: {  	[tilespmem:s17], [sflag:$0x1] =	stream.linear.gather [hbm4b:s7+s2], $0x2880, $0x38;
	[tilespmem:$0x10300] =	vst v63  }
0x1f: {  	_ =	swait.ge [sflag:s14], $0x2880  }
0x20: {  	[sflag:s14] =	ssyncset.done $0x0  }
0x21: {  	[sflag:s14] =	ssyncadd.s32 $0xFFFFD780  }
0x22: {  	[tilespmem:s18], [sflag:$0x1] =	stream.linear.gather [hbm4b:s8+s2], $0x2880, $0x38;
	[tilespmem:$0x10300] =	vst v63  }
0x23: {  	_ =	swait.ge [sflag:s14], $0x2880  }
0x24: {  	[sflag:s14] =	ssyncset.done $0x0  }
0x25: {  	[sflag:s14] =	ssyncadd.s32 $0xFFFFD780  }
0x26: {  	[tilespmem:s19], [sflag:$0x1] =	stream.linear.gather [hbm4b:s9+s2], $0x2880, $0x38;
	[tilespmem:$0x10300] =	vst v63  }
0x27: {  	_ =	swait.ge [sflag:s14], $0x2880  }
0x28: {  	[sflag:s14] =	ssyncset.done $0x0  }
0x29: {  	[sflag:s14] =	ssyncadd.s32 $0xFFFFD780  }
0x2a: {  	[spmem:s21], [sflag:s20] =	dma.local [hbm:s10], $0x50  }
0x2b: {  	_ =	swait.ge [sflag:s14], $0x50  }
0x2c: {  	[sflag:s14] =	ssyncset.done $0x0  }
0x2d: {  	[sflag:s14] =	ssyncadd.s32 $0xFFFFFFB0  }
0x2e: {  	s28 =	simm.s32 $0x0;
	[bflag:$0x0] =	sbarrier.arrive $0xFFFF  }
0x2f: {  	v0 =	vld [tilespmem:s28+$0x5080]  }
0x30: {  	v1 =	vld [tilespmem:s28+$0x7C80];
	_ =	sdelay $0x6  }
0x31: {  	v2 =	vld.idx.msk [tilespmem:v0+s2+$0x0], $0xffff  }
0x32: {  	v1 =	vld.idx.msk [tilespmem:v1+s15+$0x0], $0xffff;
	_ =	sdelay $0x4  }
0x33: {  	v0 =	vld [tilespmem:$0x5000];
	v1 =	vadd.f32 v1, v2;
	_ =	sdelay $0x1  }
0x34: {  	v2 =	vmul.f32 $2.000000030e-01, v1  }
0x35: {  	vm0 =	vgt.f32 v1, $0.0e+00  }
0x36: {  	v1 =	vsel vm0, v1, v2  }
0x37: {  	v1 =	vsub.f32 v1, v0;
	_ =	sdelay $0x1  }
0x38: {  	v1 =	vmul.f32 $1.442695020e+00, v1;
	_ =	sdelay $0x1  }
0x39: {  	(erf) = vpow2.f32 v1;
	_ =	sdelay $0x3  }
0x3a: {  	v2 =	vld [tilespmem:s28+$0x5090]  }
0x3b: {  	v1 =	vld [tilespmem:s28+$0xA880]  }
0x3c: {  	v3 =	vld [tilespmem:s28+$0x7C90];
	_ =	sdelay $0x2  }
0x3d: {  	v4 =	vpop (erf)  }
0x3e: {  	v1 =	vmul.f32 v4, v1;
	_ =	sdelay $0x1  }
0x3f: {  	[tilespmem:s28+$0xD480] =	vst v1  }
0x40: {  	v1 =	vld.idx.msk [tilespmem:v2+s2+$0x0], $0xffff  }
0x41: {  	v2 =	vld.idx.msk [tilespmem:v3+s15+$0x0], $0xffff;
	_ =	sdelay $0x4  }
0x42: {  	v1 =	vadd.f32 v2, v1;
	_ =	sdelay $0x1  }
0x43: {  	v2 =	vmul.f32 $2.000000030e-01, v1  }
0x44: {  	vm9 =	vgt.f32 v1, $0.0e+00  }
0x45: {  	v1 =	vsel vm9, v1, v2  }
0x46: {  	v1 =	vsub.f32 v1, v0;
	_ =	sdelay $0x1  }
0x47: {  	v1 =	vmul.f32 $1.442695020e+00, v1;
	_ =	sdelay $0x1  }
0x48: {  	(erf) = vpow2.f32 v1;
	_ =	sdelay $0x3  }
0x49: {  	v2 =	vld [tilespmem:s28+$0x50A0]  }
0x4a: {  	v1 =	vld [tilespmem:s28+$0xA890]  }
0x4b: {  	v3 =	vld [tilespmem:s28+$0x7CA0];
	_ =	sdelay $0x2  }
0x4c: {  	v58 =	vpop (erf)  }
0x4d: {  	v1 =	vmul.f32 v58, v1;
	_ =	sdelay $0x1  }
0x4e: {  	[tilespmem:s28+$0xD490] =	vst v1  }
0x4f: {  	v1 =	vld.idx.msk [tilespmem:v2+s2+$0x0], $0xffff  }
0x50: {  	v2 =	vld.idx.msk [tilespmem:v3+s15+$0x0], $0xffff;
	_ =	sdelay $0x4  }
0x51: {  	v1 =	vadd.f32 v2, v1;
	_ =	sdelay $0x1  }
0x52: {  	v2 =	vmul.f32 $2.000000030e-01, v1  }
0x53: {  	vm10 =	vgt.f32 v1, $0.0e+00  }
0x54: {  	v1 =	vsel vm10, v1, v2  }
0x55: {  	v1 =	vsub.f32 v1, v0;
	_ =	sdelay $0x1  }
0x56: {  	v1 =	vmul.f32 $1.442695020e+00, v1;
	_ =	sdelay $0x1  }
0x57: {  	(erf) = vpow2.f32 v1;
	_ =	sdelay $0x3  }
0x58: {  	v2 =	vld [tilespmem:s28+$0x50B0]  }
0x59: {  	v1 =	vld [tilespmem:s28+$0xA8A0]  }
0x5a: {  	v3 =	vld [tilespmem:s28+$0x7CB0];
	_ =	sdelay $0x2  }
0x5b: {  	v59 =	vpop (erf)  }
0x5c: {  	v1 =	vmul.f32 v59, v1;
	_ =	sdelay $0x1  }
0x5d: {  	[tilespmem:s28+$0xD4A0] =	vst v1  }
0x5e: {  	v1 =	vld.idx.msk [tilespmem:v2+s2+$0x0], $0xffff  }
0x5f: {  	v2 =	vld.idx.msk [tilespmem:v3+s15+$0x0], $0xffff;
	_ =	sdelay $0x4  }
0x60: {  	v1 =	vadd.f32 v2, v1;
	_ =	sdelay $0x1  }
0x61: {  	v2 =	vmul.f32 $2.000000030e-01, v1  }
0x62: {  	vm11 =	vgt.f32 v1, $0.0e+00  }
0x63: {  	v1 =	vsel vm11, v1, v2  }
0x64: {  	v1 =	vsub.f32 v1, v0;
	_ =	sdelay $0x1  }
0x65: {  	v1 =	vmul.f32 $1.442695020e+00, v1;
	_ =	sdelay $0x1  }
0x66: {  	(erf) = vpow2.f32 v1;
	_ =	sdelay $0x3  }
0x67: {  	v2 =	vld [tilespmem:s28+$0x50C0]  }
0x68: {  	v1 =	vld [tilespmem:s28+$0xA8B0]  }
0x69: {  	v3 =	vld [tilespmem:s28+$0x7CC0];
	_ =	sdelay $0x2  }
0x6a: {  	v60 =	vpop (erf)  }
0x6b: {  	v1 =	vmul.f32 v60, v1;
	_ =	sdelay $0x1  }
0x6c: {  	[tilespmem:s28+$0xD4B0] =	vst v1  }
0x6d: {  	v1 =	vld.idx.msk [tilespmem:v2+s2+$0x0], $0xffff  }
0x6e: {  	v2 =	vld.idx.msk [tilespmem:v3+s15+$0x0], $0xffff;
	_ =	sdelay $0x4  }
0x6f: {  	v1 =	vadd.f32 v2, v1;
	_ =	sdelay $0x1  }
0x70: {  	v2 =	vmul.f32 $2.000000030e-01, v1  }
0x71: {  	vm12 =	vgt.f32 v1, $0.0e+00  }
0x72: {  	v1 =	vsel vm12, v1, v2  }
0x73: {  	v1 =	vsub.f32 v1, v0;
	_ =	sdelay $0x1  }
0x74: {  	v1 =	vmul.f32 $1.442695020e+00, v1;
	_ =	sdelay $0x1  }
0x75: {  	(erf) = vpow2.f32 v1;
	_ =	sdelay $0x3  }
0x76: {  	v2 =	vld [tilespmem:s28+$0x50D0]  }
0x77: {  	v1 =	vld [tilespmem:s28+$0xA8C0]  }
0x78: {  	v3 =	vld [tilespmem:s28+$0x7CD0];
	_ =	sdelay $0x2  }
0x79: {  	v61 =	vpop (erf)  }
0x7a: {  	v1 =	vmul.f32 v61, v1;
	_ =	sdelay $0x1  }
0x7b: {  	[tilespmem:s28+$0xD4C0] =	vst v1  }
0x7c: {  	v1 =	vld.idx.msk [tilespmem:v2+s2+$0x0], $0xffff  }
0x7d: {  	v2 =	vld.idx.msk [tilespmem:v3+s15+$0x0], $0xffff;
	_ =	sdelay $0x4  }
0x7e: {  	v1 =	vadd.f32 v2, v1;
	_ =	sdelay $0x1  }
0x7f: {  	v2 =	vmul.f32 $2.000000030e-01, v1  }
0x80: {  	vm13 =	vgt.f32 v1, $0.0e+00  }
0x81: {  	v1 =	vsel vm13, v1, v2  }
0x82: {  	v1 =	vsub.f32 v1, v0;
	_ =	sdelay $0x1  }
0x83: {  	v1 =	vmul.f32 $1.442695020e+00, v1;
	_ =	sdelay $0x1  }
0x84: {  	(erf) = vpow2.f32 v1;
	_ =	sdelay $0x3  }
0x85: {  	v2 =	vld [tilespmem:s28+$0x50E0]  }
0x86: {  	v1 =	vld [tilespmem:s28+$0xA8D0]  }
0x87: {  	v3 =	vld [tilespmem:s28+$0x7CE0];
	_ =	sdelay $0x2  }
0x88: {  	v62 =	vpop (erf)  }
0x89: {  	v1 =	vmul.f32 v62, v1;
	_ =	sdelay $0x1  }
0x8a: {  	[tilespmem:s28+$0xD4D0] =	vst v1  }
0x8b: {  	v1 =	vld.idx.msk [tilespmem:v2+s2+$0x0], $0xffff  }
0x8c: {  	v2 =	vld.idx.msk [tilespmem:v3+s15+$0x0], $0xffff;
	_ =	sdelay $0x4  }
0x8d: {  	v1 =	vadd.f32 v2, v1;
	_ =	sdelay $0x1  }
0x8e: {  	v2 =	vmul.f32 $2.000000030e-01, v1  }
0x8f: {  	vm14 =	vgt.f32 v1, $0.0e+00  }
0x90: {  	v1 =	vsel vm14, v1, v2  }
0x91: {  	v1 =	vsub.f32 v1, v0;
	_ =	sdelay $0x1  }
0x92: {  	v1 =	vmul.f32 $1.442695020e+00, v1;
	_ =	sdelay $0x1  }
0x93: {  	(erf) = vpow2.f32 v1;
	_ =	sdelay $0x3  }
0x94: {  	v2 =	vld [tilespmem:s28+$0x50F0]  }
0x95: {  	v1 =	vld [tilespmem:s28+$0xA8E0]  }
0x96: {  	v3 =	vld [tilespmem:s28+$0x7CF0];
	_ =	sdelay $0x2  }
0x97: {  	v63 =	vpop (erf)  }
0x98: {  	v1 =	vmul.f32 v63, v1;
	_ =	sdelay $0x1  }
0x99: {  	[tilespmem:s28+$0xD4E0] =	vst v1  }
0x9a: {  	v1 =	vld.idx.msk [tilespmem:v2+s2+$0x0], $0xffff  }
0x9b: {  	v2 =	vld.idx.msk [tilespmem:v3+s15+$0x0], $0xffff;
	_ =	sdelay $0x4  }
0x9c: {  	v1 =	vadd.f32 v2, v1;
	_ =	sdelay $0x1  }
0x9d: {  	v2 =	vmul.f32 $2.000000030e-01, v1  }
0x9e: {  	vm15 =	vgt.f32 v1, $0.0e+00  }
0x9f: {  	v1 =	vsel vm15, v1, v2  }
0xa0: {  	v1 =	vsub.f32 v1, v0;
	_ =	sdelay $0x1  }
0xa1: {  	v2 =	vmul.f32 $1.442695020e+00, v1;
	_ =	sdelay $0x1  }
0xa2: {  	(erf) = vpow2.f32 v2;
	_ =	sdelay $0x3  }
0xa3: {  	s29 =	simm.s32 $0x200;
	s30 =	simm.s32 $0x7C80;
	s31 =	simm.s32 $0xD480;
	v1 =	vld [tilespmem:s28+$0xA8F0]  }
.LBB2_2:
0xa4: {  	_ =	sdelay $0x2  }
0xa5: {  	p0 =	sne.s32 s29, $0xA000;
	s0 =	smov.u32 s29;
	s29 =	sadd.s32 $0x200, s29  }
0xa6: {  	v2 =	vpop (erf)  }
0xa7: {  	v1 =	vmul.f32 v2, v1;
	_ =	sdelay $0x1  }
0xa8: {  	[tilespmem:s28+$0xD4F0] =	vst v1  }
0xa9: {  	[spmem:s1] =	stream.indirect.scatter.add.f32 [tilespmem:s31], [sflag:$0x1], $0x1, s30, s22, $0xb8;
	[tilespmem:$0x10300] =	vst v63  }
0xaa: {  	_ =	swait.ge [sflag:s14], $0x80  }
0xab: {  	[sflag:s14] =	ssyncset.done $0x0  }
0xac: {  	s28 =	sshra.s32 s0, $0x2;
	[sflag:s14] =	ssyncadd.s32 $0xFFFFFF80  }
0xad: {  	v1 =	vld [tilespmem:s28+$0x5080]  }
0xae: {  	v2 =	vld [tilespmem:s28+$0x7C80];
	_ =	sdelay $0x6  }
0xaf: {  	v1 =	vld.idx.msk [tilespmem:v1+s2+$0x0], $0xffff  }
0xb0: {  	v2 =	vld.idx.msk [tilespmem:v2+s15+$0x0], $0xffff;
	_ =	sdelay $0x5  }
0xb1: {  	v1 =	vadd.f32 v2, v1;
	_ =	sdelay $0x1  }
0xb2: {  	vm0 =	vgt.f32 v1, $0.0e+00;
	v2 =	vmul.f32 $2.000000030e-01, v1;
	_ =	sdelay $0x1  }
0xb3: {  	v1 =	vsel vm0, v1, v2  }
0xb4: {  	v1 =	vsub.f32 v1, v0;
	_ =	sdelay $0x1  }
0xb5: {  	v1 =	vmul.f32 $1.442695020e+00, v1;
	_ =	sdelay $0x1  }
0xb6: {  	(erf) = vpow2.f32 v1;
	_ =	sdelay $0x2  }
0xb7: {  	v1 =	vld [tilespmem:s28+$0x7C90]  }
0xb8: {  	v2 =	vld [tilespmem:s28+$0xA880]  }
0xb9: {  	v3 =	vld [tilespmem:s28+$0x5090];
	_ =	sdelay $0x3  }
0xba: {  	v4 =	vpop (erf)  }
0xbb: {  	v2 =	vmul.f32 v4, v2;
	_ =	sdelay $0x1  }
0xbc: {  	[tilespmem:s28+$0xD480] =	vst v2  }
0xbd: {  	v2 =	vld.idx.msk [tilespmem:v3+s2+$0x0], $0xffff  }
0xbe: {  	v1 =	vld.idx.msk [tilespmem:v1+s15+$0x0], $0xffff;
	_ =	sdelay $0x5  }
0xbf: {  	v1 =	vadd.f32 v1, v2;
	_ =	sdelay $0x1  }
0xc0: {  	vm0 =	vgt.f32 v1, $0.0e+00;
	v2 =	vmul.f32 $2.000000030e-01, v1;
	_ =	sdelay $0x1  }
0xc1: {  	v1 =	vsel vm0, v1, v2  }
0xc2: {  	v1 =	vsub.f32 v1, v0;
	_ =	sdelay $0x1  }
0xc3: {  	v1 =	vmul.f32 $1.442695020e+00, v1;
	_ =	sdelay $0x1  }
0xc4: {  	(erf) = vpow2.f32 v1;
	_ =	sdelay $0x2  }
0xc5: {  	v1 =	vld [tilespmem:s28+$0xA890]  }
0xc6: {  	v2 =	vld [tilespmem:s28+$0x7CA0]  }
0xc7: {  	v3 =	vld [tilespmem:s28+$0x50A0];
	_ =	sdelay $0x3  }
0xc8: {  	v4 =	vpop (erf)  }
0xc9: {  	v1 =	vmul.f32 v4, v1;
	_ =	sdelay $0x1  }
0xca: {  	[tilespmem:s28+$0xD490] =	vst v1  }
0xcb: {  	v1 =	vld.idx.msk [tilespmem:v3+s2+$0x0], $0xffff  }
0xcc: {  	v2 =	vld.idx.msk [tilespmem:v2+s15+$0x0], $0xffff;
	_ =	sdelay $0x5  }
0xcd: {  	v1 =	vadd.f32 v2, v1;
	_ =	sdelay $0x1  }
0xce: {  	vm0 =	vgt.f32 v1, $0.0e+00;
	v2 =	vmul.f32 $2.000000030e-01, v1;
	_ =	sdelay $0x1  }
0xcf: {  	v1 =	vsel vm0, v1, v2  }
0xd0: {  	v1 =	vsub.f32 v1, v0;
	_ =	sdelay $0x1  }
0xd1: {  	v1 =	vmul.f32 $1.442695020e+00, v1;
	_ =	sdelay $0x1  }
0xd2: {  	(erf) = vpow2.f32 v1;
	_ =	sdelay $0x1  }
0xd3: {  	v1 =	vld [tilespmem:s28+$0xA8A0];
	_ =	sdelay $0x1  }
0xd4: {  	v2 =	vld [tilespmem:s28+$0x7CB0]  }
0xd5: {  	v3 =	vld [tilespmem:s28+$0x50B0];
	_ =	sdelay $0x3  }
0xd6: {  	v4 =	vpop (erf)  }
0xd7: {  	v1 =	vmul.f32 v4, v1;
	_ =	sdelay $0x1  }
0xd8: {  	[tilespmem:s28+$0xD4A0] =	vst v1  }
0xd9: {  	v1 =	vld.idx.msk [tilespmem:v3+s2+$0x0], $0xffff  }
0xda: {  	v2 =	vld.idx.msk [tilespmem:v2+s15+$0x0], $0xffff;
	_ =	sdelay $0x5  }
0xdb: {  	v1 =	vadd.f32 v2, v1;
	_ =	sdelay $0x1  }
0xdc: {  	vm0 =	vgt.f32 v1, $0.0e+00;
	v2 =	vmul.f32 $2.000000030e-01, v1;
	_ =	sdelay $0x1  }
0xdd: {  	v1 =	vsel vm0, v1, v2  }
0xde: {  	v1 =	vsub.f32 v1, v0;
	_ =	sdelay $0x1  }
0xdf: {  	v1 =	vmul.f32 $1.442695020e+00, v1;
	_ =	sdelay $0x1  }
0xe0: {  	(erf) = vpow2.f32 v1  }
0xe1: {  	v1 =	vld [tilespmem:s28+$0xA8B0];
	_ =	sdelay $0x2  }
0xe2: {  	v2 =	vld [tilespmem:s28+$0x7CC0]  }
0xe3: {  	v3 =	vld [tilespmem:s28+$0x50C0];
	_ =	sdelay $0x3  }
0xe4: {  	v4 =	vpop (erf)  }
0xe5: {  	v1 =	vmul.f32 v4, v1;
	_ =	sdelay $0x1  }
0xe6: {  	[tilespmem:s28+$0xD4B0] =	vst v1  }
0xe7: {  	v1 =	vld.idx.msk [tilespmem:v3+s2+$0x0], $0xffff  }
0xe8: {  	v2 =	vld.idx.msk [tilespmem:v2+s15+$0x0], $0xffff;
	_ =	sdelay $0x5  }
0xe9: {  	v1 =	vadd.f32 v2, v1;
	_ =	sdelay $0x1  }
0xea: {  	vm0 =	vgt.f32 v1, $0.0e+00;
	v2 =	vmul.f32 $2.000000030e-01, v1;
	_ =	sdelay $0x1  }
0xeb: {  	v1 =	vsel vm0, v1, v2  }
0xec: {  	v1 =	vsub.f32 v1, v0;
	_ =	sdelay $0x1  }
0xed: {  	v1 =	vmul.f32 $1.442695020e+00, v1;
	_ =	sdelay $0x1  }
0xee: {  	v2 =	vld [tilespmem:s28+$0xA8C0];
	(erf) = vpow2.f32 v1;
	_ =	sdelay $0x3  }
0xef: {  	v1 =	vld [tilespmem:s28+$0x7CD0]  }
0xf0: {  	v3 =	vld [tilespmem:s28+$0x50D0];
	_ =	sdelay $0x3  }
0xf1: {  	v4 =	vpop (erf)  }
0xf2: {  	v2 =	vmul.f32 v4, v2;
	_ =	sdelay $0x1  }
0xf3: {  	[tilespmem:s28+$0xD4C0] =	vst v2  }
0xf4: {  	v2 =	vld.idx.msk [tilespmem:v3+s2+$0x0], $0xffff  }
0xf5: {  	v1 =	vld.idx.msk [tilespmem:v1+s15+$0x0], $0xffff;
	_ =	sdelay $0x5  }
0xf6: {  	v1 =	vadd.f32 v1, v2;
	_ =	sdelay $0x1  }
0xf7: {  	vm0 =	vgt.f32 v1, $0.0e+00;
	v2 =	vmul.f32 $2.000000030e-01, v1;
	_ =	sdelay $0x1  }
0xf8: {  	v1 =	vsel vm0, v1, v2  }
0xf9: {  	v1 =	vsub.f32 v1, v0;
	_ =	sdelay $0x1  }
0xfa: {  	v1 =	vmul.f32 $1.442695020e+00, v1  }
0xfb: {  	v2 =	vld [tilespmem:s28+$0xA8D0]  }
0xfc: {  	(erf) = vpow2.f32 v1;
	_ =	sdelay $0x3  }
0xfd: {  	v1 =	vld [tilespmem:s28+$0x7CE0]  }
0xfe: {  	v3 =	vld [tilespmem:s28+$0x50E0];
	_ =	sdelay $0x3  }
0xff: {  	v4 =	vpop (erf)  }
0x100: {  	v2 =	vmul.f32 v4, v2;
	_ =	sdelay $0x1  }
0x101: {  	[tilespmem:s28+$0xD4D0] =	vst v2  }
0x102: {  	v2 =	vld.idx.msk [tilespmem:v3+s2+$0x0], $0xffff  }
0x103: {  	v1 =	vld.idx.msk [tilespmem:v1+s15+$0x0], $0xffff;
	_ =	sdelay $0x5  }
0x104: {  	v1 =	vadd.f32 v1, v2;
	_ =	sdelay $0x1  }
0x105: {  	vm0 =	vgt.f32 v1, $0.0e+00;
	v2 =	vmul.f32 $2.000000030e-01, v1;
	_ =	sdelay $0x1  }
0x106: {  	v1 =	vsel vm0, v1, v2  }
0x107: {  	v1 =	vsub.f32 v1, v0;
	_ =	sdelay $0x1  }
0x108: {  	v1 =	vmul.f32 $1.442695020e+00, v1;
	v2 =	vld [tilespmem:s28+$0xA8E0];
	_ =	sdelay $0x1  }
0x109: {  	(erf) = vpow2.f32 v1;
	_ =	sdelay $0x3  }
0x10a: {  	v1 =	vld [tilespmem:s28+$0x7CF0]  }
0x10b: {  	v3 =	vld [tilespmem:s28+$0x50F0];
	_ =	sdelay $0x3  }
0x10c: {  	v4 =	vpop (erf)  }
0x10d: {  	v2 =	vmul.f32 v4, v2;
	_ =	sdelay $0x1  }
0x10e: {  	[tilespmem:s28+$0xD4E0] =	vst v2  }
0x10f: {  	v2 =	vld.idx.msk [tilespmem:v3+s2+$0x0], $0xffff  }
0x110: {  	v1 =	vld.idx.msk [tilespmem:v1+s15+$0x0], $0xffff;
	_ =	sdelay $0x5  }
0x111: {  	v1 =	vadd.f32 v1, v2;
	_ =	sdelay $0x1  }
0x112: {  	vm0 =	vgt.f32 v1, $0.0e+00;
	v2 =	vmul.f32 $2.000000030e-01, v1;
	_ =	sdelay $0x1  }
0x113: {  	v1 =	vsel vm0, v1, v2  }
0x114: {  	v2 =	vsub.f32 v1, v0  }
0x115: {  	v1 =	vld [tilespmem:s28+$0xA8F0]  }
0x116: {  	v2 =	vmul.f32 $1.442695020e+00, v2;
	_ =	sdelay $0x1  }
.Ltmp0:
0x117: {  	(erf) = vpow2.f32 v2;
	(pc) =	sbr.rel @p0 .LBB2_2-.Ltmp0, $2  }
0x118: {  	_ =	sdelay $0x2  }
0x119: {  	s30 =	sadd.s32 $0x7C80, s28;
	s31 =	sadd.s32 $0xD480, s28  }
0x11a: {  	_ =	sdelay $0x3  }
0x11b: {  	v0 =	vpop (erf)  }
0x11c: {  	v0 =	vmul.f32 v0, v1;
	_ =	sdelay $0x1  }
0x11d: {  	[tilespmem:s28+$0xD4F0] =	vst v0  }
0x11e: {  	[spmem:s1] =	stream.indirect.scatter.add.f32 [tilespmem:s31], [sflag:$0x1], $0x1, s30, s22, $0xb8;
	[tilespmem:$0x10300] =	vst v63  }
0x11f: {  	_ =	swait.ge [sflag:s14], $0x80  }
0x120: {  	[sflag:s14] =	ssyncset.done $0x0  }
0x121: {  	[sflag:s14] =	ssyncadd.s32 $0xFFFFFF80  }
0x122: {  	[hbm4b:s11+s2] =	stream.linear.scatter [tilespmem:s23], [sflag:$0x1], $0x2880, $0x38;
	[tilespmem:$0x10300] =	vst v63  }
0x123: {  	_ =	swait.ge [sflag:s14], $0x2880  }
0x124: {  	s26 =	sadd.s32 $0x1, s26;
	[sflag:s14] =	ssyncset.done $0x0  }
0x125: {  	p0 =	sne.s32 s26, s13;
	[sflag:s14] =	ssyncadd.s32 $0xFFFFD780  }
.Ltmp1:
0x126: {  	[bflag:$0x0] =	sbarrier.arrive $0xFFFF;
	(pc) =	sbr.rel @p0 .LBB2_1-.Ltmp1, $4  }
0x127: {  	[hbm:s12@s24], [sflag:s20] =	dma.strided [spmem:s21@s25], $0x50, s14, $0x10   }
0x128: {  	_ =	swait.ge [sflag:s14], $0x50  }
0x129: {  	[sflag:s14] =	ssyncset.done $0x0  }
0x12a: {  	[sflag:s14] =	ssyncadd.s32 $0xFFFFFFB0  }
0x12b: {  	_ =	sfence.sel $0x180000  }
0x12c: {  	[bflag:$0x0] =	sbarrier.arrive $0xFFFF  }
0x12d: {  	_ =	strace $0x9000004D  }
0x12e: {  	[bflag:$0x2] =	sbarrier.arrive $0xFFFF  }
0x12f: {  	p0 =	sne.s32 s3, $0x0;
	s0 =	rddreg [dreg:$0x2]  }
0x130: {  	s0 =	sadd.s32 @!p0 $0x100000, s0  }
0x131: {  	[sflag:s0] =	ssyncadd.tile.s32 @!p0 $0x1;
	_ =	shalt  }
.Lfunc_end2:
_tile_overlayer_lowered:
.L_overlay_start_2:
0x132: {  	(tag) =	ssettag $0x2  }
0x133: {  	s0 =	rddreg [dreg:$0x0];
	s2 =	stileid.u32  }
0x134: {  	s1 =	rddreg [dreg:$0x1];
	p0 =	sne.s32 s2, $0x0  }
0x135: {  	s3 =	rddreg [dreg:$0x2];
	[bflag:$0x3] =	sbarrier.arrive $0xFFFF;
	s2 =	simm.s32 @!p0 $0x1C01  }
0x136: {  	[timem:s3], [sflag:s2] =	dma.local @!p0 [hbm:s0], s1  }
0x137: {  	s0 =	simm.s32 @!p0 $0x1  }
0x138: {  	_ =	swait.ge @!p0 [sflag:s0], s1  }
0x139: {  	s1 =	ssub.s32 @!p0 $0x0, s1;
	[sflag:s0] =	ssyncset.done @!p0 $0x0  }
0x13a: {  	[sflag:s0] =	ssyncadd.s32 @!p0 s1  }
0x13b: {  	[bflag:$0x3] =	sbarrier.arrive $0xFFFF  }
0x13c: {  	_ =	shalt  }

// kernel: kernel.22.cloned.1.call-start
scs
__scs_entry_jumppad:
0x0: {  	(pc) =	sbr.rel $0x88, $3  }
0x1: {  	(tag) =	ssettag $0x0;
	lr =	simm.s32 $0x1  }
0x2: {  	[smem:$0x3F92] =	sst lr;
	_ =	strace $0xD0000000  }
0x3: {  	_ = 	snop  }
0x4: {  	_ = 	snop  }
0x5: {  	_ = 	snop  }
0x6: {  	_ = 	snop  }
0x7: {  	_ = 	snop  }
__scs_overlays_trampoline_lowered:
0x8: {  	[smem:$0x3FA1] =	sst s0  }
0x9: {  	[smem:$0x3FA2] =	sst s1  }
0xa: {  	[smem:$0x3FA3] =	sst s2  }
0xb: {  	[smem:$0x3FA4] =	sst s3  }
0xc: {  	[smem:$0x3FA5] =	sst s4  }
0xd: {  	[smem:$0x3FA6] =	sst s5  }
0xe: {  	[smem:$0x3FA7] =	sst s6  }
0xf: {  	[smem:$0x3FA8] =	sst s7  }
0x10: {  	[smem:$0x3FA9] =	sst s8  }
0x11: {  	[smem:$0x3FAA] =	sst s9;
	s0 =	simm.s32 @!p0 $0x0  }
0x12: {  	s1 =	sld [smem:$0x3F90];
	s0 =	simm.s32 @p0 $0x1  }
0x13: {  	[smem:$0x3FAB] =	sst s0;
	s0 =	simm.s32 @!p1 $0x0  }
0x14: {  	s2 =	sld [smem:$0x3F8F];
	s0 =	simm.s32 @p1 $0x1  }
0x15: {  	[smem:$0x3FAC] =	sst s0;
	s0 =	simm.s32 @!p2 $0x0  }
0x16: {  	s3 =	sld [smem:$0x3FDB];
	s0 =	simm.s32 @p2 $0x1  }
0x17: {  	s4 =	simm.s32 $0x1BF5;
	[smem:$0x3FAE] =	sst s0  }
0x18: {  	s0 =	sld [smem:$0x3F91];
	_ =	swait.ge [sflag:s4], $0x0  }
0x19: {  	s7 =	sld [smem:$0x3F92]  }
0x1a: {  	s8 =	sadd.s32 $0xFFFFE003, lr  }
0x1b: {  	s9 =	sadd.s32 $0xFFFFFEF7, lr;
	s5 =	simm.s32 $0xFFFFFFFF;
	p2 =	slt.u32 s8, $0xFFFFF086  }
0x1c: {  	p1 =	slt.u32 s9, $0xF7A;
	s5 =	simm.s32 @!p2 $0x0  }
0x1d: {  	s5 =	simm.s32 @p1 $0x1;
	p0 =	seq.s32 s7, s2  }
0x1e: {  	s7 =	smul.u32 @!p0 $0xF7A, s2;
	p2 =	seq.s32 @!p0 s5, $0x0  }
0x1f: {  	s9 =	smul.u32 $0xF7A, s1;
	s8 =	simm.s32 @!p0 $0x1BF5;
	p2 =	por !p2, p0  }
0x20: {  	[sflag:s8] =	ssyncset.s32 @!p0 $0xFFFFF086;
	s6 =	sadd.s32 @!p0 s3, s7;
	s7 =	simm.s32 @!p0 $0x108  }
0x21: {  	s3 =	sadd.s32 s3, s9;
	s6 =	sadd.s32 @!p0 $0x88, s6;
	s7 =	simm.s32 @p2 $0x1082  }
0x22: {  	[simem:s7], [sflag:s8] =	dma.local @!p0 [hbm:s6], $0xF7A  }
0x23: {  	s9 =	sor.u32 $0xD0000000, s2;
	s6 =	simm.s32 $0x108;
	_ =	swait.ge @!p0 [sflag:s8], $0x0  }
0x24: {  	s3 =	sadd.s32 $0x88, s3;
	s6 =	simm.s32 @!p1 $0x1082;
	[sflag:s4] =	ssyncset.s32 $0xFFFFF086  }
0x25: {  	[simem:s6], [sflag:s4] =	dma.local [hbm:s3], $0xF7A  }
0x26: {  	[smem:$0x3F92] =	sst s1;
	(tag) =	ssettag s2;
	_ =	strace s9  }
0x27: {  	s1 =	sld [smem:$0x3FA2]  }
0x28: {  	s2 =	sld [smem:$0x3FA3]  }
0x29: {  	s4 =	sld [smem:$0x3FA5]  }
0x2a: {  	p0 =	seq.s32 s5, $0x0;
	s5 =	sld [smem:$0x3FA6]  }
0x2b: {  	s6 =	sld [smem:$0x3FA7]  }
0x2c: {  	s7 =	sld [smem:$0x3FA8]  }
0x2d: {  	s3 =	simm.s32 $0x108;
	s8 =	sld [smem:$0x3FA9]  }
0x2e: {  	s3 =	simm.s32 @!p0 $0x1082;
	s9 =	sld [smem:$0x3FAA]  }
0x2f: {  	lr =	sadd.s32 s0, s3;
	s0 =	sld [smem:$0x3FA1]  }
0x30: {  	s3 =	sld [smem:$0x3FA4]  }
0x31: {  	[smem:$0x3FAD] =	sst s10  }
0x32: {  	s10 =	sld [smem:$0x3FAB];
	_ =	sdelay $0x3  }
0x33: {  	p0 =	seq.s32 s10, $0x1;
	s10 =	sld [smem:$0x3FAD];
	_ =	sdelay $0x3  }
0x34: {  	[smem:$0x3FAD] =	sst s10  }
0x35: {  	s10 =	sld [smem:$0x3FAC];
	_ =	sdelay $0x3  }
0x36: {  	p1 =	seq.s32 s10, $0x1;
	s10 =	sld [smem:$0x3FAD];
	_ =	sdelay $0x3  }
0x37: {  	[smem:$0x3FAD] =	sst s10  }
0x38: {  	s10 =	sld [smem:$0x3FAE]  }
0x39: {  	_ = 	snop;
	(pc) =	sbr.ind lr, $3  }
0x3a: {  	_ = 	snop  }
0x3b: {  	_ = 	snop  }
0x3c: {  	p2 =	seq.s32 s10, $0x1;
	s10 =	sld [smem:$0x3FAD]  }
0x3d: {  	_ =	shalt  }
0x3e: {  	_ =	shalt  }
0x3f: {  	_ =	shalt  }
0x40: {  	_ =	shalt  }
0x41: {  	_ =	shalt  }
0x42: {  	_ =	shalt  }
0x43: {  	_ =	shalt  }
0x44: {  	_ =	shalt  }
0x45: {  	_ =	shalt  }
0x46: {  	_ =	shalt  }
0x47: {  	_ =	shalt  }
0x48: {  	_ =	shalt  }
0x49: {  	_ =	shalt  }
0x4a: {  	_ =	shalt  }
0x4b: {  	_ =	shalt  }
0x4c: {  	_ =	shalt  }
0x4d: {  	_ =	shalt  }
0x4e: {  	_ =	shalt  }
0x4f: {  	_ =	shalt  }
0x50: {  	_ =	shalt  }
0x51: {  	_ =	shalt  }
0x52: {  	_ =	shalt  }
0x53: {  	_ =	shalt  }
0x54: {  	_ =	shalt  }
0x55: {  	_ =	shalt  }
0x56: {  	_ =	shalt  }
0x57: {  	_ =	shalt  }
0x58: {  	_ =	shalt  }
0x59: {  	_ =	shalt  }
0x5a: {  	_ =	shalt  }
0x5b: {  	_ =	shalt  }
0x5c: {  	_ =	shalt  }
0x5d: {  	_ =	shalt  }
0x5e: {  	_ =	shalt  }
0x5f: {  	_ =	shalt  }
0x60: {  	_ =	shalt  }
0x61: {  	_ =	shalt  }
0x62: {  	_ =	shalt  }
0x63: {  	_ =	shalt  }
0x64: {  	_ =	shalt  }
0x65: {  	_ =	shalt  }
0x66: {  	_ =	shalt  }
0x67: {  	_ =	shalt  }
0x68: {  	_ =	shalt  }
0x69: {  	_ =	shalt  }
0x6a: {  	_ =	shalt  }
0x6b: {  	_ =	shalt  }
0x6c: {  	_ =	shalt  }
0x6d: {  	_ =	shalt  }
0x6e: {  	_ =	shalt  }
0x6f: {  	_ =	shalt  }
0x70: {  	_ =	shalt  }
0x71: {  	_ =	shalt  }
0x72: {  	_ =	shalt  }
0x73: {  	_ =	shalt  }
0x74: {  	_ =	shalt  }
0x75: {  	_ =	shalt  }
0x76: {  	_ =	shalt  }
0x77: {  	_ =	shalt  }
0x78: {  	_ =	shalt  }
0x79: {  	_ =	shalt  }
0x7a: {  	_ =	shalt  }
0x7b: {  	_ =	shalt  }
0x7c: {  	_ =	shalt  }
0x7d: {  	_ =	shalt  }
0x7e: {  	_ =	shalt  }
0x7f: {  	_ =	shalt  }
0x80: {  	_ =	shalt  }
0x81: {  	_ =	shalt  }
0x82: {  	_ =	shalt  }
0x83: {  	_ =	shalt  }
0x84: {  	_ =	shalt  }
0x85: {  	_ =	shalt  }
0x86: {  	_ =	shalt  }
0x87: {  	_ =	shalt  }
.Lfunc_end0:
.L_simem_size_0:
called_computation.3_lowered:
.L_overlay_start_0:
0x88: {  	s2 =	sld [smem:$0x3FD9]  }
0x89: {  	s3 =	sld [smem:$0x3FFE];
	_ =	sdelay $0x1  }
0x8a: {  	s1 =	srdreg.scid  }
0x8b: {  	s0 =	sand.u32 $0x1, s1  }
0x8c: {  	s17 =	sshll.u32 s0, $0xA;
	s2 =	sadd.s32 s3, s2  }
0x8d: {  	s2 =	sadd.s32 s2, s17  }
0x8e: {  	[smem:$0x3FB9] =	sst s2  }
0x8f: {  	_ = 	snop  }
0x90: {  	s2 =	sld [smem:$0x3FD0];
	(tm) =	ssettm $0x1  }
0x91: {  	s18 =	sld [smem:$0x3FFB];
	_ =	sdelay $0x3  }
0x92: {  	_ =	strace s18  }
0x93: {  	s3 =	sld [smem:$0x3FFC];
	_ =	sdelay $0x3  }
0x94: {  	_ =	strace s3  }
0x95: {  	s3 =	sld [smem:$0x3FFD];
	_ =	sdelay $0x3  }
0x96: {  	_ =	strace s3  }
0x97: {  	_ =	strace $0x8FFFFFFF  }
0x98: {  	s19 =	sld [smem:$0x3FDB];
	_ =	sdelay $0x1  }
0x99: {  	s4 =	simm.s32 $_scs_section_size  }
0x9a: {  	s5 =	simm.s32 $_size__tile_overlayer_lowered;
	s6 =	simm.s32 $_tile_overlayer_lowered  }
0x9b: {  	s22 =	simm.s32 $0x1BFF;
	s21 =	sshll.u32 s6, $0x1;
	s3 =	sadd.s32 s4, s19  }
0x9c: {  	s7 =	simm.s32 $0x0;
	s20 =	sshll.u32 s5, $0x1;
	s5 =	sadd.s32 s21, s3  }
0x9d: {  	[timem:s7], [sflag:s22] =	dma.local [hbm:s5], s20  }
0x9e: {  	_ =	swait.ge [sflag:s22], s20  }
0x9f: {  	s4 =	ssub.s32 $0x0, s20;
	[sflag:s22] =	ssyncset.done $0x0  }
0xa0: {  	[sflag:s22] =	ssyncadd.s32 s4;
	_ =	sdelay $0x1  }
0xa1: {  	s23 =	simm.s32 $0x1B8B  }
0xa2: {  	_ =	swait.ge [sflag:s23], $0x1  }
0xa3: {  	[sflag:s23] =	ssyncset.done $0x0  }
0xa4: {  	s25 =	simm.s32 $0x1B8E;
	s24 =	sld [smem:$0x3FFE];
	[sflag:s23] =	ssyncadd.s32 $0xFFFFFFFF  }
0xa5: {  	s26 =	simm.s32 $execute0_lowered;
	[smem:$0x3FD2] =	sst s25  }
0xa6: {  	s5 =	sshll.u32 s26, $0x1;
	_ =	strace $0x8000004F;
	[dreg:$0x1] =	wrdreg $0xFFFFFFFF  }
0xa7: {  	s28 =	simm.s32 $_size_execute0_lowered;
	s3 =	sadd.s32 s3, s5;
	[dreg:$0x0] =	wrdreg $0x0  }
0xa8: {  	s5 =	sshll.u32 s28, $0x1;
	[dreg:$0x2] =	wrdreg s3  }
0xa9: {  	[dreg:$0x3] =	wrdreg s5  }
0xaa: {  	[dreg:$0x4] =	wrdreg $0xC0  }
0xab: {  	_ =	task [dreg:s7], $0x5FFFF  }
0xac: {  	[dreg:$0x1] =	wrdreg $0xFFFFFFFF  }
0xad: {  	[dreg:$0x0] =	wrdreg $0x60  }
0xae: {  	[dreg:$0x2] =	wrdreg s2  }
0xaf: {  	[dreg:$0x3] =	wrdreg s24  }
0xb0: {  	[dreg:$0x4] =	wrdreg $0xC0800  }
0xb1: {  	[dreg:$0x5] =	wrdreg $0x9  }
0xb2: {  	_ =	task.clear_ibuf [dreg:s7], $0x6FFFF;
	_ =	strace $0x9000004F  }
0xb3: {  	s29 =	simm.s32 $0x9;
	_ =	strace $0x80000051  }
0xb4: {  	_ =	swait.ge [sflag:s29], $0x1  }
0xb5: {  	[sflag:s29] =	ssyncadd.s32 $0xFFFFFFFF  }
0xb6: {  	_ =	strace $0x90000051  }
0xb7: {  	_ =	sfence  }
0xb8: {  	s30 =	sld [smem:$0x0];
	_ =	sdelay $0x2  }
0xb9: {  	s31 =	sshll.u32 s1, $0xD;
	s1 =	sshrl.u32 s1, $0x2  }
0xba: {  	s3 =	sand.u32 $0x4000, s31;
	s1 =	sadd.s32 s1, s30  }
0xbb: {  	s0 =	sor.u32 s3, s0;
	s1 =	sshll.u32 s1, $0x11  }
0xbc: {  	s0 =	sor.u32 s1, s0  }
0xbd: {  	s0 =	sadd.s32 $0x8F2B, s0  }
0xbe: {  	[sflag:s0] =	ssyncadd.remote.s32 $0x1  }
0xbf: {  	_ =	sfence.sel $0xFFFF  }
0xc0: {  	[dreg:$0x0] =	wrdreg $0xFFFFFFFF;
	(pc) =	sbr.abs _section_cstart, $3  }
0xc1: {  	[dreg:$0x1] =	wrdreg $0xFFFFFFFF  }
0xc2: {  	_ =	task.clear_ibuf [dreg:s7], $0x2FFFF;
	_ =	strace $0x9FFFFFFF  }
0xc3: {  	(tm) =	ssettm $0x7FFFFFFF  }
tec
execute0_lowered:
.L_overlay_start_1:
0x0: {  	(tag) =	ssettag $0x1  }
0x1: {  	s1 =	rddreg [dreg:$0x0]  }
0x2: {  	s0 =	srdreg.scid;
	s6 =	rddreg [dreg:$0x1]  }
0x3: {  	s3 =	rddreg [dreg:$0x2];
	s13 =	simm.s32 $0x80;
	s14 =	simm.s32 $0x400  }
0x4: {  	s15 =	simm.s32 $0x5800;
	s5 =	sand.u32 $0x1, s0;
	s0 =	stileid.u32  }
0x5: {  	s18 =	simm.s32 $0x8080;
	s19 =	simm.s32 $0x1;
	s29 =	smul.u32 $0x13C00, s0  }
0x6: {  	s20 =	simm.s32 $0x0;
	s2 =	sshll.u32 s5, $0x4;
	s10 =	smul.u32 $0x13C000, s5  }
0x7: {  	s9 =	sshll.u32 s0, $0x7;
	s5 =	ssub.s32 $0x2, s5;
	s12 =	smul.u32 $0x4F000, s0  }
0x8: {  	s16 =	sshll.u32 s0, $0x6;
	s7 =	sor.u32 s0, s2;
	s2 =	rddreg [dreg:$0x3]  }
0x9: {  	s9 =	sand.u32 $0x380, s9;
	s30 =	sshrl.u32 s5, $0x1;
	s16 =	sor.u32 $0x1C02, s16  }
0xa: {  	s4 =	sshrl.u32 s7, $0x3;
	s7 =	smul.u32 $0x580, s7;
	s11 =	sshrl.u32 s29, $0x3  }
0xb: {  	s31 =	sshrl.u32 s12, $0x2;
	s12 =	simm.s32 $0x2C00;
	s8 =	smul.u32 $0x14400, s4  }
0xc: {  	s4 =	simm.s32 $0x0;
	s11 =	sadd.s32 s11, s6;
	s17 =	sadd.s32 s31, s3  }
0xd: {  	[smem:$0x7FF] =	sst s4;
	s7 =	sadd.s32 s7, s6;
	s17 =	sshrl.u32 s17, $0x3  }
0xe: {  	s8 =	sor.u32 s9, s8;
	_ =	strace $0x80000050;
	s9 =	sadd.s32 s29, s10  }
0xf: {  	s10 =	ssub.s32 s5, s30;
	s5 =	sadd.s32 $0x1B200, s7;
	s8 =	sshrl.u32 s8, $0x3  }
0x10: {  	s9 =	sshrl.u32 s9, $0x3;
	s10 =	smax.u32 s10, $0x1;
	s8 =	sadd.s32 s8, s6  }
0x11: {  	s9 =	sadd.s32 s9, s6;
	s6 =	sadd.s32 $0x5000, s7;
	s7 =	sadd.s32 $0x59A00, s8  }
0x12: {  	s8 =	sadd.s32 $0x26200, s11;
	s9 =	sadd.s32 $0x63C00, s9;
	s11 =	simm.s32 $0x2  }
.LBB2_1:
0x13: {  	[tilespmem:s4], [sflag:$0x2] =	stream.linear.gather [hbm4b:s5+s4], $0x2880, $0x38;
	[tilespmem:$0x1FC80] =	vst v63  }
0x14: {  	_ =	swait.ge [sflag:s11], $0x2880  }
0x15: {  	[sflag:s11] =	ssyncset.done $0x0  }
0x16: {  	[sflag:s11] =	ssyncadd.s32 $0xFFFFD780  }
0x17: {  	[tilespmem:s12], [sflag:$0x2] =	stream.linear.gather [hbm4b:s6+s4], $0x2880, $0x38;
	[tilespmem:$0x1FC80] =	vst v63  }
0x18: {  	_ =	swait.ge [sflag:s11], $0x2880  }
0x19: {  	[sflag:s11] =	ssyncset.done $0x0  }
0x1a: {  	[sflag:s11] =	ssyncadd.s32 $0xFFFFD780  }
0x1b: {  	[tilespmem:s15], [sflag:$0x2] =	stream.strided.gather [hbm4b:s7+s13], $0x2880, s14, s13, $0x38;
	[tilespmem:$0x1FC80] =	vst v63  }
0x1c: {  	_ =	swait.ge [sflag:s11], $0x2880  }
0x1d: {  	[sflag:s11] =	ssyncset.done $0x0  }
0x1e: {  	[sflag:s11] =	ssyncadd.s32 $0xFFFFD780  }
0x1f: {  	[spmem:s17], [sflag:s16] =	dma.local [hbm:s8], $0x2780  }
0x20: {  	_ =	swait.ge [sflag:s11], $0x2780  }
0x21: {  	[sflag:s11] =	ssyncset.done $0x0  }
0x22: {  	[sflag:s11] =	ssyncadd.s32 $0xFFFFD880  }
0x23: {  	s21 =	simm.s32 $0x0;
	s22 =	simm.s32 $0x0;
	[bflag:$0x0] =	sbarrier.arrive $0xFFFF  }
.LBB2_2:
0x24: {  	s26 =	sadd.s32 $0x0, s21  }
0x25: {  	v0 =	vmov s26  }
0x26: {  	v0 =	vand.u32 $0xFFFFFFFC, v0  }
0x27: {  	s23 =	sshll.u32 s22, $0x7;
	v0 =	vbroadcast v0, $0x0  }
0x28: {  	[tilespmem:s18], [sflag:$0x1] =	stream.indirect.gather [hbm4b:s1+s13], $0x80, s23, s13, $0xb8;
	[tilespmem:$0x1FC80] =	vst v63  }
0x29: {  	_ =	swait.ge [sflag:s19], $0x4000  }
0x2a: {  	[sflag:s19] =	ssyncset.done $0x0  }
0x2b: {  	s24 =	simm.s32 $0x8180;
	[sflag:s19] =	ssyncadd.s32 $0xFFFFC000  }
0x2c: {  	v1 =	vld [tilespmem:s24+$0xFFFFFF70]  }
0x2d: {  	v0 =	vld.idx.msk [tilespmem:v0+s15+$0x0], $0xffff  }
0x2e: {  	v2 =	vld [tilespmem:s24+$0xFFFFFF00]  }
0x2f: {  	v3 =	vld [tilespmem:s24+$0xFFFFFF20]  }
0x30: {  	v4 =	vld [tilespmem:s24+$0xFFFFFF50]  }
0x31: {  	v5 =	vld [tilespmem:s24+$0xFFFFFF40]  }
0x32: {  	v6 =	vld [tilespmem:s24+$0xFFFFFF60];
	v1 =	vmul.f32 v1, v0  }
0x33: {  	s25 =	sadd.s32 $0x1, s26;
	v7 =	vld [tilespmem:s24+$0xFFFFFF30];
	v2 =	vmul.f32 v2, v0  }
0x34: {  	v8 =	vmov s25;
	v9 =	vld [tilespmem:s24+$0xFFFFFF10];
	v3 =	vmul.f32 v3, v0;
	[tilespmem:s24+$0xFFFFFF70] =	vst v1  }
0x35: {  	v4 =	vmul.f32 v4, v0;
	v1 =	vand.u32 $0xFFFFFFFD, v8;
	[tilespmem:s24+$0xFFFFFF00] =	vst v2  }
0x36: {  	v2 =	vmul.f32 v5, v0;
	[tilespmem:s24+$0xFFFFFF20] =	vst v3;
	v1 =	vbroadcast v1, $0x0  }
0x37: {  	v3 =	vmul.f32 v6, v0;
	[tilespmem:s24+$0xFFFFFF50] =	vst v4  }
0x38: {  	v4 =	vmul.f32 v7, v0;
	[tilespmem:s24+$0xFFFFFF40] =	vst v2  }
0x39: {  	v0 =	vmul.f32 v9, v0;
	[tilespmem:s24+$0xFFFFFF60] =	vst v3  }
0x3a: {  	[tilespmem:s24+$0xFFFFFF30] =	vst v4  }
0x3b: {  	[tilespmem:s24+$0xFFFFFF10] =	vst v0;
	v0 =	vld [tilespmem:s24+$0xFFFFFF90]  }
0x3c: {  	v2 =	vld.idx.msk [tilespmem:v1+s15+$0x0], $0xffff  }
0x3d: {  	v1 =	vld [tilespmem:s24+$0xFFFFFFA0]  }
0x3e: {  	v3 =	vld [tilespmem:s24+$0xFFFFFF80]  }
0x3f: {  	v4 =	vld [tilespmem:s24+$0xFFFFFFB0]  }
0x40: {  	v5 =	vld [tilespmem:s24+$0xFFFFFFC0]  }
0x41: {  	v6 =	vld [tilespmem:s24+$0xFFFFFFD0];
	v0 =	vmul.f32 v0, v2  }
0x42: {  	s31 =	sadd.s32 $0x2, s26;
	v7 =	vld [tilespmem:s24+$0xFFFFFFF0];
	v1 =	vmul.f32 v1, v2  }
0x43: {  	v63 =	vld [tilespmem:s24+$0xFFFFFFE0];
	v8 =	vmov s31;
	v3 =	vmul.f32 v3, v2;
	[tilespmem:s24+$0xFFFFFF90] =	vst v0  }
0x44: {  	v4 =	vmul.f32 v4, v2;
	v0 =	vand.u32 $0xFFFFFFFE, v8;
	[tilespmem:s24+$0xFFFFFFA0] =	vst v1  }
0x45: {  	v1 =	vmul.f32 v5, v2;
	[tilespmem:s24+$0xFFFFFF80] =	vst v3;
	v5 =	vld [tilespmem:s24+$0x60];
	v8 =	vbroadcast v0, $0x0  }
0x46: {  	v3 =	vmul.f32 v6, v2;
	[tilespmem:s24+$0xFFFFFFB0] =	vst v4;
	v6 =	vld [tilespmem:s24+$0x0]  }
0x47: {  	v4 =	vmul.f32 v7, v2;
	v0 =	vld [tilespmem:s24+$0x20];
	[tilespmem:s24+$0xFFFFFFC0] =	vst v1  }
0x48: {  	v2 =	vmul.f32 v63, v2;
	v1 =	vld [tilespmem:s24+$0x30];
	[tilespmem:s24+$0xFFFFFFD0] =	vst v3  }
0x49: {  	[tilespmem:s24+$0xFFFFFFF0] =	vst v4;
	v3 =	vld [tilespmem:s24+$0x40]  }
0x4a: {  	[tilespmem:s24+$0xFFFFFFE0] =	vst v2;
	v4 =	vld [tilespmem:s24+$0x10]  }
0x4b: {  	s28 =	sadd.s32 $0x3, s26;
	s26 =	simm.s32 $0x8180;
	s25 =	simm.s32 $0x4;
	v2 =	vld.idx.msk [tilespmem:v8+s15+$0x0], $0xffff  }
.LBB2_3:
0x4c: {  	p0 =	sne.s32 s25, $0x7C  }
0x4d: {  	v7 =	vld [tilespmem:s24+$0x50];
	s26 =	sadd.s32 $0x200, s26;
	s29 =	smov.u32 s25;
	s25 =	sadd.s32 $0x4, s25  }
0x4e: {  	v8 =	vld [tilespmem:s24+$0x70];
	_ =	sdelay $0x1  }
0x4f: {  	v5 =	vmul.f32 v5, v2;
	v6 =	vmul.f32 v6, v2  }
0x50: {  	v3 =	vmul.f32 v3, v2;
	v4 =	vmul.f32 v4, v2  }
0x51: {  	v0 =	vmul.f32 v0, v2;
	v1 =	vmul.f32 v1, v2;
	[tilespmem:s24+$0x60] =	vst v5  }
0x52: {  	[tilespmem:s24+$0x40] =	vst v3;
	v3 =	vmul.f32 v7, v2;
	v2 =	vmul.f32 v8, v2  }
0x53: {  	[tilespmem:s24+$0x20] =	vst v0;
	v5 =	vld [tilespmem:s24+$0x80]  }
0x54: {  	v0 =	vld [tilespmem:s26+$0x20];
	[tilespmem:s24+$0x0] =	vst v6;
	v6 =	vmov s28  }
0x55: {  	[tilespmem:s24+$0x50] =	vst v3;
	v3 =	vld [tilespmem:s24+$0xE0]  }
0x56: {  	[tilespmem:s24+$0x30] =	vst v1;
	v7 =	vld [tilespmem:s24+$0xC0]  }
0x57: {  	v1 =	vld [tilespmem:s26+$0x30];
	[tilespmem:s24+$0x10] =	vst v4  }
0x58: {  	[tilespmem:s24+$0x70] =	vst v2;
	v2 =	vld [tilespmem:s24+$0xA0]  }
0x59: {  	v4 =	vld.idx.msk [tilespmem:v6+s15+$0x0], $0xffff  }
0x5a: {  	v6 =	vld [tilespmem:s24+$0x90]  }
0x5b: {  	v8 =	vld [tilespmem:s24+$0xB0]  }
0x5c: {  	v9 =	vld [tilespmem:s24+$0xD0]  }
0x5d: {  	v10 =	vld [tilespmem:s24+$0xF0];
	_ =	sdelay $0x1  }
0x5e: {  	v5 =	vmul.f32 v5, v4;
	v6 =	vmul.f32 v6, v4  }
0x5f: {  	s28 =	sadd.s32 s29, s21;
	v2 =	vmul.f32 v2, v4;
	v8 =	vmul.f32 v8, v4  }
0x60: {  	v11 =	vmov s28;
	s29 =	sadd.s32 $0x1, s28;
	s30 =	sadd.s32 $0x2, s28;
	s28 =	sadd.s32 $0x3, s28;
	[tilespmem:s24+$0x80] =	vst v5;
	v5 =	vmul.f32 v7, v4;
	v7 =	vmul.f32 v9, v4  }
0x61: {  	v9 =	vand.u32 $0xFFFFFFFC, v11;
	[tilespmem:s24+$0xA0] =	vst v2;
	v2 =	vmul.f32 v3, v4;
	v3 =	vmul.f32 v10, v4  }
0x62: {  	v4 =	vbroadcast v9, $0x0;
	v9 =	vmov s29;
	v10 =	vmov s30;
	[tilespmem:s24+$0xC0] =	vst v5  }
0x63: {  	v5 =	vand.u32 $0xFFFFFFFD, v9;
	v9 =	vand.u32 $0xFFFFFFFE, v10;
	[tilespmem:s24+$0xF0] =	vst v3  }
0x64: {  	v3 =	vld [tilespmem:s26+$0xFFFFFF40];
	[tilespmem:s24+$0xE0] =	vst v2  }
0x65: {  	v2 =	vld [tilespmem:s26+$0xFFFFFF50];
	[tilespmem:s24+$0x90] =	vst v6  }
0x66: {  	v6 =	vld [tilespmem:s26+$0xFFFFFF60];
	[tilespmem:s24+$0xB0] =	vst v8  }
0x67: {  	v8 =	vld [tilespmem:s26+$0xFFFFFF70];
	[tilespmem:s24+$0xD0] =	vst v7;
	s24 =	smov.u32 s26  }
0x68: {  	v4 =	vld.idx.msk [tilespmem:v4+s15+$0x0], $0xffff  }
0x69: {  	v7 =	vld [tilespmem:s26+$0xFFFFFF00]  }
0x6a: {  	v10 =	vld [tilespmem:s26+$0xFFFFFF20]  }
0x6b: {  	v11 =	vld [tilespmem:s26+$0xFFFFFF10]  }
0x6c: {  	v12 =	vld [tilespmem:s26+$0xFFFFFF30];
	_ =	sdelay $0x1  }
0x6d: {  	v8 =	vmul.f32 v8, v4;
	v7 =	vmul.f32 v7, v4  }
0x6e: {  	v6 =	vmul.f32 v6, v4;
	v10 =	vmul.f32 v10, v4  }
0x6f: {  	v2 =	vmul.f32 v2, v4;
	v11 =	vmul.f32 v11, v4;
	[tilespmem:s26+$0xFFFFFF70] =	vst v8  }
0x70: {  	v3 =	vmul.f32 v3, v4;
	[tilespmem:s26+$0xFFFFFF00] =	vst v7;
	v7 =	vmul.f32 v12, v4  }
0x71: {  	v4 =	vbroadcast v5, $0x0;
	[tilespmem:s26+$0xFFFFFF20] =	vst v10  }
0x72: {  	[tilespmem:s26+$0xFFFFFF50] =	vst v2  }
0x73: {  	[tilespmem:s26+$0xFFFFFF40] =	vst v3;
	v2 =	vld [tilespmem:s26+$0xFFFFFFF0]  }
0x74: {  	[tilespmem:s26+$0xFFFFFF60] =	vst v6;
	v3 =	vld [tilespmem:s26+$0xFFFFFFC0]  }
0x75: {  	[tilespmem:s26+$0xFFFFFF30] =	vst v7;
	v5 =	vld [tilespmem:s26+$0xFFFFFFD0]  }
0x76: {  	[tilespmem:s26+$0xFFFFFF10] =	vst v11;
	v6 =	vld [tilespmem:s26+$0xFFFFFF90]  }
0x77: {  	v4 =	vld.idx.msk [tilespmem:v4+s15+$0x0], $0xffff  }
0x78: {  	v7 =	vld [tilespmem:s26+$0xFFFFFF80]  }
0x79: {  	v8 =	vld [tilespmem:s26+$0xFFFFFFA0]  }
0x7a: {  	v10 =	vld [tilespmem:s26+$0xFFFFFFB0]  }
0x7b: {  	v11 =	vld [tilespmem:s26+$0xFFFFFFE0];
	_ =	sdelay $0x1  }
0x7c: {  	v6 =	vmul.f32 v6, v4;
	v7 =	vmul.f32 v7, v4  }
0x7d: {  	v5 =	vmul.f32 v5, v4;
	v8 =	vmul.f32 v8, v4  }
0x7e: {  	v3 =	vmul.f32 v3, v4;
	[tilespmem:s26+$0xFFFFFF90] =	vst v6;
	v6 =	vmul.f32 v10, v4  }
0x7f: {  	v2 =	vmul.f32 v2, v4;
	[tilespmem:s26+$0xFFFFFFA0] =	vst v8;
	v8 =	vmul.f32 v11, v4  }
0x80: {  	v4 =	vbroadcast v9, $0x0;
	[tilespmem:s26+$0xFFFFFF80] =	vst v7  }
0x81: {  	[tilespmem:s26+$0xFFFFFFB0] =	vst v6  }
0x82: {  	[tilespmem:s26+$0xFFFFFFC0] =	vst v3  }
0x83: {  	[tilespmem:s26+$0xFFFFFFD0] =	vst v5  }
.Ltmp0:
0x84: {  	[tilespmem:s26+$0xFFFFFFF0] =	vst v2;
	v3 =	vld [tilespmem:s26+$0x40];
	(pc) =	sbr.rel @p0 .LBB2_3-.Ltmp0, $4  }
0x85: {  	[tilespmem:s26+$0xFFFFFFE0] =	vst v8;
	v5 =	vld [tilespmem:s26+$0x60]  }
0x86: {  	v2 =	vld.idx.msk [tilespmem:v4+s15+$0x0], $0xffff  }
0x87: {  	v6 =	vld [tilespmem:s26+$0x0]  }
0x88: {  	v4 =	vld [tilespmem:s26+$0x10]  }
0x89: {  	_ =	sdelay $0x1  }
0x8a: {  	v5 =	vmul.f32 v5, v2  }
0x8b: {  	v7 =	vld [tilespmem:s24+$0x50];
	v3 =	vmul.f32 v3, v2  }
0x8c: {  	v8 =	vld [tilespmem:s24+$0x70];
	v0 =	vmul.f32 v0, v2;
	[tilespmem:s24+$0x60] =	vst v5  }
0x8d: {  	v48 =	vmul.f32 v1, v2;
	[tilespmem:s24+$0x40] =	vst v3  }
0x8e: {  	v46 =	vmul.f32 v6, v2;
	[tilespmem:s24+$0x20] =	vst v0  }
0x8f: {  	v50 =	vmov s28;
	v4 =	vmul.f32 v4, v2;
	[tilespmem:s24+$0x30] =	vst v48  }
0x90: {  	v47 =	vmul.f32 v7, v2;
	[tilespmem:s24+$0x0] =	vst v46  }
0x91: {  	v51 =	vmul.f32 v8, v2;
	[tilespmem:s24+$0x10] =	vst v4  }
0x92: {  	[tilespmem:s24+$0x50] =	vst v47  }
0x93: {  	v49 =	vld [tilespmem:s24+$0x80];
	[tilespmem:s24+$0x70] =	vst v51  }
0x94: {  	v0 =	vld.idx.msk [tilespmem:v50+s15+$0x0], $0xffff  }
0x95: {  	v52 =	vld [tilespmem:s24+$0xA0]  }
0x96: {  	v53 =	vld [tilespmem:s24+$0xC0]  }
0x97: {  	v54 =	vld [tilespmem:s24+$0xF0]  }
0x98: {  	v55 =	vld [tilespmem:s24+$0xE0]  }
0x99: {  	v56 =	vld [tilespmem:s24+$0x90];
	v1 =	vmul.f32 v49, v0  }
0x9a: {  	v57 =	vld [tilespmem:s24+$0xB0];
	v2 =	vmul.f32 v52, v0  }
0x9b: {  	v58 =	vld [tilespmem:s24+$0xD0];
	v59 =	vmul.f32 v53, v0;
	[tilespmem:s24+$0x80] =	vst v1  }
0x9c: {  	v60 =	vmul.f32 v54, v0;
	[tilespmem:s24+$0xA0] =	vst v2  }
0x9d: {  	v61 =	vmul.f32 v55, v0;
	[tilespmem:s24+$0xC0] =	vst v59  }
0x9e: {  	v62 =	vmul.f32 v56, v0;
	[tilespmem:s24+$0xF0] =	vst v60  }
0x9f: {  	v63 =	vmul.f32 v57, v0;
	[tilespmem:s24+$0xE0] =	vst v61  }
0xa0: {  	s22 =	sadd.s32 $0x1, s22;
	v0 =	vmul.f32 v58, v0;
	[tilespmem:s24+$0x90] =	vst v62  }
0xa1: {  	p0 =	sne.s32 s22, $0x51;
	[tilespmem:s24+$0xB0] =	vst v63  }
.Ltmp1:
0xa2: {  	s23 =	sadd.s32 $0x2C00, s23;
	[tilespmem:s24+$0xD0] =	vst v0;
	(pc) =	sbr.rel @p0 .LBB2_2-.Ltmp1, $4  }
0xa3: {  	[spmem:s3] =	stream.indirect.scatter.add.f32 [tilespmem:s18], [sflag:$0x2], $0x80, s23, s13, $0xb8;
	[tilespmem:$0x1FC80] =	vst v63  }
0xa4: {  	_ =	swait.ge [sflag:s11], $0x4000  }
0xa5: {  	[sflag:s11] =	ssyncset.done $0x0  }
0xa6: {  	s21 =	sadd.s32 $0x80, s21;
	[sflag:s11] =	ssyncadd.s32 $0xFFFFC000  }
0xa7: {  	s20 =	sadd.s32 $0x1, s20  }
0xa8: {  	p0 =	sne.s32 s20, s10  }
.Ltmp2:
0xa9: {  	[bflag:$0x0] =	sbarrier.arrive $0xFFFF;
	(pc) =	sbr.rel @p0 .LBB2_1-.Ltmp2, $4  }
0xaa: {  	[hbm:s9], [sflag:s16] =	dma.local [spmem:s17], $0x2780  }
0xab: {  	_ =	swait.ge [sflag:s11], $0x2780  }
0xac: {  	[sflag:s11] =	ssyncset.done $0x0  }
0xad: {  	[sflag:s11] =	ssyncadd.s32 $0xFFFFD880  }
0xae: {  	_ =	sfence.sel $0x180000  }
0xaf: {  	[bflag:$0x0] =	sbarrier.arrive $0xFFFF  }
0xb0: {  	p0 =	sne.s32 s0, $0x0;
	_ =	strace $0x90000050  }
0xb1: {  	s0 =	sadd.s32 @!p0 $0x100000, s2;
	[bflag:$0x2] =	sbarrier.arrive $0xFFFF  }
0xb2: {  	[sflag:s0] =	ssyncadd.tile.s32 @!p0 $0x1;
	_ =	shalt  }
.Lfunc_end2:
_tile_overlayer_lowered:
.L_overlay_start_2:
0xb3: {  	(tag) =	ssettag $0x2  }
0xb4: {  	s0 =	rddreg [dreg:$0x0];
	s2 =	stileid.u32  }
0xb5: {  	s1 =	rddreg [dreg:$0x1];
	p0 =	sne.s32 s2, $0x0  }
0xb6: {  	s3 =	rddreg [dreg:$0x2];
	[bflag:$0x3] =	sbarrier.arrive $0xFFFF;
	s2 =	simm.s32 @!p0 $0x1C02  }
0xb7: {  	[timem:s3], [sflag:s2] =	dma.local @!p0 [hbm:s0], s1  }
0xb8: {  	s0 =	simm.s32 @!p0 $0x2  }
0xb9: {  	_ =	swait.ge @!p0 [sflag:s0], s1  }
0xba: {  	s1 =	ssub.s32 @!p0 $0x0, s1;
	[sflag:s0] =	ssyncset.done @!p0 $0x0  }
0xbb: {  	[sflag:s0] =	ssyncadd.s32 @!p0 s1  }
0xbc: {  	[bflag:$0x3] =	sbarrier.arrive $0xFFFF  }
0xbd: {  	_ =	shalt  }

// kernel: kernel.25.cloned.1.call-start
scs
__scs_entry_jumppad:
0x0: {  	(pc) =	sbr.rel $0x88, $3  }
0x1: {  	(tag) =	ssettag $0x0;
	lr =	simm.s32 $0x1  }
0x2: {  	[smem:$0x3F92] =	sst lr;
	_ =	strace $0xD0000000  }
0x3: {  	_ = 	snop  }
0x4: {  	_ = 	snop  }
0x5: {  	_ = 	snop  }
0x6: {  	_ = 	snop  }
0x7: {  	_ = 	snop  }
__scs_overlays_trampoline_lowered:
0x8: {  	[smem:$0x3FA1] =	sst s0  }
0x9: {  	[smem:$0x3FA2] =	sst s1  }
0xa: {  	[smem:$0x3FA3] =	sst s2  }
0xb: {  	[smem:$0x3FA4] =	sst s3  }
0xc: {  	[smem:$0x3FA5] =	sst s4  }
0xd: {  	[smem:$0x3FA6] =	sst s5  }
0xe: {  	[smem:$0x3FA7] =	sst s6  }
0xf: {  	[smem:$0x3FA8] =	sst s7  }
0x10: {  	[smem:$0x3FA9] =	sst s8  }
0x11: {  	[smem:$0x3FAA] =	sst s9;
	s0 =	simm.s32 @!p0 $0x0  }
0x12: {  	s1 =	sld [smem:$0x3F90];
	s0 =	simm.s32 @p0 $0x1  }
0x13: {  	[smem:$0x3FAB] =	sst s0;
	s0 =	simm.s32 @!p1 $0x0  }
0x14: {  	s2 =	sld [smem:$0x3F8F];
	s0 =	simm.s32 @p1 $0x1  }
0x15: {  	[smem:$0x3FAC] =	sst s0;
	s0 =	simm.s32 @!p2 $0x0  }
0x16: {  	s3 =	sld [smem:$0x3FDB];
	s0 =	simm.s32 @p2 $0x1  }
0x17: {  	s4 =	simm.s32 $0x1BF5;
	[smem:$0x3FAE] =	sst s0  }
0x18: {  	s0 =	sld [smem:$0x3F91];
	_ =	swait.ge [sflag:s4], $0x0  }
0x19: {  	s7 =	sld [smem:$0x3F92]  }
0x1a: {  	s8 =	sadd.s32 $0xFFFFE003, lr  }
0x1b: {  	s9 =	sadd.s32 $0xFFFFFEF7, lr;
	s5 =	simm.s32 $0xFFFFFFFF;
	p2 =	slt.u32 s8, $0xFFFFF086  }
0x1c: {  	p1 =	slt.u32 s9, $0xF7A;
	s5 =	simm.s32 @!p2 $0x0  }
0x1d: {  	s5 =	simm.s32 @p1 $0x1;
	p0 =	seq.s32 s7, s2  }
0x1e: {  	s7 =	smul.u32 @!p0 $0xF7A, s2;
	p2 =	seq.s32 @!p0 s5, $0x0  }
0x1f: {  	s9 =	smul.u32 $0xF7A, s1;
	s8 =	simm.s32 @!p0 $0x1BF5;
	p2 =	por !p2, p0  }
0x20: {  	[sflag:s8] =	ssyncset.s32 @!p0 $0xFFFFF086;
	s6 =	sadd.s32 @!p0 s3, s7;
	s7 =	simm.s32 @!p0 $0x108  }
0x21: {  	s3 =	sadd.s32 s3, s9;
	s6 =	sadd.s32 @!p0 $0x88, s6;
	s7 =	simm.s32 @p2 $0x1082  }
0x22: {  	[simem:s7], [sflag:s8] =	dma.local @!p0 [hbm:s6], $0xF7A  }
0x23: {  	s9 =	sor.u32 $0xD0000000, s2;
	s6 =	simm.s32 $0x108;
	_ =	swait.ge @!p0 [sflag:s8], $0x0  }
0x24: {  	s3 =	sadd.s32 $0x88, s3;
	s6 =	simm.s32 @!p1 $0x1082;
	[sflag:s4] =	ssyncset.s32 $0xFFFFF086  }
0x25: {  	[simem:s6], [sflag:s4] =	dma.local [hbm:s3], $0xF7A  }
0x26: {  	[smem:$0x3F92] =	sst s1;
	(tag) =	ssettag s2;
	_ =	strace s9  }
0x27: {  	s1 =	sld [smem:$0x3FA2]  }
0x28: {  	s2 =	sld [smem:$0x3FA3]  }
0x29: {  	s4 =	sld [smem:$0x3FA5]  }
0x2a: {  	p0 =	seq.s32 s5, $0x0;
	s5 =	sld [smem:$0x3FA6]  }
0x2b: {  	s6 =	sld [smem:$0x3FA7]  }
0x2c: {  	s7 =	sld [smem:$0x3FA8]  }
0x2d: {  	s3 =	simm.s32 $0x108;
	s8 =	sld [smem:$0x3FA9]  }
0x2e: {  	s3 =	simm.s32 @!p0 $0x1082;
	s9 =	sld [smem:$0x3FAA]  }
0x2f: {  	lr =	sadd.s32 s0, s3;
	s0 =	sld [smem:$0x3FA1]  }
0x30: {  	s3 =	sld [smem:$0x3FA4]  }
0x31: {  	[smem:$0x3FAD] =	sst s10  }
0x32: {  	s10 =	sld [smem:$0x3FAB];
	_ =	sdelay $0x3  }
0x33: {  	p0 =	seq.s32 s10, $0x1;
	s10 =	sld [smem:$0x3FAD];
	_ =	sdelay $0x3  }
0x34: {  	[smem:$0x3FAD] =	sst s10  }
0x35: {  	s10 =	sld [smem:$0x3FAC];
	_ =	sdelay $0x3  }
0x36: {  	p1 =	seq.s32 s10, $0x1;
	s10 =	sld [smem:$0x3FAD];
	_ =	sdelay $0x3  }
0x37: {  	[smem:$0x3FAD] =	sst s10  }
0x38: {  	s10 =	sld [smem:$0x3FAE]  }
0x39: {  	_ = 	snop;
	(pc) =	sbr.ind lr, $3  }
0x3a: {  	_ = 	snop  }
0x3b: {  	_ = 	snop  }
0x3c: {  	p2 =	seq.s32 s10, $0x1;
	s10 =	sld [smem:$0x3FAD]  }
0x3d: {  	_ =	shalt  }
0x3e: {  	_ =	shalt  }
0x3f: {  	_ =	shalt  }
0x40: {  	_ =	shalt  }
0x41: {  	_ =	shalt  }
0x42: {  	_ =	shalt  }
0x43: {  	_ =	shalt  }
0x44: {  	_ =	shalt  }
0x45: {  	_ =	shalt  }
0x46: {  	_ =	shalt  }
0x47: {  	_ =	shalt  }
0x48: {  	_ =	shalt  }
0x49: {  	_ =	shalt  }
0x4a: {  	_ =	shalt  }
0x4b: {  	_ =	shalt  }
0x4c: {  	_ =	shalt  }
0x4d: {  	_ =	shalt  }
0x4e: {  	_ =	shalt  }
0x4f: {  	_ =	shalt  }
0x50: {  	_ =	shalt  }
0x51: {  	_ =	shalt  }
0x52: {  	_ =	shalt  }
0x53: {  	_ =	shalt  }
0x54: {  	_ =	shalt  }
0x55: {  	_ =	shalt  }
0x56: {  	_ =	shalt  }
0x57: {  	_ =	shalt  }
0x58: {  	_ =	shalt  }
0x59: {  	_ =	shalt  }
0x5a: {  	_ =	shalt  }
0x5b: {  	_ =	shalt  }
0x5c: {  	_ =	shalt  }
0x5d: {  	_ =	shalt  }
0x5e: {  	_ =	shalt  }
0x5f: {  	_ =	shalt  }
0x60: {  	_ =	shalt  }
0x61: {  	_ =	shalt  }
0x62: {  	_ =	shalt  }
0x63: {  	_ =	shalt  }
0x64: {  	_ =	shalt  }
0x65: {  	_ =	shalt  }
0x66: {  	_ =	shalt  }
0x67: {  	_ =	shalt  }
0x68: {  	_ =	shalt  }
0x69: {  	_ =	shalt  }
0x6a: {  	_ =	shalt  }
0x6b: {  	_ =	shalt  }
0x6c: {  	_ =	shalt  }
0x6d: {  	_ =	shalt  }
0x6e: {  	_ =	shalt  }
0x6f: {  	_ =	shalt  }
0x70: {  	_ =	shalt  }
0x71: {  	_ =	shalt  }
0x72: {  	_ =	shalt  }
0x73: {  	_ =	shalt  }
0x74: {  	_ =	shalt  }
0x75: {  	_ =	shalt  }
0x76: {  	_ =	shalt  }
0x77: {  	_ =	shalt  }
0x78: {  	_ =	shalt  }
0x79: {  	_ =	shalt  }
0x7a: {  	_ =	shalt  }
0x7b: {  	_ =	shalt  }
0x7c: {  	_ =	shalt  }
0x7d: {  	_ =	shalt  }
0x7e: {  	_ =	shalt  }
0x7f: {  	_ =	shalt  }
0x80: {  	_ =	shalt  }
0x81: {  	_ =	shalt  }
0x82: {  	_ =	shalt  }
0x83: {  	_ =	shalt  }
0x84: {  	_ =	shalt  }
0x85: {  	_ =	shalt  }
0x86: {  	_ =	shalt  }
0x87: {  	_ =	shalt  }
.Lfunc_end0:
.L_simem_size_0:
called_computation.4_lowered:
.L_overlay_start_0:
0x88: {  	s2 =	sld [smem:$0x3FD9]  }
0x89: {  	s3 =	sld [smem:$0x3FFE];
	_ =	sdelay $0x1  }
0x8a: {  	s1 =	srdreg.scid  }
0x8b: {  	s0 =	sand.u32 $0x1, s1  }
0x8c: {  	s17 =	sshll.u32 s0, $0xA;
	s2 =	sadd.s32 s3, s2  }
0x8d: {  	s2 =	sadd.s32 s2, s17  }
0x8e: {  	[smem:$0x3FB9] =	sst s2  }
0x8f: {  	_ = 	snop  }
0x90: {  	s2 =	sld [smem:$0x3FD0];
	(tm) =	ssettm $0x1  }
0x91: {  	s18 =	sld [smem:$0x3FFB];
	_ =	sdelay $0x3  }
0x92: {  	_ =	strace s18  }
0x93: {  	s3 =	sld [smem:$0x3FFC];
	_ =	sdelay $0x3  }
0x94: {  	_ =	strace s3  }
0x95: {  	s3 =	sld [smem:$0x3FFD];
	_ =	sdelay $0x3  }
0x96: {  	_ =	strace s3  }
0x97: {  	_ =	strace $0x8FFFFFFF  }
0x98: {  	s19 =	sld [smem:$0x3FDB];
	_ =	sdelay $0x1  }
0x99: {  	s4 =	simm.s32 $_scs_section_size  }
0x9a: {  	s5 =	simm.s32 $_size__tile_overlayer_lowered;
	s6 =	simm.s32 $_tile_overlayer_lowered  }
0x9b: {  	s22 =	simm.s32 $0x1BFF;
	s21 =	sshll.u32 s6, $0x1;
	s3 =	sadd.s32 s4, s19  }
0x9c: {  	s7 =	simm.s32 $0x0;
	s20 =	sshll.u32 s5, $0x1;
	s5 =	sadd.s32 s21, s3  }
0x9d: {  	[timem:s7], [sflag:s22] =	dma.local [hbm:s5], s20  }
0x9e: {  	_ =	swait.ge [sflag:s22], s20  }
0x9f: {  	s4 =	ssub.s32 $0x0, s20;
	[sflag:s22] =	ssyncset.done $0x0  }
0xa0: {  	[sflag:s22] =	ssyncadd.s32 s4;
	_ =	sdelay $0x1  }
0xa1: {  	s23 =	simm.s32 $0x1B8B  }
0xa2: {  	_ =	swait.ge [sflag:s23], $0x1  }
0xa3: {  	[sflag:s23] =	ssyncset.done $0x0  }
0xa4: {  	s25 =	simm.s32 $0x1B8E;
	s24 =	sld [smem:$0x3FFE];
	[sflag:s23] =	ssyncadd.s32 $0xFFFFFFFF  }
0xa5: {  	s26 =	simm.s32 $execute0_lowered;
	[smem:$0x3FD2] =	sst s25  }
0xa6: {  	s5 =	sshll.u32 s26, $0x1;
	_ =	strace $0x80000052;
	[dreg:$0x1] =	wrdreg $0xFFFFFFFF  }
0xa7: {  	s28 =	simm.s32 $_size_execute0_lowered;
	s3 =	sadd.s32 s3, s5;
	[dreg:$0x0] =	wrdreg $0x0  }
0xa8: {  	s5 =	sshll.u32 s28, $0x1;
	[dreg:$0x2] =	wrdreg s3  }
0xa9: {  	[dreg:$0x3] =	wrdreg s5  }
0xaa: {  	[dreg:$0x4] =	wrdreg $0xC0  }
0xab: {  	_ =	task [dreg:s7], $0x5FFFF  }
0xac: {  	[dreg:$0x1] =	wrdreg $0xFFFFFFFF  }
0xad: {  	[dreg:$0x0] =	wrdreg $0x60  }
0xae: {  	[dreg:$0x2] =	wrdreg s2  }
0xaf: {  	[dreg:$0x3] =	wrdreg s24  }
0xb0: {  	[dreg:$0x4] =	wrdreg $0xC0800  }
0xb1: {  	[dreg:$0x5] =	wrdreg $0x9  }
0xb2: {  	_ =	task.clear_ibuf [dreg:s7], $0x6FFFF;
	_ =	strace $0x90000052  }
0xb3: {  	s29 =	simm.s32 $0x9;
	_ =	strace $0x80000054  }
0xb4: {  	_ =	swait.ge [sflag:s29], $0x1  }
0xb5: {  	[sflag:s29] =	ssyncadd.s32 $0xFFFFFFFF  }
0xb6: {  	_ =	strace $0x90000054  }
0xb7: {  	_ =	sfence  }
0xb8: {  	s30 =	sld [smem:$0x0];
	_ =	sdelay $0x2  }
0xb9: {  	s31 =	sshll.u32 s1, $0xD;
	s1 =	sshrl.u32 s1, $0x2  }
0xba: {  	s3 =	sand.u32 $0x4000, s31;
	s1 =	sadd.s32 s1, s30  }
0xbb: {  	s0 =	sor.u32 s3, s0;
	s1 =	sshll.u32 s1, $0x11  }
0xbc: {  	s0 =	sor.u32 s1, s0  }
0xbd: {  	s0 =	sadd.s32 $0x8F2B, s0  }
0xbe: {  	[sflag:s0] =	ssyncadd.remote.s32 $0x1  }
0xbf: {  	_ =	sfence.sel $0xFFFF  }
0xc0: {  	[dreg:$0x0] =	wrdreg $0xFFFFFFFF;
	(pc) =	sbr.abs _section_cstart, $3  }
0xc1: {  	[dreg:$0x1] =	wrdreg $0xFFFFFFFF  }
0xc2: {  	_ =	task.clear_ibuf [dreg:s7], $0x2FFFF;
	_ =	strace $0x9FFFFFFF  }
0xc3: {  	(tm) =	ssettm $0x7FFFFFFF  }
tec
execute0_lowered:
.L_overlay_start_1:
0x0: {  	(tag) =	ssettag $0x1  }
0x1: {  	s1 =	rddreg [dreg:$0x0]  }
0x2: {  	s0 =	srdreg.scid;
	s6 =	rddreg [dreg:$0x1]  }
0x3: {  	s3 =	rddreg [dreg:$0x2];
	s13 =	simm.s32 $0x80;
	s14 =	simm.s32 $0x400  }
0x4: {  	s15 =	simm.s32 $0x5800;
	s5 =	sand.u32 $0x1, s0;
	s0 =	stileid.u32  }
0x5: {  	s18 =	simm.s32 $0x8080;
	s19 =	simm.s32 $0x1;
	s29 =	smul.u32 $0x13C00, s0  }
0x6: {  	s20 =	simm.s32 $0x0;
	s2 =	sshll.u32 s5, $0x4;
	s10 =	smul.u32 $0x13C000, s5  }
0x7: {  	s9 =	sshll.u32 s0, $0x7;
	s5 =	ssub.s32 $0x2, s5;
	s12 =	smul.u32 $0x4F000, s0  }
0x8: {  	s16 =	sshll.u32 s0, $0x6;
	s7 =	sor.u32 s0, s2;
	s2 =	rddreg [dreg:$0x3]  }
0x9: {  	s9 =	sand.u32 $0x380, s9;
	s30 =	sshrl.u32 s5, $0x1;
	s16 =	sor.u32 $0x1C02, s16  }
0xa: {  	s4 =	sshrl.u32 s7, $0x3;
	s7 =	smul.u32 $0x580, s7;
	s11 =	sshrl.u32 s29, $0x3  }
0xb: {  	s31 =	sshrl.u32 s12, $0x2;
	s12 =	simm.s32 $0x2C00;
	s8 =	smul.u32 $0x14400, s4  }
0xc: {  	s4 =	simm.s32 $0x0;
	s11 =	sadd.s32 s11, s6;
	s17 =	sadd.s32 s31, s3  }
0xd: {  	[smem:$0x7FF] =	sst s4;
	s7 =	sadd.s32 s7, s6;
	s17 =	sshrl.u32 s17, $0x3  }
0xe: {  	s8 =	sor.u32 s9, s8;
	_ =	strace $0x80000053;
	s9 =	sadd.s32 s29, s10  }
0xf: {  	s10 =	ssub.s32 s5, s30;
	s5 =	sadd.s32 $0x1B200, s7;
	s8 =	sshrl.u32 s8, $0x3  }
0x10: {  	s9 =	sshrl.u32 s9, $0x3;
	s10 =	smax.u32 s10, $0x1;
	s8 =	sadd.s32 s8, s6  }
0x11: {  	s9 =	sadd.s32 s9, s6;
	s6 =	sadd.s32 $0x5000, s7;
	s7 =	sadd.s32 $0x11000, s8  }
0x12: {  	s8 =	sadd.s32 $0x26200, s11;
	s9 =	sadd.s32 $0x4DA00, s9;
	s11 =	simm.s32 $0x2  }
.LBB2_1:
0x13: {  	[tilespmem:s4], [sflag:$0x2] =	stream.linear.gather [hbm4b:s5+s4], $0x2880, $0x38;
	[tilespmem:$0x1FC80] =	vst v63  }
0x14: {  	_ =	swait.ge [sflag:s11], $0x2880  }
0x15: {  	[sflag:s11] =	ssyncset.done $0x0  }
0x16: {  	[sflag:s11] =	ssyncadd.s32 $0xFFFFD780  }
0x17: {  	[tilespmem:s12], [sflag:$0x2] =	stream.linear.gather [hbm4b:s6+s4], $0x2880, $0x38;
	[tilespmem:$0x1FC80] =	vst v63  }
0x18: {  	_ =	swait.ge [sflag:s11], $0x2880  }
0x19: {  	[sflag:s11] =	ssyncset.done $0x0  }
0x1a: {  	[sflag:s11] =	ssyncadd.s32 $0xFFFFD780  }
0x1b: {  	[tilespmem:s15], [sflag:$0x2] =	stream.strided.gather [hbm4b:s7+s13], $0x2880, s14, s13, $0x38;
	[tilespmem:$0x1FC80] =	vst v63  }
0x1c: {  	_ =	swait.ge [sflag:s11], $0x2880  }
0x1d: {  	[sflag:s11] =	ssyncset.done $0x0  }
0x1e: {  	[sflag:s11] =	ssyncadd.s32 $0xFFFFD780  }
0x1f: {  	[spmem:s17], [sflag:s16] =	dma.local [hbm:s8], $0x2780  }
0x20: {  	_ =	swait.ge [sflag:s11], $0x2780  }
0x21: {  	[sflag:s11] =	ssyncset.done $0x0  }
0x22: {  	[sflag:s11] =	ssyncadd.s32 $0xFFFFD880  }
0x23: {  	s21 =	simm.s32 $0x0;
	s22 =	simm.s32 $0x0;
	[bflag:$0x0] =	sbarrier.arrive $0xFFFF  }
.LBB2_2:
0x24: {  	s26 =	sadd.s32 $0x0, s21  }
0x25: {  	v0 =	vmov s26  }
0x26: {  	v0 =	vand.u32 $0xFFFFFFFC, v0  }
0x27: {  	s23 =	sshll.u32 s22, $0x7;
	v0 =	vbroadcast v0, $0x0  }
0x28: {  	[tilespmem:s18], [sflag:$0x1] =	stream.indirect.gather [hbm4b:s1+s13], $0x80, s23, s13, $0xb8;
	[tilespmem:$0x1FC80] =	vst v63  }
0x29: {  	_ =	swait.ge [sflag:s19], $0x4000  }
0x2a: {  	[sflag:s19] =	ssyncset.done $0x0  }
0x2b: {  	s24 =	simm.s32 $0x8180;
	[sflag:s19] =	ssyncadd.s32 $0xFFFFC000  }
0x2c: {  	v1 =	vld [tilespmem:s24+$0xFFFFFF70]  }
0x2d: {  	v0 =	vld.idx.msk [tilespmem:v0+s15+$0x0], $0xffff  }
0x2e: {  	v2 =	vld [tilespmem:s24+$0xFFFFFF00]  }
0x2f: {  	v3 =	vld [tilespmem:s24+$0xFFFFFF20]  }
0x30: {  	v4 =	vld [tilespmem:s24+$0xFFFFFF50]  }
0x31: {  	v5 =	vld [tilespmem:s24+$0xFFFFFF40]  }
0x32: {  	v6 =	vld [tilespmem:s24+$0xFFFFFF60];
	v1 =	vmul.f32 v1, v0  }
0x33: {  	s25 =	sadd.s32 $0x1, s26;
	v7 =	vld [tilespmem:s24+$0xFFFFFF30];
	v2 =	vmul.f32 v2, v0  }
0x34: {  	v8 =	vmov s25;
	v9 =	vld [tilespmem:s24+$0xFFFFFF10];
	v3 =	vmul.f32 v3, v0;
	[tilespmem:s24+$0xFFFFFF70] =	vst v1  }
0x35: {  	v4 =	vmul.f32 v4, v0;
	v1 =	vand.u32 $0xFFFFFFFD, v8;
	[tilespmem:s24+$0xFFFFFF00] =	vst v2  }
0x36: {  	v2 =	vmul.f32 v5, v0;
	[tilespmem:s24+$0xFFFFFF20] =	vst v3;
	v1 =	vbroadcast v1, $0x0  }
0x37: {  	v3 =	vmul.f32 v6, v0;
	[tilespmem:s24+$0xFFFFFF50] =	vst v4  }
0x38: {  	v4 =	vmul.f32 v7, v0;
	[tilespmem:s24+$0xFFFFFF40] =	vst v2  }
0x39: {  	v0 =	vmul.f32 v9, v0;
	[tilespmem:s24+$0xFFFFFF60] =	vst v3  }
0x3a: {  	[tilespmem:s24+$0xFFFFFF30] =	vst v4  }
0x3b: {  	[tilespmem:s24+$0xFFFFFF10] =	vst v0;
	v0 =	vld [tilespmem:s24+$0xFFFFFF90]  }
0x3c: {  	v2 =	vld.idx.msk [tilespmem:v1+s15+$0x0], $0xffff  }
0x3d: {  	v1 =	vld [tilespmem:s24+$0xFFFFFFA0]  }
0x3e: {  	v3 =	vld [tilespmem:s24+$0xFFFFFF80]  }
0x3f: {  	v4 =	vld [tilespmem:s24+$0xFFFFFFB0]  }
0x40: {  	v5 =	vld [tilespmem:s24+$0xFFFFFFC0]  }
0x41: {  	v6 =	vld [tilespmem:s24+$0xFFFFFFD0];
	v0 =	vmul.f32 v0, v2  }
0x42: {  	s31 =	sadd.s32 $0x2, s26;
	v7 =	vld [tilespmem:s24+$0xFFFFFFF0];
	v1 =	vmul.f32 v1, v2  }
0x43: {  	v63 =	vld [tilespmem:s24+$0xFFFFFFE0];
	v8 =	vmov s31;
	v3 =	vmul.f32 v3, v2;
	[tilespmem:s24+$0xFFFFFF90] =	vst v0  }
0x44: {  	v4 =	vmul.f32 v4, v2;
	v0 =	vand.u32 $0xFFFFFFFE, v8;
	[tilespmem:s24+$0xFFFFFFA0] =	vst v1  }
0x45: {  	v1 =	vmul.f32 v5, v2;
	[tilespmem:s24+$0xFFFFFF80] =	vst v3;
	v5 =	vld [tilespmem:s24+$0x60];
	v8 =	vbroadcast v0, $0x0  }
0x46: {  	v3 =	vmul.f32 v6, v2;
	[tilespmem:s24+$0xFFFFFFB0] =	vst v4;
	v6 =	vld [tilespmem:s24+$0x0]  }
0x47: {  	v4 =	vmul.f32 v7, v2;
	v0 =	vld [tilespmem:s24+$0x20];
	[tilespmem:s24+$0xFFFFFFC0] =	vst v1  }
0x48: {  	v2 =	vmul.f32 v63, v2;
	v1 =	vld [tilespmem:s24+$0x30];
	[tilespmem:s24+$0xFFFFFFD0] =	vst v3  }
0x49: {  	[tilespmem:s24+$0xFFFFFFF0] =	vst v4;
	v3 =	vld [tilespmem:s24+$0x40]  }
0x4a: {  	[tilespmem:s24+$0xFFFFFFE0] =	vst v2;
	v4 =	vld [tilespmem:s24+$0x10]  }
0x4b: {  	s28 =	sadd.s32 $0x3, s26;
	s26 =	simm.s32 $0x8180;
	s25 =	simm.s32 $0x4;
	v2 =	vld.idx.msk [tilespmem:v8+s15+$0x0], $0xffff  }
.LBB2_3:
0x4c: {  	p0 =	sne.s32 s25, $0x7C  }
0x4d: {  	v7 =	vld [tilespmem:s24+$0x50];
	s26 =	sadd.s32 $0x200, s26;
	s29 =	smov.u32 s25;
	s25 =	sadd.s32 $0x4, s25  }
0x4e: {  	v8 =	vld [tilespmem:s24+$0x70];
	_ =	sdelay $0x1  }
0x4f: {  	v5 =	vmul.f32 v5, v2;
	v6 =	vmul.f32 v6, v2  }
0x50: {  	v3 =	vmul.f32 v3, v2;
	v4 =	vmul.f32 v4, v2  }
0x51: {  	v0 =	vmul.f32 v0, v2;
	v1 =	vmul.f32 v1, v2;
	[tilespmem:s24+$0x60] =	vst v5  }
0x52: {  	[tilespmem:s24+$0x40] =	vst v3;
	v3 =	vmul.f32 v7, v2;
	v2 =	vmul.f32 v8, v2  }
0x53: {  	[tilespmem:s24+$0x20] =	vst v0;
	v5 =	vld [tilespmem:s24+$0x80]  }
0x54: {  	v0 =	vld [tilespmem:s26+$0x20];
	[tilespmem:s24+$0x0] =	vst v6;
	v6 =	vmov s28  }
0x55: {  	[tilespmem:s24+$0x50] =	vst v3;
	v3 =	vld [tilespmem:s24+$0xE0]  }
0x56: {  	[tilespmem:s24+$0x30] =	vst v1;
	v7 =	vld [tilespmem:s24+$0xC0]  }
0x57: {  	v1 =	vld [tilespmem:s26+$0x30];
	[tilespmem:s24+$0x10] =	vst v4  }
0x58: {  	[tilespmem:s24+$0x70] =	vst v2;
	v2 =	vld [tilespmem:s24+$0xA0]  }
0x59: {  	v4 =	vld.idx.msk [tilespmem:v6+s15+$0x0], $0xffff  }
0x5a: {  	v6 =	vld [tilespmem:s24+$0x90]  }
0x5b: {  	v8 =	vld [tilespmem:s24+$0xB0]  }
0x5c: {  	v9 =	vld [tilespmem:s24+$0xD0]  }
0x5d: {  	v10 =	vld [tilespmem:s24+$0xF0];
	_ =	sdelay $0x1  }
0x5e: {  	v5 =	vmul.f32 v5, v4;
	v6 =	vmul.f32 v6, v4  }
0x5f: {  	s28 =	sadd.s32 s29, s21;
	v2 =	vmul.f32 v2, v4;
	v8 =	vmul.f32 v8, v4  }
0x60: {  	v11 =	vmov s28;
	s29 =	sadd.s32 $0x1, s28;
	s30 =	sadd.s32 $0x2, s28;
	s28 =	sadd.s32 $0x3, s28;
	[tilespmem:s24+$0x80] =	vst v5;
	v5 =	vmul.f32 v7, v4;
	v7 =	vmul.f32 v9, v4  }
0x61: {  	v9 =	vand.u32 $0xFFFFFFFC, v11;
	[tilespmem:s24+$0xA0] =	vst v2;
	v2 =	vmul.f32 v3, v4;
	v3 =	vmul.f32 v10, v4  }
0x62: {  	v4 =	vbroadcast v9, $0x0;
	v9 =	vmov s29;
	v10 =	vmov s30;
	[tilespmem:s24+$0xC0] =	vst v5  }
0x63: {  	v5 =	vand.u32 $0xFFFFFFFD, v9;
	v9 =	vand.u32 $0xFFFFFFFE, v10;
	[tilespmem:s24+$0xF0] =	vst v3  }
0x64: {  	v3 =	vld [tilespmem:s26+$0xFFFFFF40];
	[tilespmem:s24+$0xE0] =	vst v2  }
0x65: {  	v2 =	vld [tilespmem:s26+$0xFFFFFF50];
	[tilespmem:s24+$0x90] =	vst v6  }
0x66: {  	v6 =	vld [tilespmem:s26+$0xFFFFFF60];
	[tilespmem:s24+$0xB0] =	vst v8  }
0x67: {  	v8 =	vld [tilespmem:s26+$0xFFFFFF70];
	[tilespmem:s24+$0xD0] =	vst v7;
	s24 =	smov.u32 s26  }
0x68: {  	v4 =	vld.idx.msk [tilespmem:v4+s15+$0x0], $0xffff  }
0x69: {  	v7 =	vld [tilespmem:s26+$0xFFFFFF00]  }
0x6a: {  	v10 =	vld [tilespmem:s26+$0xFFFFFF20]  }
0x6b: {  	v11 =	vld [tilespmem:s26+$0xFFFFFF10]  }
0x6c: {  	v12 =	vld [tilespmem:s26+$0xFFFFFF30];
	_ =	sdelay $0x1  }
0x6d: {  	v8 =	vmul.f32 v8, v4;
	v7 =	vmul.f32 v7, v4  }
0x6e: {  	v6 =	vmul.f32 v6, v4;
	v10 =	vmul.f32 v10, v4  }
0x6f: {  	v2 =	vmul.f32 v2, v4;
	v11 =	vmul.f32 v11, v4;
	[tilespmem:s26+$0xFFFFFF70] =	vst v8  }
0x70: {  	v3 =	vmul.f32 v3, v4;
	[tilespmem:s26+$0xFFFFFF00] =	vst v7;
	v7 =	vmul.f32 v12, v4  }
0x71: {  	v4 =	vbroadcast v5, $0x0;
	[tilespmem:s26+$0xFFFFFF20] =	vst v10  }
0x72: {  	[tilespmem:s26+$0xFFFFFF50] =	vst v2  }
0x73: {  	[tilespmem:s26+$0xFFFFFF40] =	vst v3;
	v2 =	vld [tilespmem:s26+$0xFFFFFFF0]  }
0x74: {  	[tilespmem:s26+$0xFFFFFF60] =	vst v6;
	v3 =	vld [tilespmem:s26+$0xFFFFFFC0]  }
0x75: {  	[tilespmem:s26+$0xFFFFFF30] =	vst v7;
	v5 =	vld [tilespmem:s26+$0xFFFFFFD0]  }
0x76: {  	[tilespmem:s26+$0xFFFFFF10] =	vst v11;
	v6 =	vld [tilespmem:s26+$0xFFFFFF90]  }
0x77: {  	v4 =	vld.idx.msk [tilespmem:v4+s15+$0x0], $0xffff  }
0x78: {  	v7 =	vld [tilespmem:s26+$0xFFFFFF80]  }
0x79: {  	v8 =	vld [tilespmem:s26+$0xFFFFFFA0]  }
0x7a: {  	v10 =	vld [tilespmem:s26+$0xFFFFFFB0]  }
0x7b: {  	v11 =	vld [tilespmem:s26+$0xFFFFFFE0];
	_ =	sdelay $0x1  }
0x7c: {  	v6 =	vmul.f32 v6, v4;
	v7 =	vmul.f32 v7, v4  }
0x7d: {  	v5 =	vmul.f32 v5, v4;
	v8 =	vmul.f32 v8, v4  }
0x7e: {  	v3 =	vmul.f32 v3, v4;
	[tilespmem:s26+$0xFFFFFF90] =	vst v6;
	v6 =	vmul.f32 v10, v4  }
0x7f: {  	v2 =	vmul.f32 v2, v4;
	[tilespmem:s26+$0xFFFFFFA0] =	vst v8;
	v8 =	vmul.f32 v11, v4  }
0x80: {  	v4 =	vbroadcast v9, $0x0;
	[tilespmem:s26+$0xFFFFFF80] =	vst v7  }
0x81: {  	[tilespmem:s26+$0xFFFFFFB0] =	vst v6  }
0x82: {  	[tilespmem:s26+$0xFFFFFFC0] =	vst v3  }
0x83: {  	[tilespmem:s26+$0xFFFFFFD0] =	vst v5  }
.Ltmp0:
0x84: {  	[tilespmem:s26+$0xFFFFFFF0] =	vst v2;
	v3 =	vld [tilespmem:s26+$0x40];
	(pc) =	sbr.rel @p0 .LBB2_3-.Ltmp0, $4  }
0x85: {  	[tilespmem:s26+$0xFFFFFFE0] =	vst v8;
	v5 =	vld [tilespmem:s26+$0x60]  }
0x86: {  	v2 =	vld.idx.msk [tilespmem:v4+s15+$0x0], $0xffff  }
0x87: {  	v6 =	vld [tilespmem:s26+$0x0]  }
0x88: {  	v4 =	vld [tilespmem:s26+$0x10]  }
0x89: {  	_ =	sdelay $0x1  }
0x8a: {  	v5 =	vmul.f32 v5, v2  }
0x8b: {  	v7 =	vld [tilespmem:s24+$0x50];
	v3 =	vmul.f32 v3, v2  }
0x8c: {  	v8 =	vld [tilespmem:s24+$0x70];
	v0 =	vmul.f32 v0, v2;
	[tilespmem:s24+$0x60] =	vst v5  }
0x8d: {  	v48 =	vmul.f32 v1, v2;
	[tilespmem:s24+$0x40] =	vst v3  }
0x8e: {  	v46 =	vmul.f32 v6, v2;
	[tilespmem:s24+$0x20] =	vst v0  }
0x8f: {  	v50 =	vmov s28;
	v4 =	vmul.f32 v4, v2;
	[tilespmem:s24+$0x30] =	vst v48  }
0x90: {  	v47 =	vmul.f32 v7, v2;
	[tilespmem:s24+$0x0] =	vst v46  }
0x91: {  	v51 =	vmul.f32 v8, v2;
	[tilespmem:s24+$0x10] =	vst v4  }
0x92: {  	[tilespmem:s24+$0x50] =	vst v47  }
0x93: {  	v49 =	vld [tilespmem:s24+$0x80];
	[tilespmem:s24+$0x70] =	vst v51  }
0x94: {  	v0 =	vld.idx.msk [tilespmem:v50+s15+$0x0], $0xffff  }
0x95: {  	v52 =	vld [tilespmem:s24+$0xA0]  }
0x96: {  	v53 =	vld [tilespmem:s24+$0xC0]  }
0x97: {  	v54 =	vld [tilespmem:s24+$0xF0]  }
0x98: {  	v55 =	vld [tilespmem:s24+$0xE0]  }
0x99: {  	v56 =	vld [tilespmem:s24+$0x90];
	v1 =	vmul.f32 v49, v0  }
0x9a: {  	v57 =	vld [tilespmem:s24+$0xB0];
	v2 =	vmul.f32 v52, v0  }
0x9b: {  	v58 =	vld [tilespmem:s24+$0xD0];
	v59 =	vmul.f32 v53, v0;
	[tilespmem:s24+$0x80] =	vst v1  }
0x9c: {  	v60 =	vmul.f32 v54, v0;
	[tilespmem:s24+$0xA0] =	vst v2  }
0x9d: {  	v61 =	vmul.f32 v55, v0;
	[tilespmem:s24+$0xC0] =	vst v59  }
0x9e: {  	v62 =	vmul.f32 v56, v0;
	[tilespmem:s24+$0xF0] =	vst v60  }
0x9f: {  	v63 =	vmul.f32 v57, v0;
	[tilespmem:s24+$0xE0] =	vst v61  }
0xa0: {  	s22 =	sadd.s32 $0x1, s22;
	v0 =	vmul.f32 v58, v0;
	[tilespmem:s24+$0x90] =	vst v62  }
0xa1: {  	p0 =	sne.s32 s22, $0x51;
	[tilespmem:s24+$0xB0] =	vst v63  }
.Ltmp1:
0xa2: {  	s23 =	sadd.s32 $0x2C00, s23;
	[tilespmem:s24+$0xD0] =	vst v0;
	(pc) =	sbr.rel @p0 .LBB2_2-.Ltmp1, $4  }
0xa3: {  	[spmem:s3] =	stream.indirect.scatter.add.f32 [tilespmem:s18], [sflag:$0x2], $0x80, s23, s13, $0xb8;
	[tilespmem:$0x1FC80] =	vst v63  }
0xa4: {  	_ =	swait.ge [sflag:s11], $0x4000  }
0xa5: {  	[sflag:s11] =	ssyncset.done $0x0  }
0xa6: {  	s21 =	sadd.s32 $0x80, s21;
	[sflag:s11] =	ssyncadd.s32 $0xFFFFC000  }
0xa7: {  	s20 =	sadd.s32 $0x1, s20  }
0xa8: {  	p0 =	sne.s32 s20, s10  }
.Ltmp2:
0xa9: {  	[bflag:$0x0] =	sbarrier.arrive $0xFFFF;
	(pc) =	sbr.rel @p0 .LBB2_1-.Ltmp2, $4  }
0xaa: {  	[hbm:s9], [sflag:s16] =	dma.local [spmem:s17], $0x2780  }
0xab: {  	_ =	swait.ge [sflag:s11], $0x2780  }
0xac: {  	[sflag:s11] =	ssyncset.done $0x0  }
0xad: {  	[sflag:s11] =	ssyncadd.s32 $0xFFFFD880  }
0xae: {  	_ =	sfence.sel $0x180000  }
0xaf: {  	[bflag:$0x0] =	sbarrier.arrive $0xFFFF  }
0xb0: {  	p0 =	sne.s32 s0, $0x0;
	_ =	strace $0x90000053  }
0xb1: {  	s0 =	sadd.s32 @!p0 $0x100000, s2;
	[bflag:$0x2] =	sbarrier.arrive $0xFFFF  }
0xb2: {  	[sflag:s0] =	ssyncadd.tile.s32 @!p0 $0x1;
	_ =	shalt  }
.Lfunc_end2:
_tile_overlayer_lowered:
.L_overlay_start_2:
0xb3: {  	(tag) =	ssettag $0x2  }
0xb4: {  	s0 =	rddreg [dreg:$0x0];
	s2 =	stileid.u32  }
0xb5: {  	s1 =	rddreg [dreg:$0x1];
	p0 =	sne.s32 s2, $0x0  }
0xb6: {  	s3 =	rddreg [dreg:$0x2];
	[bflag:$0x3] =	sbarrier.arrive $0xFFFF;
	s2 =	simm.s32 @!p0 $0x1C02  }
0xb7: {  	[timem:s3], [sflag:s2] =	dma.local @!p0 [hbm:s0], s1  }
0xb8: {  	s0 =	simm.s32 @!p0 $0x2  }
0xb9: {  	_ =	swait.ge @!p0 [sflag:s0], s1  }
0xba: {  	s1 =	ssub.s32 @!p0 $0x0, s1;
	[sflag:s0] =	ssyncset.done @!p0 $0x0  }
0xbb: {  	[sflag:s0] =	ssyncadd.s32 @!p0 s1  }
0xbc: {  	[bflag:$0x3] =	sbarrier.arrive $0xFFFF  }
0xbd: {  	_ =	shalt  }

// kernel: kernel.28.cloned.1.call-start
scs
__scs_entry_jumppad:
0x0: {  	(pc) =	sbr.rel $0x88, $3  }
0x1: {  	(tag) =	ssettag $0x0;
	lr =	simm.s32 $0x1  }
0x2: {  	[smem:$0x3F92] =	sst lr;
	_ =	strace $0xD0000000  }
0x3: {  	_ = 	snop  }
0x4: {  	_ = 	snop  }
0x5: {  	_ = 	snop  }
0x6: {  	_ = 	snop  }
0x7: {  	_ = 	snop  }
__scs_overlays_trampoline_lowered:
0x8: {  	[smem:$0x3FA1] =	sst s0  }
0x9: {  	[smem:$0x3FA2] =	sst s1  }
0xa: {  	[smem:$0x3FA3] =	sst s2  }
0xb: {  	[smem:$0x3FA4] =	sst s3  }
0xc: {  	[smem:$0x3FA5] =	sst s4  }
0xd: {  	[smem:$0x3FA6] =	sst s5  }
0xe: {  	[smem:$0x3FA7] =	sst s6  }
0xf: {  	[smem:$0x3FA8] =	sst s7  }
0x10: {  	[smem:$0x3FA9] =	sst s8  }
0x11: {  	[smem:$0x3FAA] =	sst s9;
	s0 =	simm.s32 @!p0 $0x0  }
0x12: {  	s1 =	sld [smem:$0x3F90];
	s0 =	simm.s32 @p0 $0x1  }
0x13: {  	[smem:$0x3FAB] =	sst s0;
	s0 =	simm.s32 @!p1 $0x0  }
0x14: {  	s2 =	sld [smem:$0x3F8F];
	s0 =	simm.s32 @p1 $0x1  }
0x15: {  	[smem:$0x3FAC] =	sst s0;
	s0 =	simm.s32 @!p2 $0x0  }
0x16: {  	s3 =	sld [smem:$0x3FDB];
	s0 =	simm.s32 @p2 $0x1  }
0x17: {  	s4 =	simm.s32 $0x1BF5;
	[smem:$0x3FAE] =	sst s0  }
0x18: {  	s0 =	sld [smem:$0x3F91];
	_ =	swait.ge [sflag:s4], $0x0  }
0x19: {  	s7 =	sld [smem:$0x3F92]  }
0x1a: {  	s8 =	sadd.s32 $0xFFFFE003, lr  }
0x1b: {  	s9 =	sadd.s32 $0xFFFFFEF7, lr;
	s5 =	simm.s32 $0xFFFFFFFF;
	p2 =	slt.u32 s8, $0xFFFFF086  }
0x1c: {  	p1 =	slt.u32 s9, $0xF7A;
	s5 =	simm.s32 @!p2 $0x0  }
0x1d: {  	s5 =	simm.s32 @p1 $0x1;
	p0 =	seq.s32 s7, s2  }
0x1e: {  	s7 =	smul.u32 @!p0 $0xF7A, s2;
	p2 =	seq.s32 @!p0 s5, $0x0  }
0x1f: {  	s9 =	smul.u32 $0xF7A, s1;
	s8 =	simm.s32 @!p0 $0x1BF5;
	p2 =	por !p2, p0  }
0x20: {  	[sflag:s8] =	ssyncset.s32 @!p0 $0xFFFFF086;
	s6 =	sadd.s32 @!p0 s3, s7;
	s7 =	simm.s32 @!p0 $0x108  }
0x21: {  	s3 =	sadd.s32 s3, s9;
	s6 =	sadd.s32 @!p0 $0x88, s6;
	s7 =	simm.s32 @p2 $0x1082  }
0x22: {  	[simem:s7], [sflag:s8] =	dma.local @!p0 [hbm:s6], $0xF7A  }
0x23: {  	s9 =	sor.u32 $0xD0000000, s2;
	s6 =	simm.s32 $0x108;
	_ =	swait.ge @!p0 [sflag:s8], $0x0  }
0x24: {  	s3 =	sadd.s32 $0x88, s3;
	s6 =	simm.s32 @!p1 $0x1082;
	[sflag:s4] =	ssyncset.s32 $0xFFFFF086  }
0x25: {  	[simem:s6], [sflag:s4] =	dma.local [hbm:s3], $0xF7A  }
0x26: {  	[smem:$0x3F92] =	sst s1;
	(tag) =	ssettag s2;
	_ =	strace s9  }
0x27: {  	s1 =	sld [smem:$0x3FA2]  }
0x28: {  	s2 =	sld [smem:$0x3FA3]  }
0x29: {  	s4 =	sld [smem:$0x3FA5]  }
0x2a: {  	p0 =	seq.s32 s5, $0x0;
	s5 =	sld [smem:$0x3FA6]  }
0x2b: {  	s6 =	sld [smem:$0x3FA7]  }
0x2c: {  	s7 =	sld [smem:$0x3FA8]  }
0x2d: {  	s3 =	simm.s32 $0x108;
	s8 =	sld [smem:$0x3FA9]  }
0x2e: {  	s3 =	simm.s32 @!p0 $0x1082;
	s9 =	sld [smem:$0x3FAA]  }
0x2f: {  	lr =	sadd.s32 s0, s3;
	s0 =	sld [smem:$0x3FA1]  }
0x30: {  	s3 =	sld [smem:$0x3FA4]  }
0x31: {  	[smem:$0x3FAD] =	sst s10  }
0x32: {  	s10 =	sld [smem:$0x3FAB];
	_ =	sdelay $0x3  }
0x33: {  	p0 =	seq.s32 s10, $0x1;
	s10 =	sld [smem:$0x3FAD];
	_ =	sdelay $0x3  }
0x34: {  	[smem:$0x3FAD] =	sst s10  }
0x35: {  	s10 =	sld [smem:$0x3FAC];
	_ =	sdelay $0x3  }
0x36: {  	p1 =	seq.s32 s10, $0x1;
	s10 =	sld [smem:$0x3FAD];
	_ =	sdelay $0x3  }
0x37: {  	[smem:$0x3FAD] =	sst s10  }
0x38: {  	s10 =	sld [smem:$0x3FAE]  }
0x39: {  	_ = 	snop;
	(pc) =	sbr.ind lr, $3  }
0x3a: {  	_ = 	snop  }
0x3b: {  	_ = 	snop  }
0x3c: {  	p2 =	seq.s32 s10, $0x1;
	s10 =	sld [smem:$0x3FAD]  }
0x3d: {  	_ =	shalt  }
0x3e: {  	_ =	shalt  }
0x3f: {  	_ =	shalt  }
0x40: {  	_ =	shalt  }
0x41: {  	_ =	shalt  }
0x42: {  	_ =	shalt  }
0x43: {  	_ =	shalt  }
0x44: {  	_ =	shalt  }
0x45: {  	_ =	shalt  }
0x46: {  	_ =	shalt  }
0x47: {  	_ =	shalt  }
0x48: {  	_ =	shalt  }
0x49: {  	_ =	shalt  }
0x4a: {  	_ =	shalt  }
0x4b: {  	_ =	shalt  }
0x4c: {  	_ =	shalt  }
0x4d: {  	_ =	shalt  }
0x4e: {  	_ =	shalt  }
0x4f: {  	_ =	shalt  }
0x50: {  	_ =	shalt  }
0x51: {  	_ =	shalt  }
0x52: {  	_ =	shalt  }
0x53: {  	_ =	shalt  }
0x54: {  	_ =	shalt  }
0x55: {  	_ =	shalt  }
0x56: {  	_ =	shalt  }
0x57: {  	_ =	shalt  }
0x58: {  	_ =	shalt  }
0x59: {  	_ =	shalt  }
0x5a: {  	_ =	shalt  }
0x5b: {  	_ =	shalt  }
0x5c: {  	_ =	shalt  }
0x5d: {  	_ =	shalt  }
0x5e: {  	_ =	shalt  }
0x5f: {  	_ =	shalt  }
0x60: {  	_ =	shalt  }
0x61: {  	_ =	shalt  }
0x62: {  	_ =	shalt  }
0x63: {  	_ =	shalt  }
0x64: {  	_ =	shalt  }
0x65: {  	_ =	shalt  }
0x66: {  	_ =	shalt  }
0x67: {  	_ =	shalt  }
0x68: {  	_ =	shalt  }
0x69: {  	_ =	shalt  }
0x6a: {  	_ =	shalt  }
0x6b: {  	_ =	shalt  }
0x6c: {  	_ =	shalt  }
0x6d: {  	_ =	shalt  }
0x6e: {  	_ =	shalt  }
0x6f: {  	_ =	shalt  }
0x70: {  	_ =	shalt  }
0x71: {  	_ =	shalt  }
0x72: {  	_ =	shalt  }
0x73: {  	_ =	shalt  }
0x74: {  	_ =	shalt  }
0x75: {  	_ =	shalt  }
0x76: {  	_ =	shalt  }
0x77: {  	_ =	shalt  }
0x78: {  	_ =	shalt  }
0x79: {  	_ =	shalt  }
0x7a: {  	_ =	shalt  }
0x7b: {  	_ =	shalt  }
0x7c: {  	_ =	shalt  }
0x7d: {  	_ =	shalt  }
0x7e: {  	_ =	shalt  }
0x7f: {  	_ =	shalt  }
0x80: {  	_ =	shalt  }
0x81: {  	_ =	shalt  }
0x82: {  	_ =	shalt  }
0x83: {  	_ =	shalt  }
0x84: {  	_ =	shalt  }
0x85: {  	_ =	shalt  }
0x86: {  	_ =	shalt  }
0x87: {  	_ =	shalt  }
.Lfunc_end0:
.L_simem_size_0:
called_computation.5_lowered:
.L_overlay_start_0:
0x88: {  	s2 =	sld [smem:$0x3FD9]  }
0x89: {  	s3 =	sld [smem:$0x3FFE];
	_ =	sdelay $0x1  }
0x8a: {  	s1 =	srdreg.scid  }
0x8b: {  	s0 =	sand.u32 $0x1, s1  }
0x8c: {  	s17 =	sshll.u32 s0, $0xA;
	s2 =	sadd.s32 s3, s2  }
0x8d: {  	s2 =	sadd.s32 s2, s17  }
0x8e: {  	[smem:$0x3FB9] =	sst s2  }
0x8f: {  	_ = 	snop  }
0x90: {  	s2 =	sld [smem:$0x3FD0];
	(tm) =	ssettm $0x1  }
0x91: {  	s18 =	sld [smem:$0x3FFB];
	_ =	sdelay $0x3  }
0x92: {  	_ =	strace s18  }
0x93: {  	s3 =	sld [smem:$0x3FFC];
	_ =	sdelay $0x3  }
0x94: {  	_ =	strace s3  }
0x95: {  	s3 =	sld [smem:$0x3FFD];
	_ =	sdelay $0x3  }
0x96: {  	_ =	strace s3  }
0x97: {  	_ =	strace $0x8FFFFFFF  }
0x98: {  	s19 =	sld [smem:$0x3FDB];
	_ =	sdelay $0x1  }
0x99: {  	s4 =	simm.s32 $_scs_section_size  }
0x9a: {  	s5 =	simm.s32 $_size__tile_overlayer_lowered;
	s6 =	simm.s32 $_tile_overlayer_lowered  }
0x9b: {  	s22 =	simm.s32 $0x1BFF;
	s21 =	sshll.u32 s6, $0x1;
	s3 =	sadd.s32 s4, s19  }
0x9c: {  	s7 =	simm.s32 $0x0;
	s20 =	sshll.u32 s5, $0x1;
	s5 =	sadd.s32 s21, s3  }
0x9d: {  	[timem:s7], [sflag:s22] =	dma.local [hbm:s5], s20  }
0x9e: {  	_ =	swait.ge [sflag:s22], s20  }
0x9f: {  	s4 =	ssub.s32 $0x0, s20;
	[sflag:s22] =	ssyncset.done $0x0  }
0xa0: {  	[sflag:s22] =	ssyncadd.s32 s4;
	_ =	sdelay $0x1  }
0xa1: {  	s23 =	simm.s32 $0x1B8B  }
0xa2: {  	_ =	swait.ge [sflag:s23], $0x1  }
0xa3: {  	[sflag:s23] =	ssyncset.done $0x0  }
0xa4: {  	s25 =	simm.s32 $0x1B8E;
	s24 =	sld [smem:$0x3FFE];
	[sflag:s23] =	ssyncadd.s32 $0xFFFFFFFF  }
0xa5: {  	s26 =	simm.s32 $execute0_lowered;
	[smem:$0x3FD2] =	sst s25  }
0xa6: {  	s5 =	sshll.u32 s26, $0x1;
	_ =	strace $0x80000055;
	[dreg:$0x1] =	wrdreg $0xFFFFFFFF  }
0xa7: {  	s28 =	simm.s32 $_size_execute0_lowered;
	s3 =	sadd.s32 s3, s5;
	[dreg:$0x0] =	wrdreg $0x0  }
0xa8: {  	s5 =	sshll.u32 s28, $0x1;
	[dreg:$0x2] =	wrdreg s3  }
0xa9: {  	[dreg:$0x3] =	wrdreg s5  }
0xaa: {  	[dreg:$0x4] =	wrdreg $0xC0  }
0xab: {  	_ =	task [dreg:s7], $0x5FFFF  }
0xac: {  	[dreg:$0x1] =	wrdreg $0xFFFFFFFF  }
0xad: {  	[dreg:$0x0] =	wrdreg $0x60  }
0xae: {  	[dreg:$0x2] =	wrdreg s2  }
0xaf: {  	[dreg:$0x3] =	wrdreg s24  }
0xb0: {  	[dreg:$0x4] =	wrdreg $0xC0800  }
0xb1: {  	[dreg:$0x5] =	wrdreg $0x9  }
0xb2: {  	_ =	task.clear_ibuf [dreg:s7], $0x6FFFF;
	_ =	strace $0x90000055  }
0xb3: {  	s29 =	simm.s32 $0x9;
	_ =	strace $0x80000057  }
0xb4: {  	_ =	swait.ge [sflag:s29], $0x1  }
0xb5: {  	[sflag:s29] =	ssyncadd.s32 $0xFFFFFFFF  }
0xb6: {  	_ =	strace $0x90000057  }
0xb7: {  	_ =	sfence  }
0xb8: {  	s30 =	sld [smem:$0x0];
	_ =	sdelay $0x2  }
0xb9: {  	s31 =	sshll.u32 s1, $0xD;
	s1 =	sshrl.u32 s1, $0x2  }
0xba: {  	s3 =	sand.u32 $0x4000, s31;
	s1 =	sadd.s32 s1, s30  }
0xbb: {  	s0 =	sor.u32 s3, s0;
	s1 =	sshll.u32 s1, $0x11  }
0xbc: {  	s0 =	sor.u32 s1, s0  }
0xbd: {  	s0 =	sadd.s32 $0x8F2B, s0  }
0xbe: {  	[sflag:s0] =	ssyncadd.remote.s32 $0x1  }
0xbf: {  	_ =	sfence.sel $0xFFFF  }
0xc0: {  	[dreg:$0x0] =	wrdreg $0xFFFFFFFF;
	(pc) =	sbr.abs _section_cstart, $3  }
0xc1: {  	[dreg:$0x1] =	wrdreg $0xFFFFFFFF  }
0xc2: {  	_ =	task.clear_ibuf [dreg:s7], $0x2FFFF;
	_ =	strace $0x9FFFFFFF  }
0xc3: {  	(tm) =	ssettm $0x7FFFFFFF  }
tec
execute0_lowered:
.L_overlay_start_1:
0x0: {  	(tag) =	ssettag $0x1  }
0x1: {  	s1 =	rddreg [dreg:$0x0]  }
0x2: {  	s0 =	srdreg.scid;
	s6 =	rddreg [dreg:$0x1]  }
0x3: {  	s3 =	rddreg [dreg:$0x2];
	s13 =	simm.s32 $0x80;
	s14 =	simm.s32 $0x400  }
0x4: {  	s15 =	simm.s32 $0x5800;
	s5 =	sand.u32 $0x1, s0;
	s0 =	stileid.u32  }
0x5: {  	s18 =	simm.s32 $0x8080;
	s19 =	simm.s32 $0x1;
	s29 =	smul.u32 $0x13C00, s0  }
0x6: {  	s20 =	simm.s32 $0x0;
	s2 =	sshll.u32 s5, $0x4;
	s10 =	smul.u32 $0x13C000, s5  }
0x7: {  	s9 =	sshll.u32 s0, $0x7;
	s5 =	ssub.s32 $0x2, s5;
	s12 =	smul.u32 $0x4F000, s0  }
0x8: {  	s16 =	sshll.u32 s0, $0x6;
	s7 =	sor.u32 s0, s2;
	s2 =	rddreg [dreg:$0x3]  }
0x9: {  	s9 =	sand.u32 $0x380, s9;
	s30 =	sshrl.u32 s5, $0x1;
	s16 =	sor.u32 $0x1C02, s16  }
0xa: {  	s4 =	sshrl.u32 s7, $0x3;
	s7 =	smul.u32 $0x580, s7;
	s11 =	sshrl.u32 s29, $0x3  }
0xb: {  	s31 =	sshrl.u32 s12, $0x2;
	s12 =	simm.s32 $0x2C00;
	s8 =	smul.u32 $0x14400, s4  }
0xc: {  	s4 =	simm.s32 $0x0;
	s11 =	sadd.s32 s11, s6;
	s17 =	sadd.s32 s31, s3  }
0xd: {  	[smem:$0x7FF] =	sst s4;
	s7 =	sadd.s32 s7, s6;
	s17 =	sshrl.u32 s17, $0x3  }
0xe: {  	s8 =	sor.u32 s9, s8;
	_ =	strace $0x80000056;
	s9 =	sadd.s32 s29, s10  }
0xf: {  	s10 =	ssub.s32 s5, s30;
	s5 =	sadd.s32 $0x1B200, s7;
	s8 =	sshrl.u32 s8, $0x3  }
0x10: {  	s9 =	sshrl.u32 s9, $0x3;
	s10 =	smax.u32 s10, $0x1;
	s8 =	sadd.s32 s8, s6  }
0x11: {  	s9 =	sadd.s32 s9, s6;
	s6 =	sadd.s32 $0x5000, s7;
	s7 =	sadd.s32 $0x11000, s8  }
0x12: {  	s8 =	sadd.s32 $0x26200, s11;
	s9 =	sadd.s32 $0x4DA00, s9;
	s11 =	simm.s32 $0x2  }
.LBB2_1:
0x13: {  	[tilespmem:s4], [sflag:$0x2] =	stream.linear.gather [hbm4b:s5+s4], $0x2880, $0x38;
	[tilespmem:$0x1FC80] =	vst v63  }
0x14: {  	_ =	swait.ge [sflag:s11], $0x2880  }
0x15: {  	[sflag:s11] =	ssyncset.done $0x0  }
0x16: {  	[sflag:s11] =	ssyncadd.s32 $0xFFFFD780  }
0x17: {  	[tilespmem:s12], [sflag:$0x2] =	stream.linear.gather [hbm4b:s6+s4], $0x2880, $0x38;
	[tilespmem:$0x1FC80] =	vst v63  }
0x18: {  	_ =	swait.ge [sflag:s11], $0x2880  }
0x19: {  	[sflag:s11] =	ssyncset.done $0x0  }
0x1a: {  	[sflag:s11] =	ssyncadd.s32 $0xFFFFD780  }
0x1b: {  	[tilespmem:s15], [sflag:$0x2] =	stream.strided.gather [hbm4b:s7+s13], $0x2880, s14, s13, $0x38;
	[tilespmem:$0x1FC80] =	vst v63  }
0x1c: {  	_ =	swait.ge [sflag:s11], $0x2880  }
0x1d: {  	[sflag:s11] =	ssyncset.done $0x0  }
0x1e: {  	[sflag:s11] =	ssyncadd.s32 $0xFFFFD780  }
0x1f: {  	[spmem:s17], [sflag:s16] =	dma.local [hbm:s8], $0x2780  }
0x20: {  	_ =	swait.ge [sflag:s11], $0x2780  }
0x21: {  	[sflag:s11] =	ssyncset.done $0x0  }
0x22: {  	[sflag:s11] =	ssyncadd.s32 $0xFFFFD880  }
0x23: {  	s21 =	simm.s32 $0x0;
	s22 =	simm.s32 $0x0;
	[bflag:$0x0] =	sbarrier.arrive $0xFFFF  }
.LBB2_2:
0x24: {  	s26 =	sadd.s32 $0x0, s21  }
0x25: {  	v0 =	vmov s26  }
0x26: {  	v0 =	vand.u32 $0xFFFFFFFC, v0  }
0x27: {  	s23 =	sshll.u32 s22, $0x7;
	v0 =	vbroadcast v0, $0x0  }
0x28: {  	[tilespmem:s18], [sflag:$0x1] =	stream.indirect.gather [hbm4b:s1+s13], $0x80, s23, s13, $0xb8;
	[tilespmem:$0x1FC80] =	vst v63  }
0x29: {  	_ =	swait.ge [sflag:s19], $0x4000  }
0x2a: {  	[sflag:s19] =	ssyncset.done $0x0  }
0x2b: {  	s24 =	simm.s32 $0x8180;
	[sflag:s19] =	ssyncadd.s32 $0xFFFFC000  }
0x2c: {  	v1 =	vld [tilespmem:s24+$0xFFFFFF70]  }
0x2d: {  	v0 =	vld.idx.msk [tilespmem:v0+s15+$0x0], $0xffff  }
0x2e: {  	v2 =	vld [tilespmem:s24+$0xFFFFFF00]  }
0x2f: {  	v3 =	vld [tilespmem:s24+$0xFFFFFF20]  }
0x30: {  	v4 =	vld [tilespmem:s24+$0xFFFFFF50]  }
0x31: {  	v5 =	vld [tilespmem:s24+$0xFFFFFF40]  }
0x32: {  	v6 =	vld [tilespmem:s24+$0xFFFFFF60];
	v1 =	vmul.f32 v1, v0  }
0x33: {  	s25 =	sadd.s32 $0x1, s26;
	v7 =	vld [tilespmem:s24+$0xFFFFFF30];
	v2 =	vmul.f32 v2, v0  }
0x34: {  	v8 =	vmov s25;
	v9 =	vld [tilespmem:s24+$0xFFFFFF10];
	v3 =	vmul.f32 v3, v0;
	[tilespmem:s24+$0xFFFFFF70] =	vst v1  }
0x35: {  	v4 =	vmul.f32 v4, v0;
	v1 =	vand.u32 $0xFFFFFFFD, v8;
	[tilespmem:s24+$0xFFFFFF00] =	vst v2  }
0x36: {  	v2 =	vmul.f32 v5, v0;
	[tilespmem:s24+$0xFFFFFF20] =	vst v3;
	v1 =	vbroadcast v1, $0x0  }
0x37: {  	v3 =	vmul.f32 v6, v0;
	[tilespmem:s24+$0xFFFFFF50] =	vst v4  }
0x38: {  	v4 =	vmul.f32 v7, v0;
	[tilespmem:s24+$0xFFFFFF40] =	vst v2  }
0x39: {  	v0 =	vmul.f32 v9, v0;
	[tilespmem:s24+$0xFFFFFF60] =	vst v3  }
0x3a: {  	[tilespmem:s24+$0xFFFFFF30] =	vst v4  }
0x3b: {  	[tilespmem:s24+$0xFFFFFF10] =	vst v0;
	v0 =	vld [tilespmem:s24+$0xFFFFFF90]  }
0x3c: {  	v2 =	vld.idx.msk [tilespmem:v1+s15+$0x0], $0xffff  }
0x3d: {  	v1 =	vld [tilespmem:s24+$0xFFFFFFA0]  }
0x3e: {  	v3 =	vld [tilespmem:s24+$0xFFFFFF80]  }
0x3f: {  	v4 =	vld [tilespmem:s24+$0xFFFFFFB0]  }
0x40: {  	v5 =	vld [tilespmem:s24+$0xFFFFFFC0]  }
0x41: {  	v6 =	vld [tilespmem:s24+$0xFFFFFFD0];
	v0 =	vmul.f32 v0, v2  }
0x42: {  	s31 =	sadd.s32 $0x2, s26;
	v7 =	vld [tilespmem:s24+$0xFFFFFFF0];
	v1 =	vmul.f32 v1, v2  }
0x43: {  	v63 =	vld [tilespmem:s24+$0xFFFFFFE0];
	v8 =	vmov s31;
	v3 =	vmul.f32 v3, v2;
	[tilespmem:s24+$0xFFFFFF90] =	vst v0  }
0x44: {  	v4 =	vmul.f32 v4, v2;
	v0 =	vand.u32 $0xFFFFFFFE, v8;
	[tilespmem:s24+$0xFFFFFFA0] =	vst v1  }
0x45: {  	v1 =	vmul.f32 v5, v2;
	[tilespmem:s24+$0xFFFFFF80] =	vst v3;
	v5 =	vld [tilespmem:s24+$0x60];
	v8 =	vbroadcast v0, $0x0  }
0x46: {  	v3 =	vmul.f32 v6, v2;
	[tilespmem:s24+$0xFFFFFFB0] =	vst v4;
	v6 =	vld [tilespmem:s24+$0x0]  }
0x47: {  	v4 =	vmul.f32 v7, v2;
	v0 =	vld [tilespmem:s24+$0x20];
	[tilespmem:s24+$0xFFFFFFC0] =	vst v1  }
0x48: {  	v2 =	vmul.f32 v63, v2;
	v1 =	vld [tilespmem:s24+$0x30];
	[tilespmem:s24+$0xFFFFFFD0] =	vst v3  }
0x49: {  	[tilespmem:s24+$0xFFFFFFF0] =	vst v4;
	v3 =	vld [tilespmem:s24+$0x40]  }
0x4a: {  	[tilespmem:s24+$0xFFFFFFE0] =	vst v2;
	v4 =	vld [tilespmem:s24+$0x10]  }
0x4b: {  	s28 =	sadd.s32 $0x3, s26;
	s26 =	simm.s32 $0x8180;
	s25 =	simm.s32 $0x4;
	v2 =	vld.idx.msk [tilespmem:v8+s15+$0x0], $0xffff  }
.LBB2_3:
0x4c: {  	p0 =	sne.s32 s25, $0x7C  }
0x4d: {  	v7 =	vld [tilespmem:s24+$0x50];
	s26 =	sadd.s32 $0x200, s26;
	s29 =	smov.u32 s25;
	s25 =	sadd.s32 $0x4, s25  }
0x4e: {  	v8 =	vld [tilespmem:s24+$0x70];
	_ =	sdelay $0x1  }
0x4f: {  	v5 =	vmul.f32 v5, v2;
	v6 =	vmul.f32 v6, v2  }
0x50: {  	v3 =	vmul.f32 v3, v2;
	v4 =	vmul.f32 v4, v2  }
0x51: {  	v0 =	vmul.f32 v0, v2;
	v1 =	vmul.f32 v1, v2;
	[tilespmem:s24+$0x60] =	vst v5  }
0x52: {  	[tilespmem:s24+$0x40] =	vst v3;
	v3 =	vmul.f32 v7, v2;
	v2 =	vmul.f32 v8, v2  }
0x53: {  	[tilespmem:s24+$0x20] =	vst v0;
	v5 =	vld [tilespmem:s24+$0x80]  }
0x54: {  	v0 =	vld [tilespmem:s26+$0x20];
	[tilespmem:s24+$0x0] =	vst v6;
	v6 =	vmov s28  }
0x55: {  	[tilespmem:s24+$0x50] =	vst v3;
	v3 =	vld [tilespmem:s24+$0xE0]  }
0x56: {  	[tilespmem:s24+$0x30] =	vst v1;
	v7 =	vld [tilespmem:s24+$0xC0]  }
0x57: {  	v1 =	vld [tilespmem:s26+$0x30];
	[tilespmem:s24+$0x10] =	vst v4  }
0x58: {  	[tilespmem:s24+$0x70] =	vst v2;
	v2 =	vld [tilespmem:s24+$0xA0]  }
0x59: {  	v4 =	vld.idx.msk [tilespmem:v6+s15+$0x0], $0xffff  }
0x5a: {  	v6 =	vld [tilespmem:s24+$0x90]  }
0x5b: {  	v8 =	vld [tilespmem:s24+$0xB0]  }
0x5c: {  	v9 =	vld [tilespmem:s24+$0xD0]  }
0x5d: {  	v10 =	vld [tilespmem:s24+$0xF0];
	_ =	sdelay $0x1  }
0x5e: {  	v5 =	vmul.f32 v5, v4;
	v6 =	vmul.f32 v6, v4  }
0x5f: {  	s28 =	sadd.s32 s29, s21;
	v2 =	vmul.f32 v2, v4;
	v8 =	vmul.f32 v8, v4  }
0x60: {  	v11 =	vmov s28;
	s29 =	sadd.s32 $0x1, s28;
	s30 =	sadd.s32 $0x2, s28;
	s28 =	sadd.s32 $0x3, s28;
	[tilespmem:s24+$0x80] =	vst v5;
	v5 =	vmul.f32 v7, v4;
	v7 =	vmul.f32 v9, v4  }
0x61: {  	v9 =	vand.u32 $0xFFFFFFFC, v11;
	[tilespmem:s24+$0xA0] =	vst v2;
	v2 =	vmul.f32 v3, v4;
	v3 =	vmul.f32 v10, v4  }
0x62: {  	v4 =	vbroadcast v9, $0x0;
	v9 =	vmov s29;
	v10 =	vmov s30;
	[tilespmem:s24+$0xC0] =	vst v5  }
0x63: {  	v5 =	vand.u32 $0xFFFFFFFD, v9;
	v9 =	vand.u32 $0xFFFFFFFE, v10;
	[tilespmem:s24+$0xF0] =	vst v3  }
0x64: {  	v3 =	vld [tilespmem:s26+$0xFFFFFF40];
	[tilespmem:s24+$0xE0] =	vst v2  }
0x65: {  	v2 =	vld [tilespmem:s26+$0xFFFFFF50];
	[tilespmem:s24+$0x90] =	vst v6  }
0x66: {  	v6 =	vld [tilespmem:s26+$0xFFFFFF60];
	[tilespmem:s24+$0xB0] =	vst v8  }
0x67: {  	v8 =	vld [tilespmem:s26+$0xFFFFFF70];
	[tilespmem:s24+$0xD0] =	vst v7;
	s24 =	smov.u32 s26  }
0x68: {  	v4 =	vld.idx.msk [tilespmem:v4+s15+$0x0], $0xffff  }
0x69: {  	v7 =	vld [tilespmem:s26+$0xFFFFFF00]  }
0x6a: {  	v10 =	vld [tilespmem:s26+$0xFFFFFF20]  }
0x6b: {  	v11 =	vld [tilespmem:s26+$0xFFFFFF10]  }
0x6c: {  	v12 =	vld [tilespmem:s26+$0xFFFFFF30];
	_ =	sdelay $0x1  }
0x6d: {  	v8 =	vmul.f32 v8, v4;
	v7 =	vmul.f32 v7, v4  }
0x6e: {  	v6 =	vmul.f32 v6, v4;
	v10 =	vmul.f32 v10, v4  }
0x6f: {  	v2 =	vmul.f32 v2, v4;
	v11 =	vmul.f32 v11, v4;
	[tilespmem:s26+$0xFFFFFF70] =	vst v8  }
0x70: {  	v3 =	vmul.f32 v3, v4;
	[tilespmem:s26+$0xFFFFFF00] =	vst v7;
	v7 =	vmul.f32 v12, v4  }
0x71: {  	v4 =	vbroadcast v5, $0x0;
	[tilespmem:s26+$0xFFFFFF20] =	vst v10  }
0x72: {  	[tilespmem:s26+$0xFFFFFF50] =	vst v2  }
0x73: {  	[tilespmem:s26+$0xFFFFFF40] =	vst v3;
	v2 =	vld [tilespmem:s26+$0xFFFFFFF0]  }
0x74: {  	[tilespmem:s26+$0xFFFFFF60] =	vst v6;
	v3 =	vld [tilespmem:s26+$0xFFFFFFC0]  }
0x75: {  	[tilespmem:s26+$0xFFFFFF30] =	vst v7;
	v5 =	vld [tilespmem:s26+$0xFFFFFFD0]  }
0x76: {  	[tilespmem:s26+$0xFFFFFF10] =	vst v11;
	v6 =	vld [tilespmem:s26+$0xFFFFFF90]  }
0x77: {  	v4 =	vld.idx.msk [tilespmem:v4+s15+$0x0], $0xffff  }
0x78: {  	v7 =	vld [tilespmem:s26+$0xFFFFFF80]  }
0x79: {  	v8 =	vld [tilespmem:s26+$0xFFFFFFA0]  }
0x7a: {  	v10 =	vld [tilespmem:s26+$0xFFFFFFB0]  }
0x7b: {  	v11 =	vld [tilespmem:s26+$0xFFFFFFE0];
	_ =	sdelay $0x1  }
0x7c: {  	v6 =	vmul.f32 v6, v4;
	v7 =	vmul.f32 v7, v4  }
0x7d: {  	v5 =	vmul.f32 v5, v4;
	v8 =	vmul.f32 v8, v4  }
0x7e: {  	v3 =	vmul.f32 v3, v4;
	[tilespmem:s26+$0xFFFFFF90] =	vst v6;
	v6 =	vmul.f32 v10, v4  }
0x7f: {  	v2 =	vmul.f32 v2, v4;
	[tilespmem:s26+$0xFFFFFFA0] =	vst v8;
	v8 =	vmul.f32 v11, v4  }
0x80: {  	v4 =	vbroadcast v9, $0x0;
	[tilespmem:s26+$0xFFFFFF80] =	vst v7  }
0x81: {  	[tilespmem:s26+$0xFFFFFFB0] =	vst v6  }
0x82: {  	[tilespmem:s26+$0xFFFFFFC0] =	vst v3  }
0x83: {  	[tilespmem:s26+$0xFFFFFFD0] =	vst v5  }
.Ltmp0:
0x84: {  	[tilespmem:s26+$0xFFFFFFF0] =	vst v2;
	v3 =	vld [tilespmem:s26+$0x40];
	(pc) =	sbr.rel @p0 .LBB2_3-.Ltmp0, $4  }
0x85: {  	[tilespmem:s26+$0xFFFFFFE0] =	vst v8;
	v5 =	vld [tilespmem:s26+$0x60]  }
0x86: {  	v2 =	vld.idx.msk [tilespmem:v4+s15+$0x0], $0xffff  }
0x87: {  	v6 =	vld [tilespmem:s26+$0x0]  }
0x88: {  	v4 =	vld [tilespmem:s26+$0x10]  }
0x89: {  	_ =	sdelay $0x1  }
0x8a: {  	v5 =	vmul.f32 v5, v2  }
0x8b: {  	v7 =	vld [tilespmem:s24+$0x50];
	v3 =	vmul.f32 v3, v2  }
0x8c: {  	v8 =	vld [tilespmem:s24+$0x70];
	v0 =	vmul.f32 v0, v2;
	[tilespmem:s24+$0x60] =	vst v5  }
0x8d: {  	v48 =	vmul.f32 v1, v2;
	[tilespmem:s24+$0x40] =	vst v3  }
0x8e: {  	v46 =	vmul.f32 v6, v2;
	[tilespmem:s24+$0x20] =	vst v0  }
0x8f: {  	v50 =	vmov s28;
	v4 =	vmul.f32 v4, v2;
	[tilespmem:s24+$0x30] =	vst v48  }
0x90: {  	v47 =	vmul.f32 v7, v2;
	[tilespmem:s24+$0x0] =	vst v46  }
0x91: {  	v51 =	vmul.f32 v8, v2;
	[tilespmem:s24+$0x10] =	vst v4  }
0x92: {  	[tilespmem:s24+$0x50] =	vst v47  }
0x93: {  	v49 =	vld [tilespmem:s24+$0x80];
	[tilespmem:s24+$0x70] =	vst v51  }
0x94: {  	v0 =	vld.idx.msk [tilespmem:v50+s15+$0x0], $0xffff  }
0x95: {  	v52 =	vld [tilespmem:s24+$0xA0]  }
0x96: {  	v53 =	vld [tilespmem:s24+$0xC0]  }
0x97: {  	v54 =	vld [tilespmem:s24+$0xF0]  }
0x98: {  	v55 =	vld [tilespmem:s24+$0xE0]  }
0x99: {  	v56 =	vld [tilespmem:s24+$0x90];
	v1 =	vmul.f32 v49, v0  }
0x9a: {  	v57 =	vld [tilespmem:s24+$0xB0];
	v2 =	vmul.f32 v52, v0  }
0x9b: {  	v58 =	vld [tilespmem:s24+$0xD0];
	v59 =	vmul.f32 v53, v0;
	[tilespmem:s24+$0x80] =	vst v1  }
0x9c: {  	v60 =	vmul.f32 v54, v0;
	[tilespmem:s24+$0xA0] =	vst v2  }
0x9d: {  	v61 =	vmul.f32 v55, v0;
	[tilespmem:s24+$0xC0] =	vst v59  }
0x9e: {  	v62 =	vmul.f32 v56, v0;
	[tilespmem:s24+$0xF0] =	vst v60  }
0x9f: {  	v63 =	vmul.f32 v57, v0;
	[tilespmem:s24+$0xE0] =	vst v61  }
0xa0: {  	s22 =	sadd.s32 $0x1, s22;
	v0 =	vmul.f32 v58, v0;
	[tilespmem:s24+$0x90] =	vst v62  }
0xa1: {  	p0 =	sne.s32 s22, $0x51;
	[tilespmem:s24+$0xB0] =	vst v63  }
.Ltmp1:
0xa2: {  	s23 =	sadd.s32 $0x2C00, s23;
	[tilespmem:s24+$0xD0] =	vst v0;
	(pc) =	sbr.rel @p0 .LBB2_2-.Ltmp1, $4  }
0xa3: {  	[spmem:s3] =	stream.indirect.scatter.add.f32 [tilespmem:s18], [sflag:$0x2], $0x80, s23, s13, $0xb8;
	[tilespmem:$0x1FC80] =	vst v63  }
0xa4: {  	_ =	swait.ge [sflag:s11], $0x4000  }
0xa5: {  	[sflag:s11] =	ssyncset.done $0x0  }
0xa6: {  	s21 =	sadd.s32 $0x80, s21;
	[sflag:s11] =	ssyncadd.s32 $0xFFFFC000  }
0xa7: {  	s20 =	sadd.s32 $0x1, s20  }
0xa8: {  	p0 =	sne.s32 s20, s10  }
.Ltmp2:
0xa9: {  	[bflag:$0x0] =	sbarrier.arrive $0xFFFF;
	(pc) =	sbr.rel @p0 .LBB2_1-.Ltmp2, $4  }
0xaa: {  	[hbm:s9], [sflag:s16] =	dma.local [spmem:s17], $0x2780  }
0xab: {  	_ =	swait.ge [sflag:s11], $0x2780  }
0xac: {  	[sflag:s11] =	ssyncset.done $0x0  }
0xad: {  	[sflag:s11] =	ssyncadd.s32 $0xFFFFD880  }
0xae: {  	_ =	sfence.sel $0x180000  }
0xaf: {  	[bflag:$0x0] =	sbarrier.arrive $0xFFFF  }
0xb0: {  	p0 =	sne.s32 s0, $0x0;
	_ =	strace $0x90000056  }
0xb1: {  	s0 =	sadd.s32 @!p0 $0x100000, s2;
	[bflag:$0x2] =	sbarrier.arrive $0xFFFF  }
0xb2: {  	[sflag:s0] =	ssyncadd.tile.s32 @!p0 $0x1;
	_ =	shalt  }
.Lfunc_end2:
_tile_overlayer_lowered:
.L_overlay_start_2:
0xb3: {  	(tag) =	ssettag $0x2  }
0xb4: {  	s0 =	rddreg [dreg:$0x0];
	s2 =	stileid.u32  }
0xb5: {  	s1 =	rddreg [dreg:$0x1];
	p0 =	sne.s32 s2, $0x0  }
0xb6: {  	s3 =	rddreg [dreg:$0x2];
	[bflag:$0x3] =	sbarrier.arrive $0xFFFF;
	s2 =	simm.s32 @!p0 $0x1C02  }
0xb7: {  	[timem:s3], [sflag:s2] =	dma.local @!p0 [hbm:s0], s1  }
0xb8: {  	s0 =	simm.s32 @!p0 $0x2  }
0xb9: {  	_ =	swait.ge @!p0 [sflag:s0], s1  }
0xba: {  	s1 =	ssub.s32 @!p0 $0x0, s1;
	[sflag:s0] =	ssyncset.done @!p0 $0x0  }
0xbb: {  	[sflag:s0] =	ssyncadd.s32 @!p0 s1  }
0xbc: {  	[bflag:$0x3] =	sbarrier.arrive $0xFFFF  }
0xbd: {  	_ =	shalt  }

</sc_bundles>
